<compile_context>
chip_gen: v7x
topology: tpu7x:2x2x1
jax: 0.10.2.dev20260603
libtpu: 0.0.44.dev20260713+nightly
codegen_flags: <defaults>
</compile_context>

<pallas_src>
import jax
import jax.numpy as jnp
from jax import lax
from jax.experimental import pallas as pl
from jax.experimental.pallas import tpu as pltpu
from jax.experimental.pallas import tpu_sc as plsc

_N = 10000
_E = 320000
_D = 128
_EPS = 1e-5

_NC = 2
_NS = 16
_CHUNK = 80
_NITER = 250
_NP = 10240
_DH = _D // _NC
_RPT = _NP // _NS
_ZR = 128

_BR = 2000
_G = _N // _BR


def _sc_pass(with_deg: bool):
  mesh = plsc.VectorSubcoreMesh(core_axis_name="c", subcore_axis_name="s",
                                num_cores=_NC, num_subcores=_NS)
  out_type = [jax.ShapeDtypeStruct((_NC, _NP, _DH), jnp.float32)]
  scratch = [
      pltpu.VMEM((_NITER, _CHUNK), jnp.int32),
      pltpu.VMEM((_NITER, _CHUNK), jnp.int32),
      [pltpu.VMEM((_CHUNK, _DH), jnp.float32)] * 2,
      pltpu.VMEM((_ZR, _DH), jnp.float32),
      pltpu.VMEM_SHARED((_NP, _DH), jnp.float32),
      [pltpu.SemaphoreType.DMA] * 2,
      [pltpu.SemaphoreType.DMA] * 2,
  ]
  if with_deg:
    out_type.append(jax.ShapeDtypeStruct((_NC, _NP, _DH), jnp.float32))
    scratch += [
        pltpu.VMEM((_NP,), jnp.float32),
        pltpu.VMEM((_RPT,), jnp.float32),
        pltpu.VMEM((_RPT,), jnp.float32),
        pltpu.VMEM_SHARED((_NS, _NP), jnp.float32),
    ]

  def body(y_hbm, src_hbm, dst_hbm, out_hbm, *rest):
    if with_deg:
      (degb_hbm, src_v, dst_v, bufs, zbuf, acc, gsems, ssems,
       degp, degacc, tbuf, stage_sh) = rest
    else:
      src_v, dst_v, bufs, zbuf, acc, gsems, ssems = rest
    c = lax.axis_index("c")
    s = lax.axis_index("s")
    row0 = s * _RPT
    yv = y_hbm.at[c]
    zeros16 = jnp.zeros((16,), jnp.float32)
    ones16 = jnp.ones((16,), jnp.float32)

    def _zb(i, _):
      zbuf[i // (_DH // 16), pl.ds((i % (_DH // 16)) * 16, 16)] = zeros16
      return 0
    lax.fori_loop(0, _ZR * (_DH // 16), _zb, 0)
    for k in range(_RPT // _ZR):
      pltpu.sync_copy(zbuf, acc.at[pl.ds(row0 + k * _ZR, _ZR)])

    if with_deg:
      def _zd(i, _):
        degp[pl.ds(i * 16, 16)] = zeros16
        return 0
      lax.fori_loop(0, _NP // 16, _zd, 0)

    pltpu.sync_copy(src_hbm.at[s], src_v)
    pltpu.sync_copy(dst_hbm.at[s], dst_v)
    plsc.subcore_barrier()

    def _gather(i, b):
      pltpu.async_copy(yv.at[src_v.at[i]], bufs[b], gsems[b])

    def _wait_g(b):
      pltpu.make_async_copy(yv.at[pl.ds(0, _CHUNK)], bufs[b], gsems[b]).wait()

    def _wait_s(b):
      pltpu.make_async_copy(bufs[b], acc.at[pl.ds(0, _CHUNK)], ssems[b]).wait()

    def _work(i, b):
      _wait_g(b)
      pltpu.async_copy(bufs[b], acc.at[dst_v.at[i]], ssems[b], add=True)
      if with_deg:
        @pl.when((i // (_NITER // 2)) == c)
        def _():
          for k in range(_CHUNK // 16):
            d16 = dst_v[i, pl.ds(k * 16, 16)]
            plsc.addupdate_scatter(degp, [d16], ones16)

    _gather(0, 0)

    def _step(j, _):
      i0 = j * 2

      @pl.when(j > 0)
      def _():
        _wait_s(1)
      _gather(i0 + 1, 1)
      _work(i0, 0)

      @pl.when(i0 + 2 < _NITER)
      def _():
        _wait_s(0)
        _gather(i0 + 2, 0)
      _work(i0 + 1, 1)
      return 0

    lax.fori_loop(0, _NITER // 2, _step, 0)
    _wait_s(0)
    _wait_s(1)
    if with_deg:
      pltpu.sync_copy(degp, stage_sh.at[s])
    plsc.subcore_barrier()

    for k in range(_RPT // _ZR):
      pltpu.sync_copy(acc.at[pl.ds(row0 + k * _ZR, _ZR)], zbuf)
      pltpu.sync_copy(zbuf, out_hbm.at[c, pl.ds(row0 + k * _ZR, _ZR)])

    if with_deg:
      pltpu.sync_copy(stage_sh.at[0, pl.ds(row0, _RPT)], degacc)
      for t in range(1, _NS):
        pltpu.sync_copy(stage_sh.at[t, pl.ds(row0, _RPT)], tbuf)
        def _acc(i, _):
          sl = pl.ds(i * 16, 16)
          degacc[sl] = degacc[sl] + tbuf[sl]
          return 0
        lax.fori_loop(0, _RPT // 16, _acc, 0)
      for chunk in range(_RPT // _ZR):
        def _bc(i, _):
          idx = jnp.zeros((16,), jnp.int32) + (chunk * _ZR + i)
          val = plsc.load_gather(degacc, [idx])
          for jj in range(_DH // 16):
            zbuf[i, pl.ds(jj * 16, 16)] = val
          return 0
        lax.fori_loop(0, _ZR, _bc, 0)
        pltpu.sync_copy(
            zbuf, degb_hbm.at[c, pl.ds(row0 + chunk * _ZR, _ZR)])

  return pl.kernel(
      body, out_type=out_type, mesh=mesh, scratch_types=scratch,
      compiler_params=pltpu.CompilerParams(needs_layout_passes=False,
                                           use_tc_tiling_on_sc=False))


_DN = (((1,), (1,)), ((), ()))


def _tc_pre(x_ref, wl_ref, wr_ref, b_ref, y_ref, z_ref):
  xb = x_ref[...]
  y = lax.dot_general(xb, wl_ref[...], _DN, preferred_element_type=jnp.float32)
  y_ref[0] = y[:, :_DH]
  y_ref[1] = y[:, _DH:]
  z_ref[...] = lax.dot_general(xb, wr_ref[...], _DN,
                               preferred_element_type=jnp.float32) + b_ref[...]


def _tc_mid(p_ref, degb_ref, z_ref, gam_ref, bet_ref, wl_ref, wr_ref, b_ref,
            rdeg_ref, y_ref, z1_ref, hpre_v, stats_v):
  g = pl.program_id(0)

  @pl.when(g < _G)
  def _():
    deg_half = degb_ref[0] + degb_ref[1]
    degb = jnp.concatenate([deg_half, deg_half], axis=-1)
    agg = jnp.concatenate([p_ref[0], p_ref[1]], axis=-1)
    rdeg = 1.0 / jnp.maximum(degb, 1.0)
    h = agg * rdeg + z_ref[...]
    hpre_v[pl.ds(g * _BR, _BR), :] = h
    rdeg_ref[...] = rdeg
    st = jnp.concatenate(
        [jnp.sum(h, axis=0)[None], jnp.sum(h * h, axis=0)[None]], axis=0)

    @pl.when(g == 0)
    def _():
      stats_v[...] = st

    @pl.when(g > 0)
    def _():
      stats_v[...] = stats_v[...] + st

  @pl.when(g >= _G)
  def _():
    gp = g - _G
    mean = stats_v[0:1, :] / _N
    var = stats_v[1:2, :] / _N - mean * mean
    scale = lax.rsqrt(var + _EPS) * gam_ref[...]
    h = (hpre_v[pl.ds(gp * _BR, _BR), :] - mean) * scale + bet_ref[...]
    h = jnp.maximum(h, 0.0)
    y = lax.dot_general(h, wl_ref[...], _DN, preferred_element_type=jnp.float32)
    y_ref[0] = y[:, :_DH]
    y_ref[1] = y[:, _DH:]
    z1_ref[...] = lax.dot_general(h, wr_ref[...], _DN,
                                  preferred_element_type=jnp.float32) + b_ref[...]


def _tc_fin(q_ref, rdeg_ref, z_ref, o_ref):
  q = jnp.concatenate([q_ref[0], q_ref[1]], axis=-1)
  o_ref[...] = q * rdeg_ref[...] + z_ref[...]


_row_spec = pl.BlockSpec((_BR, _D), lambda g: (g, 0))
_half_spec = pl.BlockSpec((_NC, _BR, _DH), lambda g: (0, g, 0))
_w_spec = pl.BlockSpec((_D, _D), lambda g: (0, 0))
_v_spec = pl.BlockSpec((1, _D), lambda g: (0, 0))
_f32 = jnp.float32


@jax.jit
def kernel(x, edge_index, W_l0, b_l0, W_r0, gamma0, beta0, W_l1, b_l1, W_r1):
  src = edge_index[0].reshape(_NS, _NITER, _CHUNK)
  dst = edge_index[1].reshape(_NS, _NITER, _CHUNK)

  y0, z0 = pl.pallas_call(
      _tc_pre,
      grid=(_G,),
      in_specs=[_row_spec, _w_spec, _w_spec, _v_spec],
      out_specs=[_half_spec, _row_spec],
      out_shape=[jax.ShapeDtypeStruct((_NC, _N, _DH), _f32),
                 jax.ShapeDtypeStruct((_N, _D), _f32)],
  )(x, W_l0, W_r0, b_l0.reshape(1, _D))

  agg0, degb = _sc_pass(True)(y0, src, dst)

  ga = lambda g: jnp.minimum(g, _G - 1)
  gb = lambda g: jnp.maximum(g - _G, 0)
  rdeg, y1, z1 = pl.pallas_call(
      _tc_mid,
      grid=(2 * _G,),
      in_specs=[pl.BlockSpec((_NC, _BR, _DH), lambda g: (0, ga(g), 0)),
                pl.BlockSpec((_NC, _BR, _DH), lambda g: (0, ga(g), 0)),
                pl.BlockSpec((_BR, _D), lambda g: (ga(g), 0)),
                _v_spec, _v_spec, _w_spec, _w_spec, _v_spec],
      out_specs=[pl.BlockSpec((_BR, _D), lambda g: (ga(g), 0)),
                 pl.BlockSpec((_NC, _BR, _DH), lambda g: (0, gb(g), 0)),
                 pl.BlockSpec((_BR, _D), lambda g: (gb(g), 0))],
      out_shape=[jax.ShapeDtypeStruct((_N, _D), _f32),
                 jax.ShapeDtypeStruct((_NC, _N, _DH), _f32),
                 jax.ShapeDtypeStruct((_N, _D), _f32)],
      scratch_shapes=[pltpu.VMEM((_N, _D), _f32), pltpu.VMEM((2, _D), _f32)],
  )(agg0, degb, z0, gamma0.reshape(1, _D), beta0.reshape(1, _D), W_l1, W_r1,
    b_l1.reshape(1, _D))

  agg1 = _sc_pass(False)(y1, src, dst)[0]

  out = pl.pallas_call(
      _tc_fin,
      grid=(_G,),
      in_specs=[_half_spec, _row_spec, _row_spec],
      out_specs=_row_spec,
      out_shape=jax.ShapeDtypeStruct((_N, _D), _f32),
  )(agg1, rdeg, z1)
  return out

# --- scband reference (transcript-rebuilt; emitter-appended) ---
"""Pipeline reference for scband-sage-43868795961414 (READ-ONLY COPY).

The authoritative reference and input builder live on the scoring server;
editing this copy changes nothing except your own understanding.
"""

import jax, jax.numpy as jnp
import numpy as np

N = 10000
E = 320000
D_IN = 128
D_HID = 128
D_OUT = 128
EPS = 1e-5


def setup_inputs(seed: int = 0) -> dict:
    key = jax.random.key(seed)
    ks = jax.random.split(key, 12)
    x = jax.random.normal(ks[0], (N, D_IN), dtype=jnp.float32)
    edge_index = jax.random.randint(ks[1], (2, E), 0, N, dtype=jnp.int32)
    s0 = 1.0 / np.sqrt(D_IN)
    s1 = 1.0 / np.sqrt(D_HID)
    W_l0 = jax.random.uniform(ks[2], (D_HID, D_IN), jnp.float32, -s0, s0)
    b_l0 = jax.random.uniform(ks[3], (D_HID,), jnp.float32, -s0, s0)
    W_r0 = jax.random.uniform(ks[4], (D_HID, D_IN), jnp.float32, -s0, s0)
    gamma0 = jnp.ones((D_HID,), jnp.float32)
    beta0 = jnp.zeros((D_HID,), jnp.float32)
    W_l1 = jax.random.uniform(ks[5], (D_OUT, D_HID), jnp.float32, -s1, s1)
    b_l1 = jax.random.uniform(ks[6], (D_OUT,), jnp.float32, -s1, s1)
    W_r1 = jax.random.uniform(ks[7], (D_OUT, D_HID), jnp.float32, -s1, s1)
    return {
        "x": x, "edge_index": edge_index,
        "W_l0": W_l0, "b_l0": b_l0, "W_r0": W_r0,
        "gamma0": gamma0, "beta0": beta0,
        "W_l1": W_l1, "b_l1": b_l1, "W_r1": W_r1,
    }


def _sage_conv(x, src, dst, W_l, b_l, W_r):
    # PyG SAGEConv with mean aggregation: lin_l(mean_agg(x_src)) + lin_r(x)
    msgs = jnp.take(x, src, axis=0)
    agg = jax.ops.segment_sum(msgs, dst, num_segments=N)
    deg = jax.ops.segment_sum(jnp.ones((E,), x.dtype), dst, num_segments=N)
    agg = agg / jnp.maximum(deg, 1.0)[:, None]
    return agg @ W_l.T + b_l + x @ W_r.T


def _batch_norm(h, gamma, beta):
    mean = jnp.mean(h, axis=0)
    var = jnp.var(h, axis=0)
    return (h - mean) / jnp.sqrt(var + EPS) * gamma + beta


def reference(x, edge_index, W_l0, b_l0, W_r0, gamma0, beta0, W_l1, b_l1, W_r1):
    src = edge_index[0]
    dst = edge_index[1]
    h = _sage_conv(x, src, dst, W_l0, b_l0, W_r0)
    h = _batch_norm(h, gamma0, beta0)
    h = jax.nn.relu(h)
    # dropout p=0.0 -> identity
    out = _sage_conv(h, src, dst, W_l1, b_l1, W_r1)
    return out

if __name__ == "__main__":
    import jax
    _d = setup_inputs()
    print(jax.jit(kernel)(*tuple(_d.values())))

</pallas_src>

<mosaic_0001>
#map = affine_map<(d0, d1) -> (0, 0, 0)>
module attributes {stable_mosaic.version = 14 : i64} {
  func.func @body(%arg0: i32, %arg1: i32, %arg2: memref<2x10000x64xf32, #tpu.memory_space<hbm>>, %arg3: memref<16x250x80xi32, #tpu.memory_space<hbm>>, %arg4: memref<16x250x80xi32, #tpu.memory_space<hbm>>, %arg5: memref<2x10240x64xf32, #tpu.memory_space<hbm>>, %arg6: memref<250x80xi32, #tpu.memory_space<vmem>>, %arg7: memref<250x80xi32, #tpu.memory_space<vmem>>, %arg8: memref<80x64xf32, #tpu.memory_space<vmem>>, %arg9: memref<80x64xf32, #tpu.memory_space<vmem>>, %arg10: memref<128x64xf32, #tpu.memory_space<vmem>>, %arg11: memref<10240x64xf32, #tpu.memory_space<vmem_shared>>, %arg12: memref<!tpu.dma_semaphore, #tpu.memory_space<semaphore_mem>>, %arg13: memref<!tpu.dma_semaphore, #tpu.memory_space<semaphore_mem>>, %arg14: memref<!tpu.dma_semaphore, #tpu.memory_space<semaphore_mem>>, %arg15: memref<!tpu.dma_semaphore, #tpu.memory_space<semaphore_mem>>) attributes {dimension_semantics = [#tpu.dimension_semantics<core_parallel>, #tpu.dimension_semantics<subcore_parallel>], iteration_bounds = array<i64: 2, 16>, scalar_prefetch = 0 : i64, scratch_operands = 10 : i64, tpu.core_type = #tpu.core_type<sc_vector_subcore>, window_params = [{transform_indices = #map}, {transform_indices = #map}, {transform_indices = #map}, {transform_indices = #map}]} {
    %mul3A = arith.constant 640 : i32
    %mul3A_0 = arith.muli %arg1, %mul3A : i32
    %broadcast_in_dim3A = arith.constant 0.000000e+00 : f32
    %broadcast_in_dim3A_1 = vector.broadcast %broadcast_in_dim3A : f32 to vector<16xf32>
    %broadcast_in_dim3A_2 = arith.constant 1.000000e+00 : f32
    %broadcast_in_dim3A_3 = vector.broadcast %broadcast_in_dim3A_2 : f32 to vector<16xf32>
    %scan3A = arith.constant 0 : i32
    %scan3A_4 = arith.constant 0 : i32
    %scan3A_5 = arith.constant 512 : i32
    %scan3A_6 = arith.addi %scan3A_4, %scan3A_5 : i32
    %scan3A_7 = arith.constant 1 : i32
    %scan3A_8 = scf.for %scan3A_68 = %scan3A_4 to %scan3A_6 step %scan3A_7 iter_args(%scan3A_69 = %scan3A) -> (i32)  : i32 {
      %jit3A = arith.constant 4 : i32
      %div3A = arith.divsi %scan3A_68, %jit3A : i32
      %sign3A = arith.constant 0 : i32
      %sign3A_70 = arith.cmpi sgt, %scan3A_68, %sign3A : i32
      %sign3A_71 = arith.extui %sign3A_70 : i1 to i32
      %sign3A_72 = arith.constant 0 : i32
      %sign3A_73 = arith.cmpi slt, %scan3A_68, %sign3A_72 : i32
      %sign3A_74 = arith.extui %sign3A_73 : i1 to i32
      %sign3A_75 = arith.subi %sign3A_71, %sign3A_74 : i32
      %sign3A_76 = arith.constant 0 : i32
      %sign3A_77 = arith.cmpi sgt, %jit3A, %sign3A_76 : i32
      %sign3A_78 = arith.extui %sign3A_77 : i1 to i32
      %sign3A_79 = arith.constant 0 : i32
      %sign3A_80 = arith.cmpi slt, %jit3A, %sign3A_79 : i32
      %sign3A_81 = arith.extui %sign3A_80 : i1 to i32
      %sign3A_82 = arith.subi %sign3A_78, %sign3A_81 : i32
      %ne3A = arith.cmpi ne, %sign3A_75, %sign3A_82 : i32
      %rem3A = arith.remsi %scan3A_68, %jit3A : i32
      %ne3A_83 = arith.constant 0 : i32
      %ne3A_84 = arith.cmpi ne, %rem3A, %ne3A_83 : i32
      %and3A = arith.andi %ne3A, %ne3A_84 : i1
      %sub3A = arith.constant 1 : i32
      %sub3A_85 = arith.subi %div3A, %sub3A : i32
      %select_n3A = arith.select %and3A, %sub3A_85, %div3A : i32
      %jit3A_86 = arith.constant 4 : i32
      %eq3A = arith.constant 0 : i32
      %eq3A_87 = arith.cmpi eq, %jit3A_86, %eq3A : i32
      %jit3A_88 = arith.constant 1 : i32
      %select_n3A_89 = arith.select %eq3A_87, %jit3A_88, %jit3A_86 : i32
      %rem3A_90 = arith.remsi %scan3A_68, %select_n3A_89 : i32
      %ne3A_91 = arith.constant 0 : i32
      %ne3A_92 = arith.cmpi ne, %rem3A_90, %ne3A_91 : i32
      %lt3A = arith.constant 0 : i32
      %lt3A_93 = arith.cmpi slt, %rem3A_90, %lt3A : i32
      %lt3A_94 = arith.constant 0 : i32
      %lt3A_95 = arith.cmpi slt, %select_n3A_89, %lt3A_94 : i32
      %ne3A_96 = arith.xori %lt3A_93, %lt3A_95 : i1
      %and3A_97 = arith.andi %ne3A_96, %ne3A_92 : i1
      %add3A_98 = arith.addi %rem3A_90, %select_n3A_89 : i32
      %select_n3A_99 = arith.select %and3A_97, %add3A_98, %rem3A_90 : i32
      %mul3A_100 = arith.constant 16 : i32
      %mul3A_101 = arith.muli %select_n3A_99, %mul3A_100 : i32
      %swap3A = arith.index_cast %select_n3A : i32 to index
      %swap3A_102 = arith.index_cast %mul3A_101 : i32 to index
      %swap3A_103 = tpu.vector_load %arg10[%swap3A, %swap3A_102] {strides = array<i32>} : memref<128x64xf32, #tpu.memory_space<vmem>>, vector<16xf32>,
      tpu.vector_store %arg10[%swap3A, %swap3A_102], %broadcast_in_dim3A_1 {strides = array<i32>} : memref<128x64xf32, #tpu.memory_space<vmem>>, vector<16xf32>,
      %scan3A_104 = arith.constant 0 : i32
      scf.yield %scan3A_104 : i32
    }
    %scan3A_9 = arith.constant 512 : i32
    %add3A = arith.constant 0 : i32
    %add3A_10 = arith.addi %mul3A_0, %add3A : i32
    "tpu.region"() ({
      %run_scoped3A = tpu.sem_alloc : memref<!tpu.dma_semaphore, #tpu.memory_space<semaphore_mem>>
      %dma_start3A_68 = arith.constant 0 : i32
      %dma_start3A_69 = tpu.memref_slice %arg11[%add3A_10, %dma_start3A_68] : memref<10240x64xf32, #tpu.memory_space<vmem_shared>> -> memref<128x64xf32, #tpu.memory_space<vmem_shared>>
      %dma_start3A_70 = arith.constant 0 : i32
      %dma_start3A_71 = tpu.memref_slice %arg11[%add3A_10, %dma_start3A_70] : memref<10240x64xf32, #tpu.memory_space<vmem_shared>> -> memref<128x64xf32, #tpu.memory_space<vmem_shared>>
      tpu.enqueue_dma source(%arg10 : memref<128x64xf32, #tpu.memory_space<vmem>>) target(%dma_start3A_71 : memref<128x64xf32, #tpu.memory_space<vmem_shared>>) target_semaphore(%run_scoped3A : memref<!tpu.dma_semaphore, #tpu.memory_space<semaphore_mem>>)
      %dma_wait3A_72 = arith.constant 0 : i32
      %dma_wait3A_73 = tpu.memref_slice %arg11[%add3A_10, %dma_wait3A_72] : memref<10240x64xf32, #tpu.memory_space<vmem_shared>> -> memref<128x64xf32, #tpu.memory_space<vmem_shared>>
      %dma_wait3A_74 = arith.constant 0 : i32
      %dma_wait3A_75 = tpu.memref_slice %arg11[%add3A_10, %dma_wait3A_74] : memref<10240x64xf32, #tpu.memory_space<vmem_shared>> -> memref<128x64xf32, #tpu.memory_space<vmem_shared>>
      tpu.wait_dma2 semaphore(%run_scoped3A : memref<!tpu.dma_semaphore, #tpu.memory_space<semaphore_mem>>) src(%arg10 : memref<128x64xf32, #tpu.memory_space<vmem>>) dst(%dma_wait3A_75 : memref<128x64xf32, #tpu.memory_space<vmem_shared>>)
      tpu.yield
    }) : () -> ()
    %add3A_11 = arith.constant 128 : i32
    %add3A_12 = arith.addi %mul3A_0, %add3A_11 : i32
    "tpu.region"() ({
      %run_scoped3A = tpu.sem_alloc : memref<!tpu.dma_semaphore, #tpu.memory_space<semaphore_mem>>
      %dma_start3A_68 = arith.constant 0 : i32
      %dma_start3A_69 = tpu.memref_slice %arg11[%add3A_12, %dma_start3A_68] : memref<10240x64xf32, #tpu.memory_space<vmem_shared>> -> memref<128x64xf32, #tpu.memory_space<vmem_shared>>
      %dma_start3A_70 = arith.constant 0 : i32
      %dma_start3A_71 = tpu.memref_slice %arg11[%add3A_12, %dma_start3A_70] : memref<10240x64xf32, #tpu.memory_space<vmem_shared>> -> memref<128x64xf32, #tpu.memory_space<vmem_shared>>
      tpu.enqueue_dma source(%arg10 : memref<128x64xf32, #tpu.memory_space<vmem>>) target(%dma_start3A_71 : memref<128x64xf32, #tpu.memory_space<vmem_shared>>) target_semaphore(%run_scoped3A : memref<!tpu.dma_semaphore, #tpu.memory_space<semaphore_mem>>)
      %dma_wait3A_72 = arith.constant 0 : i32
      %dma_wait3A_73 = tpu.memref_slice %arg11[%add3A_12, %dma_wait3A_72] : memref<10240x64xf32, #tpu.memory_space<vmem_shared>> -> memref<128x64xf32, #tpu.memory_space<vmem_shared>>
      %dma_wait3A_74 = arith.constant 0 : i32
      %dma_wait3A_75 = tpu.memref_slice %arg11[%add3A_12, %dma_wait3A_74] : memref<10240x64xf32, #tpu.memory_space<vmem_shared>> -> memref<128x64xf32, #tpu.memory_space<vmem_shared>>
      tpu.wait_dma2 semaphore(%run_scoped3A : memref<!tpu.dma_semaphore, #tpu.memory_space<semaphore_mem>>) src(%arg10 : memref<128x64xf32, #tpu.memory_space<vmem>>) dst(%dma_wait3A_75 : memref<128x64xf32, #tpu.memory_space<vmem_shared>>)
      tpu.yield
    }) : () -> ()
    %add3A_13 = arith.constant 256 : i32
    %add3A_14 = arith.addi %mul3A_0, %add3A_13 : i32
    "tpu.region"() ({
      %run_scoped3A = tpu.sem_alloc : memref<!tpu.dma_semaphore, #tpu.memory_space<semaphore_mem>>
      %dma_start3A_68 = arith.constant 0 : i32
      %dma_start3A_69 = tpu.memref_slice %arg11[%add3A_14, %dma_start3A_68] : memref<10240x64xf32, #tpu.memory_space<vmem_shared>> -> memref<128x64xf32, #tpu.memory_space<vmem_shared>>
      %dma_start3A_70 = arith.constant 0 : i32
      %dma_start3A_71 = tpu.memref_slice %arg11[%add3A_14, %dma_start3A_70] : memref<10240x64xf32, #tpu.memory_space<vmem_shared>> -> memref<128x64xf32, #tpu.memory_space<vmem_shared>>
      tpu.enqueue_dma source(%arg10 : memref<128x64xf32, #tpu.memory_space<vmem>>) target(%dma_start3A_71 : memref<128x64xf32, #tpu.memory_space<vmem_shared>>) target_semaphore(%run_scoped3A : memref<!tpu.dma_semaphore, #tpu.memory_space<semaphore_mem>>)
      %dma_wait3A_72 = arith.constant 0 : i32
      %dma_wait3A_73 = tpu.memref_slice %arg11[%add3A_14, %dma_wait3A_72] : memref<10240x64xf32, #tpu.memory_space<vmem_shared>> -> memref<128x64xf32, #tpu.memory_space<vmem_shared>>
      %dma_wait3A_74 = arith.constant 0 : i32
      %dma_wait3A_75 = tpu.memref_slice %arg11[%add3A_14, %dma_wait3A_74] : memref<10240x64xf32, #tpu.memory_space<vmem_shared>> -> memref<128x64xf32, #tpu.memory_space<vmem_shared>>
      tpu.wait_dma2 semaphore(%run_scoped3A : memref<!tpu.dma_semaphore, #tpu.memory_space<semaphore_mem>>) src(%arg10 : memref<128x64xf32, #tpu.memory_space<vmem>>) dst(%dma_wait3A_75 : memref<128x64xf32, #tpu.memory_space<vmem_shared>>)
      tpu.yield
    }) : () -> ()
    %add3A_15 = arith.constant 384 : i32
    %add3A_16 = arith.addi %mul3A_0, %add3A_15 : i32
    "tpu.region"() ({
      %run_scoped3A = tpu.sem_alloc : memref<!tpu.dma_semaphore, #tpu.memory_space<semaphore_mem>>
      %dma_start3A_68 = arith.constant 0 : i32
      %dma_start3A_69 = tpu.memref_slice %arg11[%add3A_16, %dma_start3A_68] : memref<10240x64xf32, #tpu.memory_space<vmem_shared>> -> memref<128x64xf32, #tpu.memory_space<vmem_shared>>
      %dma_start3A_70 = arith.constant 0 : i32
      %dma_start3A_71 = tpu.memref_slice %arg11[%add3A_16, %dma_start3A_70] : memref<10240x64xf32, #tpu.memory_space<vmem_shared>> -> memref<128x64xf32, #tpu.memory_space<vmem_shared>>
      tpu.enqueue_dma source(%arg10 : memref<128x64xf32, #tpu.memory_space<vmem>>) target(%dma_start3A_71 : memref<128x64xf32, #tpu.memory_space<vmem_shared>>) target_semaphore(%run_scoped3A : memref<!tpu.dma_semaphore, #tpu.memory_space<semaphore_mem>>)
      %dma_wait3A_72 = arith.constant 0 : i32
      %dma_wait3A_73 = tpu.memref_slice %arg11[%add3A_16, %dma_wait3A_72] : memref<10240x64xf32, #tpu.memory_space<vmem_shared>> -> memref<128x64xf32, #tpu.memory_space<vmem_shared>>
      %dma_wait3A_74 = arith.constant 0 : i32
      %dma_wait3A_75 = tpu.memref_slice %arg11[%add3A_16, %dma_wait3A_74] : memref<10240x64xf32, #tpu.memory_space<vmem_shared>> -> memref<128x64xf32, #tpu.memory_space<vmem_shared>>
      tpu.wait_dma2 semaphore(%run_scoped3A : memref<!tpu.dma_semaphore, #tpu.memory_space<semaphore_mem>>) src(%arg10 : memref<128x64xf32, #tpu.memory_space<vmem>>) dst(%dma_wait3A_75 : memref<128x64xf32, #tpu.memory_space<vmem_shared>>)
      tpu.yield
    }) : () -> ()
    %add3A_17 = arith.constant 512 : i32
    %add3A_18 = arith.addi %mul3A_0, %add3A_17 : i32
    "tpu.region"() ({
      %run_scoped3A = tpu.sem_alloc : memref<!tpu.dma_semaphore, #tpu.memory_space<semaphore_mem>>
      %dma_start3A_68 = arith.constant 0 : i32
      %dma_start3A_69 = tpu.memref_slice %arg11[%add3A_18, %dma_start3A_68] : memref<10240x64xf32, #tpu.memory_space<vmem_shared>> -> memref<128x64xf32, #tpu.memory_space<vmem_shared>>
      %dma_start3A_70 = arith.constant 0 : i32
      %dma_start3A_71 = tpu.memref_slice %arg11[%add3A_18, %dma_start3A_70] : memref<10240x64xf32, #tpu.memory_space<vmem_shared>> -> memref<128x64xf32, #tpu.memory_space<vmem_shared>>
      tpu.enqueue_dma source(%arg10 : memref<128x64xf32, #tpu.memory_space<vmem>>) target(%dma_start3A_71 : memref<128x64xf32, #tpu.memory_space<vmem_shared>>) target_semaphore(%run_scoped3A : memref<!tpu.dma_semaphore, #tpu.memory_space<semaphore_mem>>)
      %dma_wait3A_72 = arith.constant 0 : i32
      %dma_wait3A_73 = tpu.memref_slice %arg11[%add3A_18, %dma_wait3A_72] : memref<10240x64xf32, #tpu.memory_space<vmem_shared>> -> memref<128x64xf32, #tpu.memory_space<vmem_shared>>
      %dma_wait3A_74 = arith.constant 0 : i32
      %dma_wait3A_75 = tpu.memref_slice %arg11[%add3A_18, %dma_wait3A_74] : memref<10240x64xf32, #tpu.memory_space<vmem_shared>> -> memref<128x64xf32, #tpu.memory_space<vmem_shared>>
      tpu.wait_dma2 semaphore(%run_scoped3A : memref<!tpu.dma_semaphore, #tpu.memory_space<semaphore_mem>>) src(%arg10 : memref<128x64xf32, #tpu.memory_space<vmem>>) dst(%dma_wait3A_75 : memref<128x64xf32, #tpu.memory_space<vmem_shared>>)
      tpu.yield
    }) : () -> ()
    "tpu.region"() ({
      %run_scoped3A = tpu.sem_alloc : memref<!tpu.dma_semaphore, #tpu.memory_space<semaphore_mem>>
      %dma_start3A_68 = arith.constant 0 : i32
      %dma_start3A_69 = arith.constant 0 : i32
      %dma_start3A_70 = tpu.memref_slice %arg3[%arg1, %dma_start3A_68, %dma_start3A_69] : memref<16x250x80xi32, #tpu.memory_space<hbm>> -> memref<1x250x80xi32, #tpu.memory_space<hbm>>
      %dma_start3A_71 = tpu.memref_squeeze %dma_start3A_70 : memref<1x250x80xi32, #tpu.memory_space<hbm>> -> memref<250x80xi32, #tpu.memory_space<hbm>>
      %dma_start3A_72 = arith.constant 0 : i32
      %dma_start3A_73 = arith.constant 0 : i32
      %dma_start3A_74 = tpu.memref_slice %arg3[%arg1, %dma_start3A_72, %dma_start3A_73] : memref<16x250x80xi32, #tpu.memory_space<hbm>> -> memref<1x250x80xi32, #tpu.memory_space<hbm>>
      %dma_start3A_75 = tpu.memref_squeeze %dma_start3A_74 : memref<1x250x80xi32, #tpu.memory_space<hbm>> -> memref<250x80xi32, #tpu.memory_space<hbm>>
      tpu.enqueue_dma source(%dma_start3A_75 : memref<250x80xi32, #tpu.memory_space<hbm>>) target(%arg6 : memref<250x80xi32, #tpu.memory_space<vmem>>) target_semaphore(%run_scoped3A : memref<!tpu.dma_semaphore, #tpu.memory_space<semaphore_mem>>)
      %dma_wait3A_76 = arith.constant 0 : i32
      %dma_wait3A_77 = arith.constant 0 : i32
      %dma_wait3A_78 = tpu.memref_slice %arg3[%arg1, %dma_wait3A_76, %dma_wait3A_77] : memref<16x250x80xi32, #tpu.memory_space<hbm>> -> memref<1x250x80xi32, #tpu.memory_space<hbm>>
      %dma_wait3A_79 = tpu.memref_squeeze %dma_wait3A_78 : memref<1x250x80xi32, #tpu.memory_space<hbm>> -> memref<250x80xi32, #tpu.memory_space<hbm>>
      %dma_wait3A_80 = arith.constant 0 : i32
      %dma_wait3A_81 = arith.constant 0 : i32
      %dma_wait3A_82 = tpu.memref_slice %arg3[%arg1, %dma_wait3A_80, %dma_wait3A_81] : memref<16x250x80xi32, #tpu.memory_space<hbm>> -> memref<1x250x80xi32, #tpu.memory_space<hbm>>
      %dma_wait3A_83 = tpu.memref_squeeze %dma_wait3A_82 : memref<1x250x80xi32, #tpu.memory_space<hbm>> -> memref<250x80xi32, #tpu.memory_space<hbm>>
      tpu.wait_dma2 semaphore(%run_scoped3A : memref<!tpu.dma_semaphore, #tpu.memory_space<semaphore_mem>>) src(%dma_wait3A_83 : memref<250x80xi32, #tpu.memory_space<hbm>>) dst(%arg6 : memref<250x80xi32, #tpu.memory_space<vmem>>)
      tpu.yield
    }) : () -> ()
    "tpu.region"() ({
      %run_scoped3A = tpu.sem_alloc : memref<!tpu.dma_semaphore, #tpu.memory_space<semaphore_mem>>
      %dma_start3A_68 = arith.constant 0 : i32
      %dma_start3A_69 = arith.constant 0 : i32
      %dma_start3A_70 = tpu.memref_slice %arg4[%arg1, %dma_start3A_68, %dma_start3A_69] : memref<16x250x80xi32, #tpu.memory_space<hbm>> -> memref<1x250x80xi32, #tpu.memory_space<hbm>>
      %dma_start3A_71 = tpu.memref_squeeze %dma_start3A_70 : memref<1x250x80xi32, #tpu.memory_space<hbm>> -> memref<250x80xi32, #tpu.memory_space<hbm>>
      %dma_start3A_72 = arith.constant 0 : i32
      %dma_start3A_73 = arith.constant 0 : i32
      %dma_start3A_74 = tpu.memref_slice %arg4[%arg1, %dma_start3A_72, %dma_start3A_73] : memref<16x250x80xi32, #tpu.memory_space<hbm>> -> memref<1x250x80xi32, #tpu.memory_space<hbm>>
      %dma_start3A_75 = tpu.memref_squeeze %dma_start3A_74 : memref<1x250x80xi32, #tpu.memory_space<hbm>> -> memref<250x80xi32, #tpu.memory_space<hbm>>
      tpu.enqueue_dma source(%dma_start3A_75 : memref<250x80xi32, #tpu.memory_space<hbm>>) target(%arg7 : memref<250x80xi32, #tpu.memory_space<vmem>>) target_semaphore(%run_scoped3A : memref<!tpu.dma_semaphore, #tpu.memory_space<semaphore_mem>>)
      %dma_wait3A_76 = arith.constant 0 : i32
      %dma_wait3A_77 = arith.constant 0 : i32
      %dma_wait3A_78 = tpu.memref_slice %arg4[%arg1, %dma_wait3A_76, %dma_wait3A_77] : memref<16x250x80xi32, #tpu.memory_space<hbm>> -> memref<1x250x80xi32, #tpu.memory_space<hbm>>
      %dma_wait3A_79 = tpu.memref_squeeze %dma_wait3A_78 : memref<1x250x80xi32, #tpu.memory_space<hbm>> -> memref<250x80xi32, #tpu.memory_space<hbm>>
      %dma_wait3A_80 = arith.constant 0 : i32
      %dma_wait3A_81 = arith.constant 0 : i32
      %dma_wait3A_82 = tpu.memref_slice %arg4[%arg1, %dma_wait3A_80, %dma_wait3A_81] : memref<16x250x80xi32, #tpu.memory_space<hbm>> -> memref<1x250x80xi32, #tpu.memory_space<hbm>>
      %dma_wait3A_83 = tpu.memref_squeeze %dma_wait3A_82 : memref<1x250x80xi32, #tpu.memory_space<hbm>> -> memref<250x80xi32, #tpu.memory_space<hbm>>
      tpu.wait_dma2 semaphore(%run_scoped3A : memref<!tpu.dma_semaphore, #tpu.memory_space<semaphore_mem>>) src(%dma_wait3A_83 : memref<250x80xi32, #tpu.memory_space<hbm>>) dst(%arg7 : memref<250x80xi32, #tpu.memory_space<vmem>>)
      tpu.yield
    }) : () -> ()
    %barrier3A = arith.constant 0 : index
    tpu.barrier barrier_id(%barrier3A)
    %dma_start3A = arith.constant 0 : i32
    %dma_start3A_19 = arith.constant 0 : i32
    %dma_start3A_20 = tpu.memref_slice %arg6[%dma_start3A, %dma_start3A_19] : memref<250x80xi32, #tpu.memory_space<vmem>> -> memref<1x80xi32, #tpu.memory_space<vmem>>
    %dma_start3A_21 = tpu.memref_squeeze %dma_start3A_20 : memref<1x80xi32, #tpu.memory_space<vmem>> -> memref<80xi32, #tpu.memory_space<vmem>>
    %dma_start3A_22 = arith.constant 0 : i32
    %dma_start3A_23 = arith.constant 0 : i32
    %dma_start3A_24 = tpu.memref_slice %arg2[%arg0, %dma_start3A_22, %dma_start3A_23] : memref<2x10000x64xf32, #tpu.memory_space<hbm>> -> memref<1x10000x64xf32, #tpu.memory_space<hbm>>
    %dma_start3A_25 = tpu.memref_squeeze %dma_start3A_24 : memref<1x10000x64xf32, #tpu.memory_space<hbm>> -> memref<10000x64xf32, #tpu.memory_space<hbm>>
    %dma_start3A_26 = arith.constant 0 : i32
    %dma_start3A_27 = arith.constant 0 : i32
    %dma_start3A_28 = tpu.memref_slice %dma_start3A_25[%dma_start3A_26, %dma_start3A_27] : memref<10000x64xf32, #tpu.memory_space<hbm>> -> memref<10000x64xf32, #tpu.memory_space<hbm>>
    tpu.enqueue_indirect_dma source(%dma_start3A_28 : memref<10000x64xf32, #tpu.memory_space<hbm>>) target(%arg8 : memref<80x64xf32, #tpu.memory_space<vmem>>) offsets(%dma_start3A_21 : memref<80xi32, #tpu.memory_space<vmem>>) semaphore(%arg12 : memref<!tpu.dma_semaphore, #tpu.memory_space<semaphore_mem>>)
    %scan3A_29 = arith.constant 0 : i32
    %scan3A_30 = arith.constant 0 : i32
    %scan3A_31 = arith.constant 125 : i32
    %scan3A_32 = arith.addi %scan3A_30, %scan3A_31 : i32
    %scan3A_33 = arith.constant 1 : i32
    %scan3A_34 = scf.for %scan3A_68 = %scan3A_30 to %scan3A_32 step %scan3A_33 iter_args(%scan3A_69 = %scan3A_29) -> (i32)  : i32 {
      %mul3A_70 = arith.constant 2 : i32
      %mul3A_71 = arith.muli %scan3A_68, %mul3A_70 : i32
      %gt3A = arith.constant 0 : i32
      %gt3A_72 = arith.cmpi sgt, %scan3A_68, %gt3A : i32
      %convert_element_type3A = arith.extui %gt3A_72 : i1 to i32
      %cond3A = arith.constant 0 : i32
      %cond3A_73 = arith.cmpi ne, %convert_element_type3A, %cond3A : i32
      scf.if %cond3A_73 {
        %dma_wait3A_135 = arith.constant 0 : i32
        %dma_wait3A_136 = arith.constant 0 : i32
        %dma_wait3A_137 = tpu.memref_slice %arg11[%dma_wait3A_135, %dma_wait3A_136] : memref<10240x64xf32, #tpu.memory_space<vmem_shared>> -> memref<80x64xf32, #tpu.memory_space<vmem_shared>>
        %dma_wait3A_138 = arith.constant 0 : i32
        %dma_wait3A_139 = arith.constant 0 : i32
        %dma_wait3A_140 = tpu.memref_slice %arg11[%dma_wait3A_138, %dma_wait3A_139] : memref<10240x64xf32, #tpu.memory_space<vmem_shared>> -> memref<80x64xf32, #tpu.memory_space<vmem_shared>>
        tpu.wait_dma2 semaphore(%arg15 : memref<!tpu.dma_semaphore, #tpu.memory_space<semaphore_mem>>) src(%arg9 : memref<80x64xf32, #tpu.memory_space<vmem>>) dst(%dma_wait3A_140 : memref<80x64xf32, #tpu.memory_space<vmem_shared>>)
      } else {
      }
      %add3A_74 = arith.constant 1 : i32
      %add3A_75 = arith.addi %mul3A_71, %add3A_74 : i32
      %dma_start3A_76 = arith.constant 0 : i32
      %dma_start3A_77 = tpu.memref_slice %arg6[%add3A_75, %dma_start3A_76] : memref<250x80xi32, #tpu.memory_space<vmem>> -> memref<1x80xi32, #tpu.memory_space<vmem>>
      %dma_start3A_78 = tpu.memref_squeeze %dma_start3A_77 : memref<1x80xi32, #tpu.memory_space<vmem>> -> memref<80xi32, #tpu.memory_space<vmem>>
      %dma_start3A_79 = arith.constant 0 : i32
      %dma_start3A_80 = arith.constant 0 : i32
      %dma_start3A_81 = tpu.memref_slice %arg2[%arg0, %dma_start3A_79, %dma_start3A_80] : memref<2x10000x64xf32, #tpu.memory_space<hbm>> -> memref<1x10000x64xf32, #tpu.memory_space<hbm>>
      %dma_start3A_82 = tpu.memref_squeeze %dma_start3A_81 : memref<1x10000x64xf32, #tpu.memory_space<hbm>> -> memref<10000x64xf32, #tpu.memory_space<hbm>>
      %dma_start3A_83 = arith.constant 0 : i32
      %dma_start3A_84 = arith.constant 0 : i32
      %dma_start3A_85 = tpu.memref_slice %dma_start3A_82[%dma_start3A_83, %dma_start3A_84] : memref<10000x64xf32, #tpu.memory_space<hbm>> -> memref<10000x64xf32, #tpu.memory_space<hbm>>
      tpu.enqueue_indirect_dma source(%dma_start3A_85 : memref<10000x64xf32, #tpu.memory_space<hbm>>) target(%arg9 : memref<80x64xf32, #tpu.memory_space<vmem>>) offsets(%dma_start3A_78 : memref<80xi32, #tpu.memory_space<vmem>>) semaphore(%arg13 : memref<!tpu.dma_semaphore, #tpu.memory_space<semaphore_mem>>)
      %dma_wait3A_86 = arith.constant 0 : i32
      %dma_wait3A_87 = arith.constant 0 : i32
      %dma_wait3A_88 = tpu.memref_slice %arg2[%arg0, %dma_wait3A_86, %dma_wait3A_87] : memref<2x10000x64xf32, #tpu.memory_space<hbm>> -> memref<1x10000x64xf32, #tpu.memory_space<hbm>>
      %dma_wait3A_89 = tpu.memref_squeeze %dma_wait3A_88 : memref<1x10000x64xf32, #tpu.memory_space<hbm>> -> memref<10000x64xf32, #tpu.memory_space<hbm>>
      %dma_wait3A_90 = arith.constant 0 : i32
      %dma_wait3A_91 = arith.constant 0 : i32
      %dma_wait3A_92 = tpu.memref_slice %dma_wait3A_89[%dma_wait3A_90, %dma_wait3A_91] : memref<10000x64xf32, #tpu.memory_space<hbm>> -> memref<80x64xf32, #tpu.memory_space<hbm>>
      %dma_wait3A_93 = arith.constant 0 : i32
      %dma_wait3A_94 = arith.constant 0 : i32
      %dma_wait3A_95 = tpu.memref_slice %arg2[%arg0, %dma_wait3A_93, %dma_wait3A_94] : memref<2x10000x64xf32, #tpu.memory_space<hbm>> -> memref<1x10000x64xf32, #tpu.memory_space<hbm>>
      %dma_wait3A_96 = tpu.memref_squeeze %dma_wait3A_95 : memref<1x10000x64xf32, #tpu.memory_space<hbm>> -> memref<10000x64xf32, #tpu.memory_space<hbm>>
      %dma_wait3A_97 = arith.constant 0 : i32
      %dma_wait3A_98 = arith.constant 0 : i32
      %dma_wait3A_99 = tpu.memref_slice %dma_wait3A_96[%dma_wait3A_97, %dma_wait3A_98] : memref<10000x64xf32, #tpu.memory_space<hbm>> -> memref<80x64xf32, #tpu.memory_space<hbm>>
      tpu.wait_dma2 semaphore(%arg12 : memref<!tpu.dma_semaphore, #tpu.memory_space<semaphore_mem>>) src(%dma_wait3A_99 : memref<80x64xf32, #tpu.memory_space<hbm>>) dst(%arg8 : memref<80x64xf32, #tpu.memory_space<vmem>>)
      %dma_start3A_100 = arith.constant 0 : i32
      %dma_start3A_101 = tpu.memref_slice %arg7[%mul3A_71, %dma_start3A_100] : memref<250x80xi32, #tpu.memory_space<vmem>> -> memref<1x80xi32, #tpu.memory_space<vmem>>
      %dma_start3A_102 = tpu.memref_squeeze %dma_start3A_101 : memref<1x80xi32, #tpu.memory_space<vmem>> -> memref<80xi32, #tpu.memory_space<vmem>>
      %dma_start3A_103 = arith.constant 0 : i32
      %dma_start3A_104 = arith.constant 0 : i32
      %dma_start3A_105 = tpu.memref_slice %arg11[%dma_start3A_103, %dma_start3A_104] : memref<10240x64xf32, #tpu.memory_space<vmem_shared>> -> memref<10240x64xf32, #tpu.memory_space<vmem_shared>>
      tpu.enqueue_indirect_dma source(%arg8 : memref<80x64xf32, #tpu.memory_space<vmem>>) target(%dma_start3A_105 : memref<10240x64xf32, #tpu.memory_space<vmem_shared>>) offsets(%dma_start3A_102 : memref<80xi32, #tpu.memory_space<vmem>>) semaphore(%arg14 : memref<!tpu.dma_semaphore, #tpu.memory_space<semaphore_mem>>) {add = true}
      %add3A_106 = arith.constant 2 : i32
      %add3A_107 = arith.addi %mul3A_71, %add3A_106 : i32
      %lt3A = arith.constant 250 : i32
      %lt3A_108 = arith.cmpi slt, %add3A_107, %lt3A : i32
      %convert_element_type3A_109 = arith.extui %lt3A_108 : i1 to i32
      %cond3A_110 = arith.constant 0 : i32
      %cond3A_111 = arith.cmpi ne, %convert_element_type3A_109, %cond3A_110 : i32
      scf.if %cond3A_111 {
        %dma_wait3A_135 = arith.constant 0 : i32
        %dma_wait3A_136 = arith.constant 0 : i32
        %dma_wait3A_137 = tpu.memref_slice %arg11[%dma_wait3A_135, %dma_wait3A_136] : memref<10240x64xf32, #tpu.memory_space<vmem_shared>> -> memref<80x64xf32, #tpu.memory_space<vmem_shared>>
        %dma_wait3A_138 = arith.constant 0 : i32
        %dma_wait3A_139 = arith.constant 0 : i32
        %dma_wait3A_140 = tpu.memref_slice %arg11[%dma_wait3A_138, %dma_wait3A_139] : memref<10240x64xf32, #tpu.memory_space<vmem_shared>> -> memref<80x64xf32, #tpu.memory_space<vmem_shared>>
        tpu.wait_dma2 semaphore(%arg14 : memref<!tpu.dma_semaphore, #tpu.memory_space<semaphore_mem>>) src(%arg8 : memref<80x64xf32, #tpu.memory_space<vmem>>) dst(%dma_wait3A_140 : memref<80x64xf32, #tpu.memory_space<vmem_shared>>)
        %add3A_141 = arith.constant 2 : i32
        %add3A_142 = arith.addi %mul3A_71, %add3A_141 : i32
        %dma_start3A_143 = arith.constant 0 : i32
        %dma_start3A_144 = tpu.memref_slice %arg6[%add3A_142, %dma_start3A_143] : memref<250x80xi32, #tpu.memory_space<vmem>> -> memref<1x80xi32, #tpu.memory_space<vmem>>
        %dma_start3A_145 = tpu.memref_squeeze %dma_start3A_144 : memref<1x80xi32, #tpu.memory_space<vmem>> -> memref<80xi32, #tpu.memory_space<vmem>>
        %dma_start3A_146 = arith.constant 0 : i32
        %dma_start3A_147 = arith.constant 0 : i32
        %dma_start3A_148 = tpu.memref_slice %arg2[%arg0, %dma_start3A_146, %dma_start3A_147] : memref<2x10000x64xf32, #tpu.memory_space<hbm>> -> memref<1x10000x64xf32, #tpu.memory_space<hbm>>
        %dma_start3A_149 = tpu.memref_squeeze %dma_start3A_148 : memref<1x10000x64xf32, #tpu.memory_space<hbm>> -> memref<10000x64xf32, #tpu.memory_space<hbm>>
        %dma_start3A_150 = arith.constant 0 : i32
        %dma_start3A_151 = arith.constant 0 : i32
        %dma_start3A_152 = tpu.memref_slice %dma_start3A_149[%dma_start3A_150, %dma_start3A_151] : memref<10000x64xf32, #tpu.memory_space<hbm>> -> memref<10000x64xf32, #tpu.memory_space<hbm>>
        tpu.enqueue_indirect_dma source(%dma_start3A_152 : memref<10000x64xf32, #tpu.memory_space<hbm>>) target(%arg8 : memref<80x64xf32, #tpu.memory_space<vmem>>) offsets(%dma_start3A_145 : memref<80xi32, #tpu.memory_space<vmem>>) semaphore(%arg12 : memref<!tpu.dma_semaphore, #tpu.memory_space<semaphore_mem>>)
      } else {
      }
      %add3A_112 = arith.constant 1 : i32
      %add3A_113 = arith.addi %mul3A_71, %add3A_112 : i32
      %dma_wait3A_114 = arith.constant 0 : i32
      %dma_wait3A_115 = arith.constant 0 : i32
      %dma_wait3A_116 = tpu.memref_slice %arg2[%arg0, %dma_wait3A_114, %dma_wait3A_115] : memref<2x10000x64xf32, #tpu.memory_space<hbm>> -> memref<1x10000x64xf32, #tpu.memory_space<hbm>>
      %dma_wait3A_117 = tpu.memref_squeeze %dma_wait3A_116 : memref<1x10000x64xf32, #tpu.memory_space<hbm>> -> memref<10000x64xf32, #tpu.memory_space<hbm>>
      %dma_wait3A_118 = arith.constant 0 : i32
      %dma_wait3A_119 = arith.constant 0 : i32
      %dma_wait3A_120 = tpu.memref_slice %dma_wait3A_117[%dma_wait3A_118, %dma_wait3A_119] : memref<10000x64xf32, #tpu.memory_space<hbm>> -> memref<80x64xf32, #tpu.memory_space<hbm>>
      %dma_wait3A_121 = arith.constant 0 : i32
      %dma_wait3A_122 = arith.constant 0 : i32
      %dma_wait3A_123 = tpu.memref_slice %arg2[%arg0, %dma_wait3A_121, %dma_wait3A_122] : memref<2x10000x64xf32, #tpu.memory_space<hbm>> -> memref<1x10000x64xf32, #tpu.memory_space<hbm>>
      %dma_wait3A_124 = tpu.memref_squeeze %dma_wait3A_123 : memref<1x10000x64xf32, #tpu.memory_space<hbm>> -> memref<10000x64xf32, #tpu.memory_space<hbm>>
      %dma_wait3A_125 = arith.constant 0 : i32
      %dma_wait3A_126 = arith.constant 0 : i32
      %dma_wait3A_127 = tpu.memref_slice %dma_wait3A_124[%dma_wait3A_125, %dma_wait3A_126] : memref<10000x64xf32, #tpu.memory_space<hbm>> -> memref<80x64xf32, #tpu.memory_space<hbm>>
      tpu.wait_dma2 semaphore(%arg13 : memref<!tpu.dma_semaphore, #tpu.memory_space<semaphore_mem>>) src(%dma_wait3A_127 : memref<80x64xf32, #tpu.memory_space<hbm>>) dst(%arg9 : memref<80x64xf32, #tpu.memory_space<vmem>>)
      %dma_start3A_128 = arith.constant 0 : i32
      %dma_start3A_129 = tpu.memref_slice %arg7[%add3A_113, %dma_start3A_128] : memref<250x80xi32, #tpu.memory_space<vmem>> -> memref<1x80xi32, #tpu.memory_space<vmem>>
      %dma_start3A_130 = tpu.memref_squeeze %dma_start3A_129 : memref<1x80xi32, #tpu.memory_space<vmem>> -> memref<80xi32, #tpu.memory_space<vmem>>
      %dma_start3A_131 = arith.constant 0 : i32
      %dma_start3A_132 = arith.constant 0 : i32
      %dma_start3A_133 = tpu.memref_slice %arg11[%dma_start3A_131, %dma_start3A_132] : memref<10240x64xf32, #tpu.memory_space<vmem_shared>> -> memref<10240x64xf32, #tpu.memory_space<vmem_shared>>
      tpu.enqueue_indirect_dma source(%arg9 : memref<80x64xf32, #tpu.memory_space<vmem>>) target(%dma_start3A_133 : memref<10240x64xf32, #tpu.memory_space<vmem_shared>>) offsets(%dma_start3A_130 : memref<80xi32, #tpu.memory_space<vmem>>) semaphore(%arg15 : memref<!tpu.dma_semaphore, #tpu.memory_space<semaphore_mem>>) {add = true}
      %scan3A_134 = arith.constant 0 : i32
      scf.yield %scan3A_134 : i32
    }
    %scan3A_35 = arith.constant 125 : i32
    %dma_wait3A = arith.constant 0 : i32
    %dma_wait3A_36 = arith.constant 0 : i32
    %dma_wait3A_37 = tpu.memref_slice %arg11[%dma_wait3A, %dma_wait3A_36] : memref<10240x64xf32, #tpu.memory_space<vmem_shared>> -> memref<80x64xf32, #tpu.memory_space<vmem_shared>>
    %dma_wait3A_38 = arith.constant 0 : i32
    %dma_wait3A_39 = arith.constant 0 : i32
    %dma_wait3A_40 = tpu.memref_slice %arg11[%dma_wait3A_38, %dma_wait3A_39] : memref<10240x64xf32, #tpu.memory_space<vmem_shared>> -> memref<80x64xf32, #tpu.memory_space<vmem_shared>>
    tpu.wait_dma2 semaphore(%arg14 : memref<!tpu.dma_semaphore, #tpu.memory_space<semaphore_mem>>) src(%arg8 : memref<80x64xf32, #tpu.memory_space<vmem>>) dst(%dma_wait3A_40 : memref<80x64xf32, #tpu.memory_space<vmem_shared>>)
    %dma_wait3A_41 = arith.constant 0 : i32
    %dma_wait3A_42 = arith.constant 0 : i32
    %dma_wait3A_43 = tpu.memref_slice %arg11[%dma_wait3A_41, %dma_wait3A_42] : memref<10240x64xf32, #tpu.memory_space<vmem_shared>> -> memref<80x64xf32, #tpu.memory_space<vmem_shared>>
    %dma_wait3A_44 = arith.constant 0 : i32
    %dma_wait3A_45 = arith.constant 0 : i32
    %dma_wait3A_46 = tpu.memref_slice %arg11[%dma_wait3A_44, %dma_wait3A_45] : memref<10240x64xf32, #tpu.memory_space<vmem_shared>> -> memref<80x64xf32, #tpu.memory_space<vmem_shared>>
    tpu.wait_dma2 semaphore(%arg15 : memref<!tpu.dma_semaphore, #tpu.memory_space<semaphore_mem>>) src(%arg9 : memref<80x64xf32, #tpu.memory_space<vmem>>) dst(%dma_wait3A_46 : memref<80x64xf32, #tpu.memory_space<vmem_shared>>)
    %barrier3A_47 = arith.constant 0 : index
    tpu.barrier barrier_id(%barrier3A_47)
    %add3A_48 = arith.constant 0 : i32
    %add3A_49 = arith.addi %mul3A_0, %add3A_48 : i32
    "tpu.region"() ({
      %run_scoped3A = tpu.sem_alloc : memref<!tpu.dma_semaphore, #tpu.memory_space<semaphore_mem>>
      %dma_start3A_68 = arith.constant 0 : i32
      %dma_start3A_69 = tpu.memref_slice %arg11[%add3A_49, %dma_start3A_68] : memref<10240x64xf32, #tpu.memory_space<vmem_shared>> -> memref<128x64xf32, #tpu.memory_space<vmem_shared>>
      %dma_start3A_70 = arith.constant 0 : i32
      %dma_start3A_71 = tpu.memref_slice %arg11[%add3A_49, %dma_start3A_70] : memref<10240x64xf32, #tpu.memory_space<vmem_shared>> -> memref<128x64xf32, #tpu.memory_space<vmem_shared>>
      tpu.enqueue_dma source(%dma_start3A_71 : memref<128x64xf32, #tpu.memory_space<vmem_shared>>) target(%arg10 : memref<128x64xf32, #tpu.memory_space<vmem>>) target_semaphore(%run_scoped3A : memref<!tpu.dma_semaphore, #tpu.memory_space<semaphore_mem>>)
      %dma_wait3A_72 = arith.constant 0 : i32
      %dma_wait3A_73 = tpu.memref_slice %arg11[%add3A_49, %dma_wait3A_72] : memref<10240x64xf32, #tpu.memory_space<vmem_shared>> -> memref<128x64xf32, #tpu.memory_space<vmem_shared>>
      %dma_wait3A_74 = arith.constant 0 : i32
      %dma_wait3A_75 = tpu.memref_slice %arg11[%add3A_49, %dma_wait3A_74] : memref<10240x64xf32, #tpu.memory_space<vmem_shared>> -> memref<128x64xf32, #tpu.memory_space<vmem_shared>>
      tpu.wait_dma2 semaphore(%run_scoped3A : memref<!tpu.dma_semaphore, #tpu.memory_space<semaphore_mem>>) src(%dma_wait3A_75 : memref<128x64xf32, #tpu.memory_space<vmem_shared>>) dst(%arg10 : memref<128x64xf32, #tpu.memory_space<vmem>>)
      tpu.yield
    }) : () -> ()
    %add3A_50 = arith.constant 0 : i32
    %add3A_51 = arith.addi %mul3A_0, %add3A_50 : i32
    "tpu.region"() ({
      %run_scoped3A = tpu.sem_alloc : memref<!tpu.dma_semaphore, #tpu.memory_space<semaphore_mem>>
      %dma_start3A_68 = arith.constant 0 : i32
      %dma_start3A_69 = tpu.memref_slice %arg5[%arg0, %add3A_51, %dma_start3A_68] : memref<2x10240x64xf32, #tpu.memory_space<hbm>> -> memref<1x128x64xf32, #tpu.memory_space<hbm>>
      %dma_start3A_70 = tpu.memref_squeeze %dma_start3A_69 : memref<1x128x64xf32, #tpu.memory_space<hbm>> -> memref<128x64xf32, #tpu.memory_space<hbm>>
      %dma_start3A_71 = arith.constant 0 : i32
      %dma_start3A_72 = tpu.memref_slice %arg5[%arg0, %add3A_51, %dma_start3A_71] : memref<2x10240x64xf32, #tpu.memory_space<hbm>> -> memref<1x128x64xf32, #tpu.memory_space<hbm>>
      %dma_start3A_73 = tpu.memref_squeeze %dma_start3A_72 : memref<1x128x64xf32, #tpu.memory_space<hbm>> -> memref<128x64xf32, #tpu.memory_space<hbm>>
      tpu.enqueue_dma source(%arg10 : memref<128x64xf32, #tpu.memory_space<vmem>>) target(%dma_start3A_73 : memref<128x64xf32, #tpu.memory_space<hbm>>) target_semaphore(%run_scoped3A : memref<!tpu.dma_semaphore, #tpu.memory_space<semaphore_mem>>)
      %dma_wait3A_74 = arith.constant 0 : i32
      %dma_wait3A_75 = tpu.memref_slice %arg5[%arg0, %add3A_51, %dma_wait3A_74] : memref<2x10240x64xf32, #tpu.memory_space<hbm>> -> memref<1x128x64xf32, #tpu.memory_space<hbm>>
      %dma_wait3A_76 = tpu.memref_squeeze %dma_wait3A_75 : memref<1x128x64xf32, #tpu.memory_space<hbm>> -> memref<128x64xf32, #tpu.memory_space<hbm>>
      %dma_wait3A_77 = arith.constant 0 : i32
      %dma_wait3A_78 = tpu.memref_slice %arg5[%arg0, %add3A_51, %dma_wait3A_77] : memref<2x10240x64xf32, #tpu.memory_space<hbm>> -> memref<1x128x64xf32, #tpu.memory_space<hbm>>
      %dma_wait3A_79 = tpu.memref_squeeze %dma_wait3A_78 : memref<1x128x64xf32, #tpu.memory_space<hbm>> -> memref<128x64xf32, #tpu.memory_space<hbm>>
      tpu.wait_dma2 semaphore(%run_scoped3A : memref<!tpu.dma_semaphore, #tpu.memory_space<semaphore_mem>>) src(%arg10 : memref<128x64xf32, #tpu.memory_space<vmem>>) dst(%dma_wait3A_79 : memref<128x64xf32, #tpu.memory_space<hbm>>)
      tpu.yield
    }) : () -> ()
    %add3A_52 = arith.constant 128 : i32
    %add3A_53 = arith.addi %mul3A_0, %add3A_52 : i32
    "tpu.region"() ({
      %run_scoped3A = tpu.sem_alloc : memref<!tpu.dma_semaphore, #tpu.memory_space<semaphore_mem>>
      %dma_start3A_68 = arith.constant 0 : i32
      %dma_start3A_69 = tpu.memref_slice %arg11[%add3A_53, %dma_start3A_68] : memref<10240x64xf32, #tpu.memory_space<vmem_shared>> -> memref<128x64xf32, #tpu.memory_space<vmem_shared>>
      %dma_start3A_70 = arith.constant 0 : i32
      %dma_start3A_71 = tpu.memref_slice %arg11[%add3A_53, %dma_start3A_70] : memref<10240x64xf32, #tpu.memory_space<vmem_shared>> -> memref<128x64xf32, #tpu.memory_space<vmem_shared>>
      tpu.enqueue_dma source(%dma_start3A_71 : memref<128x64xf32, #tpu.memory_space<vmem_shared>>) target(%arg10 : memref<128x64xf32, #tpu.memory_space<vmem>>) target_semaphore(%run_scoped3A : memref<!tpu.dma_semaphore, #tpu.memory_space<semaphore_mem>>)
      %dma_wait3A_72 = arith.constant 0 : i32
      %dma_wait3A_73 = tpu.memref_slice %arg11[%add3A_53, %dma_wait3A_72] : memref<10240x64xf32, #tpu.memory_space<vmem_shared>> -> memref<128x64xf32, #tpu.memory_space<vmem_shared>>
      %dma_wait3A_74 = arith.constant 0 : i32
      %dma_wait3A_75 = tpu.memref_slice %arg11[%add3A_53, %dma_wait3A_74] : memref<10240x64xf32, #tpu.memory_space<vmem_shared>> -> memref<128x64xf32, #tpu.memory_space<vmem_shared>>
      tpu.wait_dma2 semaphore(%run_scoped3A : memref<!tpu.dma_semaphore, #tpu.memory_space<semaphore_mem>>) src(%dma_wait3A_75 : memref<128x64xf32, #tpu.memory_space<vmem_shared>>) dst(%arg10 : memref<128x64xf32, #tpu.memory_space<vmem>>)
      tpu.yield
    }) : () -> ()
    %add3A_54 = arith.constant 128 : i32
    %add3A_55 = arith.addi %mul3A_0, %add3A_54 : i32
    "tpu.region"() ({
      %run_scoped3A = tpu.sem_alloc : memref<!tpu.dma_semaphore, #tpu.memory_space<semaphore_mem>>
      %dma_start3A_68 = arith.constant 0 : i32
      %dma_start3A_69 = tpu.memref_slice %arg5[%arg0, %add3A_55, %dma_start3A_68] : memref<2x10240x64xf32, #tpu.memory_space<hbm>> -> memref<1x128x64xf32, #tpu.memory_space<hbm>>
      %dma_start3A_70 = tpu.memref_squeeze %dma_start3A_69 : memref<1x128x64xf32, #tpu.memory_space<hbm>> -> memref<128x64xf32, #tpu.memory_space<hbm>>
      %dma_start3A_71 = arith.constant 0 : i32
      %dma_start3A_72 = tpu.memref_slice %arg5[%arg0, %add3A_55, %dma_start3A_71] : memref<2x10240x64xf32, #tpu.memory_space<hbm>> -> memref<1x128x64xf32, #tpu.memory_space<hbm>>
      %dma_start3A_73 = tpu.memref_squeeze %dma_start3A_72 : memref<1x128x64xf32, #tpu.memory_space<hbm>> -> memref<128x64xf32, #tpu.memory_space<hbm>>
      tpu.enqueue_dma source(%arg10 : memref<128x64xf32, #tpu.memory_space<vmem>>) target(%dma_start3A_73 : memref<128x64xf32, #tpu.memory_space<hbm>>) target_semaphore(%run_scoped3A : memref<!tpu.dma_semaphore, #tpu.memory_space<semaphore_mem>>)
      %dma_wait3A_74 = arith.constant 0 : i32
      %dma_wait3A_75 = tpu.memref_slice %arg5[%arg0, %add3A_55, %dma_wait3A_74] : memref<2x10240x64xf32, #tpu.memory_space<hbm>> -> memref<1x128x64xf32, #tpu.memory_space<hbm>>
      %dma_wait3A_76 = tpu.memref_squeeze %dma_wait3A_75 : memref<1x128x64xf32, #tpu.memory_space<hbm>> -> memref<128x64xf32, #tpu.memory_space<hbm>>
      %dma_wait3A_77 = arith.constant 0 : i32
      %dma_wait3A_78 = tpu.memref_slice %arg5[%arg0, %add3A_55, %dma_wait3A_77] : memref<2x10240x64xf32, #tpu.memory_space<hbm>> -> memref<1x128x64xf32, #tpu.memory_space<hbm>>
      %dma_wait3A_79 = tpu.memref_squeeze %dma_wait3A_78 : memref<1x128x64xf32, #tpu.memory_space<hbm>> -> memref<128x64xf32, #tpu.memory_space<hbm>>
      tpu.wait_dma2 semaphore(%run_scoped3A : memref<!tpu.dma_semaphore, #tpu.memory_space<semaphore_mem>>) src(%arg10 : memref<128x64xf32, #tpu.memory_space<vmem>>) dst(%dma_wait3A_79 : memref<128x64xf32, #tpu.memory_space<hbm>>)
      tpu.yield
    }) : () -> ()
    %add3A_56 = arith.constant 256 : i32
    %add3A_57 = arith.addi %mul3A_0, %add3A_56 : i32
    "tpu.region"() ({
      %run_scoped3A = tpu.sem_alloc : memref<!tpu.dma_semaphore, #tpu.memory_space<semaphore_mem>>
      %dma_start3A_68 = arith.constant 0 : i32
      %dma_start3A_69 = tpu.memref_slice %arg11[%add3A_57, %dma_start3A_68] : memref<10240x64xf32, #tpu.memory_space<vmem_shared>> -> memref<128x64xf32, #tpu.memory_space<vmem_shared>>
      %dma_start3A_70 = arith.constant 0 : i32
      %dma_start3A_71 = tpu.memref_slice %arg11[%add3A_57, %dma_start3A_70] : memref<10240x64xf32, #tpu.memory_space<vmem_shared>> -> memref<128x64xf32, #tpu.memory_space<vmem_shared>>
      tpu.enqueue_dma source(%dma_start3A_71 : memref<128x64xf32, #tpu.memory_space<vmem_shared>>) target(%arg10 : memref<128x64xf32, #tpu.memory_space<vmem>>) target_semaphore(%run_scoped3A : memref<!tpu.dma_semaphore, #tpu.memory_space<semaphore_mem>>)
      %dma_wait3A_72 = arith.constant 0 : i32
      %dma_wait3A_73 = tpu.memref_slice %arg11[%add3A_57, %dma_wait3A_72] : memref<10240x64xf32, #tpu.memory_space<vmem_shared>> -> memref<128x64xf32, #tpu.memory_space<vmem_shared>>
      %dma_wait3A_74 = arith.constant 0 : i32
      %dma_wait3A_75 = tpu.memref_slice %arg11[%add3A_57, %dma_wait3A_74] : memref<10240x64xf32, #tpu.memory_space<vmem_shared>> -> memref<128x64xf32, #tpu.memory_space<vmem_shared>>
      tpu.wait_dma2 semaphore(%run_scoped3A : memref<!tpu.dma_semaphore, #tpu.memory_space<semaphore_mem>>) src(%dma_wait3A_75 : memref<128x64xf32, #tpu.memory_space<vmem_shared>>) dst(%arg10 : memref<128x64xf32, #tpu.memory_space<vmem>>)
      tpu.yield
    }) : () -> ()
    %add3A_58 = arith.constant 256 : i32
    %add3A_59 = arith.addi %mul3A_0, %add3A_58 : i32
    "tpu.region"() ({
      %run_scoped3A = tpu.sem_alloc : memref<!tpu.dma_semaphore, #tpu.memory_space<semaphore_mem>>
      %dma_start3A_68 = arith.constant 0 : i32
      %dma_start3A_69 = tpu.memref_slice %arg5[%arg0, %add3A_59, %dma_start3A_68] : memref<2x10240x64xf32, #tpu.memory_space<hbm>> -> memref<1x128x64xf32, #tpu.memory_space<hbm>>
      %dma_start3A_70 = tpu.memref_squeeze %dma_start3A_69 : memref<1x128x64xf32, #tpu.memory_space<hbm>> -> memref<128x64xf32, #tpu.memory_space<hbm>>
      %dma_start3A_71 = arith.constant 0 : i32
      %dma_start3A_72 = tpu.memref_slice %arg5[%arg0, %add3A_59, %dma_start3A_71] : memref<2x10240x64xf32, #tpu.memory_space<hbm>> -> memref<1x128x64xf32, #tpu.memory_space<hbm>>
      %dma_start3A_73 = tpu.memref_squeeze %dma_start3A_72 : memref<1x128x64xf32, #tpu.memory_space<hbm>> -> memref<128x64xf32, #tpu.memory_space<hbm>>
      tpu.enqueue_dma source(%arg10 : memref<128x64xf32, #tpu.memory_space<vmem>>) target(%dma_start3A_73 : memref<128x64xf32, #tpu.memory_space<hbm>>) target_semaphore(%run_scoped3A : memref<!tpu.dma_semaphore, #tpu.memory_space<semaphore_mem>>)
      %dma_wait3A_74 = arith.constant 0 : i32
      %dma_wait3A_75 = tpu.memref_slice %arg5[%arg0, %add3A_59, %dma_wait3A_74] : memref<2x10240x64xf32, #tpu.memory_space<hbm>> -> memref<1x128x64xf32, #tpu.memory_space<hbm>>
      %dma_wait3A_76 = tpu.memref_squeeze %dma_wait3A_75 : memref<1x128x64xf32, #tpu.memory_space<hbm>> -> memref<128x64xf32, #tpu.memory_space<hbm>>
      %dma_wait3A_77 = arith.constant 0 : i32
      %dma_wait3A_78 = tpu.memref_slice %arg5[%arg0, %add3A_59, %dma_wait3A_77] : memref<2x10240x64xf32, #tpu.memory_space<hbm>> -> memref<1x128x64xf32, #tpu.memory_space<hbm>>
      %dma_wait3A_79 = tpu.memref_squeeze %dma_wait3A_78 : memref<1x128x64xf32, #tpu.memory_space<hbm>> -> memref<128x64xf32, #tpu.memory_space<hbm>>
      tpu.wait_dma2 semaphore(%run_scoped3A : memref<!tpu.dma_semaphore, #tpu.memory_space<semaphore_mem>>) src(%arg10 : memref<128x64xf32, #tpu.memory_space<vmem>>) dst(%dma_wait3A_79 : memref<128x64xf32, #tpu.memory_space<hbm>>)
      tpu.yield
    }) : () -> ()
    %add3A_60 = arith.constant 384 : i32
    %add3A_61 = arith.addi %mul3A_0, %add3A_60 : i32
    "tpu.region"() ({
      %run_scoped3A = tpu.sem_alloc : memref<!tpu.dma_semaphore, #tpu.memory_space<semaphore_mem>>
      %dma_start3A_68 = arith.constant 0 : i32
      %dma_start3A_69 = tpu.memref_slice %arg11[%add3A_61, %dma_start3A_68] : memref<10240x64xf32, #tpu.memory_space<vmem_shared>> -> memref<128x64xf32, #tpu.memory_space<vmem_shared>>
      %dma_start3A_70 = arith.constant 0 : i32
      %dma_start3A_71 = tpu.memref_slice %arg11[%add3A_61, %dma_start3A_70] : memref<10240x64xf32, #tpu.memory_space<vmem_shared>> -> memref<128x64xf32, #tpu.memory_space<vmem_shared>>
      tpu.enqueue_dma source(%dma_start3A_71 : memref<128x64xf32, #tpu.memory_space<vmem_shared>>) target(%arg10 : memref<128x64xf32, #tpu.memory_space<vmem>>) target_semaphore(%run_scoped3A : memref<!tpu.dma_semaphore, #tpu.memory_space<semaphore_mem>>)
      %dma_wait3A_72 = arith.constant 0 : i32
      %dma_wait3A_73 = tpu.memref_slice %arg11[%add3A_61, %dma_wait3A_72] : memref<10240x64xf32, #tpu.memory_space<vmem_shared>> -> memref<128x64xf32, #tpu.memory_space<vmem_shared>>
      %dma_wait3A_74 = arith.constant 0 : i32
      %dma_wait3A_75 = tpu.memref_slice %arg11[%add3A_61, %dma_wait3A_74] : memref<10240x64xf32, #tpu.memory_space<vmem_shared>> -> memref<128x64xf32, #tpu.memory_space<vmem_shared>>
      tpu.wait_dma2 semaphore(%run_scoped3A : memref<!tpu.dma_semaphore, #tpu.memory_space<semaphore_mem>>) src(%dma_wait3A_75 : memref<128x64xf32, #tpu.memory_space<vmem_shared>>) dst(%arg10 : memref<128x64xf32, #tpu.memory_space<vmem>>)
      tpu.yield
    }) : () -> ()
    %add3A_62 = arith.constant 384 : i32
    %add3A_63 = arith.addi %mul3A_0, %add3A_62 : i32
    "tpu.region"() ({
      %run_scoped3A = tpu.sem_alloc : memref<!tpu.dma_semaphore, #tpu.memory_space<semaphore_mem>>
      %dma_start3A_68 = arith.constant 0 : i32
      %dma_start3A_69 = tpu.memref_slice %arg5[%arg0, %add3A_63, %dma_start3A_68] : memref<2x10240x64xf32, #tpu.memory_space<hbm>> -> memref<1x128x64xf32, #tpu.memory_space<hbm>>
      %dma_start3A_70 = tpu.memref_squeeze %dma_start3A_69 : memref<1x128x64xf32, #tpu.memory_space<hbm>> -> memref<128x64xf32, #tpu.memory_space<hbm>>
      %dma_start3A_71 = arith.constant 0 : i32
      %dma_start3A_72 = tpu.memref_slice %arg5[%arg0, %add3A_63, %dma_start3A_71] : memref<2x10240x64xf32, #tpu.memory_space<hbm>> -> memref<1x128x64xf32, #tpu.memory_space<hbm>>
      %dma_start3A_73 = tpu.memref_squeeze %dma_start3A_72 : memref<1x128x64xf32, #tpu.memory_space<hbm>> -> memref<128x64xf32, #tpu.memory_space<hbm>>
      tpu.enqueue_dma source(%arg10 : memref<128x64xf32, #tpu.memory_space<vmem>>) target(%dma_start3A_73 : memref<128x64xf32, #tpu.memory_space<hbm>>) target_semaphore(%run_scoped3A : memref<!tpu.dma_semaphore, #tpu.memory_space<semaphore_mem>>)
      %dma_wait3A_74 = arith.constant 0 : i32
      %dma_wait3A_75 = tpu.memref_slice %arg5[%arg0, %add3A_63, %dma_wait3A_74] : memref<2x10240x64xf32, #tpu.memory_space<hbm>> -> memref<1x128x64xf32, #tpu.memory_space<hbm>>
      %dma_wait3A_76 = tpu.memref_squeeze %dma_wait3A_75 : memref<1x128x64xf32, #tpu.memory_space<hbm>> -> memref<128x64xf32, #tpu.memory_space<hbm>>
      %dma_wait3A_77 = arith.constant 0 : i32
      %dma_wait3A_78 = tpu.memref_slice %arg5[%arg0, %add3A_63, %dma_wait3A_77] : memref<2x10240x64xf32, #tpu.memory_space<hbm>> -> memref<1x128x64xf32, #tpu.memory_space<hbm>>
      %dma_wait3A_79 = tpu.memref_squeeze %dma_wait3A_78 : memref<1x128x64xf32, #tpu.memory_space<hbm>> -> memref<128x64xf32, #tpu.memory_space<hbm>>
      tpu.wait_dma2 semaphore(%run_scoped3A : memref<!tpu.dma_semaphore, #tpu.memory_space<semaphore_mem>>) src(%arg10 : memref<128x64xf32, #tpu.memory_space<vmem>>) dst(%dma_wait3A_79 : memref<128x64xf32, #tpu.memory_space<hbm>>)
      tpu.yield
    }) : () -> ()
    %add3A_64 = arith.constant 512 : i32
    %add3A_65 = arith.addi %mul3A_0, %add3A_64 : i32
    "tpu.region"() ({
      %run_scoped3A = tpu.sem_alloc : memref<!tpu.dma_semaphore, #tpu.memory_space<semaphore_mem>>
      %dma_start3A_68 = arith.constant 0 : i32
      %dma_start3A_69 = tpu.memref_slice %arg11[%add3A_65, %dma_start3A_68] : memref<10240x64xf32, #tpu.memory_space<vmem_shared>> -> memref<128x64xf32, #tpu.memory_space<vmem_shared>>
      %dma_start3A_70 = arith.constant 0 : i32
      %dma_start3A_71 = tpu.memref_slice %arg11[%add3A_65, %dma_start3A_70] : memref<10240x64xf32, #tpu.memory_space<vmem_shared>> -> memref<128x64xf32, #tpu.memory_space<vmem_shared>>
      tpu.enqueue_dma source(%dma_start3A_71 : memref<128x64xf32, #tpu.memory_space<vmem_shared>>) target(%arg10 : memref<128x64xf32, #tpu.memory_space<vmem>>) target_semaphore(%run_scoped3A : memref<!tpu.dma_semaphore, #tpu.memory_space<semaphore_mem>>)
      %dma_wait3A_72 = arith.constant 0 : i32
      %dma_wait3A_73 = tpu.memref_slice %arg11[%add3A_65, %dma_wait3A_72] : memref<10240x64xf32, #tpu.memory_space<vmem_shared>> -> memref<128x64xf32, #tpu.memory_space<vmem_shared>>
      %dma_wait3A_74 = arith.constant 0 : i32
      %dma_wait3A_75 = tpu.memref_slice %arg11[%add3A_65, %dma_wait3A_74] : memref<10240x64xf32, #tpu.memory_space<vmem_shared>> -> memref<128x64xf32, #tpu.memory_space<vmem_shared>>
      tpu.wait_dma2 semaphore(%run_scoped3A : memref<!tpu.dma_semaphore, #tpu.memory_space<semaphore_mem>>) src(%dma_wait3A_75 : memref<128x64xf32, #tpu.memory_space<vmem_shared>>) dst(%arg10 : memref<128x64xf32, #tpu.memory_space<vmem>>)
      tpu.yield
    }) : () -> ()
    %add3A_66 = arith.constant 512 : i32
    %add3A_67 = arith.addi %mul3A_0, %add3A_66 : i32
    "tpu.region"() ({
      %run_scoped3A = tpu.sem_alloc : memref<!tpu.dma_semaphore, #tpu.memory_space<semaphore_mem>>
      %dma_start3A_68 = arith.constant 0 : i32
      %dma_start3A_69 = tpu.memref_slice %arg5[%arg0, %add3A_67, %dma_start3A_68] : memref<2x10240x64xf32, #tpu.memory_space<hbm>> -> memref<1x128x64xf32, #tpu.memory_space<hbm>>
      %dma_start3A_70 = tpu.memref_squeeze %dma_start3A_69 : memref<1x128x64xf32, #tpu.memory_space<hbm>> -> memref<128x64xf32, #tpu.memory_space<hbm>>
      %dma_start3A_71 = arith.constant 0 : i32
      %dma_start3A_72 = tpu.memref_slice %arg5[%arg0, %add3A_67, %dma_start3A_71] : memref<2x10240x64xf32, #tpu.memory_space<hbm>> -> memref<1x128x64xf32, #tpu.memory_space<hbm>>
      %dma_start3A_73 = tpu.memref_squeeze %dma_start3A_72 : memref<1x128x64xf32, #tpu.memory_space<hbm>> -> memref<128x64xf32, #tpu.memory_space<hbm>>
      tpu.enqueue_dma source(%arg10 : memref<128x64xf32, #tpu.memory_space<vmem>>) target(%dma_start3A_73 : memref<128x64xf32, #tpu.memory_space<hbm>>) target_semaphore(%run_scoped3A : memref<!tpu.dma_semaphore, #tpu.memory_space<semaphore_mem>>)
      %dma_wait3A_74 = arith.constant 0 : i32
      %dma_wait3A_75 = tpu.memref_slice %arg5[%arg0, %add3A_67, %dma_wait3A_74] : memref<2x10240x64xf32, #tpu.memory_space<hbm>> -> memref<1x128x64xf32, #tpu.memory_space<hbm>>
      %dma_wait3A_76 = tpu.memref_squeeze %dma_wait3A_75 : memref<1x128x64xf32, #tpu.memory_space<hbm>> -> memref<128x64xf32, #tpu.memory_space<hbm>>
      %dma_wait3A_77 = arith.constant 0 : i32
      %dma_wait3A_78 = tpu.memref_slice %arg5[%arg0, %add3A_67, %dma_wait3A_77] : memref<2x10240x64xf32, #tpu.memory_space<hbm>> -> memref<1x128x64xf32, #tpu.memory_space<hbm>>
      %dma_wait3A_79 = tpu.memref_squeeze %dma_wait3A_78 : memref<1x128x64xf32, #tpu.memory_space<hbm>> -> memref<128x64xf32, #tpu.memory_space<hbm>>
      tpu.wait_dma2 semaphore(%run_scoped3A : memref<!tpu.dma_semaphore, #tpu.memory_space<semaphore_mem>>) src(%arg10 : memref<128x64xf32, #tpu.memory_space<vmem>>) dst(%dma_wait3A_79 : memref<128x64xf32, #tpu.memory_space<hbm>>)
      tpu.yield
    }) : () -> ()
    return
  }
}

#map = affine_map<(d0, d1) -> (0, 0, 0)>
module attributes {stable_mosaic.version = 14 : i64} {
  func.func @body(%arg0: i32, %arg1: i32, %arg2: memref<2x10000x64xf32, #tpu.memory_space<hbm>>, %arg3: memref<16x250x80xi32, #tpu.memory_space<hbm>>, %arg4: memref<16x250x80xi32, #tpu.memory_space<hbm>>, %arg5: memref<2x10240x64xf32, #tpu.memory_space<hbm>>, %arg6: memref<2x10240x64xf32, #tpu.memory_space<hbm>>, %arg7: memref<250x80xi32, #tpu.memory_space<vmem>>, %arg8: memref<250x80xi32, #tpu.memory_space<vmem>>, %arg9: memref<80x64xf32, #tpu.memory_space<vmem>>, %arg10: memref<80x64xf32, #tpu.memory_space<vmem>>, %arg11: memref<128x64xf32, #tpu.memory_space<vmem>>, %arg12: memref<10240x64xf32, #tpu.memory_space<vmem_shared>>, %arg13: memref<!tpu.dma_semaphore, #tpu.memory_space<semaphore_mem>>, %arg14: memref<!tpu.dma_semaphore, #tpu.memory_space<semaphore_mem>>, %arg15: memref<!tpu.dma_semaphore, #tpu.memory_space<semaphore_mem>>, %arg16: memref<!tpu.dma_semaphore, #tpu.memory_space<semaphore_mem>>, %arg17: memref<10240xf32, #tpu.memory_space<vmem>>, %arg18: memref<640xf32, #tpu.memory_space<vmem>>, %arg19: memref<640xf32, #tpu.memory_space<vmem>>, %arg20: memref<16x10240xf32, #tpu.memory_space<vmem_shared>>) attributes {dimension_semantics = [#tpu.dimension_semantics<core_parallel>, #tpu.dimension_semantics<subcore_parallel>], iteration_bounds = array<i64: 2, 16>, scalar_prefetch = 0 : i64, scratch_operands = 14 : i64, tpu.core_type = #tpu.core_type<sc_vector_subcore>, window_params = [{transform_indices = #map}, {transform_indices = #map}, {transform_indices = #map}, {transform_indices = #map}, {transform_indices = #map}]} {
    %mul3A = arith.constant 640 : i32
    %mul3A_0 = arith.muli %arg1, %mul3A : i32
    %broadcast_in_dim3A = arith.constant 0.000000e+00 : f32
    %broadcast_in_dim3A_1 = vector.broadcast %broadcast_in_dim3A : f32 to vector<16xf32>
    %broadcast_in_dim3A_2 = arith.constant 1.000000e+00 : f32
    %broadcast_in_dim3A_3 = vector.broadcast %broadcast_in_dim3A_2 : f32 to vector<16xf32>
    %scan3A = arith.constant 0 : i32
    %scan3A_4 = arith.constant 0 : i32
    %scan3A_5 = arith.constant 512 : i32
    %scan3A_6 = arith.addi %scan3A_4, %scan3A_5 : i32
    %scan3A_7 = arith.constant 1 : i32
    %scan3A_8 = scf.for %scan3A_240 = %scan3A_4 to %scan3A_6 step %scan3A_7 iter_args(%scan3A_241 = %scan3A) -> (i32)  : i32 {
      %jit3A = arith.constant 4 : i32
      %div3A = arith.divsi %scan3A_240, %jit3A : i32
      %sign3A = arith.constant 0 : i32
      %sign3A_242 = arith.cmpi sgt, %scan3A_240, %sign3A : i32
      %sign3A_243 = arith.extui %sign3A_242 : i1 to i32
      %sign3A_244 = arith.constant 0 : i32
      %sign3A_245 = arith.cmpi slt, %scan3A_240, %sign3A_244 : i32
      %sign3A_246 = arith.extui %sign3A_245 : i1 to i32
      %sign3A_247 = arith.subi %sign3A_243, %sign3A_246 : i32
      %sign3A_248 = arith.constant 0 : i32
      %sign3A_249 = arith.cmpi sgt, %jit3A, %sign3A_248 : i32
      %sign3A_250 = arith.extui %sign3A_249 : i1 to i32
      %sign3A_251 = arith.constant 0 : i32
      %sign3A_252 = arith.cmpi slt, %jit3A, %sign3A_251 : i32
      %sign3A_253 = arith.extui %sign3A_252 : i1 to i32
      %sign3A_254 = arith.subi %sign3A_250, %sign3A_253 : i32
      %ne3A = arith.cmpi ne, %sign3A_247, %sign3A_254 : i32
      %rem3A = arith.remsi %scan3A_240, %jit3A : i32
      %ne3A_255 = arith.constant 0 : i32
      %ne3A_256 = arith.cmpi ne, %rem3A, %ne3A_255 : i32
      %and3A = arith.andi %ne3A, %ne3A_256 : i1
      %sub3A = arith.constant 1 : i32
      %sub3A_257 = arith.subi %div3A, %sub3A : i32
      %select_n3A = arith.select %and3A, %sub3A_257, %div3A : i32
      %jit3A_258 = arith.constant 4 : i32
      %eq3A = arith.constant 0 : i32
      %eq3A_259 = arith.cmpi eq, %jit3A_258, %eq3A : i32
      %jit3A_260 = arith.constant 1 : i32
      %select_n3A_261 = arith.select %eq3A_259, %jit3A_260, %jit3A_258 : i32
      %rem3A_262 = arith.remsi %scan3A_240, %select_n3A_261 : i32
      %ne3A_263 = arith.constant 0 : i32
      %ne3A_264 = arith.cmpi ne, %rem3A_262, %ne3A_263 : i32
      %lt3A = arith.constant 0 : i32
      %lt3A_265 = arith.cmpi slt, %rem3A_262, %lt3A : i32
      %lt3A_266 = arith.constant 0 : i32
      %lt3A_267 = arith.cmpi slt, %select_n3A_261, %lt3A_266 : i32
      %ne3A_268 = arith.xori %lt3A_265, %lt3A_267 : i1
      %and3A_269 = arith.andi %ne3A_268, %ne3A_264 : i1
      %add3A_270 = arith.addi %rem3A_262, %select_n3A_261 : i32
      %select_n3A_271 = arith.select %and3A_269, %add3A_270, %rem3A_262 : i32
      %mul3A_272 = arith.constant 16 : i32
      %mul3A_273 = arith.muli %select_n3A_271, %mul3A_272 : i32
      %swap3A = arith.index_cast %select_n3A : i32 to index
      %swap3A_274 = arith.index_cast %mul3A_273 : i32 to index
      %swap3A_275 = tpu.vector_load %arg11[%swap3A, %swap3A_274] {strides = array<i32>} : memref<128x64xf32, #tpu.memory_space<vmem>>, vector<16xf32>,
      tpu.vector_store %arg11[%swap3A, %swap3A_274], %broadcast_in_dim3A_1 {strides = array<i32>} : memref<128x64xf32, #tpu.memory_space<vmem>>, vector<16xf32>,
      %scan3A_276 = arith.constant 0 : i32
      scf.yield %scan3A_276 : i32
    }
    %scan3A_9 = arith.constant 512 : i32
    %add3A = arith.constant 0 : i32
    %add3A_10 = arith.addi %mul3A_0, %add3A : i32
    "tpu.region"() ({
      %run_scoped3A_240 = tpu.sem_alloc : memref<!tpu.dma_semaphore, #tpu.memory_space<semaphore_mem>>
      %dma_start3A_241 = arith.constant 0 : i32
      %dma_start3A_242 = tpu.memref_slice %arg12[%add3A_10, %dma_start3A_241] : memref<10240x64xf32, #tpu.memory_space<vmem_shared>> -> memref<128x64xf32, #tpu.memory_space<vmem_shared>>
      %dma_start3A_243 = arith.constant 0 : i32
      %dma_start3A_244 = tpu.memref_slice %arg12[%add3A_10, %dma_start3A_243] : memref<10240x64xf32, #tpu.memory_space<vmem_shared>> -> memref<128x64xf32, #tpu.memory_space<vmem_shared>>
      tpu.enqueue_dma source(%arg11 : memref<128x64xf32, #tpu.memory_space<vmem>>) target(%dma_start3A_244 : memref<128x64xf32, #tpu.memory_space<vmem_shared>>) target_semaphore(%run_scoped3A_240 : memref<!tpu.dma_semaphore, #tpu.memory_space<semaphore_mem>>)
      %dma_wait3A_245 = arith.constant 0 : i32
      %dma_wait3A_246 = tpu.memref_slice %arg12[%add3A_10, %dma_wait3A_245] : memref<10240x64xf32, #tpu.memory_space<vmem_shared>> -> memref<128x64xf32, #tpu.memory_space<vmem_shared>>
      %dma_wait3A_247 = arith.constant 0 : i32
      %dma_wait3A_248 = tpu.memref_slice %arg12[%add3A_10, %dma_wait3A_247] : memref<10240x64xf32, #tpu.memory_space<vmem_shared>> -> memref<128x64xf32, #tpu.memory_space<vmem_shared>>
      tpu.wait_dma2 semaphore(%run_scoped3A_240 : memref<!tpu.dma_semaphore, #tpu.memory_space<semaphore_mem>>) src(%arg11 : memref<128x64xf32, #tpu.memory_space<vmem>>) dst(%dma_wait3A_248 : memref<128x64xf32, #tpu.memory_space<vmem_shared>>)
      tpu.yield
    }) : () -> ()
    %add3A_11 = arith.constant 128 : i32
    %add3A_12 = arith.addi %mul3A_0, %add3A_11 : i32
    "tpu.region"() ({
      %run_scoped3A_240 = tpu.sem_alloc : memref<!tpu.dma_semaphore, #tpu.memory_space<semaphore_mem>>
      %dma_start3A_241 = arith.constant 0 : i32
      %dma_start3A_242 = tpu.memref_slice %arg12[%add3A_12, %dma_start3A_241] : memref<10240x64xf32, #tpu.memory_space<vmem_shared>> -> memref<128x64xf32, #tpu.memory_space<vmem_shared>>
      %dma_start3A_243 = arith.constant 0 : i32
      %dma_start3A_244 = tpu.memref_slice %arg12[%add3A_12, %dma_start3A_243] : memref<10240x64xf32, #tpu.memory_space<vmem_shared>> -> memref<128x64xf32, #tpu.memory_space<vmem_shared>>
      tpu.enqueue_dma source(%arg11 : memref<128x64xf32, #tpu.memory_space<vmem>>) target(%dma_start3A_244 : memref<128x64xf32, #tpu.memory_space<vmem_shared>>) target_semaphore(%run_scoped3A_240 : memref<!tpu.dma_semaphore, #tpu.memory_space<semaphore_mem>>)
      %dma_wait3A_245 = arith.constant 0 : i32
      %dma_wait3A_246 = tpu.memref_slice %arg12[%add3A_12, %dma_wait3A_245] : memref<10240x64xf32, #tpu.memory_space<vmem_shared>> -> memref<128x64xf32, #tpu.memory_space<vmem_shared>>
      %dma_wait3A_247 = arith.constant 0 : i32
      %dma_wait3A_248 = tpu.memref_slice %arg12[%add3A_12, %dma_wait3A_247] : memref<10240x64xf32, #tpu.memory_space<vmem_shared>> -> memref<128x64xf32, #tpu.memory_space<vmem_shared>>
      tpu.wait_dma2 semaphore(%run_scoped3A_240 : memref<!tpu.dma_semaphore, #tpu.memory_space<semaphore_mem>>) src(%arg11 : memref<128x64xf32, #tpu.memory_space<vmem>>) dst(%dma_wait3A_248 : memref<128x64xf32, #tpu.memory_space<vmem_shared>>)
      tpu.yield
    }) : () -> ()
    %add3A_13 = arith.constant 256 : i32
    %add3A_14 = arith.addi %mul3A_0, %add3A_13 : i32
    "tpu.region"() ({
      %run_scoped3A_240 = tpu.sem_alloc : memref<!tpu.dma_semaphore, #tpu.memory_space<semaphore_mem>>
      %dma_start3A_241 = arith.constant 0 : i32
      %dma_start3A_242 = tpu.memref_slice %arg12[%add3A_14, %dma_start3A_241] : memref<10240x64xf32, #tpu.memory_space<vmem_shared>> -> memref<128x64xf32, #tpu.memory_space<vmem_shared>>
      %dma_start3A_243 = arith.constant 0 : i32
      %dma_start3A_244 = tpu.memref_slice %arg12[%add3A_14, %dma_start3A_243] : memref<10240x64xf32, #tpu.memory_space<vmem_shared>> -> memref<128x64xf32, #tpu.memory_space<vmem_shared>>
      tpu.enqueue_dma source(%arg11 : memref<128x64xf32, #tpu.memory_space<vmem>>) target(%dma_start3A_244 : memref<128x64xf32, #tpu.memory_space<vmem_shared>>) target_semaphore(%run_scoped3A_240 : memref<!tpu.dma_semaphore, #tpu.memory_space<semaphore_mem>>)
      %dma_wait3A_245 = arith.constant 0 : i32
      %dma_wait3A_246 = tpu.memref_slice %arg12[%add3A_14, %dma_wait3A_245] : memref<10240x64xf32, #tpu.memory_space<vmem_shared>> -> memref<128x64xf32, #tpu.memory_space<vmem_shared>>
      %dma_wait3A_247 = arith.constant 0 : i32
      %dma_wait3A_248 = tpu.memref_slice %arg12[%add3A_14, %dma_wait3A_247] : memref<10240x64xf32, #tpu.memory_space<vmem_shared>> -> memref<128x64xf32, #tpu.memory_space<vmem_shared>>
      tpu.wait_dma2 semaphore(%run_scoped3A_240 : memref<!tpu.dma_semaphore, #tpu.memory_space<semaphore_mem>>) src(%arg11 : memref<128x64xf32, #tpu.memory_space<vmem>>) dst(%dma_wait3A_248 : memref<128x64xf32, #tpu.memory_space<vmem_shared>>)
      tpu.yield
    }) : () -> ()
    %add3A_15 = arith.constant 384 : i32
    %add3A_16 = arith.addi %mul3A_0, %add3A_15 : i32
    "tpu.region"() ({
      %run_scoped3A_240 = tpu.sem_alloc : memref<!tpu.dma_semaphore, #tpu.memory_space<semaphore_mem>>
      %dma_start3A_241 = arith.constant 0 : i32
      %dma_start3A_242 = tpu.memref_slice %arg12[%add3A_16, %dma_start3A_241] : memref<10240x64xf32, #tpu.memory_space<vmem_shared>> -> memref<128x64xf32, #tpu.memory_space<vmem_shared>>
      %dma_start3A_243 = arith.constant 0 : i32
      %dma_start3A_244 = tpu.memref_slice %arg12[%add3A_16, %dma_start3A_243] : memref<10240x64xf32, #tpu.memory_space<vmem_shared>> -> memref<128x64xf32, #tpu.memory_space<vmem_shared>>
      tpu.enqueue_dma source(%arg11 : memref<128x64xf32, #tpu.memory_space<vmem>>) target(%dma_start3A_244 : memref<128x64xf32, #tpu.memory_space<vmem_shared>>) target_semaphore(%run_scoped3A_240 : memref<!tpu.dma_semaphore, #tpu.memory_space<semaphore_mem>>)
      %dma_wait3A_245 = arith.constant 0 : i32
      %dma_wait3A_246 = tpu.memref_slice %arg12[%add3A_16, %dma_wait3A_245] : memref<10240x64xf32, #tpu.memory_space<vmem_shared>> -> memref<128x64xf32, #tpu.memory_space<vmem_shared>>
      %dma_wait3A_247 = arith.constant 0 : i32
      %dma_wait3A_248 = tpu.memref_slice %arg12[%add3A_16, %dma_wait3A_247] : memref<10240x64xf32, #tpu.memory_space<vmem_shared>> -> memref<128x64xf32, #tpu.memory_space<vmem_shared>>
      tpu.wait_dma2 semaphore(%run_scoped3A_240 : memref<!tpu.dma_semaphore, #tpu.memory_space<semaphore_mem>>) src(%arg11 : memref<128x64xf32, #tpu.memory_space<vmem>>) dst(%dma_wait3A_248 : memref<128x64xf32, #tpu.memory_space<vmem_shared>>)
      tpu.yield
    }) : () -> ()
    %add3A_17 = arith.constant 512 : i32
    %add3A_18 = arith.addi %mul3A_0, %add3A_17 : i32
    "tpu.region"() ({
      %run_scoped3A_240 = tpu.sem_alloc : memref<!tpu.dma_semaphore, #tpu.memory_space<semaphore_mem>>
      %dma_start3A_241 = arith.constant 0 : i32
      %dma_start3A_242 = tpu.memref_slice %arg12[%add3A_18, %dma_start3A_241] : memref<10240x64xf32, #tpu.memory_space<vmem_shared>> -> memref<128x64xf32, #tpu.memory_space<vmem_shared>>
      %dma_start3A_243 = arith.constant 0 : i32
      %dma_start3A_244 = tpu.memref_slice %arg12[%add3A_18, %dma_start3A_243] : memref<10240x64xf32, #tpu.memory_space<vmem_shared>> -> memref<128x64xf32, #tpu.memory_space<vmem_shared>>
      tpu.enqueue_dma source(%arg11 : memref<128x64xf32, #tpu.memory_space<vmem>>) target(%dma_start3A_244 : memref<128x64xf32, #tpu.memory_space<vmem_shared>>) target_semaphore(%run_scoped3A_240 : memref<!tpu.dma_semaphore, #tpu.memory_space<semaphore_mem>>)
      %dma_wait3A_245 = arith.constant 0 : i32
      %dma_wait3A_246 = tpu.memref_slice %arg12[%add3A_18, %dma_wait3A_245] : memref<10240x64xf32, #tpu.memory_space<vmem_shared>> -> memref<128x64xf32, #tpu.memory_space<vmem_shared>>
      %dma_wait3A_247 = arith.constant 0 : i32
      %dma_wait3A_248 = tpu.memref_slice %arg12[%add3A_18, %dma_wait3A_247] : memref<10240x64xf32, #tpu.memory_space<vmem_shared>> -> memref<128x64xf32, #tpu.memory_space<vmem_shared>>
      tpu.wait_dma2 semaphore(%run_scoped3A_240 : memref<!tpu.dma_semaphore, #tpu.memory_space<semaphore_mem>>) src(%arg11 : memref<128x64xf32, #tpu.memory_space<vmem>>) dst(%dma_wait3A_248 : memref<128x64xf32, #tpu.memory_space<vmem_shared>>)
      tpu.yield
    }) : () -> ()
    %scan3A_19 = arith.constant 0 : i32
    %scan3A_20 = arith.constant 0 : i32
    %scan3A_21 = arith.constant 640 : i32
    %scan3A_22 = arith.addi %scan3A_20, %scan3A_21 : i32
    %scan3A_23 = arith.constant 1 : i32
    %scan3A_24 = scf.for %scan3A_240 = %scan3A_20 to %scan3A_22 step %scan3A_23 iter_args(%scan3A_241 = %scan3A_19) -> (i32)  : i32 {
      %mul3A_242 = arith.constant 16 : i32
      %mul3A_243 = arith.muli %scan3A_240, %mul3A_242 : i32
      %swap3A = arith.index_cast %mul3A_243 : i32 to index
      %swap3A_244 = tpu.vector_load %arg17[%swap3A] {strides = array<i32>} : memref<10240xf32, #tpu.memory_space<vmem>>, vector<16xf32>,
      tpu.vector_store %arg17[%swap3A], %broadcast_in_dim3A_1 {strides = array<i32>} : memref<10240xf32, #tpu.memory_space<vmem>>, vector<16xf32>,
      %scan3A_245 = arith.constant 0 : i32
      scf.yield %scan3A_245 : i32
    }
    %scan3A_25 = arith.constant 640 : i32
    "tpu.region"() ({
      %run_scoped3A_240 = tpu.sem_alloc : memref<!tpu.dma_semaphore, #tpu.memory_space<semaphore_mem>>
      %dma_start3A_241 = arith.constant 0 : i32
      %dma_start3A_242 = arith.constant 0 : i32
      %dma_start3A_243 = tpu.memref_slice %arg3[%arg1, %dma_start3A_241, %dma_start3A_242] : memref<16x250x80xi32, #tpu.memory_space<hbm>> -> memref<1x250x80xi32, #tpu.memory_space<hbm>>
      %dma_start3A_244 = tpu.memref_squeeze %dma_start3A_243 : memref<1x250x80xi32, #tpu.memory_space<hbm>> -> memref<250x80xi32, #tpu.memory_space<hbm>>
      %dma_start3A_245 = arith.constant 0 : i32
      %dma_start3A_246 = arith.constant 0 : i32
      %dma_start3A_247 = tpu.memref_slice %arg3[%arg1, %dma_start3A_245, %dma_start3A_246] : memref<16x250x80xi32, #tpu.memory_space<hbm>> -> memref<1x250x80xi32, #tpu.memory_space<hbm>>
      %dma_start3A_248 = tpu.memref_squeeze %dma_start3A_247 : memref<1x250x80xi32, #tpu.memory_space<hbm>> -> memref<250x80xi32, #tpu.memory_space<hbm>>
      tpu.enqueue_dma source(%dma_start3A_248 : memref<250x80xi32, #tpu.memory_space<hbm>>) target(%arg7 : memref<250x80xi32, #tpu.memory_space<vmem>>) target_semaphore(%run_scoped3A_240 : memref<!tpu.dma_semaphore, #tpu.memory_space<semaphore_mem>>)
      %dma_wait3A_249 = arith.constant 0 : i32
      %dma_wait3A_250 = arith.constant 0 : i32
      %dma_wait3A_251 = tpu.memref_slice %arg3[%arg1, %dma_wait3A_249, %dma_wait3A_250] : memref<16x250x80xi32, #tpu.memory_space<hbm>> -> memref<1x250x80xi32, #tpu.memory_space<hbm>>
      %dma_wait3A_252 = tpu.memref_squeeze %dma_wait3A_251 : memref<1x250x80xi32, #tpu.memory_space<hbm>> -> memref<250x80xi32, #tpu.memory_space<hbm>>
      %dma_wait3A_253 = arith.constant 0 : i32
      %dma_wait3A_254 = arith.constant 0 : i32
      %dma_wait3A_255 = tpu.memref_slice %arg3[%arg1, %dma_wait3A_253, %dma_wait3A_254] : memref<16x250x80xi32, #tpu.memory_space<hbm>> -> memref<1x250x80xi32, #tpu.memory_space<hbm>>
      %dma_wait3A_256 = tpu.memref_squeeze %dma_wait3A_255 : memref<1x250x80xi32, #tpu.memory_space<hbm>> -> memref<250x80xi32, #tpu.memory_space<hbm>>
      tpu.wait_dma2 semaphore(%run_scoped3A_240 : memref<!tpu.dma_semaphore, #tpu.memory_space<semaphore_mem>>) src(%dma_wait3A_256 : memref<250x80xi32, #tpu.memory_space<hbm>>) dst(%arg7 : memref<250x80xi32, #tpu.memory_space<vmem>>)
      tpu.yield
    }) : () -> ()
    "tpu.region"() ({
      %run_scoped3A_240 = tpu.sem_alloc : memref<!tpu.dma_semaphore, #tpu.memory_space<semaphore_mem>>
      %dma_start3A_241 = arith.constant 0 : i32
      %dma_start3A_242 = arith.constant 0 : i32
      %dma_start3A_243 = tpu.memref_slice %arg4[%arg1, %dma_start3A_241, %dma_start3A_242] : memref<16x250x80xi32, #tpu.memory_space<hbm>> -> memref<1x250x80xi32, #tpu.memory_space<hbm>>
      %dma_start3A_244 = tpu.memref_squeeze %dma_start3A_243 : memref<1x250x80xi32, #tpu.memory_space<hbm>> -> memref<250x80xi32, #tpu.memory_space<hbm>>
      %dma_start3A_245 = arith.constant 0 : i32
      %dma_start3A_246 = arith.constant 0 : i32
      %dma_start3A_247 = tpu.memref_slice %arg4[%arg1, %dma_start3A_245, %dma_start3A_246] : memref<16x250x80xi32, #tpu.memory_space<hbm>> -> memref<1x250x80xi32, #tpu.memory_space<hbm>>
      %dma_start3A_248 = tpu.memref_squeeze %dma_start3A_247 : memref<1x250x80xi32, #tpu.memory_space<hbm>> -> memref<250x80xi32, #tpu.memory_space<hbm>>
      tpu.enqueue_dma source(%dma_start3A_248 : memref<250x80xi32, #tpu.memory_space<hbm>>) target(%arg8 : memref<250x80xi32, #tpu.memory_space<vmem>>) target_semaphore(%run_scoped3A_240 : memref<!tpu.dma_semaphore, #tpu.memory_space<semaphore_mem>>)
      %dma_wait3A_249 = arith.constant 0 : i32
      %dma_wait3A_250 = arith.constant 0 : i32
      %dma_wait3A_251 = tpu.memref_slice %arg4[%arg1, %dma_wait3A_249, %dma_wait3A_250] : memref<16x250x80xi32, #tpu.memory_space<hbm>> -> memref<1x250x80xi32, #tpu.memory_space<hbm>>
      %dma_wait3A_252 = tpu.memref_squeeze %dma_wait3A_251 : memref<1x250x80xi32, #tpu.memory_space<hbm>> -> memref<250x80xi32, #tpu.memory_space<hbm>>
      %dma_wait3A_253 = arith.constant 0 : i32
      %dma_wait3A_254 = arith.constant 0 : i32
      %dma_wait3A_255 = tpu.memref_slice %arg4[%arg1, %dma_wait3A_253, %dma_wait3A_254] : memref<16x250x80xi32, #tpu.memory_space<hbm>> -> memref<1x250x80xi32, #tpu.memory_space<hbm>>
      %dma_wait3A_256 = tpu.memref_squeeze %dma_wait3A_255 : memref<1x250x80xi32, #tpu.memory_space<hbm>> -> memref<250x80xi32, #tpu.memory_space<hbm>>
      tpu.wait_dma2 semaphore(%run_scoped3A_240 : memref<!tpu.dma_semaphore, #tpu.memory_space<semaphore_mem>>) src(%dma_wait3A_256 : memref<250x80xi32, #tpu.memory_space<hbm>>) dst(%arg8 : memref<250x80xi32, #tpu.memory_space<vmem>>)
      tpu.yield
    }) : () -> ()
    %barrier3A = arith.constant 0 : index
    tpu.barrier barrier_id(%barrier3A)
    %dma_start3A = arith.constant 0 : i32
    %dma_start3A_26 = arith.constant 0 : i32
    %dma_start3A_27 = tpu.memref_slice %arg7[%dma_start3A, %dma_start3A_26] : memref<250x80xi32, #tpu.memory_space<vmem>> -> memref<1x80xi32, #tpu.memory_space<vmem>>
    %dma_start3A_28 = tpu.memref_squeeze %dma_start3A_27 : memref<1x80xi32, #tpu.memory_space<vmem>> -> memref<80xi32, #tpu.memory_space<vmem>>
    %dma_start3A_29 = arith.constant 0 : i32
    %dma_start3A_30 = arith.constant 0 : i32
    %dma_start3A_31 = tpu.memref_slice %arg2[%arg0, %dma_start3A_29, %dma_start3A_30] : memref<2x10000x64xf32, #tpu.memory_space<hbm>> -> memref<1x10000x64xf32, #tpu.memory_space<hbm>>
    %dma_start3A_32 = tpu.memref_squeeze %dma_start3A_31 : memref<1x10000x64xf32, #tpu.memory_space<hbm>> -> memref<10000x64xf32, #tpu.memory_space<hbm>>
    %dma_start3A_33 = arith.constant 0 : i32
    %dma_start3A_34 = arith.constant 0 : i32
    %dma_start3A_35 = tpu.memref_slice %dma_start3A_32[%dma_start3A_33, %dma_start3A_34] : memref<10000x64xf32, #tpu.memory_space<hbm>> -> memref<10000x64xf32, #tpu.memory_space<hbm>>
    tpu.enqueue_indirect_dma source(%dma_start3A_35 : memref<10000x64xf32, #tpu.memory_space<hbm>>) target(%arg9 : memref<80x64xf32, #tpu.memory_space<vmem>>) offsets(%dma_start3A_28 : memref<80xi32, #tpu.memory_space<vmem>>) semaphore(%arg13 : memref<!tpu.dma_semaphore, #tpu.memory_space<semaphore_mem>>)
    %scan3A_36 = arith.constant 0 : i32
    %scan3A_37 = arith.constant 0 : i32
    %scan3A_38 = arith.constant 125 : i32
    %scan3A_39 = arith.addi %scan3A_37, %scan3A_38 : i32
    %scan3A_40 = arith.constant 1 : i32
    %scan3A_41 = scf.for %scan3A_240 = %scan3A_37 to %scan3A_39 step %scan3A_40 iter_args(%scan3A_241 = %scan3A_36) -> (i32)  : i32 {
      %mul3A_242 = arith.constant 2 : i32
      %mul3A_243 = arith.muli %scan3A_240, %mul3A_242 : i32
      %gt3A = arith.constant 0 : i32
      %gt3A_244 = arith.cmpi sgt, %scan3A_240, %gt3A : i32
      %convert_element_type3A = arith.extui %gt3A_244 : i1 to i32
      %cond3A = arith.constant 0 : i32
      %cond3A_245 = arith.cmpi ne, %convert_element_type3A, %cond3A : i32
      scf.if %cond3A_245 {
        %dma_wait3A_354 = arith.constant 0 : i32
        %dma_wait3A_355 = arith.constant 0 : i32
        %dma_wait3A_356 = tpu.memref_slice %arg12[%dma_wait3A_354, %dma_wait3A_355] : memref<10240x64xf32, #tpu.memory_space<vmem_shared>> -> memref<80x64xf32, #tpu.memory_space<vmem_shared>>
        %dma_wait3A_357 = arith.constant 0 : i32
        %dma_wait3A_358 = arith.constant 0 : i32
        %dma_wait3A_359 = tpu.memref_slice %arg12[%dma_wait3A_357, %dma_wait3A_358] : memref<10240x64xf32, #tpu.memory_space<vmem_shared>> -> memref<80x64xf32, #tpu.memory_space<vmem_shared>>
        tpu.wait_dma2 semaphore(%arg16 : memref<!tpu.dma_semaphore, #tpu.memory_space<semaphore_mem>>) src(%arg10 : memref<80x64xf32, #tpu.memory_space<vmem>>) dst(%dma_wait3A_359 : memref<80x64xf32, #tpu.memory_space<vmem_shared>>)
      } else {
      }
      %add3A_246 = arith.constant 1 : i32
      %add3A_247 = arith.addi %mul3A_243, %add3A_246 : i32
      %dma_start3A_248 = arith.constant 0 : i32
      %dma_start3A_249 = tpu.memref_slice %arg7[%add3A_247, %dma_start3A_248] : memref<250x80xi32, #tpu.memory_space<vmem>> -> memref<1x80xi32, #tpu.memory_space<vmem>>
      %dma_start3A_250 = tpu.memref_squeeze %dma_start3A_249 : memref<1x80xi32, #tpu.memory_space<vmem>> -> memref<80xi32, #tpu.memory_space<vmem>>
      %dma_start3A_251 = arith.constant 0 : i32
      %dma_start3A_252 = arith.constant 0 : i32
      %dma_start3A_253 = tpu.memref_slice %arg2[%arg0, %dma_start3A_251, %dma_start3A_252] : memref<2x10000x64xf32, #tpu.memory_space<hbm>> -> memref<1x10000x64xf32, #tpu.memory_space<hbm>>
      %dma_start3A_254 = tpu.memref_squeeze %dma_start3A_253 : memref<1x10000x64xf32, #tpu.memory_space<hbm>> -> memref<10000x64xf32, #tpu.memory_space<hbm>>
      %dma_start3A_255 = arith.constant 0 : i32
      %dma_start3A_256 = arith.constant 0 : i32
      %dma_start3A_257 = tpu.memref_slice %dma_start3A_254[%dma_start3A_255, %dma_start3A_256] : memref<10000x64xf32, #tpu.memory_space<hbm>> -> memref<10000x64xf32, #tpu.memory_space<hbm>>
      tpu.enqueue_indirect_dma source(%dma_start3A_257 : memref<10000x64xf32, #tpu.memory_space<hbm>>) target(%arg10 : memref<80x64xf32, #tpu.memory_space<vmem>>) offsets(%dma_start3A_250 : memref<80xi32, #tpu.memory_space<vmem>>) semaphore(%arg14 : memref<!tpu.dma_semaphore, #tpu.memory_space<semaphore_mem>>)
      %dma_wait3A_258 = arith.constant 0 : i32
      %dma_wait3A_259 = arith.constant 0 : i32
      %dma_wait3A_260 = tpu.memref_slice %arg2[%arg0, %dma_wait3A_258, %dma_wait3A_259] : memref<2x10000x64xf32, #tpu.memory_space<hbm>> -> memref<1x10000x64xf32, #tpu.memory_space<hbm>>
      %dma_wait3A_261 = tpu.memref_squeeze %dma_wait3A_260 : memref<1x10000x64xf32, #tpu.memory_space<hbm>> -> memref<10000x64xf32, #tpu.memory_space<hbm>>
      %dma_wait3A_262 = arith.constant 0 : i32
      %dma_wait3A_263 = arith.constant 0 : i32
      %dma_wait3A_264 = tpu.memref_slice %dma_wait3A_261[%dma_wait3A_262, %dma_wait3A_263] : memref<10000x64xf32, #tpu.memory_space<hbm>> -> memref<80x64xf32, #tpu.memory_space<hbm>>
      %dma_wait3A_265 = arith.constant 0 : i32
      %dma_wait3A_266 = arith.constant 0 : i32
      %dma_wait3A_267 = tpu.memref_slice %arg2[%arg0, %dma_wait3A_265, %dma_wait3A_266] : memref<2x10000x64xf32, #tpu.memory_space<hbm>> -> memref<1x10000x64xf32, #tpu.memory_space<hbm>>
      %dma_wait3A_268 = tpu.memref_squeeze %dma_wait3A_267 : memref<1x10000x64xf32, #tpu.memory_space<hbm>> -> memref<10000x64xf32, #tpu.memory_space<hbm>>
      %dma_wait3A_269 = arith.constant 0 : i32
      %dma_wait3A_270 = arith.constant 0 : i32
      %dma_wait3A_271 = tpu.memref_slice %dma_wait3A_268[%dma_wait3A_269, %dma_wait3A_270] : memref<10000x64xf32, #tpu.memory_space<hbm>> -> memref<80x64xf32, #tpu.memory_space<hbm>>
      tpu.wait_dma2 semaphore(%arg13 : memref<!tpu.dma_semaphore, #tpu.memory_space<semaphore_mem>>) src(%dma_wait3A_271 : memref<80x64xf32, #tpu.memory_space<hbm>>) dst(%arg9 : memref<80x64xf32, #tpu.memory_space<vmem>>)
      %dma_start3A_272 = arith.constant 0 : i32
      %dma_start3A_273 = tpu.memref_slice %arg8[%mul3A_243, %dma_start3A_272] : memref<250x80xi32, #tpu.memory_space<vmem>> -> memref<1x80xi32, #tpu.memory_space<vmem>>
      %dma_start3A_274 = tpu.memref_squeeze %dma_start3A_273 : memref<1x80xi32, #tpu.memory_space<vmem>> -> memref<80xi32, #tpu.memory_space<vmem>>
      %dma_start3A_275 = arith.constant 0 : i32
      %dma_start3A_276 = arith.constant 0 : i32
      %dma_start3A_277 = tpu.memref_slice %arg12[%dma_start3A_275, %dma_start3A_276] : memref<10240x64xf32, #tpu.memory_space<vmem_shared>> -> memref<10240x64xf32, #tpu.memory_space<vmem_shared>>
      tpu.enqueue_indirect_dma source(%arg9 : memref<80x64xf32, #tpu.memory_space<vmem>>) target(%dma_start3A_277 : memref<10240x64xf32, #tpu.memory_space<vmem_shared>>) offsets(%dma_start3A_274 : memref<80xi32, #tpu.memory_space<vmem>>) semaphore(%arg15 : memref<!tpu.dma_semaphore, #tpu.memory_space<semaphore_mem>>) {add = true}
      %jit3A = arith.constant 125 : i32
      %div3A = arith.divsi %mul3A_243, %jit3A : i32
      %sign3A = arith.constant 0 : i32
      %sign3A_278 = arith.cmpi sgt, %mul3A_243, %sign3A : i32
      %sign3A_279 = arith.extui %sign3A_278 : i1 to i32
      %sign3A_280 = arith.constant 0 : i32
      %sign3A_281 = arith.cmpi slt, %mul3A_243, %sign3A_280 : i32
      %sign3A_282 = arith.extui %sign3A_281 : i1 to i32
      %sign3A_283 = arith.subi %sign3A_279, %sign3A_282 : i32
      %sign3A_284 = arith.constant 0 : i32
      %sign3A_285 = arith.cmpi sgt, %jit3A, %sign3A_284 : i32
      %sign3A_286 = arith.extui %sign3A_285 : i1 to i32
      %sign3A_287 = arith.constant 0 : i32
      %sign3A_288 = arith.cmpi slt, %jit3A, %sign3A_287 : i32
      %sign3A_289 = arith.extui %sign3A_288 : i1 to i32
      %sign3A_290 = arith.subi %sign3A_286, %sign3A_289 : i32
      %ne3A = arith.cmpi ne, %sign3A_283, %sign3A_290 : i32
      %rem3A = arith.remsi %mul3A_243, %jit3A : i32
      %ne3A_291 = arith.constant 0 : i32
      %ne3A_292 = arith.cmpi ne, %rem3A, %ne3A_291 : i32
      %and3A = arith.andi %ne3A, %ne3A_292 : i1
      %sub3A = arith.constant 1 : i32
      %sub3A_293 = arith.subi %div3A, %sub3A : i32
      %select_n3A = arith.select %and3A, %sub3A_293, %div3A : i32
      %eq3A = arith.cmpi eq, %select_n3A, %arg0 : i32
      %convert_element_type3A_294 = arith.extui %eq3A : i1 to i32
      %cond3A_295 = arith.constant 0 : i32
      %cond3A_296 = arith.cmpi ne, %convert_element_type3A_294, %cond3A_295 : i32
      scf.if %cond3A_296 {
        %get3A = arith.index_cast %mul3A_243 : i32 to index
        %get3A_354 = arith.constant 0 : index
        %get3A_355 = tpu.vector_load %arg8[%get3A, %get3A_354] {strides = array<i32>} : memref<250x80xi32, #tpu.memory_space<vmem>>, vector<16xi32>,
        tpu.vector_store_idx %arg17[%get3A_355], %broadcast_in_dim3A_3 {add = true} : memref<10240xf32, #tpu.memory_space<vmem>>[vector<16xi32>], vector<16xf32>,
        %get3A_356 = arith.index_cast %mul3A_243 : i32 to index
        %get3A_357 = arith.constant 16 : index
        %get3A_358 = tpu.vector_load %arg8[%get3A_356, %get3A_357] {strides = array<i32>} : memref<250x80xi32, #tpu.memory_space<vmem>>, vector<16xi32>,
        tpu.vector_store_idx %arg17[%get3A_358], %broadcast_in_dim3A_3 {add = true} : memref<10240xf32, #tpu.memory_space<vmem>>[vector<16xi32>], vector<16xf32>,
        %get3A_359 = arith.index_cast %mul3A_243 : i32 to index
        %get3A_360 = arith.constant 32 : index
        %get3A_361 = tpu.vector_load %arg8[%get3A_359, %get3A_360] {strides = array<i32>} : memref<250x80xi32, #tpu.memory_space<vmem>>, vector<16xi32>,
        tpu.vector_store_idx %arg17[%get3A_361], %broadcast_in_dim3A_3 {add = true} : memref<10240xf32, #tpu.memory_space<vmem>>[vector<16xi32>], vector<16xf32>,
        %get3A_362 = arith.index_cast %mul3A_243 : i32 to index
        %get3A_363 = arith.constant 48 : index
        %get3A_364 = tpu.vector_load %arg8[%get3A_362, %get3A_363] {strides = array<i32>} : memref<250x80xi32, #tpu.memory_space<vmem>>, vector<16xi32>,
        tpu.vector_store_idx %arg17[%get3A_364], %broadcast_in_dim3A_3 {add = true} : memref<10240xf32, #tpu.memory_space<vmem>>[vector<16xi32>], vector<16xf32>,
        %get3A_365 = arith.index_cast %mul3A_243 : i32 to index
        %get3A_366 = arith.constant 64 : index
        %get3A_367 = tpu.vector_load %arg8[%get3A_365, %get3A_366] {strides = array<i32>} : memref<250x80xi32, #tpu.memory_space<vmem>>, vector<16xi32>,
        tpu.vector_store_idx %arg17[%get3A_367], %broadcast_in_dim3A_3 {add = true} : memref<10240xf32, #tpu.memory_space<vmem>>[vector<16xi32>], vector<16xf32>,
      } else {
      }
      %add3A_297 = arith.constant 2 : i32
      %add3A_298 = arith.addi %mul3A_243, %add3A_297 : i32
      %lt3A = arith.constant 250 : i32
      %lt3A_299 = arith.cmpi slt, %add3A_298, %lt3A : i32
      %convert_element_type3A_300 = arith.extui %lt3A_299 : i1 to i32
      %cond3A_301 = arith.constant 0 : i32
      %cond3A_302 = arith.cmpi ne, %convert_element_type3A_300, %cond3A_301 : i32
      scf.if %cond3A_302 {
        %dma_wait3A_354 = arith.constant 0 : i32
        %dma_wait3A_355 = arith.constant 0 : i32
        %dma_wait3A_356 = tpu.memref_slice %arg12[%dma_wait3A_354, %dma_wait3A_355] : memref<10240x64xf32, #tpu.memory_space<vmem_shared>> -> memref<80x64xf32, #tpu.memory_space<vmem_shared>>
        %dma_wait3A_357 = arith.constant 0 : i32
        %dma_wait3A_358 = arith.constant 0 : i32
        %dma_wait3A_359 = tpu.memref_slice %arg12[%dma_wait3A_357, %dma_wait3A_358] : memref<10240x64xf32, #tpu.memory_space<vmem_shared>> -> memref<80x64xf32, #tpu.memory_space<vmem_shared>>
        tpu.wait_dma2 semaphore(%arg15 : memref<!tpu.dma_semaphore, #tpu.memory_space<semaphore_mem>>) src(%arg9 : memref<80x64xf32, #tpu.memory_space<vmem>>) dst(%dma_wait3A_359 : memref<80x64xf32, #tpu.memory_space<vmem_shared>>)
        %add3A_360 = arith.constant 2 : i32
        %add3A_361 = arith.addi %mul3A_243, %add3A_360 : i32
        %dma_start3A_362 = arith.constant 0 : i32
        %dma_start3A_363 = tpu.memref_slice %arg7[%add3A_361, %dma_start3A_362] : memref<250x80xi32, #tpu.memory_space<vmem>> -> memref<1x80xi32, #tpu.memory_space<vmem>>
        %dma_start3A_364 = tpu.memref_squeeze %dma_start3A_363 : memref<1x80xi32, #tpu.memory_space<vmem>> -> memref<80xi32, #tpu.memory_space<vmem>>
        %dma_start3A_365 = arith.constant 0 : i32
        %dma_start3A_366 = arith.constant 0 : i32
        %dma_start3A_367 = tpu.memref_slice %arg2[%arg0, %dma_start3A_365, %dma_start3A_366] : memref<2x10000x64xf32, #tpu.memory_space<hbm>> -> memref<1x10000x64xf32, #tpu.memory_space<hbm>>
        %dma_start3A_368 = tpu.memref_squeeze %dma_start3A_367 : memref<1x10000x64xf32, #tpu.memory_space<hbm>> -> memref<10000x64xf32, #tpu.memory_space<hbm>>
        %dma_start3A_369 = arith.constant 0 : i32
        %dma_start3A_370 = arith.constant 0 : i32
        %dma_start3A_371 = tpu.memref_slice %dma_start3A_368[%dma_start3A_369, %dma_start3A_370] : memref<10000x64xf32, #tpu.memory_space<hbm>> -> memref<10000x64xf32, #tpu.memory_space<hbm>>
        tpu.enqueue_indirect_dma source(%dma_start3A_371 : memref<10000x64xf32, #tpu.memory_space<hbm>>) target(%arg9 : memref<80x64xf32, #tpu.memory_space<vmem>>) offsets(%dma_start3A_364 : memref<80xi32, #tpu.memory_space<vmem>>) semaphore(%arg13 : memref<!tpu.dma_semaphore, #tpu.memory_space<semaphore_mem>>)
      } else {
      }
      %add3A_303 = arith.constant 1 : i32
      %add3A_304 = arith.addi %mul3A_243, %add3A_303 : i32
      %dma_wait3A_305 = arith.constant 0 : i32
      %dma_wait3A_306 = arith.constant 0 : i32
      %dma_wait3A_307 = tpu.memref_slice %arg2[%arg0, %dma_wait3A_305, %dma_wait3A_306] : memref<2x10000x64xf32, #tpu.memory_space<hbm>> -> memref<1x10000x64xf32, #tpu.memory_space<hbm>>
      %dma_wait3A_308 = tpu.memref_squeeze %dma_wait3A_307 : memref<1x10000x64xf32, #tpu.memory_space<hbm>> -> memref<10000x64xf32, #tpu.memory_space<hbm>>
      %dma_wait3A_309 = arith.constant 0 : i32
      %dma_wait3A_310 = arith.constant 0 : i32
      %dma_wait3A_311 = tpu.memref_slice %dma_wait3A_308[%dma_wait3A_309, %dma_wait3A_310] : memref<10000x64xf32, #tpu.memory_space<hbm>> -> memref<80x64xf32, #tpu.memory_space<hbm>>
      %dma_wait3A_312 = arith.constant 0 : i32
      %dma_wait3A_313 = arith.constant 0 : i32
      %dma_wait3A_314 = tpu.memref_slice %arg2[%arg0, %dma_wait3A_312, %dma_wait3A_313] : memref<2x10000x64xf32, #tpu.memory_space<hbm>> -> memref<1x10000x64xf32, #tpu.memory_space<hbm>>
      %dma_wait3A_315 = tpu.memref_squeeze %dma_wait3A_314 : memref<1x10000x64xf32, #tpu.memory_space<hbm>> -> memref<10000x64xf32, #tpu.memory_space<hbm>>
      %dma_wait3A_316 = arith.constant 0 : i32
      %dma_wait3A_317 = arith.constant 0 : i32
      %dma_wait3A_318 = tpu.memref_slice %dma_wait3A_315[%dma_wait3A_316, %dma_wait3A_317] : memref<10000x64xf32, #tpu.memory_space<hbm>> -> memref<80x64xf32, #tpu.memory_space<hbm>>
      tpu.wait_dma2 semaphore(%arg14 : memref<!tpu.dma_semaphore, #tpu.memory_space<semaphore_mem>>) src(%dma_wait3A_318 : memref<80x64xf32, #tpu.memory_space<hbm>>) dst(%arg10 : memref<80x64xf32, #tpu.memory_space<vmem>>)
      %dma_start3A_319 = arith.constant 0 : i32
      %dma_start3A_320 = tpu.memref_slice %arg8[%add3A_304, %dma_start3A_319] : memref<250x80xi32, #tpu.memory_space<vmem>> -> memref<1x80xi32, #tpu.memory_space<vmem>>
      %dma_start3A_321 = tpu.memref_squeeze %dma_start3A_320 : memref<1x80xi32, #tpu.memory_space<vmem>> -> memref<80xi32, #tpu.memory_space<vmem>>
      %dma_start3A_322 = arith.constant 0 : i32
      %dma_start3A_323 = arith.constant 0 : i32
      %dma_start3A_324 = tpu.memref_slice %arg12[%dma_start3A_322, %dma_start3A_323] : memref<10240x64xf32, #tpu.memory_space<vmem_shared>> -> memref<10240x64xf32, #tpu.memory_space<vmem_shared>>
      tpu.enqueue_indirect_dma source(%arg10 : memref<80x64xf32, #tpu.memory_space<vmem>>) target(%dma_start3A_324 : memref<10240x64xf32, #tpu.memory_space<vmem_shared>>) offsets(%dma_start3A_321 : memref<80xi32, #tpu.memory_space<vmem>>) semaphore(%arg16 : memref<!tpu.dma_semaphore, #tpu.memory_space<semaphore_mem>>) {add = true}
      %jit3A_325 = arith.constant 125 : i32
      %div3A_326 = arith.divsi %add3A_304, %jit3A_325 : i32
      %sign3A_327 = arith.constant 0 : i32
      %sign3A_328 = arith.cmpi sgt, %add3A_304, %sign3A_327 : i32
      %sign3A_329 = arith.extui %sign3A_328 : i1 to i32
      %sign3A_330 = arith.constant 0 : i32
      %sign3A_331 = arith.cmpi slt, %add3A_304, %sign3A_330 : i32
      %sign3A_332 = arith.extui %sign3A_331 : i1 to i32
      %sign3A_333 = arith.subi %sign3A_329, %sign3A_332 : i32
      %sign3A_334 = arith.constant 0 : i32
      %sign3A_335 = arith.cmpi sgt, %jit3A_325, %sign3A_334 : i32
      %sign3A_336 = arith.extui %sign3A_335 : i1 to i32
      %sign3A_337 = arith.constant 0 : i32
      %sign3A_338 = arith.cmpi slt, %jit3A_325, %sign3A_337 : i32
      %sign3A_339 = arith.extui %sign3A_338 : i1 to i32
      %sign3A_340 = arith.subi %sign3A_336, %sign3A_339 : i32
      %ne3A_341 = arith.cmpi ne, %sign3A_333, %sign3A_340 : i32
      %rem3A_342 = arith.remsi %add3A_304, %jit3A_325 : i32
      %ne3A_343 = arith.constant 0 : i32
      %ne3A_344 = arith.cmpi ne, %rem3A_342, %ne3A_343 : i32
      %and3A_345 = arith.andi %ne3A_341, %ne3A_344 : i1
      %sub3A_346 = arith.constant 1 : i32
      %sub3A_347 = arith.subi %div3A_326, %sub3A_346 : i32
      %select_n3A_348 = arith.select %and3A_345, %sub3A_347, %div3A_326 : i32
      %eq3A_349 = arith.cmpi eq, %select_n3A_348, %arg0 : i32
      %convert_element_type3A_350 = arith.extui %eq3A_349 : i1 to i32
      %cond3A_351 = arith.constant 0 : i32
      %cond3A_352 = arith.cmpi ne, %convert_element_type3A_350, %cond3A_351 : i32
      scf.if %cond3A_352 {
        %get3A = arith.index_cast %add3A_304 : i32 to index
        %get3A_354 = arith.constant 0 : index
        %get3A_355 = tpu.vector_load %arg8[%get3A, %get3A_354] {strides = array<i32>} : memref<250x80xi32, #tpu.memory_space<vmem>>, vector<16xi32>,
        tpu.vector_store_idx %arg17[%get3A_355], %broadcast_in_dim3A_3 {add = true} : memref<10240xf32, #tpu.memory_space<vmem>>[vector<16xi32>], vector<16xf32>,
        %get3A_356 = arith.index_cast %add3A_304 : i32 to index
        %get3A_357 = arith.constant 16 : index
        %get3A_358 = tpu.vector_load %arg8[%get3A_356, %get3A_357] {strides = array<i32>} : memref<250x80xi32, #tpu.memory_space<vmem>>, vector<16xi32>,
        tpu.vector_store_idx %arg17[%get3A_358], %broadcast_in_dim3A_3 {add = true} : memref<10240xf32, #tpu.memory_space<vmem>>[vector<16xi32>], vector<16xf32>,
        %get3A_359 = arith.index_cast %add3A_304 : i32 to index
        %get3A_360 = arith.constant 32 : index
        %get3A_361 = tpu.vector_load %arg8[%get3A_359, %get3A_360] {strides = array<i32>} : memref<250x80xi32, #tpu.memory_space<vmem>>, vector<16xi32>,
        tpu.vector_store_idx %arg17[%get3A_361], %broadcast_in_dim3A_3 {add = true} : memref<10240xf32, #tpu.memory_space<vmem>>[vector<16xi32>], vector<16xf32>,
        %get3A_362 = arith.index_cast %add3A_304 : i32 to index
        %get3A_363 = arith.constant 48 : index
        %get3A_364 = tpu.vector_load %arg8[%get3A_362, %get3A_363] {strides = array<i32>} : memref<250x80xi32, #tpu.memory_space<vmem>>, vector<16xi32>,
        tpu.vector_store_idx %arg17[%get3A_364], %broadcast_in_dim3A_3 {add = true} : memref<10240xf32, #tpu.memory_space<vmem>>[vector<16xi32>], vector<16xf32>,
        %get3A_365 = arith.index_cast %add3A_304 : i32 to index
        %get3A_366 = arith.constant 64 : index
        %get3A_367 = tpu.vector_load %arg8[%get3A_365, %get3A_366] {strides = array<i32>} : memref<250x80xi32, #tpu.memory_space<vmem>>, vector<16xi32>,
        tpu.vector_store_idx %arg17[%get3A_367], %broadcast_in_dim3A_3 {add = true} : memref<10240xf32, #tpu.memory_space<vmem>>[vector<16xi32>], vector<16xf32>,
      } else {
      }
      %scan3A_353 = arith.constant 0 : i32
      scf.yield %scan3A_353 : i32
    }
    %scan3A_42 = arith.constant 125 : i32
    %dma_wait3A = arith.constant 0 : i32
    %dma_wait3A_43 = arith.constant 0 : i32
    %dma_wait3A_44 = tpu.memref_slice %arg12[%dma_wait3A, %dma_wait3A_43] : memref<10240x64xf32, #tpu.memory_space<vmem_shared>> -> memref<80x64xf32, #tpu.memory_space<vmem_shared>>
    %dma_wait3A_45 = arith.constant 0 : i32
    %dma_wait3A_46 = arith.constant 0 : i32
    %dma_wait3A_47 = tpu.memref_slice %arg12[%dma_wait3A_45, %dma_wait3A_46] : memref<10240x64xf32, #tpu.memory_space<vmem_shared>> -> memref<80x64xf32, #tpu.memory_space<vmem_shared>>
    tpu.wait_dma2 semaphore(%arg15 : memref<!tpu.dma_semaphore, #tpu.memory_space<semaphore_mem>>) src(%arg9 : memref<80x64xf32, #tpu.memory_space<vmem>>) dst(%dma_wait3A_47 : memref<80x64xf32, #tpu.memory_space<vmem_shared>>)
    %dma_wait3A_48 = arith.constant 0 : i32
    %dma_wait3A_49 = arith.constant 0 : i32
    %dma_wait3A_50 = tpu.memref_slice %arg12[%dma_wait3A_48, %dma_wait3A_49] : memref<10240x64xf32, #tpu.memory_space<vmem_shared>> -> memref<80x64xf32, #tpu.memory_space<vmem_shared>>
    %dma_wait3A_51 = arith.constant 0 : i32
    %dma_wait3A_52 = arith.constant 0 : i32
    %dma_wait3A_53 = tpu.memref_slice %arg12[%dma_wait3A_51, %dma_wait3A_52] : memref<10240x64xf32, #tpu.memory_space<vmem_shared>> -> memref<80x64xf32, #tpu.memory_space<vmem_shared>>
    tpu.wait_dma2 semaphore(%arg16 : memref<!tpu.dma_semaphore, #tpu.memory_space<semaphore_mem>>) src(%arg10 : memref<80x64xf32, #tpu.memory_space<vmem>>) dst(%dma_wait3A_53 : memref<80x64xf32, #tpu.memory_space<vmem_shared>>)
    "tpu.region"() ({
      %run_scoped3A_240 = tpu.sem_alloc : memref<!tpu.dma_semaphore, #tpu.memory_space<semaphore_mem>>
      %dma_start3A_241 = arith.constant 0 : i32
      %dma_start3A_242 = tpu.memref_slice %arg20[%arg1, %dma_start3A_241] : memref<16x10240xf32, #tpu.memory_space<vmem_shared>> -> memref<1x10240xf32, #tpu.memory_space<vmem_shared>>
      %dma_start3A_243 = tpu.memref_squeeze %dma_start3A_242 : memref<1x10240xf32, #tpu.memory_space<vmem_shared>> -> memref<10240xf32, #tpu.memory_space<vmem_shared>>
      %dma_start3A_244 = arith.constant 0 : i32
      %dma_start3A_245 = tpu.memref_slice %arg20[%arg1, %dma_start3A_244] : memref<16x10240xf32, #tpu.memory_space<vmem_shared>> -> memref<1x10240xf32, #tpu.memory_space<vmem_shared>>
      %dma_start3A_246 = tpu.memref_squeeze %dma_start3A_245 : memref<1x10240xf32, #tpu.memory_space<vmem_shared>> -> memref<10240xf32, #tpu.memory_space<vmem_shared>>
      tpu.enqueue_dma source(%arg17 : memref<10240xf32, #tpu.memory_space<vmem>>) target(%dma_start3A_246 : memref<10240xf32, #tpu.memory_space<vmem_shared>>) target_semaphore(%run_scoped3A_240 : memref<!tpu.dma_semaphore, #tpu.memory_space<semaphore_mem>>)
      %dma_wait3A_247 = arith.constant 0 : i32
      %dma_wait3A_248 = tpu.memref_slice %arg20[%arg1, %dma_wait3A_247] : memref<16x10240xf32, #tpu.memory_space<vmem_shared>> -> memref<1x10240xf32, #tpu.memory_space<vmem_shared>>
      %dma_wait3A_249 = tpu.memref_squeeze %dma_wait3A_248 : memref<1x10240xf32, #tpu.memory_space<vmem_shared>> -> memref<10240xf32, #tpu.memory_space<vmem_shared>>
      %dma_wait3A_250 = arith.constant 0 : i32
      %dma_wait3A_251 = tpu.memref_slice %arg20[%arg1, %dma_wait3A_250] : memref<16x10240xf32, #tpu.memory_space<vmem_shared>> -> memref<1x10240xf32, #tpu.memory_space<vmem_shared>>
      %dma_wait3A_252 = tpu.memref_squeeze %dma_wait3A_251 : memref<1x10240xf32, #tpu.memory_space<vmem_shared>> -> memref<10240xf32, #tpu.memory_space<vmem_shared>>
      tpu.wait_dma2 semaphore(%run_scoped3A_240 : memref<!tpu.dma_semaphore, #tpu.memory_space<semaphore_mem>>) src(%arg17 : memref<10240xf32, #tpu.memory_space<vmem>>) dst(%dma_wait3A_252 : memref<10240xf32, #tpu.memory_space<vmem_shared>>)
      tpu.yield
    }) : () -> ()
    %barrier3A_54 = arith.constant 0 : index
    tpu.barrier barrier_id(%barrier3A_54)
    %add3A_55 = arith.constant 0 : i32
    %add3A_56 = arith.addi %mul3A_0, %add3A_55 : i32
    "tpu.region"() ({
      %run_scoped3A_240 = tpu.sem_alloc : memref<!tpu.dma_semaphore, #tpu.memory_space<semaphore_mem>>
      %dma_start3A_241 = arith.constant 0 : i32
      %dma_start3A_242 = tpu.memref_slice %arg12[%add3A_56, %dma_start3A_241] : memref<10240x64xf32, #tpu.memory_space<vmem_shared>> -> memref<128x64xf32, #tpu.memory_space<vmem_shared>>
      %dma_start3A_243 = arith.constant 0 : i32
      %dma_start3A_244 = tpu.memref_slice %arg12[%add3A_56, %dma_start3A_243] : memref<10240x64xf32, #tpu.memory_space<vmem_shared>> -> memref<128x64xf32, #tpu.memory_space<vmem_shared>>
      tpu.enqueue_dma source(%dma_start3A_244 : memref<128x64xf32, #tpu.memory_space<vmem_shared>>) target(%arg11 : memref<128x64xf32, #tpu.memory_space<vmem>>) target_semaphore(%run_scoped3A_240 : memref<!tpu.dma_semaphore, #tpu.memory_space<semaphore_mem>>)
      %dma_wait3A_245 = arith.constant 0 : i32
      %dma_wait3A_246 = tpu.memref_slice %arg12[%add3A_56, %dma_wait3A_245] : memref<10240x64xf32, #tpu.memory_space<vmem_shared>> -> memref<128x64xf32, #tpu.memory_space<vmem_shared>>
      %dma_wait3A_247 = arith.constant 0 : i32
      %dma_wait3A_248 = tpu.memref_slice %arg12[%add3A_56, %dma_wait3A_247] : memref<10240x64xf32, #tpu.memory_space<vmem_shared>> -> memref<128x64xf32, #tpu.memory_space<vmem_shared>>
      tpu.wait_dma2 semaphore(%run_scoped3A_240 : memref<!tpu.dma_semaphore, #tpu.memory_space<semaphore_mem>>) src(%dma_wait3A_248 : memref<128x64xf32, #tpu.memory_space<vmem_shared>>) dst(%arg11 : memref<128x64xf32, #tpu.memory_space<vmem>>)
      tpu.yield
    }) : () -> ()
    %add3A_57 = arith.constant 0 : i32
    %add3A_58 = arith.addi %mul3A_0, %add3A_57 : i32
    "tpu.region"() ({
      %run_scoped3A_240 = tpu.sem_alloc : memref<!tpu.dma_semaphore, #tpu.memory_space<semaphore_mem>>
      %dma_start3A_241 = arith.constant 0 : i32
      %dma_start3A_242 = tpu.memref_slice %arg5[%arg0, %add3A_58, %dma_start3A_241] : memref<2x10240x64xf32, #tpu.memory_space<hbm>> -> memref<1x128x64xf32, #tpu.memory_space<hbm>>
      %dma_start3A_243 = tpu.memref_squeeze %dma_start3A_242 : memref<1x128x64xf32, #tpu.memory_space<hbm>> -> memref<128x64xf32, #tpu.memory_space<hbm>>
      %dma_start3A_244 = arith.constant 0 : i32
      %dma_start3A_245 = tpu.memref_slice %arg5[%arg0, %add3A_58, %dma_start3A_244] : memref<2x10240x64xf32, #tpu.memory_space<hbm>> -> memref<1x128x64xf32, #tpu.memory_space<hbm>>
      %dma_start3A_246 = tpu.memref_squeeze %dma_start3A_245 : memref<1x128x64xf32, #tpu.memory_space<hbm>> -> memref<128x64xf32, #tpu.memory_space<hbm>>
      tpu.enqueue_dma source(%arg11 : memref<128x64xf32, #tpu.memory_space<vmem>>) target(%dma_start3A_246 : memref<128x64xf32, #tpu.memory_space<hbm>>) target_semaphore(%run_scoped3A_240 : memref<!tpu.dma_semaphore, #tpu.memory_space<semaphore_mem>>)
      %dma_wait3A_247 = arith.constant 0 : i32
      %dma_wait3A_248 = tpu.memref_slice %arg5[%arg0, %add3A_58, %dma_wait3A_247] : memref<2x10240x64xf32, #tpu.memory_space<hbm>> -> memref<1x128x64xf32, #tpu.memory_space<hbm>>
      %dma_wait3A_249 = tpu.memref_squeeze %dma_wait3A_248 : memref<1x128x64xf32, #tpu.memory_space<hbm>> -> memref<128x64xf32, #tpu.memory_space<hbm>>
      %dma_wait3A_250 = arith.constant 0 : i32
      %dma_wait3A_251 = tpu.memref_slice %arg5[%arg0, %add3A_58, %dma_wait3A_250] : memref<2x10240x64xf32, #tpu.memory_space<hbm>> -> memref<1x128x64xf32, #tpu.memory_space<hbm>>
      %dma_wait3A_252 = tpu.memref_squeeze %dma_wait3A_251 : memref<1x128x64xf32, #tpu.memory_space<hbm>> -> memref<128x64xf32, #tpu.memory_space<hbm>>
      tpu.wait_dma2 semaphore(%run_scoped3A_240 : memref<!tpu.dma_semaphore, #tpu.memory_space<semaphore_mem>>) src(%arg11 : memref<128x64xf32, #tpu.memory_space<vmem>>) dst(%dma_wait3A_252 : memref<128x64xf32, #tpu.memory_space<hbm>>)
      tpu.yield
    }) : () -> ()
    %add3A_59 = arith.constant 128 : i32
    %add3A_60 = arith.addi %mul3A_0, %add3A_59 : i32
    "tpu.region"() ({
      %run_scoped3A_240 = tpu.sem_alloc : memref<!tpu.dma_semaphore, #tpu.memory_space<semaphore_mem>>
      %dma_start3A_241 = arith.constant 0 : i32
      %dma_start3A_242 = tpu.memref_slice %arg12[%add3A_60, %dma_start3A_241] : memref<10240x64xf32, #tpu.memory_space<vmem_shared>> -> memref<128x64xf32, #tpu.memory_space<vmem_shared>>
      %dma_start3A_243 = arith.constant 0 : i32
      %dma_start3A_244 = tpu.memref_slice %arg12[%add3A_60, %dma_start3A_243] : memref<10240x64xf32, #tpu.memory_space<vmem_shared>> -> memref<128x64xf32, #tpu.memory_space<vmem_shared>>
      tpu.enqueue_dma source(%dma_start3A_244 : memref<128x64xf32, #tpu.memory_space<vmem_shared>>) target(%arg11 : memref<128x64xf32, #tpu.memory_space<vmem>>) target_semaphore(%run_scoped3A_240 : memref<!tpu.dma_semaphore, #tpu.memory_space<semaphore_mem>>)
      %dma_wait3A_245 = arith.constant 0 : i32
      %dma_wait3A_246 = tpu.memref_slice %arg12[%add3A_60, %dma_wait3A_245] : memref<10240x64xf32, #tpu.memory_space<vmem_shared>> -> memref<128x64xf32, #tpu.memory_space<vmem_shared>>
      %dma_wait3A_247 = arith.constant 0 : i32
      %dma_wait3A_248 = tpu.memref_slice %arg12[%add3A_60, %dma_wait3A_247] : memref<10240x64xf32, #tpu.memory_space<vmem_shared>> -> memref<128x64xf32, #tpu.memory_space<vmem_shared>>
      tpu.wait_dma2 semaphore(%run_scoped3A_240 : memref<!tpu.dma_semaphore, #tpu.memory_space<semaphore_mem>>) src(%dma_wait3A_248 : memref<128x64xf32, #tpu.memory_space<vmem_shared>>) dst(%arg11 : memref<128x64xf32, #tpu.memory_space<vmem>>)
      tpu.yield
    }) : () -> ()
    %add3A_61 = arith.constant 128 : i32
    %add3A_62 = arith.addi %mul3A_0, %add3A_61 : i32
    "tpu.region"() ({
      %run_scoped3A_240 = tpu.sem_alloc : memref<!tpu.dma_semaphore, #tpu.memory_space<semaphore_mem>>
      %dma_start3A_241 = arith.constant 0 : i32
      %dma_start3A_242 = tpu.memref_slice %arg5[%arg0, %add3A_62, %dma_start3A_241] : memref<2x10240x64xf32, #tpu.memory_space<hbm>> -> memref<1x128x64xf32, #tpu.memory_space<hbm>>
      %dma_start3A_243 = tpu.memref_squeeze %dma_start3A_242 : memref<1x128x64xf32, #tpu.memory_space<hbm>> -> memref<128x64xf32, #tpu.memory_space<hbm>>
      %dma_start3A_244 = arith.constant 0 : i32
      %dma_start3A_245 = tpu.memref_slice %arg5[%arg0, %add3A_62, %dma_start3A_244] : memref<2x10240x64xf32, #tpu.memory_space<hbm>> -> memref<1x128x64xf32, #tpu.memory_space<hbm>>
      %dma_start3A_246 = tpu.memref_squeeze %dma_start3A_245 : memref<1x128x64xf32, #tpu.memory_space<hbm>> -> memref<128x64xf32, #tpu.memory_space<hbm>>
      tpu.enqueue_dma source(%arg11 : memref<128x64xf32, #tpu.memory_space<vmem>>) target(%dma_start3A_246 : memref<128x64xf32, #tpu.memory_space<hbm>>) target_semaphore(%run_scoped3A_240 : memref<!tpu.dma_semaphore, #tpu.memory_space<semaphore_mem>>)
      %dma_wait3A_247 = arith.constant 0 : i32
      %dma_wait3A_248 = tpu.memref_slice %arg5[%arg0, %add3A_62, %dma_wait3A_247] : memref<2x10240x64xf32, #tpu.memory_space<hbm>> -> memref<1x128x64xf32, #tpu.memory_space<hbm>>
      %dma_wait3A_249 = tpu.memref_squeeze %dma_wait3A_248 : memref<1x128x64xf32, #tpu.memory_space<hbm>> -> memref<128x64xf32, #tpu.memory_space<hbm>>
      %dma_wait3A_250 = arith.constant 0 : i32
      %dma_wait3A_251 = tpu.memref_slice %arg5[%arg0, %add3A_62, %dma_wait3A_250] : memref<2x10240x64xf32, #tpu.memory_space<hbm>> -> memref<1x128x64xf32, #tpu.memory_space<hbm>>
      %dma_wait3A_252 = tpu.memref_squeeze %dma_wait3A_251 : memref<1x128x64xf32, #tpu.memory_space<hbm>> -> memref<128x64xf32, #tpu.memory_space<hbm>>
      tpu.wait_dma2 semaphore(%run_scoped3A_240 : memref<!tpu.dma_semaphore, #tpu.memory_space<semaphore_mem>>) src(%arg11 : memref<128x64xf32, #tpu.memory_space<vmem>>) dst(%dma_wait3A_252 : memref<128x64xf32, #tpu.memory_space<hbm>>)
      tpu.yield
    }) : () -> ()
    %add3A_63 = arith.constant 256 : i32
    %add3A_64 = arith.addi %mul3A_0, %add3A_63 : i32
    "tpu.region"() ({
      %run_scoped3A_240 = tpu.sem_alloc : memref<!tpu.dma_semaphore, #tpu.memory_space<semaphore_mem>>
      %dma_start3A_241 = arith.constant 0 : i32
      %dma_start3A_242 = tpu.memref_slice %arg12[%add3A_64, %dma_start3A_241] : memref<10240x64xf32, #tpu.memory_space<vmem_shared>> -> memref<128x64xf32, #tpu.memory_space<vmem_shared>>
      %dma_start3A_243 = arith.constant 0 : i32
      %dma_start3A_244 = tpu.memref_slice %arg12[%add3A_64, %dma_start3A_243] : memref<10240x64xf32, #tpu.memory_space<vmem_shared>> -> memref<128x64xf32, #tpu.memory_space<vmem_shared>>
      tpu.enqueue_dma source(%dma_start3A_244 : memref<128x64xf32, #tpu.memory_space<vmem_shared>>) target(%arg11 : memref<128x64xf32, #tpu.memory_space<vmem>>) target_semaphore(%run_scoped3A_240 : memref<!tpu.dma_semaphore, #tpu.memory_space<semaphore_mem>>)
      %dma_wait3A_245 = arith.constant 0 : i32
      %dma_wait3A_246 = tpu.memref_slice %arg12[%add3A_64, %dma_wait3A_245] : memref<10240x64xf32, #tpu.memory_space<vmem_shared>> -> memref<128x64xf32, #tpu.memory_space<vmem_shared>>
      %dma_wait3A_247 = arith.constant 0 : i32
      %dma_wait3A_248 = tpu.memref_slice %arg12[%add3A_64, %dma_wait3A_247] : memref<10240x64xf32, #tpu.memory_space<vmem_shared>> -> memref<128x64xf32, #tpu.memory_space<vmem_shared>>
      tpu.wait_dma2 semaphore(%run_scoped3A_240 : memref<!tpu.dma_semaphore, #tpu.memory_space<semaphore_mem>>) src(%dma_wait3A_248 : memref<128x64xf32, #tpu.memory_space<vmem_shared>>) dst(%arg11 : memref<128x64xf32, #tpu.memory_space<vmem>>)
      tpu.yield
    }) : () -> ()
    %add3A_65 = arith.constant 256 : i32
    %add3A_66 = arith.addi %mul3A_0, %add3A_65 : i32
    "tpu.region"() ({
      %run_scoped3A_240 = tpu.sem_alloc : memref<!tpu.dma_semaphore, #tpu.memory_space<semaphore_mem>>
      %dma_start3A_241 = arith.constant 0 : i32
      %dma_start3A_242 = tpu.memref_slice %arg5[%arg0, %add3A_66, %dma_start3A_241] : memref<2x10240x64xf32, #tpu.memory_space<hbm>> -> memref<1x128x64xf32, #tpu.memory_space<hbm>>
      %dma_start3A_243 = tpu.memref_squeeze %dma_start3A_242 : memref<1x128x64xf32, #tpu.memory_space<hbm>> -> memref<128x64xf32, #tpu.memory_space<hbm>>
      %dma_start3A_244 = arith.constant 0 : i32
      %dma_start3A_245 = tpu.memref_slice %arg5[%arg0, %add3A_66, %dma_start3A_244] : memref<2x10240x64xf32, #tpu.memory_space<hbm>> -> memref<1x128x64xf32, #tpu.memory_space<hbm>>
      %dma_start3A_246 = tpu.memref_squeeze %dma_start3A_245 : memref<1x128x64xf32, #tpu.memory_space<hbm>> -> memref<128x64xf32, #tpu.memory_space<hbm>>
      tpu.enqueue_dma source(%arg11 : memref<128x64xf32, #tpu.memory_space<vmem>>) target(%dma_start3A_246 : memref<128x64xf32, #tpu.memory_space<hbm>>) target_semaphore(%run_scoped3A_240 : memref<!tpu.dma_semaphore, #tpu.memory_space<semaphore_mem>>)
      %dma_wait3A_247 = arith.constant 0 : i32
      %dma_wait3A_248 = tpu.memref_slice %arg5[%arg0, %add3A_66, %dma_wait3A_247] : memref<2x10240x64xf32, #tpu.memory_space<hbm>> -> memref<1x128x64xf32, #tpu.memory_space<hbm>>
      %dma_wait3A_249 = tpu.memref_squeeze %dma_wait3A_248 : memref<1x128x64xf32, #tpu.memory_space<hbm>> -> memref<128x64xf32, #tpu.memory_space<hbm>>
      %dma_wait3A_250 = arith.constant 0 : i32
      %dma_wait3A_251 = tpu.memref_slice %arg5[%arg0, %add3A_66, %dma_wait3A_250] : memref<2x10240x64xf32, #tpu.memory_space<hbm>> -> memref<1x128x64xf32, #tpu.memory_space<hbm>>
      %dma_wait3A_252 = tpu.memref_squeeze %dma_wait3A_251 : memref<1x128x64xf32, #tpu.memory_space<hbm>> -> memref<128x64xf32, #tpu.memory_space<hbm>>
      tpu.wait_dma2 semaphore(%run_scoped3A_240 : memref<!tpu.dma_semaphore, #tpu.memory_space<semaphore_mem>>) src(%arg11 : memref<128x64xf32, #tpu.memory_space<vmem>>) dst(%dma_wait3A_252 : memref<128x64xf32, #tpu.memory_space<hbm>>)
      tpu.yield
    }) : () -> ()
    %add3A_67 = arith.constant 384 : i32
    %add3A_68 = arith.addi %mul3A_0, %add3A_67 : i32
    "tpu.region"() ({
      %run_scoped3A_240 = tpu.sem_alloc : memref<!tpu.dma_semaphore, #tpu.memory_space<semaphore_mem>>
      %dma_start3A_241 = arith.constant 0 : i32
      %dma_start3A_242 = tpu.memref_slice %arg12[%add3A_68, %dma_start3A_241] : memref<10240x64xf32, #tpu.memory_space<vmem_shared>> -> memref<128x64xf32, #tpu.memory_space<vmem_shared>>
      %dma_start3A_243 = arith.constant 0 : i32
      %dma_start3A_244 = tpu.memref_slice %arg12[%add3A_68, %dma_start3A_243] : memref<10240x64xf32, #tpu.memory_space<vmem_shared>> -> memref<128x64xf32, #tpu.memory_space<vmem_shared>>
      tpu.enqueue_dma source(%dma_start3A_244 : memref<128x64xf32, #tpu.memory_space<vmem_shared>>) target(%arg11 : memref<128x64xf32, #tpu.memory_space<vmem>>) target_semaphore(%run_scoped3A_240 : memref<!tpu.dma_semaphore, #tpu.memory_space<semaphore_mem>>)
      %dma_wait3A_245 = arith.constant 0 : i32
      %dma_wait3A_246 = tpu.memref_slice %arg12[%add3A_68, %dma_wait3A_245] : memref<10240x64xf32, #tpu.memory_space<vmem_shared>> -> memref<128x64xf32, #tpu.memory_space<vmem_shared>>
      %dma_wait3A_247 = arith.constant 0 : i32
      %dma_wait3A_248 = tpu.memref_slice %arg12[%add3A_68, %dma_wait3A_247] : memref<10240x64xf32, #tpu.memory_space<vmem_shared>> -> memref<128x64xf32, #tpu.memory_space<vmem_shared>>
      tpu.wait_dma2 semaphore(%run_scoped3A_240 : memref<!tpu.dma_semaphore, #tpu.memory_space<semaphore_mem>>) src(%dma_wait3A_248 : memref<128x64xf32, #tpu.memory_space<vmem_shared>>) dst(%arg11 : memref<128x64xf32, #tpu.memory_space<vmem>>)
      tpu.yield
    }) : () -> ()
    %add3A_69 = arith.constant 384 : i32
    %add3A_70 = arith.addi %mul3A_0, %add3A_69 : i32
    "tpu.region"() ({
      %run_scoped3A_240 = tpu.sem_alloc : memref<!tpu.dma_semaphore, #tpu.memory_space<semaphore_mem>>
      %dma_start3A_241 = arith.constant 0 : i32
      %dma_start3A_242 = tpu.memref_slice %arg5[%arg0, %add3A_70, %dma_start3A_241] : memref<2x10240x64xf32, #tpu.memory_space<hbm>> -> memref<1x128x64xf32, #tpu.memory_space<hbm>>
      %dma_start3A_243 = tpu.memref_squeeze %dma_start3A_242 : memref<1x128x64xf32, #tpu.memory_space<hbm>> -> memref<128x64xf32, #tpu.memory_space<hbm>>
      %dma_start3A_244 = arith.constant 0 : i32
      %dma_start3A_245 = tpu.memref_slice %arg5[%arg0, %add3A_70, %dma_start3A_244] : memref<2x10240x64xf32, #tpu.memory_space<hbm>> -> memref<1x128x64xf32, #tpu.memory_space<hbm>>
      %dma_start3A_246 = tpu.memref_squeeze %dma_start3A_245 : memref<1x128x64xf32, #tpu.memory_space<hbm>> -> memref<128x64xf32, #tpu.memory_space<hbm>>
      tpu.enqueue_dma source(%arg11 : memref<128x64xf32, #tpu.memory_space<vmem>>) target(%dma_start3A_246 : memref<128x64xf32, #tpu.memory_space<hbm>>) target_semaphore(%run_scoped3A_240 : memref<!tpu.dma_semaphore, #tpu.memory_space<semaphore_mem>>)
      %dma_wait3A_247 = arith.constant 0 : i32
      %dma_wait3A_248 = tpu.memref_slice %arg5[%arg0, %add3A_70, %dma_wait3A_247] : memref<2x10240x64xf32, #tpu.memory_space<hbm>> -> memref<1x128x64xf32, #tpu.memory_space<hbm>>
      %dma_wait3A_249 = tpu.memref_squeeze %dma_wait3A_248 : memref<1x128x64xf32, #tpu.memory_space<hbm>> -> memref<128x64xf32, #tpu.memory_space<hbm>>
      %dma_wait3A_250 = arith.constant 0 : i32
      %dma_wait3A_251 = tpu.memref_slice %arg5[%arg0, %add3A_70, %dma_wait3A_250] : memref<2x10240x64xf32, #tpu.memory_space<hbm>> -> memref<1x128x64xf32, #tpu.memory_space<hbm>>
      %dma_wait3A_252 = tpu.memref_squeeze %dma_wait3A_251 : memref<1x128x64xf32, #tpu.memory_space<hbm>> -> memref<128x64xf32, #tpu.memory_space<hbm>>
      tpu.wait_dma2 semaphore(%run_scoped3A_240 : memref<!tpu.dma_semaphore, #tpu.memory_space<semaphore_mem>>) src(%arg11 : memref<128x64xf32, #tpu.memory_space<vmem>>) dst(%dma_wait3A_252 : memref<128x64xf32, #tpu.memory_space<hbm>>)
      tpu.yield
    }) : () -> ()
    %add3A_71 = arith.constant 512 : i32
    %add3A_72 = arith.addi %mul3A_0, %add3A_71 : i32
    "tpu.region"() ({
      %run_scoped3A_240 = tpu.sem_alloc : memref<!tpu.dma_semaphore, #tpu.memory_space<semaphore_mem>>
      %dma_start3A_241 = arith.constant 0 : i32
      %dma_start3A_242 = tpu.memref_slice %arg12[%add3A_72, %dma_start3A_241] : memref<10240x64xf32, #tpu.memory_space<vmem_shared>> -> memref<128x64xf32, #tpu.memory_space<vmem_shared>>
      %dma_start3A_243 = arith.constant 0 : i32
      %dma_start3A_244 = tpu.memref_slice %arg12[%add3A_72, %dma_start3A_243] : memref<10240x64xf32, #tpu.memory_space<vmem_shared>> -> memref<128x64xf32, #tpu.memory_space<vmem_shared>>
      tpu.enqueue_dma source(%dma_start3A_244 : memref<128x64xf32, #tpu.memory_space<vmem_shared>>) target(%arg11 : memref<128x64xf32, #tpu.memory_space<vmem>>) target_semaphore(%run_scoped3A_240 : memref<!tpu.dma_semaphore, #tpu.memory_space<semaphore_mem>>)
      %dma_wait3A_245 = arith.constant 0 : i32
      %dma_wait3A_246 = tpu.memref_slice %arg12[%add3A_72, %dma_wait3A_245] : memref<10240x64xf32, #tpu.memory_space<vmem_shared>> -> memref<128x64xf32, #tpu.memory_space<vmem_shared>>
      %dma_wait3A_247 = arith.constant 0 : i32
      %dma_wait3A_248 = tpu.memref_slice %arg12[%add3A_72, %dma_wait3A_247] : memref<10240x64xf32, #tpu.memory_space<vmem_shared>> -> memref<128x64xf32, #tpu.memory_space<vmem_shared>>
      tpu.wait_dma2 semaphore(%run_scoped3A_240 : memref<!tpu.dma_semaphore, #tpu.memory_space<semaphore_mem>>) src(%dma_wait3A_248 : memref<128x64xf32, #tpu.memory_space<vmem_shared>>) dst(%arg11 : memref<128x64xf32, #tpu.memory_space<vmem>>)
      tpu.yield
    }) : () -> ()
    %add3A_73 = arith.constant 512 : i32
    %add3A_74 = arith.addi %mul3A_0, %add3A_73 : i32
    "tpu.region"() ({
      %run_scoped3A_240 = tpu.sem_alloc : memref<!tpu.dma_semaphore, #tpu.memory_space<semaphore_mem>>
      %dma_start3A_241 = arith.constant 0 : i32
      %dma_start3A_242 = tpu.memref_slice %arg5[%arg0, %add3A_74, %dma_start3A_241] : memref<2x10240x64xf32, #tpu.memory_space<hbm>> -> memref<1x128x64xf32, #tpu.memory_space<hbm>>
      %dma_start3A_243 = tpu.memref_squeeze %dma_start3A_242 : memref<1x128x64xf32, #tpu.memory_space<hbm>> -> memref<128x64xf32, #tpu.memory_space<hbm>>
      %dma_start3A_244 = arith.constant 0 : i32
      %dma_start3A_245 = tpu.memref_slice %arg5[%arg0, %add3A_74, %dma_start3A_244] : memref<2x10240x64xf32, #tpu.memory_space<hbm>> -> memref<1x128x64xf32, #tpu.memory_space<hbm>>
      %dma_start3A_246 = tpu.memref_squeeze %dma_start3A_245 : memref<1x128x64xf32, #tpu.memory_space<hbm>> -> memref<128x64xf32, #tpu.memory_space<hbm>>
      tpu.enqueue_dma source(%arg11 : memref<128x64xf32, #tpu.memory_space<vmem>>) target(%dma_start3A_246 : memref<128x64xf32, #tpu.memory_space<hbm>>) target_semaphore(%run_scoped3A_240 : memref<!tpu.dma_semaphore, #tpu.memory_space<semaphore_mem>>)
      %dma_wait3A_247 = arith.constant 0 : i32
      %dma_wait3A_248 = tpu.memref_slice %arg5[%arg0, %add3A_74, %dma_wait3A_247] : memref<2x10240x64xf32, #tpu.memory_space<hbm>> -> memref<1x128x64xf32, #tpu.memory_space<hbm>>
      %dma_wait3A_249 = tpu.memref_squeeze %dma_wait3A_248 : memref<1x128x64xf32, #tpu.memory_space<hbm>> -> memref<128x64xf32, #tpu.memory_space<hbm>>
      %dma_wait3A_250 = arith.constant 0 : i32
      %dma_wait3A_251 = tpu.memref_slice %arg5[%arg0, %add3A_74, %dma_wait3A_250] : memref<2x10240x64xf32, #tpu.memory_space<hbm>> -> memref<1x128x64xf32, #tpu.memory_space<hbm>>
      %dma_wait3A_252 = tpu.memref_squeeze %dma_wait3A_251 : memref<1x128x64xf32, #tpu.memory_space<hbm>> -> memref<128x64xf32, #tpu.memory_space<hbm>>
      tpu.wait_dma2 semaphore(%run_scoped3A_240 : memref<!tpu.dma_semaphore, #tpu.memory_space<semaphore_mem>>) src(%arg11 : memref<128x64xf32, #tpu.memory_space<vmem>>) dst(%dma_wait3A_252 : memref<128x64xf32, #tpu.memory_space<hbm>>)
      tpu.yield
    }) : () -> ()
    %run_scoped3A = arith.constant 0 : i32
    "tpu.region"() ({
      %run_scoped3A_240 = tpu.sem_alloc : memref<!tpu.dma_semaphore, #tpu.memory_space<semaphore_mem>>
      %dma_start3A_241 = tpu.memref_slice %arg20[%run_scoped3A, %mul3A_0] : memref<16x10240xf32, #tpu.memory_space<vmem_shared>> -> memref<1x640xf32, #tpu.memory_space<vmem_shared>>
      %dma_start3A_242 = tpu.memref_squeeze %dma_start3A_241 : memref<1x640xf32, #tpu.memory_space<vmem_shared>> -> memref<640xf32, #tpu.memory_space<vmem_shared>>
      %dma_start3A_243 = tpu.memref_slice %arg20[%run_scoped3A, %mul3A_0] : memref<16x10240xf32, #tpu.memory_space<vmem_shared>> -> memref<1x640xf32, #tpu.memory_space<vmem_shared>>
      %dma_start3A_244 = tpu.memref_squeeze %dma_start3A_243 : memref<1x640xf32, #tpu.memory_space<vmem_shared>> -> memref<640xf32, #tpu.memory_space<vmem_shared>>
      tpu.enqueue_dma source(%dma_start3A_244 : memref<640xf32, #tpu.memory_space<vmem_shared>>) target(%arg18 : memref<640xf32, #tpu.memory_space<vmem>>) target_semaphore(%run_scoped3A_240 : memref<!tpu.dma_semaphore, #tpu.memory_space<semaphore_mem>>)
      %dma_wait3A_245 = tpu.memref_slice %arg20[%run_scoped3A, %mul3A_0] : memref<16x10240xf32, #tpu.memory_space<vmem_shared>> -> memref<1x640xf32, #tpu.memory_space<vmem_shared>>
      %dma_wait3A_246 = tpu.memref_squeeze %dma_wait3A_245 : memref<1x640xf32, #tpu.memory_space<vmem_shared>> -> memref<640xf32, #tpu.memory_space<vmem_shared>>
      %dma_wait3A_247 = tpu.memref_slice %arg20[%run_scoped3A, %mul3A_0] : memref<16x10240xf32, #tpu.memory_space<vmem_shared>> -> memref<1x640xf32, #tpu.memory_space<vmem_shared>>
      %dma_wait3A_248 = tpu.memref_squeeze %dma_wait3A_247 : memref<1x640xf32, #tpu.memory_space<vmem_shared>> -> memref<640xf32, #tpu.memory_space<vmem_shared>>
      tpu.wait_dma2 semaphore(%run_scoped3A_240 : memref<!tpu.dma_semaphore, #tpu.memory_space<semaphore_mem>>) src(%dma_wait3A_248 : memref<640xf32, #tpu.memory_space<vmem_shared>>) dst(%arg18 : memref<640xf32, #tpu.memory_space<vmem>>)
      tpu.yield
    }) : () -> ()
    %run_scoped3A_75 = arith.constant 1 : i32
    "tpu.region"() ({
      %run_scoped3A_240 = tpu.sem_alloc : memref<!tpu.dma_semaphore, #tpu.memory_space<semaphore_mem>>
      %dma_start3A_241 = tpu.memref_slice %arg20[%run_scoped3A_75, %mul3A_0] : memref<16x10240xf32, #tpu.memory_space<vmem_shared>> -> memref<1x640xf32, #tpu.memory_space<vmem_shared>>
      %dma_start3A_242 = tpu.memref_squeeze %dma_start3A_241 : memref<1x640xf32, #tpu.memory_space<vmem_shared>> -> memref<640xf32, #tpu.memory_space<vmem_shared>>
      %dma_start3A_243 = tpu.memref_slice %arg20[%run_scoped3A_75, %mul3A_0] : memref<16x10240xf32, #tpu.memory_space<vmem_shared>> -> memref<1x640xf32, #tpu.memory_space<vmem_shared>>
      %dma_start3A_244 = tpu.memref_squeeze %dma_start3A_243 : memref<1x640xf32, #tpu.memory_space<vmem_shared>> -> memref<640xf32, #tpu.memory_space<vmem_shared>>
      tpu.enqueue_dma source(%dma_start3A_244 : memref<640xf32, #tpu.memory_space<vmem_shared>>) target(%arg19 : memref<640xf32, #tpu.memory_space<vmem>>) target_semaphore(%run_scoped3A_240 : memref<!tpu.dma_semaphore, #tpu.memory_space<semaphore_mem>>)
      %dma_wait3A_245 = tpu.memref_slice %arg20[%run_scoped3A_75, %mul3A_0] : memref<16x10240xf32, #tpu.memory_space<vmem_shared>> -> memref<1x640xf32, #tpu.memory_space<vmem_shared>>
      %dma_wait3A_246 = tpu.memref_squeeze %dma_wait3A_245 : memref<1x640xf32, #tpu.memory_space<vmem_shared>> -> memref<640xf32, #tpu.memory_space<vmem_shared>>
      %dma_wait3A_247 = tpu.memref_slice %arg20[%run_scoped3A_75, %mul3A_0] : memref<16x10240xf32, #tpu.memory_space<vmem_shared>> -> memref<1x640xf32, #tpu.memory_space<vmem_shared>>
      %dma_wait3A_248 = tpu.memref_squeeze %dma_wait3A_247 : memref<1x640xf32, #tpu.memory_space<vmem_shared>> -> memref<640xf32, #tpu.memory_space<vmem_shared>>
      tpu.wait_dma2 semaphore(%run_scoped3A_240 : memref<!tpu.dma_semaphore, #tpu.memory_space<semaphore_mem>>) src(%dma_wait3A_248 : memref<640xf32, #tpu.memory_space<vmem_shared>>) dst(%arg19 : memref<640xf32, #tpu.memory_space<vmem>>)
      tpu.yield
    }) : () -> ()
    %scan3A_76 = arith.constant 0 : i32
    %scan3A_77 = arith.constant 0 : i32
    %scan3A_78 = arith.constant 40 : i32
    %scan3A_79 = arith.addi %scan3A_77, %scan3A_78 : i32
    %scan3A_80 = arith.constant 1 : i32
    %scan3A_81 = scf.for %scan3A_240 = %scan3A_77 to %scan3A_79 step %scan3A_80 iter_args(%scan3A_241 = %scan3A_76) -> (i32)  : i32 {
      %mul3A_242 = arith.constant 16 : i32
      %mul3A_243 = arith.muli %scan3A_240, %mul3A_242 : i32
      %get3A = arith.index_cast %mul3A_243 : i32 to index
      %get3A_244 = tpu.vector_load %arg18[%get3A] {strides = array<i32>} : memref<640xf32, #tpu.memory_space<vmem>>, vector<16xf32>,
      %get3A_245 = arith.index_cast %mul3A_243 : i32 to index
      %get3A_246 = tpu.vector_load %arg19[%get3A_245] {strides = array<i32>} : memref<640xf32, #tpu.memory_space<vmem>>, vector<16xf32>,
      %add3A_247 = arith.addf %get3A_244, %get3A_246 : vector<16xf32>
      %swap3A = arith.index_cast %mul3A_243 : i32 to index
      %swap3A_248 = tpu.vector_load %arg18[%swap3A] {strides = array<i32>} : memref<640xf32, #tpu.memory_space<vmem>>, vector<16xf32>,
      tpu.vector_store %arg18[%swap3A], %add3A_247 {strides = array<i32>} : memref<640xf32, #tpu.memory_space<vmem>>, vector<16xf32>,
      %scan3A_249 = arith.constant 0 : i32
      scf.yield %scan3A_249 : i32
    }
    %scan3A_82 = arith.constant 40 : i32
    %run_scoped3A_83 = arith.constant 2 : i32
    "tpu.region"() ({
      %run_scoped3A_240 = tpu.sem_alloc : memref<!tpu.dma_semaphore, #tpu.memory_space<semaphore_mem>>
      %dma_start3A_241 = tpu.memref_slice %arg20[%run_scoped3A_83, %mul3A_0] : memref<16x10240xf32, #tpu.memory_space<vmem_shared>> -> memref<1x640xf32, #tpu.memory_space<vmem_shared>>
      %dma_start3A_242 = tpu.memref_squeeze %dma_start3A_241 : memref<1x640xf32, #tpu.memory_space<vmem_shared>> -> memref<640xf32, #tpu.memory_space<vmem_shared>>
      %dma_start3A_243 = tpu.memref_slice %arg20[%run_scoped3A_83, %mul3A_0] : memref<16x10240xf32, #tpu.memory_space<vmem_shared>> -> memref<1x640xf32, #tpu.memory_space<vmem_shared>>
      %dma_start3A_244 = tpu.memref_squeeze %dma_start3A_243 : memref<1x640xf32, #tpu.memory_space<vmem_shared>> -> memref<640xf32, #tpu.memory_space<vmem_shared>>
      tpu.enqueue_dma source(%dma_start3A_244 : memref<640xf32, #tpu.memory_space<vmem_shared>>) target(%arg19 : memref<640xf32, #tpu.memory_space<vmem>>) target_semaphore(%run_scoped3A_240 : memref<!tpu.dma_semaphore, #tpu.memory_space<semaphore_mem>>)
      %dma_wait3A_245 = tpu.memref_slice %arg20[%run_scoped3A_83, %mul3A_0] : memref<16x10240xf32, #tpu.memory_space<vmem_shared>> -> memref<1x640xf32, #tpu.memory_space<vmem_shared>>
      %dma_wait3A_246 = tpu.memref_squeeze %dma_wait3A_245 : memref<1x640xf32, #tpu.memory_space<vmem_shared>> -> memref<640xf32, #tpu.memory_space<vmem_shared>>
      %dma_wait3A_247 = tpu.memref_slice %arg20[%run_scoped3A_83, %mul3A_0] : memref<16x10240xf32, #tpu.memory_space<vmem_shared>> -> memref<1x640xf32, #tpu.memory_space<vmem_shared>>
      %dma_wait3A_248 = tpu.memref_squeeze %dma_wait3A_247 : memref<1x640xf32, #tpu.memory_space<vmem_shared>> -> memref<640xf32, #tpu.memory_space<vmem_shared>>
      tpu.wait_dma2 semaphore(%run_scoped3A_240 : memref<!tpu.dma_semaphore, #tpu.memory_space<semaphore_mem>>) src(%dma_wait3A_248 : memref<640xf32, #tpu.memory_space<vmem_shared>>) dst(%arg19 : memref<640xf32, #tpu.memory_space<vmem>>)
      tpu.yield
    }) : () -> ()
    %scan3A_84 = arith.constant 0 : i32
    %scan3A_85 = arith.constant 0 : i32
    %scan3A_86 = arith.constant 40 : i32
    %scan3A_87 = arith.addi %scan3A_85, %scan3A_86 : i32
    %scan3A_88 = arith.constant 1 : i32
    %scan3A_89 = scf.for %scan3A_240 = %scan3A_85 to %scan3A_87 step %scan3A_88 iter_args(%scan3A_241 = %scan3A_84) -> (i32)  : i32 {
      %mul3A_242 = arith.constant 16 : i32
      %mul3A_243 = arith.muli %scan3A_240, %mul3A_242 : i32
      %get3A = arith.index_cast %mul3A_243 : i32 to index
      %get3A_244 = tpu.vector_load %arg18[%get3A] {strides = array<i32>} : memref<640xf32, #tpu.memory_space<vmem>>, vector<16xf32>,
      %get3A_245 = arith.index_cast %mul3A_243 : i32 to index
      %get3A_246 = tpu.vector_load %arg19[%get3A_245] {strides = array<i32>} : memref<640xf32, #tpu.memory_space<vmem>>, vector<16xf32>,
      %add3A_247 = arith.addf %get3A_244, %get3A_246 : vector<16xf32>
      %swap3A = arith.index_cast %mul3A_243 : i32 to index
      %swap3A_248 = tpu.vector_load %arg18[%swap3A] {strides = array<i32>} : memref<640xf32, #tpu.memory_space<vmem>>, vector<16xf32>,
      tpu.vector_store %arg18[%swap3A], %add3A_247 {strides = array<i32>} : memref<640xf32, #tpu.memory_space<vmem>>, vector<16xf32>,
      %scan3A_249 = arith.constant 0 : i32
      scf.yield %scan3A_249 : i32
    }
    %scan3A_90 = arith.constant 40 : i32
    %run_scoped3A_91 = arith.constant 3 : i32
    "tpu.region"() ({
      %run_scoped3A_240 = tpu.sem_alloc : memref<!tpu.dma_semaphore, #tpu.memory_space<semaphore_mem>>
      %dma_start3A_241 = tpu.memref_slice %arg20[%run_scoped3A_91, %mul3A_0] : memref<16x10240xf32, #tpu.memory_space<vmem_shared>> -> memref<1x640xf32, #tpu.memory_space<vmem_shared>>
      %dma_start3A_242 = tpu.memref_squeeze %dma_start3A_241 : memref<1x640xf32, #tpu.memory_space<vmem_shared>> -> memref<640xf32, #tpu.memory_space<vmem_shared>>
      %dma_start3A_243 = tpu.memref_slice %arg20[%run_scoped3A_91, %mul3A_0] : memref<16x10240xf32, #tpu.memory_space<vmem_shared>> -> memref<1x640xf32, #tpu.memory_space<vmem_shared>>
      %dma_start3A_244 = tpu.memref_squeeze %dma_start3A_243 : memref<1x640xf32, #tpu.memory_space<vmem_shared>> -> memref<640xf32, #tpu.memory_space<vmem_shared>>
      tpu.enqueue_dma source(%dma_start3A_244 : memref<640xf32, #tpu.memory_space<vmem_shared>>) target(%arg19 : memref<640xf32, #tpu.memory_space<vmem>>) target_semaphore(%run_scoped3A_240 : memref<!tpu.dma_semaphore, #tpu.memory_space<semaphore_mem>>)
      %dma_wait3A_245 = tpu.memref_slice %arg20[%run_scoped3A_91, %mul3A_0] : memref<16x10240xf32, #tpu.memory_space<vmem_shared>> -> memref<1x640xf32, #tpu.memory_space<vmem_shared>>
      %dma_wait3A_246 = tpu.memref_squeeze %dma_wait3A_245 : memref<1x640xf32, #tpu.memory_space<vmem_shared>> -> memref<640xf32, #tpu.memory_space<vmem_shared>>
      %dma_wait3A_247 = tpu.memref_slice %arg20[%run_scoped3A_91, %mul3A_0] : memref<16x10240xf32, #tpu.memory_space<vmem_shared>> -> memref<1x640xf32, #tpu.memory_space<vmem_shared>>
      %dma_wait3A_248 = tpu.memref_squeeze %dma_wait3A_247 : memref<1x640xf32, #tpu.memory_space<vmem_shared>> -> memref<640xf32, #tpu.memory_space<vmem_shared>>
      tpu.wait_dma2 semaphore(%run_scoped3A_240 : memref<!tpu.dma_semaphore, #tpu.memory_space<semaphore_mem>>) src(%dma_wait3A_248 : memref<640xf32, #tpu.memory_space<vmem_shared>>) dst(%arg19 : memref<640xf32, #tpu.memory_space<vmem>>)
      tpu.yield
    }) : () -> ()
    %scan3A_92 = arith.constant 0 : i32
    %scan3A_93 = arith.constant 0 : i32
    %scan3A_94 = arith.constant 40 : i32
    %scan3A_95 = arith.addi %scan3A_93, %scan3A_94 : i32
    %scan3A_96 = arith.constant 1 : i32
    %scan3A_97 = scf.for %scan3A_240 = %scan3A_93 to %scan3A_95 step %scan3A_96 iter_args(%scan3A_241 = %scan3A_92) -> (i32)  : i32 {
      %mul3A_242 = arith.constant 16 : i32
      %mul3A_243 = arith.muli %scan3A_240, %mul3A_242 : i32
      %get3A = arith.index_cast %mul3A_243 : i32 to index
      %get3A_244 = tpu.vector_load %arg18[%get3A] {strides = array<i32>} : memref<640xf32, #tpu.memory_space<vmem>>, vector<16xf32>,
      %get3A_245 = arith.index_cast %mul3A_243 : i32 to index
      %get3A_246 = tpu.vector_load %arg19[%get3A_245] {strides = array<i32>} : memref<640xf32, #tpu.memory_space<vmem>>, vector<16xf32>,
      %add3A_247 = arith.addf %get3A_244, %get3A_246 : vector<16xf32>
      %swap3A = arith.index_cast %mul3A_243 : i32 to index
      %swap3A_248 = tpu.vector_load %arg18[%swap3A] {strides = array<i32>} : memref<640xf32, #tpu.memory_space<vmem>>, vector<16xf32>,
      tpu.vector_store %arg18[%swap3A], %add3A_247 {strides = array<i32>} : memref<640xf32, #tpu.memory_space<vmem>>, vector<16xf32>,
      %scan3A_249 = arith.constant 0 : i32
      scf.yield %scan3A_249 : i32
    }
    %scan3A_98 = arith.constant 40 : i32
    %run_scoped3A_99 = arith.constant 4 : i32
    "tpu.region"() ({
      %run_scoped3A_240 = tpu.sem_alloc : memref<!tpu.dma_semaphore, #tpu.memory_space<semaphore_mem>>
      %dma_start3A_241 = tpu.memref_slice %arg20[%run_scoped3A_99, %mul3A_0] : memref<16x10240xf32, #tpu.memory_space<vmem_shared>> -> memref<1x640xf32, #tpu.memory_space<vmem_shared>>
      %dma_start3A_242 = tpu.memref_squeeze %dma_start3A_241 : memref<1x640xf32, #tpu.memory_space<vmem_shared>> -> memref<640xf32, #tpu.memory_space<vmem_shared>>
      %dma_start3A_243 = tpu.memref_slice %arg20[%run_scoped3A_99, %mul3A_0] : memref<16x10240xf32, #tpu.memory_space<vmem_shared>> -> memref<1x640xf32, #tpu.memory_space<vmem_shared>>
      %dma_start3A_244 = tpu.memref_squeeze %dma_start3A_243 : memref<1x640xf32, #tpu.memory_space<vmem_shared>> -> memref<640xf32, #tpu.memory_space<vmem_shared>>
      tpu.enqueue_dma source(%dma_start3A_244 : memref<640xf32, #tpu.memory_space<vmem_shared>>) target(%arg19 : memref<640xf32, #tpu.memory_space<vmem>>) target_semaphore(%run_scoped3A_240 : memref<!tpu.dma_semaphore, #tpu.memory_space<semaphore_mem>>)
      %dma_wait3A_245 = tpu.memref_slice %arg20[%run_scoped3A_99, %mul3A_0] : memref<16x10240xf32, #tpu.memory_space<vmem_shared>> -> memref<1x640xf32, #tpu.memory_space<vmem_shared>>
      %dma_wait3A_246 = tpu.memref_squeeze %dma_wait3A_245 : memref<1x640xf32, #tpu.memory_space<vmem_shared>> -> memref<640xf32, #tpu.memory_space<vmem_shared>>
      %dma_wait3A_247 = tpu.memref_slice %arg20[%run_scoped3A_99, %mul3A_0] : memref<16x10240xf32, #tpu.memory_space<vmem_shared>> -> memref<1x640xf32, #tpu.memory_space<vmem_shared>>
      %dma_wait3A_248 = tpu.memref_squeeze %dma_wait3A_247 : memref<1x640xf32, #tpu.memory_space<vmem_shared>> -> memref<640xf32, #tpu.memory_space<vmem_shared>>
      tpu.wait_dma2 semaphore(%run_scoped3A_240 : memref<!tpu.dma_semaphore, #tpu.memory_space<semaphore_mem>>) src(%dma_wait3A_248 : memref<640xf32, #tpu.memory_space<vmem_shared>>) dst(%arg19 : memref<640xf32, #tpu.memory_space<vmem>>)
      tpu.yield
    }) : () -> ()
    %scan3A_100 = arith.constant 0 : i32
    %scan3A_101 = arith.constant 0 : i32
    %scan3A_102 = arith.constant 40 : i32
    %scan3A_103 = arith.addi %scan3A_101, %scan3A_102 : i32
    %scan3A_104 = arith.constant 1 : i32
    %scan3A_105 = scf.for %scan3A_240 = %scan3A_101 to %scan3A_103 step %scan3A_104 iter_args(%scan3A_241 = %scan3A_100) -> (i32)  : i32 {
      %mul3A_242 = arith.constant 16 : i32
      %mul3A_243 = arith.muli %scan3A_240, %mul3A_242 : i32
      %get3A = arith.index_cast %mul3A_243 : i32 to index
      %get3A_244 = tpu.vector_load %arg18[%get3A] {strides = array<i32>} : memref<640xf32, #tpu.memory_space<vmem>>, vector<16xf32>,
      %get3A_245 = arith.index_cast %mul3A_243 : i32 to index
      %get3A_246 = tpu.vector_load %arg19[%get3A_245] {strides = array<i32>} : memref<640xf32, #tpu.memory_space<vmem>>, vector<16xf32>,
      %add3A_247 = arith.addf %get3A_244, %get3A_246 : vector<16xf32>
      %swap3A = arith.index_cast %mul3A_243 : i32 to index
      %swap3A_248 = tpu.vector_load %arg18[%swap3A] {strides = array<i32>} : memref<640xf32, #tpu.memory_space<vmem>>, vector<16xf32>,
      tpu.vector_store %arg18[%swap3A], %add3A_247 {strides = array<i32>} : memref<640xf32, #tpu.memory_space<vmem>>, vector<16xf32>,
      %scan3A_249 = arith.constant 0 : i32
      scf.yield %scan3A_249 : i32
    }
    %scan3A_106 = arith.constant 40 : i32
    %run_scoped3A_107 = arith.constant 5 : i32
    "tpu.region"() ({
      %run_scoped3A_240 = tpu.sem_alloc : memref<!tpu.dma_semaphore, #tpu.memory_space<semaphore_mem>>
      %dma_start3A_241 = tpu.memref_slice %arg20[%run_scoped3A_107, %mul3A_0] : memref<16x10240xf32, #tpu.memory_space<vmem_shared>> -> memref<1x640xf32, #tpu.memory_space<vmem_shared>>
      %dma_start3A_242 = tpu.memref_squeeze %dma_start3A_241 : memref<1x640xf32, #tpu.memory_space<vmem_shared>> -> memref<640xf32, #tpu.memory_space<vmem_shared>>
      %dma_start3A_243 = tpu.memref_slice %arg20[%run_scoped3A_107, %mul3A_0] : memref<16x10240xf32, #tpu.memory_space<vmem_shared>> -> memref<1x640xf32, #tpu.memory_space<vmem_shared>>
      %dma_start3A_244 = tpu.memref_squeeze %dma_start3A_243 : memref<1x640xf32, #tpu.memory_space<vmem_shared>> -> memref<640xf32, #tpu.memory_space<vmem_shared>>
      tpu.enqueue_dma source(%dma_start3A_244 : memref<640xf32, #tpu.memory_space<vmem_shared>>) target(%arg19 : memref<640xf32, #tpu.memory_space<vmem>>) target_semaphore(%run_scoped3A_240 : memref<!tpu.dma_semaphore, #tpu.memory_space<semaphore_mem>>)
      %dma_wait3A_245 = tpu.memref_slice %arg20[%run_scoped3A_107, %mul3A_0] : memref<16x10240xf32, #tpu.memory_space<vmem_shared>> -> memref<1x640xf32, #tpu.memory_space<vmem_shared>>
      %dma_wait3A_246 = tpu.memref_squeeze %dma_wait3A_245 : memref<1x640xf32, #tpu.memory_space<vmem_shared>> -> memref<640xf32, #tpu.memory_space<vmem_shared>>
      %dma_wait3A_247 = tpu.memref_slice %arg20[%run_scoped3A_107, %mul3A_0] : memref<16x10240xf32, #tpu.memory_space<vmem_shared>> -> memref<1x640xf32, #tpu.memory_space<vmem_shared>>
      %dma_wait3A_248 = tpu.memref_squeeze %dma_wait3A_247 : memref<1x640xf32, #tpu.memory_space<vmem_shared>> -> memref<640xf32, #tpu.memory_space<vmem_shared>>
      tpu.wait_dma2 semaphore(%run_scoped3A_240 : memref<!tpu.dma_semaphore, #tpu.memory_space<semaphore_mem>>) src(%dma_wait3A_248 : memref<640xf32, #tpu.memory_space<vmem_shared>>) dst(%arg19 : memref<640xf32, #tpu.memory_space<vmem>>)
      tpu.yield
    }) : () -> ()
    %scan3A_108 = arith.constant 0 : i32
    %scan3A_109 = arith.constant 0 : i32
    %scan3A_110 = arith.constant 40 : i32
    %scan3A_111 = arith.addi %scan3A_109, %scan3A_110 : i32
    %scan3A_112 = arith.constant 1 : i32
    %scan3A_113 = scf.for %scan3A_240 = %scan3A_109 to %scan3A_111 step %scan3A_112 iter_args(%scan3A_241 = %scan3A_108) -> (i32)  : i32 {
      %mul3A_242 = arith.constant 16 : i32
      %mul3A_243 = arith.muli %scan3A_240, %mul3A_242 : i32
      %get3A = arith.index_cast %mul3A_243 : i32 to index
      %get3A_244 = tpu.vector_load %arg18[%get3A] {strides = array<i32>} : memref<640xf32, #tpu.memory_space<vmem>>, vector<16xf32>,
      %get3A_245 = arith.index_cast %mul3A_243 : i32 to index
      %get3A_246 = tpu.vector_load %arg19[%get3A_245] {strides = array<i32>} : memref<640xf32, #tpu.memory_space<vmem>>, vector<16xf32>,
      %add3A_247 = arith.addf %get3A_244, %get3A_246 : vector<16xf32>
      %swap3A = arith.index_cast %mul3A_243 : i32 to index
      %swap3A_248 = tpu.vector_load %arg18[%swap3A] {strides = array<i32>} : memref<640xf32, #tpu.memory_space<vmem>>, vector<16xf32>,
      tpu.vector_store %arg18[%swap3A], %add3A_247 {strides = array<i32>} : memref<640xf32, #tpu.memory_space<vmem>>, vector<16xf32>,
      %scan3A_249 = arith.constant 0 : i32
      scf.yield %scan3A_249 : i32
    }
    %scan3A_114 = arith.constant 40 : i32
    %run_scoped3A_115 = arith.constant 6 : i32
    "tpu.region"() ({
      %run_scoped3A_240 = tpu.sem_alloc : memref<!tpu.dma_semaphore, #tpu.memory_space<semaphore_mem>>
      %dma_start3A_241 = tpu.memref_slice %arg20[%run_scoped3A_115, %mul3A_0] : memref<16x10240xf32, #tpu.memory_space<vmem_shared>> -> memref<1x640xf32, #tpu.memory_space<vmem_shared>>
      %dma_start3A_242 = tpu.memref_squeeze %dma_start3A_241 : memref<1x640xf32, #tpu.memory_space<vmem_shared>> -> memref<640xf32, #tpu.memory_space<vmem_shared>>
      %dma_start3A_243 = tpu.memref_slice %arg20[%run_scoped3A_115, %mul3A_0] : memref<16x10240xf32, #tpu.memory_space<vmem_shared>> -> memref<1x640xf32, #tpu.memory_space<vmem_shared>>
      %dma_start3A_244 = tpu.memref_squeeze %dma_start3A_243 : memref<1x640xf32, #tpu.memory_space<vmem_shared>> -> memref<640xf32, #tpu.memory_space<vmem_shared>>
      tpu.enqueue_dma source(%dma_start3A_244 : memref<640xf32, #tpu.memory_space<vmem_shared>>) target(%arg19 : memref<640xf32, #tpu.memory_space<vmem>>) target_semaphore(%run_scoped3A_240 : memref<!tpu.dma_semaphore, #tpu.memory_space<semaphore_mem>>)
      %dma_wait3A_245 = tpu.memref_slice %arg20[%run_scoped3A_115, %mul3A_0] : memref<16x10240xf32, #tpu.memory_space<vmem_shared>> -> memref<1x640xf32, #tpu.memory_space<vmem_shared>>
      %dma_wait3A_246 = tpu.memref_squeeze %dma_wait3A_245 : memref<1x640xf32, #tpu.memory_space<vmem_shared>> -> memref<640xf32, #tpu.memory_space<vmem_shared>>
      %dma_wait3A_247 = tpu.memref_slice %arg20[%run_scoped3A_115, %mul3A_0] : memref<16x10240xf32, #tpu.memory_space<vmem_shared>> -> memref<1x640xf32, #tpu.memory_space<vmem_shared>>
      %dma_wait3A_248 = tpu.memref_squeeze %dma_wait3A_247 : memref<1x640xf32, #tpu.memory_space<vmem_shared>> -> memref<640xf32, #tpu.memory_space<vmem_shared>>
      tpu.wait_dma2 semaphore(%run_scoped3A_240 : memref<!tpu.dma_semaphore, #tpu.memory_space<semaphore_mem>>) src(%dma_wait3A_248 : memref<640xf32, #tpu.memory_space<vmem_shared>>) dst(%arg19 : memref<640xf32, #tpu.memory_space<vmem>>)
      tpu.yield
    }) : () -> ()
    %scan3A_116 = arith.constant 0 : i32
    %scan3A_117 = arith.constant 0 : i32
    %scan3A_118 = arith.constant 40 : i32
    %scan3A_119 = arith.addi %scan3A_117, %scan3A_118 : i32
    %scan3A_120 = arith.constant 1 : i32
    %scan3A_121 = scf.for %scan3A_240 = %scan3A_117 to %scan3A_119 step %scan3A_120 iter_args(%scan3A_241 = %scan3A_116) -> (i32)  : i32 {
      %mul3A_242 = arith.constant 16 : i32
      %mul3A_243 = arith.muli %scan3A_240, %mul3A_242 : i32
      %get3A = arith.index_cast %mul3A_243 : i32 to index
      %get3A_244 = tpu.vector_load %arg18[%get3A] {strides = array<i32>} : memref<640xf32, #tpu.memory_space<vmem>>, vector<16xf32>,
      %get3A_245 = arith.index_cast %mul3A_243 : i32 to index
      %get3A_246 = tpu.vector_load %arg19[%get3A_245] {strides = array<i32>} : memref<640xf32, #tpu.memory_space<vmem>>, vector<16xf32>,
      %add3A_247 = arith.addf %get3A_244, %get3A_246 : vector<16xf32>
      %swap3A = arith.index_cast %mul3A_243 : i32 to index
      %swap3A_248 = tpu.vector_load %arg18[%swap3A] {strides = array<i32>} : memref<640xf32, #tpu.memory_space<vmem>>, vector<16xf32>,
      tpu.vector_store %arg18[%swap3A], %add3A_247 {strides = array<i32>} : memref<640xf32, #tpu.memory_space<vmem>>, vector<16xf32>,
      %scan3A_249 = arith.constant 0 : i32
      scf.yield %scan3A_249 : i32
    }
    %scan3A_122 = arith.constant 40 : i32
    %run_scoped3A_123 = arith.constant 7 : i32
    "tpu.region"() ({
      %run_scoped3A_240 = tpu.sem_alloc : memref<!tpu.dma_semaphore, #tpu.memory_space<semaphore_mem>>
      %dma_start3A_241 = tpu.memref_slice %arg20[%run_scoped3A_123, %mul3A_0] : memref<16x10240xf32, #tpu.memory_space<vmem_shared>> -> memref<1x640xf32, #tpu.memory_space<vmem_shared>>
      %dma_start3A_242 = tpu.memref_squeeze %dma_start3A_241 : memref<1x640xf32, #tpu.memory_space<vmem_shared>> -> memref<640xf32, #tpu.memory_space<vmem_shared>>
      %dma_start3A_243 = tpu.memref_slice %arg20[%run_scoped3A_123, %mul3A_0] : memref<16x10240xf32, #tpu.memory_space<vmem_shared>> -> memref<1x640xf32, #tpu.memory_space<vmem_shared>>
      %dma_start3A_244 = tpu.memref_squeeze %dma_start3A_243 : memref<1x640xf32, #tpu.memory_space<vmem_shared>> -> memref<640xf32, #tpu.memory_space<vmem_shared>>
      tpu.enqueue_dma source(%dma_start3A_244 : memref<640xf32, #tpu.memory_space<vmem_shared>>) target(%arg19 : memref<640xf32, #tpu.memory_space<vmem>>) target_semaphore(%run_scoped3A_240 : memref<!tpu.dma_semaphore, #tpu.memory_space<semaphore_mem>>)
      %dma_wait3A_245 = tpu.memref_slice %arg20[%run_scoped3A_123, %mul3A_0] : memref<16x10240xf32, #tpu.memory_space<vmem_shared>> -> memref<1x640xf32, #tpu.memory_space<vmem_shared>>
      %dma_wait3A_246 = tpu.memref_squeeze %dma_wait3A_245 : memref<1x640xf32, #tpu.memory_space<vmem_shared>> -> memref<640xf32, #tpu.memory_space<vmem_shared>>
      %dma_wait3A_247 = tpu.memref_slice %arg20[%run_scoped3A_123, %mul3A_0] : memref<16x10240xf32, #tpu.memory_space<vmem_shared>> -> memref<1x640xf32, #tpu.memory_space<vmem_shared>>
      %dma_wait3A_248 = tpu.memref_squeeze %dma_wait3A_247 : memref<1x640xf32, #tpu.memory_space<vmem_shared>> -> memref<640xf32, #tpu.memory_space<vmem_shared>>
      tpu.wait_dma2 semaphore(%run_scoped3A_240 : memref<!tpu.dma_semaphore, #tpu.memory_space<semaphore_mem>>) src(%dma_wait3A_248 : memref<640xf32, #tpu.memory_space<vmem_shared>>) dst(%arg19 : memref<640xf32, #tpu.memory_space<vmem>>)
      tpu.yield
    }) : () -> ()
    %scan3A_124 = arith.constant 0 : i32
    %scan3A_125 = arith.constant 0 : i32
    %scan3A_126 = arith.constant 40 : i32
    %scan3A_127 = arith.addi %scan3A_125, %scan3A_126 : i32
    %scan3A_128 = arith.constant 1 : i32
    %scan3A_129 = scf.for %scan3A_240 = %scan3A_125 to %scan3A_127 step %scan3A_128 iter_args(%scan3A_241 = %scan3A_124) -> (i32)  : i32 {
      %mul3A_242 = arith.constant 16 : i32
      %mul3A_243 = arith.muli %scan3A_240, %mul3A_242 : i32
      %get3A = arith.index_cast %mul3A_243 : i32 to index
      %get3A_244 = tpu.vector_load %arg18[%get3A] {strides = array<i32>} : memref<640xf32, #tpu.memory_space<vmem>>, vector<16xf32>,
      %get3A_245 = arith.index_cast %mul3A_243 : i32 to index
      %get3A_246 = tpu.vector_load %arg19[%get3A_245] {strides = array<i32>} : memref<640xf32, #tpu.memory_space<vmem>>, vector<16xf32>,
      %add3A_247 = arith.addf %get3A_244, %get3A_246 : vector<16xf32>
      %swap3A = arith.index_cast %mul3A_243 : i32 to index
      %swap3A_248 = tpu.vector_load %arg18[%swap3A] {strides = array<i32>} : memref<640xf32, #tpu.memory_space<vmem>>, vector<16xf32>,
      tpu.vector_store %arg18[%swap3A], %add3A_247 {strides = array<i32>} : memref<640xf32, #tpu.memory_space<vmem>>, vector<16xf32>,
      %scan3A_249 = arith.constant 0 : i32
      scf.yield %scan3A_249 : i32
    }
    %scan3A_130 = arith.constant 40 : i32
    %run_scoped3A_131 = arith.constant 8 : i32
    "tpu.region"() ({
      %run_scoped3A_240 = tpu.sem_alloc : memref<!tpu.dma_semaphore, #tpu.memory_space<semaphore_mem>>
      %dma_start3A_241 = tpu.memref_slice %arg20[%run_scoped3A_131, %mul3A_0] : memref<16x10240xf32, #tpu.memory_space<vmem_shared>> -> memref<1x640xf32, #tpu.memory_space<vmem_shared>>
      %dma_start3A_242 = tpu.memref_squeeze %dma_start3A_241 : memref<1x640xf32, #tpu.memory_space<vmem_shared>> -> memref<640xf32, #tpu.memory_space<vmem_shared>>
      %dma_start3A_243 = tpu.memref_slice %arg20[%run_scoped3A_131, %mul3A_0] : memref<16x10240xf32, #tpu.memory_space<vmem_shared>> -> memref<1x640xf32, #tpu.memory_space<vmem_shared>>
      %dma_start3A_244 = tpu.memref_squeeze %dma_start3A_243 : memref<1x640xf32, #tpu.memory_space<vmem_shared>> -> memref<640xf32, #tpu.memory_space<vmem_shared>>
      tpu.enqueue_dma source(%dma_start3A_244 : memref<640xf32, #tpu.memory_space<vmem_shared>>) target(%arg19 : memref<640xf32, #tpu.memory_space<vmem>>) target_semaphore(%run_scoped3A_240 : memref<!tpu.dma_semaphore, #tpu.memory_space<semaphore_mem>>)
      %dma_wait3A_245 = tpu.memref_slice %arg20[%run_scoped3A_131, %mul3A_0] : memref<16x10240xf32, #tpu.memory_space<vmem_shared>> -> memref<1x640xf32, #tpu.memory_space<vmem_shared>>
      %dma_wait3A_246 = tpu.memref_squeeze %dma_wait3A_245 : memref<1x640xf32, #tpu.memory_space<vmem_shared>> -> memref<640xf32, #tpu.memory_space<vmem_shared>>
      %dma_wait3A_247 = tpu.memref_slice %arg20[%run_scoped3A_131, %mul3A_0] : memref<16x10240xf32, #tpu.memory_space<vmem_shared>> -> memref<1x640xf32, #tpu.memory_space<vmem_shared>>
      %dma_wait3A_248 = tpu.memref_squeeze %dma_wait3A_247 : memref<1x640xf32, #tpu.memory_space<vmem_shared>> -> memref<640xf32, #tpu.memory_space<vmem_shared>>
      tpu.wait_dma2 semaphore(%run_scoped3A_240 : memref<!tpu.dma_semaphore, #tpu.memory_space<semaphore_mem>>) src(%dma_wait3A_248 : memref<640xf32, #tpu.memory_space<vmem_shared>>) dst(%arg19 : memref<640xf32, #tpu.memory_space<vmem>>)
      tpu.yield
    }) : () -> ()
    %scan3A_132 = arith.constant 0 : i32
    %scan3A_133 = arith.constant 0 : i32
    %scan3A_134 = arith.constant 40 : i32
    %scan3A_135 = arith.addi %scan3A_133, %scan3A_134 : i32
    %scan3A_136 = arith.constant 1 : i32
    %scan3A_137 = scf.for %scan3A_240 = %scan3A_133 to %scan3A_135 step %scan3A_136 iter_args(%scan3A_241 = %scan3A_132) -> (i32)  : i32 {
      %mul3A_242 = arith.constant 16 : i32
      %mul3A_243 = arith.muli %scan3A_240, %mul3A_242 : i32
      %get3A = arith.index_cast %mul3A_243 : i32 to index
      %get3A_244 = tpu.vector_load %arg18[%get3A] {strides = array<i32>} : memref<640xf32, #tpu.memory_space<vmem>>, vector<16xf32>,
      %get3A_245 = arith.index_cast %mul3A_243 : i32 to index
      %get3A_246 = tpu.vector_load %arg19[%get3A_245] {strides = array<i32>} : memref<640xf32, #tpu.memory_space<vmem>>, vector<16xf32>,
      %add3A_247 = arith.addf %get3A_244, %get3A_246 : vector<16xf32>
      %swap3A = arith.index_cast %mul3A_243 : i32 to index
      %swap3A_248 = tpu.vector_load %arg18[%swap3A] {strides = array<i32>} : memref<640xf32, #tpu.memory_space<vmem>>, vector<16xf32>,
      tpu.vector_store %arg18[%swap3A], %add3A_247 {strides = array<i32>} : memref<640xf32, #tpu.memory_space<vmem>>, vector<16xf32>,
      %scan3A_249 = arith.constant 0 : i32
      scf.yield %scan3A_249 : i32
    }
    %scan3A_138 = arith.constant 40 : i32
    %run_scoped3A_139 = arith.constant 9 : i32
    "tpu.region"() ({
      %run_scoped3A_240 = tpu.sem_alloc : memref<!tpu.dma_semaphore, #tpu.memory_space<semaphore_mem>>
      %dma_start3A_241 = tpu.memref_slice %arg20[%run_scoped3A_139, %mul3A_0] : memref<16x10240xf32, #tpu.memory_space<vmem_shared>> -> memref<1x640xf32, #tpu.memory_space<vmem_shared>>
      %dma_start3A_242 = tpu.memref_squeeze %dma_start3A_241 : memref<1x640xf32, #tpu.memory_space<vmem_shared>> -> memref<640xf32, #tpu.memory_space<vmem_shared>>
      %dma_start3A_243 = tpu.memref_slice %arg20[%run_scoped3A_139, %mul3A_0] : memref<16x10240xf32, #tpu.memory_space<vmem_shared>> -> memref<1x640xf32, #tpu.memory_space<vmem_shared>>
      %dma_start3A_244 = tpu.memref_squeeze %dma_start3A_243 : memref<1x640xf32, #tpu.memory_space<vmem_shared>> -> memref<640xf32, #tpu.memory_space<vmem_shared>>
      tpu.enqueue_dma source(%dma_start3A_244 : memref<640xf32, #tpu.memory_space<vmem_shared>>) target(%arg19 : memref<640xf32, #tpu.memory_space<vmem>>) target_semaphore(%run_scoped3A_240 : memref<!tpu.dma_semaphore, #tpu.memory_space<semaphore_mem>>)
      %dma_wait3A_245 = tpu.memref_slice %arg20[%run_scoped3A_139, %mul3A_0] : memref<16x10240xf32, #tpu.memory_space<vmem_shared>> -> memref<1x640xf32, #tpu.memory_space<vmem_shared>>
      %dma_wait3A_246 = tpu.memref_squeeze %dma_wait3A_245 : memref<1x640xf32, #tpu.memory_space<vmem_shared>> -> memref<640xf32, #tpu.memory_space<vmem_shared>>
      %dma_wait3A_247 = tpu.memref_slice %arg20[%run_scoped3A_139, %mul3A_0] : memref<16x10240xf32, #tpu.memory_space<vmem_shared>> -> memref<1x640xf32, #tpu.memory_space<vmem_shared>>
      %dma_wait3A_248 = tpu.memref_squeeze %dma_wait3A_247 : memref<1x640xf32, #tpu.memory_space<vmem_shared>> -> memref<640xf32, #tpu.memory_space<vmem_shared>>
      tpu.wait_dma2 semaphore(%run_scoped3A_240 : memref<!tpu.dma_semaphore, #tpu.memory_space<semaphore_mem>>) src(%dma_wait3A_248 : memref<640xf32, #tpu.memory_space<vmem_shared>>) dst(%arg19 : memref<640xf32, #tpu.memory_space<vmem>>)
      tpu.yield
    }) : () -> ()
    %scan3A_140 = arith.constant 0 : i32
    %scan3A_141 = arith.constant 0 : i32
    %scan3A_142 = arith.constant 40 : i32
    %scan3A_143 = arith.addi %scan3A_141, %scan3A_142 : i32
    %scan3A_144 = arith.constant 1 : i32
    %scan3A_145 = scf.for %scan3A_240 = %scan3A_141 to %scan3A_143 step %scan3A_144 iter_args(%scan3A_241 = %scan3A_140) -> (i32)  : i32 {
      %mul3A_242 = arith.constant 16 : i32
      %mul3A_243 = arith.muli %scan3A_240, %mul3A_242 : i32
      %get3A = arith.index_cast %mul3A_243 : i32 to index
      %get3A_244 = tpu.vector_load %arg18[%get3A] {strides = array<i32>} : memref<640xf32, #tpu.memory_space<vmem>>, vector<16xf32>,
      %get3A_245 = arith.index_cast %mul3A_243 : i32 to index
      %get3A_246 = tpu.vector_load %arg19[%get3A_245] {strides = array<i32>} : memref<640xf32, #tpu.memory_space<vmem>>, vector<16xf32>,
      %add3A_247 = arith.addf %get3A_244, %get3A_246 : vector<16xf32>
      %swap3A = arith.index_cast %mul3A_243 : i32 to index
      %swap3A_248 = tpu.vector_load %arg18[%swap3A] {strides = array<i32>} : memref<640xf32, #tpu.memory_space<vmem>>, vector<16xf32>,
      tpu.vector_store %arg18[%swap3A], %add3A_247 {strides = array<i32>} : memref<640xf32, #tpu.memory_space<vmem>>, vector<16xf32>,
      %scan3A_249 = arith.constant 0 : i32
      scf.yield %scan3A_249 : i32
    }
    %scan3A_146 = arith.constant 40 : i32
    %run_scoped3A_147 = arith.constant 10 : i32
    "tpu.region"() ({
      %run_scoped3A_240 = tpu.sem_alloc : memref<!tpu.dma_semaphore, #tpu.memory_space<semaphore_mem>>
      %dma_start3A_241 = tpu.memref_slice %arg20[%run_scoped3A_147, %mul3A_0] : memref<16x10240xf32, #tpu.memory_space<vmem_shared>> -> memref<1x640xf32, #tpu.memory_space<vmem_shared>>
      %dma_start3A_242 = tpu.memref_squeeze %dma_start3A_241 : memref<1x640xf32, #tpu.memory_space<vmem_shared>> -> memref<640xf32, #tpu.memory_space<vmem_shared>>
      %dma_start3A_243 = tpu.memref_slice %arg20[%run_scoped3A_147, %mul3A_0] : memref<16x10240xf32, #tpu.memory_space<vmem_shared>> -> memref<1x640xf32, #tpu.memory_space<vmem_shared>>
      %dma_start3A_244 = tpu.memref_squeeze %dma_start3A_243 : memref<1x640xf32, #tpu.memory_space<vmem_shared>> -> memref<640xf32, #tpu.memory_space<vmem_shared>>
      tpu.enqueue_dma source(%dma_start3A_244 : memref<640xf32, #tpu.memory_space<vmem_shared>>) target(%arg19 : memref<640xf32, #tpu.memory_space<vmem>>) target_semaphore(%run_scoped3A_240 : memref<!tpu.dma_semaphore, #tpu.memory_space<semaphore_mem>>)
      %dma_wait3A_245 = tpu.memref_slice %arg20[%run_scoped3A_147, %mul3A_0] : memref<16x10240xf32, #tpu.memory_space<vmem_shared>> -> memref<1x640xf32, #tpu.memory_space<vmem_shared>>
      %dma_wait3A_246 = tpu.memref_squeeze %dma_wait3A_245 : memref<1x640xf32, #tpu.memory_space<vmem_shared>> -> memref<640xf32, #tpu.memory_space<vmem_shared>>
      %dma_wait3A_247 = tpu.memref_slice %arg20[%run_scoped3A_147, %mul3A_0] : memref<16x10240xf32, #tpu.memory_space<vmem_shared>> -> memref<1x640xf32, #tpu.memory_space<vmem_shared>>
      %dma_wait3A_248 = tpu.memref_squeeze %dma_wait3A_247 : memref<1x640xf32, #tpu.memory_space<vmem_shared>> -> memref<640xf32, #tpu.memory_space<vmem_shared>>
      tpu.wait_dma2 semaphore(%run_scoped3A_240 : memref<!tpu.dma_semaphore, #tpu.memory_space<semaphore_mem>>) src(%dma_wait3A_248 : memref<640xf32, #tpu.memory_space<vmem_shared>>) dst(%arg19 : memref<640xf32, #tpu.memory_space<vmem>>)
      tpu.yield
    }) : () -> ()
    %scan3A_148 = arith.constant 0 : i32
    %scan3A_149 = arith.constant 0 : i32
    %scan3A_150 = arith.constant 40 : i32
    %scan3A_151 = arith.addi %scan3A_149, %scan3A_150 : i32
    %scan3A_152 = arith.constant 1 : i32
    %scan3A_153 = scf.for %scan3A_240 = %scan3A_149 to %scan3A_151 step %scan3A_152 iter_args(%scan3A_241 = %scan3A_148) -> (i32)  : i32 {
      %mul3A_242 = arith.constant 16 : i32
      %mul3A_243 = arith.muli %scan3A_240, %mul3A_242 : i32
      %get3A = arith.index_cast %mul3A_243 : i32 to index
      %get3A_244 = tpu.vector_load %arg18[%get3A] {strides = array<i32>} : memref<640xf32, #tpu.memory_space<vmem>>, vector<16xf32>,
      %get3A_245 = arith.index_cast %mul3A_243 : i32 to index
      %get3A_246 = tpu.vector_load %arg19[%get3A_245] {strides = array<i32>} : memref<640xf32, #tpu.memory_space<vmem>>, vector<16xf32>,
      %add3A_247 = arith.addf %get3A_244, %get3A_246 : vector<16xf32>
      %swap3A = arith.index_cast %mul3A_243 : i32 to index
      %swap3A_248 = tpu.vector_load %arg18[%swap3A] {strides = array<i32>} : memref<640xf32, #tpu.memory_space<vmem>>, vector<16xf32>,
      tpu.vector_store %arg18[%swap3A], %add3A_247 {strides = array<i32>} : memref<640xf32, #tpu.memory_space<vmem>>, vector<16xf32>,
      %scan3A_249 = arith.constant 0 : i32
      scf.yield %scan3A_249 : i32
    }
    %scan3A_154 = arith.constant 40 : i32
    %run_scoped3A_155 = arith.constant 11 : i32
    "tpu.region"() ({
      %run_scoped3A_240 = tpu.sem_alloc : memref<!tpu.dma_semaphore, #tpu.memory_space<semaphore_mem>>
      %dma_start3A_241 = tpu.memref_slice %arg20[%run_scoped3A_155, %mul3A_0] : memref<16x10240xf32, #tpu.memory_space<vmem_shared>> -> memref<1x640xf32, #tpu.memory_space<vmem_shared>>
      %dma_start3A_242 = tpu.memref_squeeze %dma_start3A_241 : memref<1x640xf32, #tpu.memory_space<vmem_shared>> -> memref<640xf32, #tpu.memory_space<vmem_shared>>
      %dma_start3A_243 = tpu.memref_slice %arg20[%run_scoped3A_155, %mul3A_0] : memref<16x10240xf32, #tpu.memory_space<vmem_shared>> -> memref<1x640xf32, #tpu.memory_space<vmem_shared>>
      %dma_start3A_244 = tpu.memref_squeeze %dma_start3A_243 : memref<1x640xf32, #tpu.memory_space<vmem_shared>> -> memref<640xf32, #tpu.memory_space<vmem_shared>>
      tpu.enqueue_dma source(%dma_start3A_244 : memref<640xf32, #tpu.memory_space<vmem_shared>>) target(%arg19 : memref<640xf32, #tpu.memory_space<vmem>>) target_semaphore(%run_scoped3A_240 : memref<!tpu.dma_semaphore, #tpu.memory_space<semaphore_mem>>)
      %dma_wait3A_245 = tpu.memref_slice %arg20[%run_scoped3A_155, %mul3A_0] : memref<16x10240xf32, #tpu.memory_space<vmem_shared>> -> memref<1x640xf32, #tpu.memory_space<vmem_shared>>
      %dma_wait3A_246 = tpu.memref_squeeze %dma_wait3A_245 : memref<1x640xf32, #tpu.memory_space<vmem_shared>> -> memref<640xf32, #tpu.memory_space<vmem_shared>>
      %dma_wait3A_247 = tpu.memref_slice %arg20[%run_scoped3A_155, %mul3A_0] : memref<16x10240xf32, #tpu.memory_space<vmem_shared>> -> memref<1x640xf32, #tpu.memory_space<vmem_shared>>
      %dma_wait3A_248 = tpu.memref_squeeze %dma_wait3A_247 : memref<1x640xf32, #tpu.memory_space<vmem_shared>> -> memref<640xf32, #tpu.memory_space<vmem_shared>>
      tpu.wait_dma2 semaphore(%run_scoped3A_240 : memref<!tpu.dma_semaphore, #tpu.memory_space<semaphore_mem>>) src(%dma_wait3A_248 : memref<640xf32, #tpu.memory_space<vmem_shared>>) dst(%arg19 : memref<640xf32, #tpu.memory_space<vmem>>)
      tpu.yield
    }) : () -> ()
    %scan3A_156 = arith.constant 0 : i32
    %scan3A_157 = arith.constant 0 : i32
    %scan3A_158 = arith.constant 40 : i32
    %scan3A_159 = arith.addi %scan3A_157, %scan3A_158 : i32
    %scan3A_160 = arith.constant 1 : i32
    %scan3A_161 = scf.for %scan3A_240 = %scan3A_157 to %scan3A_159 step %scan3A_160 iter_args(%scan3A_241 = %scan3A_156) -> (i32)  : i32 {
      %mul3A_242 = arith.constant 16 : i32
      %mul3A_243 = arith.muli %scan3A_240, %mul3A_242 : i32
      %get3A = arith.index_cast %mul3A_243 : i32 to index
      %get3A_244 = tpu.vector_load %arg18[%get3A] {strides = array<i32>} : memref<640xf32, #tpu.memory_space<vmem>>, vector<16xf32>,
      %get3A_245 = arith.index_cast %mul3A_243 : i32 to index
      %get3A_246 = tpu.vector_load %arg19[%get3A_245] {strides = array<i32>} : memref<640xf32, #tpu.memory_space<vmem>>, vector<16xf32>,
      %add3A_247 = arith.addf %get3A_244, %get3A_246 : vector<16xf32>
      %swap3A = arith.index_cast %mul3A_243 : i32 to index
      %swap3A_248 = tpu.vector_load %arg18[%swap3A] {strides = array<i32>} : memref<640xf32, #tpu.memory_space<vmem>>, vector<16xf32>,
      tpu.vector_store %arg18[%swap3A], %add3A_247 {strides = array<i32>} : memref<640xf32, #tpu.memory_space<vmem>>, vector<16xf32>,
      %scan3A_249 = arith.constant 0 : i32
      scf.yield %scan3A_249 : i32
    }
    %scan3A_162 = arith.constant 40 : i32
    %run_scoped3A_163 = arith.constant 12 : i32
    "tpu.region"() ({
      %run_scoped3A_240 = tpu.sem_alloc : memref<!tpu.dma_semaphore, #tpu.memory_space<semaphore_mem>>
      %dma_start3A_241 = tpu.memref_slice %arg20[%run_scoped3A_163, %mul3A_0] : memref<16x10240xf32, #tpu.memory_space<vmem_shared>> -> memref<1x640xf32, #tpu.memory_space<vmem_shared>>
      %dma_start3A_242 = tpu.memref_squeeze %dma_start3A_241 : memref<1x640xf32, #tpu.memory_space<vmem_shared>> -> memref<640xf32, #tpu.memory_space<vmem_shared>>
      %dma_start3A_243 = tpu.memref_slice %arg20[%run_scoped3A_163, %mul3A_0] : memref<16x10240xf32, #tpu.memory_space<vmem_shared>> -> memref<1x640xf32, #tpu.memory_space<vmem_shared>>
      %dma_start3A_244 = tpu.memref_squeeze %dma_start3A_243 : memref<1x640xf32, #tpu.memory_space<vmem_shared>> -> memref<640xf32, #tpu.memory_space<vmem_shared>>
      tpu.enqueue_dma source(%dma_start3A_244 : memref<640xf32, #tpu.memory_space<vmem_shared>>) target(%arg19 : memref<640xf32, #tpu.memory_space<vmem>>) target_semaphore(%run_scoped3A_240 : memref<!tpu.dma_semaphore, #tpu.memory_space<semaphore_mem>>)
      %dma_wait3A_245 = tpu.memref_slice %arg20[%run_scoped3A_163, %mul3A_0] : memref<16x10240xf32, #tpu.memory_space<vmem_shared>> -> memref<1x640xf32, #tpu.memory_space<vmem_shared>>
      %dma_wait3A_246 = tpu.memref_squeeze %dma_wait3A_245 : memref<1x640xf32, #tpu.memory_space<vmem_shared>> -> memref<640xf32, #tpu.memory_space<vmem_shared>>
      %dma_wait3A_247 = tpu.memref_slice %arg20[%run_scoped3A_163, %mul3A_0] : memref<16x10240xf32, #tpu.memory_space<vmem_shared>> -> memref<1x640xf32, #tpu.memory_space<vmem_shared>>
      %dma_wait3A_248 = tpu.memref_squeeze %dma_wait3A_247 : memref<1x640xf32, #tpu.memory_space<vmem_shared>> -> memref<640xf32, #tpu.memory_space<vmem_shared>>
      tpu.wait_dma2 semaphore(%run_scoped3A_240 : memref<!tpu.dma_semaphore, #tpu.memory_space<semaphore_mem>>) src(%dma_wait3A_248 : memref<640xf32, #tpu.memory_space<vmem_shared>>) dst(%arg19 : memref<640xf32, #tpu.memory_space<vmem>>)
      tpu.yield
    }) : () -> ()
    %scan3A_164 = arith.constant 0 : i32
    %scan3A_165 = arith.constant 0 : i32
    %scan3A_166 = arith.constant 40 : i32
    %scan3A_167 = arith.addi %scan3A_165, %scan3A_166 : i32
    %scan3A_168 = arith.constant 1 : i32
    %scan3A_169 = scf.for %scan3A_240 = %scan3A_165 to %scan3A_167 step %scan3A_168 iter_args(%scan3A_241 = %scan3A_164) -> (i32)  : i32 {
      %mul3A_242 = arith.constant 16 : i32
      %mul3A_243 = arith.muli %scan3A_240, %mul3A_242 : i32
      %get3A = arith.index_cast %mul3A_243 : i32 to index
      %get3A_244 = tpu.vector_load %arg18[%get3A] {strides = array<i32>} : memref<640xf32, #tpu.memory_space<vmem>>, vector<16xf32>,
      %get3A_245 = arith.index_cast %mul3A_243 : i32 to index
      %get3A_246 = tpu.vector_load %arg19[%get3A_245] {strides = array<i32>} : memref<640xf32, #tpu.memory_space<vmem>>, vector<16xf32>,
      %add3A_247 = arith.addf %get3A_244, %get3A_246 : vector<16xf32>
      %swap3A = arith.index_cast %mul3A_243 : i32 to index
      %swap3A_248 = tpu.vector_load %arg18[%swap3A] {strides = array<i32>} : memref<640xf32, #tpu.memory_space<vmem>>, vector<16xf32>,
      tpu.vector_store %arg18[%swap3A], %add3A_247 {strides = array<i32>} : memref<640xf32, #tpu.memory_space<vmem>>, vector<16xf32>,
      %scan3A_249 = arith.constant 0 : i32
      scf.yield %scan3A_249 : i32
    }
    %scan3A_170 = arith.constant 40 : i32
    %run_scoped3A_171 = arith.constant 13 : i32
    "tpu.region"() ({
      %run_scoped3A_240 = tpu.sem_alloc : memref<!tpu.dma_semaphore, #tpu.memory_space<semaphore_mem>>
      %dma_start3A_241 = tpu.memref_slice %arg20[%run_scoped3A_171, %mul3A_0] : memref<16x10240xf32, #tpu.memory_space<vmem_shared>> -> memref<1x640xf32, #tpu.memory_space<vmem_shared>>
      %dma_start3A_242 = tpu.memref_squeeze %dma_start3A_241 : memref<1x640xf32, #tpu.memory_space<vmem_shared>> -> memref<640xf32, #tpu.memory_space<vmem_shared>>
      %dma_start3A_243 = tpu.memref_slice %arg20[%run_scoped3A_171, %mul3A_0] : memref<16x10240xf32, #tpu.memory_space<vmem_shared>> -> memref<1x640xf32, #tpu.memory_space<vmem_shared>>
      %dma_start3A_244 = tpu.memref_squeeze %dma_start3A_243 : memref<1x640xf32, #tpu.memory_space<vmem_shared>> -> memref<640xf32, #tpu.memory_space<vmem_shared>>
      tpu.enqueue_dma source(%dma_start3A_244 : memref<640xf32, #tpu.memory_space<vmem_shared>>) target(%arg19 : memref<640xf32, #tpu.memory_space<vmem>>) target_semaphore(%run_scoped3A_240 : memref<!tpu.dma_semaphore, #tpu.memory_space<semaphore_mem>>)
      %dma_wait3A_245 = tpu.memref_slice %arg20[%run_scoped3A_171, %mul3A_0] : memref<16x10240xf32, #tpu.memory_space<vmem_shared>> -> memref<1x640xf32, #tpu.memory_space<vmem_shared>>
      %dma_wait3A_246 = tpu.memref_squeeze %dma_wait3A_245 : memref<1x640xf32, #tpu.memory_space<vmem_shared>> -> memref<640xf32, #tpu.memory_space<vmem_shared>>
      %dma_wait3A_247 = tpu.memref_slice %arg20[%run_scoped3A_171, %mul3A_0] : memref<16x10240xf32, #tpu.memory_space<vmem_shared>> -> memref<1x640xf32, #tpu.memory_space<vmem_shared>>
      %dma_wait3A_248 = tpu.memref_squeeze %dma_wait3A_247 : memref<1x640xf32, #tpu.memory_space<vmem_shared>> -> memref<640xf32, #tpu.memory_space<vmem_shared>>
      tpu.wait_dma2 semaphore(%run_scoped3A_240 : memref<!tpu.dma_semaphore, #tpu.memory_space<semaphore_mem>>) src(%dma_wait3A_248 : memref<640xf32, #tpu.memory_space<vmem_shared>>) dst(%arg19 : memref<640xf32, #tpu.memory_space<vmem>>)
      tpu.yield
    }) : () -> ()
    %scan3A_172 = arith.constant 0 : i32
    %scan3A_173 = arith.constant 0 : i32
    %scan3A_174 = arith.constant 40 : i32
    %scan3A_175 = arith.addi %scan3A_173, %scan3A_174 : i32
    %scan3A_176 = arith.constant 1 : i32
    %scan3A_177 = scf.for %scan3A_240 = %scan3A_173 to %scan3A_175 step %scan3A_176 iter_args(%scan3A_241 = %scan3A_172) -> (i32)  : i32 {
      %mul3A_242 = arith.constant 16 : i32
      %mul3A_243 = arith.muli %scan3A_240, %mul3A_242 : i32
      %get3A = arith.index_cast %mul3A_243 : i32 to index
      %get3A_244 = tpu.vector_load %arg18[%get3A] {strides = array<i32>} : memref<640xf32, #tpu.memory_space<vmem>>, vector<16xf32>,
      %get3A_245 = arith.index_cast %mul3A_243 : i32 to index
      %get3A_246 = tpu.vector_load %arg19[%get3A_245] {strides = array<i32>} : memref<640xf32, #tpu.memory_space<vmem>>, vector<16xf32>,
      %add3A_247 = arith.addf %get3A_244, %get3A_246 : vector<16xf32>
      %swap3A = arith.index_cast %mul3A_243 : i32 to index
      %swap3A_248 = tpu.vector_load %arg18[%swap3A] {strides = array<i32>} : memref<640xf32, #tpu.memory_space<vmem>>, vector<16xf32>,
      tpu.vector_store %arg18[%swap3A], %add3A_247 {strides = array<i32>} : memref<640xf32, #tpu.memory_space<vmem>>, vector<16xf32>,
      %scan3A_249 = arith.constant 0 : i32
      scf.yield %scan3A_249 : i32
    }
    %scan3A_178 = arith.constant 40 : i32
    %run_scoped3A_179 = arith.constant 14 : i32
    "tpu.region"() ({
      %run_scoped3A_240 = tpu.sem_alloc : memref<!tpu.dma_semaphore, #tpu.memory_space<semaphore_mem>>
      %dma_start3A_241 = tpu.memref_slice %arg20[%run_scoped3A_179, %mul3A_0] : memref<16x10240xf32, #tpu.memory_space<vmem_shared>> -> memref<1x640xf32, #tpu.memory_space<vmem_shared>>
      %dma_start3A_242 = tpu.memref_squeeze %dma_start3A_241 : memref<1x640xf32, #tpu.memory_space<vmem_shared>> -> memref<640xf32, #tpu.memory_space<vmem_shared>>
      %dma_start3A_243 = tpu.memref_slice %arg20[%run_scoped3A_179, %mul3A_0] : memref<16x10240xf32, #tpu.memory_space<vmem_shared>> -> memref<1x640xf32, #tpu.memory_space<vmem_shared>>
      %dma_start3A_244 = tpu.memref_squeeze %dma_start3A_243 : memref<1x640xf32, #tpu.memory_space<vmem_shared>> -> memref<640xf32, #tpu.memory_space<vmem_shared>>
      tpu.enqueue_dma source(%dma_start3A_244 : memref<640xf32, #tpu.memory_space<vmem_shared>>) target(%arg19 : memref<640xf32, #tpu.memory_space<vmem>>) target_semaphore(%run_scoped3A_240 : memref<!tpu.dma_semaphore, #tpu.memory_space<semaphore_mem>>)
      %dma_wait3A_245 = tpu.memref_slice %arg20[%run_scoped3A_179, %mul3A_0] : memref<16x10240xf32, #tpu.memory_space<vmem_shared>> -> memref<1x640xf32, #tpu.memory_space<vmem_shared>>
      %dma_wait3A_246 = tpu.memref_squeeze %dma_wait3A_245 : memref<1x640xf32, #tpu.memory_space<vmem_shared>> -> memref<640xf32, #tpu.memory_space<vmem_shared>>
      %dma_wait3A_247 = tpu.memref_slice %arg20[%run_scoped3A_179, %mul3A_0] : memref<16x10240xf32, #tpu.memory_space<vmem_shared>> -> memref<1x640xf32, #tpu.memory_space<vmem_shared>>
      %dma_wait3A_248 = tpu.memref_squeeze %dma_wait3A_247 : memref<1x640xf32, #tpu.memory_space<vmem_shared>> -> memref<640xf32, #tpu.memory_space<vmem_shared>>
      tpu.wait_dma2 semaphore(%run_scoped3A_240 : memref<!tpu.dma_semaphore, #tpu.memory_space<semaphore_mem>>) src(%dma_wait3A_248 : memref<640xf32, #tpu.memory_space<vmem_shared>>) dst(%arg19 : memref<640xf32, #tpu.memory_space<vmem>>)
      tpu.yield
    }) : () -> ()
    %scan3A_180 = arith.constant 0 : i32
    %scan3A_181 = arith.constant 0 : i32
    %scan3A_182 = arith.constant 40 : i32
    %scan3A_183 = arith.addi %scan3A_181, %scan3A_182 : i32
    %scan3A_184 = arith.constant 1 : i32
    %scan3A_185 = scf.for %scan3A_240 = %scan3A_181 to %scan3A_183 step %scan3A_184 iter_args(%scan3A_241 = %scan3A_180) -> (i32)  : i32 {
      %mul3A_242 = arith.constant 16 : i32
      %mul3A_243 = arith.muli %scan3A_240, %mul3A_242 : i32
      %get3A = arith.index_cast %mul3A_243 : i32 to index
      %get3A_244 = tpu.vector_load %arg18[%get3A] {strides = array<i32>} : memref<640xf32, #tpu.memory_space<vmem>>, vector<16xf32>,
      %get3A_245 = arith.index_cast %mul3A_243 : i32 to index
      %get3A_246 = tpu.vector_load %arg19[%get3A_245] {strides = array<i32>} : memref<640xf32, #tpu.memory_space<vmem>>, vector<16xf32>,
      %add3A_247 = arith.addf %get3A_244, %get3A_246 : vector<16xf32>
      %swap3A = arith.index_cast %mul3A_243 : i32 to index
      %swap3A_248 = tpu.vector_load %arg18[%swap3A] {strides = array<i32>} : memref<640xf32, #tpu.memory_space<vmem>>, vector<16xf32>,
      tpu.vector_store %arg18[%swap3A], %add3A_247 {strides = array<i32>} : memref<640xf32, #tpu.memory_space<vmem>>, vector<16xf32>,
      %scan3A_249 = arith.constant 0 : i32
      scf.yield %scan3A_249 : i32
    }
    %scan3A_186 = arith.constant 40 : i32
    %run_scoped3A_187 = arith.constant 15 : i32
    "tpu.region"() ({
      %run_scoped3A_240 = tpu.sem_alloc : memref<!tpu.dma_semaphore, #tpu.memory_space<semaphore_mem>>
      %dma_start3A_241 = tpu.memref_slice %arg20[%run_scoped3A_187, %mul3A_0] : memref<16x10240xf32, #tpu.memory_space<vmem_shared>> -> memref<1x640xf32, #tpu.memory_space<vmem_shared>>
      %dma_start3A_242 = tpu.memref_squeeze %dma_start3A_241 : memref<1x640xf32, #tpu.memory_space<vmem_shared>> -> memref<640xf32, #tpu.memory_space<vmem_shared>>
      %dma_start3A_243 = tpu.memref_slice %arg20[%run_scoped3A_187, %mul3A_0] : memref<16x10240xf32, #tpu.memory_space<vmem_shared>> -> memref<1x640xf32, #tpu.memory_space<vmem_shared>>
      %dma_start3A_244 = tpu.memref_squeeze %dma_start3A_243 : memref<1x640xf32, #tpu.memory_space<vmem_shared>> -> memref<640xf32, #tpu.memory_space<vmem_shared>>
      tpu.enqueue_dma source(%dma_start3A_244 : memref<640xf32, #tpu.memory_space<vmem_shared>>) target(%arg19 : memref<640xf32, #tpu.memory_space<vmem>>) target_semaphore(%run_scoped3A_240 : memref<!tpu.dma_semaphore, #tpu.memory_space<semaphore_mem>>)
      %dma_wait3A_245 = tpu.memref_slice %arg20[%run_scoped3A_187, %mul3A_0] : memref<16x10240xf32, #tpu.memory_space<vmem_shared>> -> memref<1x640xf32, #tpu.memory_space<vmem_shared>>
      %dma_wait3A_246 = tpu.memref_squeeze %dma_wait3A_245 : memref<1x640xf32, #tpu.memory_space<vmem_shared>> -> memref<640xf32, #tpu.memory_space<vmem_shared>>
      %dma_wait3A_247 = tpu.memref_slice %arg20[%run_scoped3A_187, %mul3A_0] : memref<16x10240xf32, #tpu.memory_space<vmem_shared>> -> memref<1x640xf32, #tpu.memory_space<vmem_shared>>
      %dma_wait3A_248 = tpu.memref_squeeze %dma_wait3A_247 : memref<1x640xf32, #tpu.memory_space<vmem_shared>> -> memref<640xf32, #tpu.memory_space<vmem_shared>>
      tpu.wait_dma2 semaphore(%run_scoped3A_240 : memref<!tpu.dma_semaphore, #tpu.memory_space<semaphore_mem>>) src(%dma_wait3A_248 : memref<640xf32, #tpu.memory_space<vmem_shared>>) dst(%arg19 : memref<640xf32, #tpu.memory_space<vmem>>)
      tpu.yield
    }) : () -> ()
    %scan3A_188 = arith.constant 0 : i32
    %scan3A_189 = arith.constant 0 : i32
    %scan3A_190 = arith.constant 40 : i32
    %scan3A_191 = arith.addi %scan3A_189, %scan3A_190 : i32
    %scan3A_192 = arith.constant 1 : i32
    %scan3A_193 = scf.for %scan3A_240 = %scan3A_189 to %scan3A_191 step %scan3A_192 iter_args(%scan3A_241 = %scan3A_188) -> (i32)  : i32 {
      %mul3A_242 = arith.constant 16 : i32
      %mul3A_243 = arith.muli %scan3A_240, %mul3A_242 : i32
      %get3A = arith.index_cast %mul3A_243 : i32 to index
      %get3A_244 = tpu.vector_load %arg18[%get3A] {strides = array<i32>} : memref<640xf32, #tpu.memory_space<vmem>>, vector<16xf32>,
      %get3A_245 = arith.index_cast %mul3A_243 : i32 to index
      %get3A_246 = tpu.vector_load %arg19[%get3A_245] {strides = array<i32>} : memref<640xf32, #tpu.memory_space<vmem>>, vector<16xf32>,
      %add3A_247 = arith.addf %get3A_244, %get3A_246 : vector<16xf32>
      %swap3A = arith.index_cast %mul3A_243 : i32 to index
      %swap3A_248 = tpu.vector_load %arg18[%swap3A] {strides = array<i32>} : memref<640xf32, #tpu.memory_space<vmem>>, vector<16xf32>,
      tpu.vector_store %arg18[%swap3A], %add3A_247 {strides = array<i32>} : memref<640xf32, #tpu.memory_space<vmem>>, vector<16xf32>,
      %scan3A_249 = arith.constant 0 : i32
      scf.yield %scan3A_249 : i32
    }
    %scan3A_194 = arith.constant 40 : i32
    %scan3A_195 = arith.constant 0 : i32
    %scan3A_196 = arith.constant 0 : i32
    %scan3A_197 = arith.constant 128 : i32
    %scan3A_198 = arith.addi %scan3A_196, %scan3A_197 : i32
    %scan3A_199 = arith.constant 1 : i32
    %scan3A_200 = scf.for %scan3A_240 = %scan3A_196 to %scan3A_198 step %scan3A_199 iter_args(%scan3A_241 = %scan3A_195) -> (i32)  : i32 {
      %broadcast_in_dim3A_242 = arith.constant 0 : i32
      %broadcast_in_dim3A_243 = vector.broadcast %broadcast_in_dim3A_242 : i32 to vector<16xi32>
      %add3A_244 = arith.constant 0 : i32
      %add3A_245 = arith.addi %add3A_244, %scan3A_240 : i32
      %add3A_246 = vector.broadcast %add3A_245 : i32 to vector<16xi32>
      %add3A_247 = arith.addi %broadcast_in_dim3A_243, %add3A_246 : vector<16xi32>
      %gather3A = tpu.vector_load_idx %arg18[%add3A_247] : memref<640xf32, #tpu.memory_space<vmem>>[vector<16xi32>], vector<16xf32>,
      %swap3A = arith.index_cast %scan3A_240 : i32 to index
      %swap3A_248 = arith.constant 0 : index
      %swap3A_249 = tpu.vector_load %arg11[%swap3A, %swap3A_248] {strides = array<i32>} : memref<128x64xf32, #tpu.memory_space<vmem>>, vector<16xf32>,
      tpu.vector_store %arg11[%swap3A, %swap3A_248], %gather3A {strides = array<i32>} : memref<128x64xf32, #tpu.memory_space<vmem>>, vector<16xf32>,
      %swap3A_250 = arith.index_cast %scan3A_240 : i32 to index
      %swap3A_251 = arith.constant 16 : index
      %swap3A_252 = tpu.vector_load %arg11[%swap3A_250, %swap3A_251] {strides = array<i32>} : memref<128x64xf32, #tpu.memory_space<vmem>>, vector<16xf32>,
      tpu.vector_store %arg11[%swap3A_250, %swap3A_251], %gather3A {strides = array<i32>} : memref<128x64xf32, #tpu.memory_space<vmem>>, vector<16xf32>,
      %swap3A_253 = arith.index_cast %scan3A_240 : i32 to index
      %swap3A_254 = arith.constant 32 : index
      %swap3A_255 = tpu.vector_load %arg11[%swap3A_253, %swap3A_254] {strides = array<i32>} : memref<128x64xf32, #tpu.memory_space<vmem>>, vector<16xf32>,
      tpu.vector_store %arg11[%swap3A_253, %swap3A_254], %gather3A {strides = array<i32>} : memref<128x64xf32, #tpu.memory_space<vmem>>, vector<16xf32>,
      %swap3A_256 = arith.index_cast %scan3A_240 : i32 to index
      %swap3A_257 = arith.constant 48 : index
      %swap3A_258 = tpu.vector_load %arg11[%swap3A_256, %swap3A_257] {strides = array<i32>} : memref<128x64xf32, #tpu.memory_space<vmem>>, vector<16xf32>,
      tpu.vector_store %arg11[%swap3A_256, %swap3A_257], %gather3A {strides = array<i32>} : memref<128x64xf32, #tpu.memory_space<vmem>>, vector<16xf32>,
      %scan3A_259 = arith.constant 0 : i32
      scf.yield %scan3A_259 : i32
    }
    %scan3A_201 = arith.constant 128 : i32
    %add3A_202 = arith.constant 0 : i32
    %add3A_203 = arith.addi %mul3A_0, %add3A_202 : i32
    "tpu.region"() ({
      %run_scoped3A_240 = tpu.sem_alloc : memref<!tpu.dma_semaphore, #tpu.memory_space<semaphore_mem>>
      %dma_start3A_241 = arith.constant 0 : i32
      %dma_start3A_242 = tpu.memref_slice %arg6[%arg0, %add3A_203, %dma_start3A_241] : memref<2x10240x64xf32, #tpu.memory_space<hbm>> -> memref<1x128x64xf32, #tpu.memory_space<hbm>>
      %dma_start3A_243 = tpu.memref_squeeze %dma_start3A_242 : memref<1x128x64xf32, #tpu.memory_space<hbm>> -> memref<128x64xf32, #tpu.memory_space<hbm>>
      %dma_start3A_244 = arith.constant 0 : i32
      %dma_start3A_245 = tpu.memref_slice %arg6[%arg0, %add3A_203, %dma_start3A_244] : memref<2x10240x64xf32, #tpu.memory_space<hbm>> -> memref<1x128x64xf32, #tpu.memory_space<hbm>>
      %dma_start3A_246 = tpu.memref_squeeze %dma_start3A_245 : memref<1x128x64xf32, #tpu.memory_space<hbm>> -> memref<128x64xf32, #tpu.memory_space<hbm>>
      tpu.enqueue_dma source(%arg11 : memref<128x64xf32, #tpu.memory_space<vmem>>) target(%dma_start3A_246 : memref<128x64xf32, #tpu.memory_space<hbm>>) target_semaphore(%run_scoped3A_240 : memref<!tpu.dma_semaphore, #tpu.memory_space<semaphore_mem>>)
      %dma_wait3A_247 = arith.constant 0 : i32
      %dma_wait3A_248 = tpu.memref_slice %arg6[%arg0, %add3A_203, %dma_wait3A_247] : memref<2x10240x64xf32, #tpu.memory_space<hbm>> -> memref<1x128x64xf32, #tpu.memory_space<hbm>>
      %dma_wait3A_249 = tpu.memref_squeeze %dma_wait3A_248 : memref<1x128x64xf32, #tpu.memory_space<hbm>> -> memref<128x64xf32, #tpu.memory_space<hbm>>
      %dma_wait3A_250 = arith.constant 0 : i32
      %dma_wait3A_251 = tpu.memref_slice %arg6[%arg0, %add3A_203, %dma_wait3A_250] : memref<2x10240x64xf32, #tpu.memory_space<hbm>> -> memref<1x128x64xf32, #tpu.memory_space<hbm>>
      %dma_wait3A_252 = tpu.memref_squeeze %dma_wait3A_251 : memref<1x128x64xf32, #tpu.memory_space<hbm>> -> memref<128x64xf32, #tpu.memory_space<hbm>>
      tpu.wait_dma2 semaphore(%run_scoped3A_240 : memref<!tpu.dma_semaphore, #tpu.memory_space<semaphore_mem>>) src(%arg11 : memref<128x64xf32, #tpu.memory_space<vmem>>) dst(%dma_wait3A_252 : memref<128x64xf32, #tpu.memory_space<hbm>>)
      tpu.yield
    }) : () -> ()
    %scan3A_204 = arith.constant 0 : i32
    %scan3A_205 = arith.constant 0 : i32
    %scan3A_206 = arith.constant 128 : i32
    %scan3A_207 = arith.addi %scan3A_205, %scan3A_206 : i32
    %scan3A_208 = arith.constant 1 : i32
    %scan3A_209 = scf.for %scan3A_240 = %scan3A_205 to %scan3A_207 step %scan3A_208 iter_args(%scan3A_241 = %scan3A_204) -> (i32)  : i32 {
      %broadcast_in_dim3A_242 = arith.constant 0 : i32
      %broadcast_in_dim3A_243 = vector.broadcast %broadcast_in_dim3A_242 : i32 to vector<16xi32>
      %add3A_244 = arith.constant 128 : i32
      %add3A_245 = arith.addi %add3A_244, %scan3A_240 : i32
      %add3A_246 = vector.broadcast %add3A_245 : i32 to vector<16xi32>
      %add3A_247 = arith.addi %broadcast_in_dim3A_243, %add3A_246 : vector<16xi32>
      %gather3A = tpu.vector_load_idx %arg18[%add3A_247] : memref<640xf32, #tpu.memory_space<vmem>>[vector<16xi32>], vector<16xf32>,
      %swap3A = arith.index_cast %scan3A_240 : i32 to index
      %swap3A_248 = arith.constant 0 : index
      %swap3A_249 = tpu.vector_load %arg11[%swap3A, %swap3A_248] {strides = array<i32>} : memref<128x64xf32, #tpu.memory_space<vmem>>, vector<16xf32>,
      tpu.vector_store %arg11[%swap3A, %swap3A_248], %gather3A {strides = array<i32>} : memref<128x64xf32, #tpu.memory_space<vmem>>, vector<16xf32>,
      %swap3A_250 = arith.index_cast %scan3A_240 : i32 to index
      %swap3A_251 = arith.constant 16 : index
      %swap3A_252 = tpu.vector_load %arg11[%swap3A_250, %swap3A_251] {strides = array<i32>} : memref<128x64xf32, #tpu.memory_space<vmem>>, vector<16xf32>,
      tpu.vector_store %arg11[%swap3A_250, %swap3A_251], %gather3A {strides = array<i32>} : memref<128x64xf32, #tpu.memory_space<vmem>>, vector<16xf32>,
      %swap3A_253 = arith.index_cast %scan3A_240 : i32 to index
      %swap3A_254 = arith.constant 32 : index
      %swap3A_255 = tpu.vector_load %arg11[%swap3A_253, %swap3A_254] {strides = array<i32>} : memref<128x64xf32, #tpu.memory_space<vmem>>, vector<16xf32>,
      tpu.vector_store %arg11[%swap3A_253, %swap3A_254], %gather3A {strides = array<i32>} : memref<128x64xf32, #tpu.memory_space<vmem>>, vector<16xf32>,
      %swap3A_256 = arith.index_cast %scan3A_240 : i32 to index
      %swap3A_257 = arith.constant 48 : index
      %swap3A_258 = tpu.vector_load %arg11[%swap3A_256, %swap3A_257] {strides = array<i32>} : memref<128x64xf32, #tpu.memory_space<vmem>>, vector<16xf32>,
      tpu.vector_store %arg11[%swap3A_256, %swap3A_257], %gather3A {strides = array<i32>} : memref<128x64xf32, #tpu.memory_space<vmem>>, vector<16xf32>,
      %scan3A_259 = arith.constant 0 : i32
      scf.yield %scan3A_259 : i32
    }
    %scan3A_210 = arith.constant 128 : i32
    %add3A_211 = arith.constant 128 : i32
    %add3A_212 = arith.addi %mul3A_0, %add3A_211 : i32
    "tpu.region"() ({
      %run_scoped3A_240 = tpu.sem_alloc : memref<!tpu.dma_semaphore, #tpu.memory_space<semaphore_mem>>
      %dma_start3A_241 = arith.constant 0 : i32
      %dma_start3A_242 = tpu.memref_slice %arg6[%arg0, %add3A_212, %dma_start3A_241] : memref<2x10240x64xf32, #tpu.memory_space<hbm>> -> memref<1x128x64xf32, #tpu.memory_space<hbm>>
      %dma_start3A_243 = tpu.memref_squeeze %dma_start3A_242 : memref<1x128x64xf32, #tpu.memory_space<hbm>> -> memref<128x64xf32, #tpu.memory_space<hbm>>
      %dma_start3A_244 = arith.constant 0 : i32
      %dma_start3A_245 = tpu.memref_slice %arg6[%arg0, %add3A_212, %dma_start3A_244] : memref<2x10240x64xf32, #tpu.memory_space<hbm>> -> memref<1x128x64xf32, #tpu.memory_space<hbm>>
      %dma_start3A_246 = tpu.memref_squeeze %dma_start3A_245 : memref<1x128x64xf32, #tpu.memory_space<hbm>> -> memref<128x64xf32, #tpu.memory_space<hbm>>
      tpu.enqueue_dma source(%arg11 : memref<128x64xf32, #tpu.memory_space<vmem>>) target(%dma_start3A_246 : memref<128x64xf32, #tpu.memory_space<hbm>>) target_semaphore(%run_scoped3A_240 : memref<!tpu.dma_semaphore, #tpu.memory_space<semaphore_mem>>)
      %dma_wait3A_247 = arith.constant 0 : i32
      %dma_wait3A_248 = tpu.memref_slice %arg6[%arg0, %add3A_212, %dma_wait3A_247] : memref<2x10240x64xf32, #tpu.memory_space<hbm>> -> memref<1x128x64xf32, #tpu.memory_space<hbm>>
      %dma_wait3A_249 = tpu.memref_squeeze %dma_wait3A_248 : memref<1x128x64xf32, #tpu.memory_space<hbm>> -> memref<128x64xf32, #tpu.memory_space<hbm>>
      %dma_wait3A_250 = arith.constant 0 : i32
      %dma_wait3A_251 = tpu.memref_slice %arg6[%arg0, %add3A_212, %dma_wait3A_250] : memref<2x10240x64xf32, #tpu.memory_space<hbm>> -> memref<1x128x64xf32, #tpu.memory_space<hbm>>
      %dma_wait3A_252 = tpu.memref_squeeze %dma_wait3A_251 : memref<1x128x64xf32, #tpu.memory_space<hbm>> -> memref<128x64xf32, #tpu.memory_space<hbm>>
      tpu.wait_dma2 semaphore(%run_scoped3A_240 : memref<!tpu.dma_semaphore, #tpu.memory_space<semaphore_mem>>) src(%arg11 : memref<128x64xf32, #tpu.memory_space<vmem>>) dst(%dma_wait3A_252 : memref<128x64xf32, #tpu.memory_space<hbm>>)
      tpu.yield
    }) : () -> ()
    %scan3A_213 = arith.constant 0 : i32
    %scan3A_214 = arith.constant 0 : i32
    %scan3A_215 = arith.constant 128 : i32
    %scan3A_216 = arith.addi %scan3A_214, %scan3A_215 : i32
    %scan3A_217 = arith.constant 1 : i32
    %scan3A_218 = scf.for %scan3A_240 = %scan3A_214 to %scan3A_216 step %scan3A_217 iter_args(%scan3A_241 = %scan3A_213) -> (i32)  : i32 {
      %broadcast_in_dim3A_242 = arith.constant 0 : i32
      %broadcast_in_dim3A_243 = vector.broadcast %broadcast_in_dim3A_242 : i32 to vector<16xi32>
      %add3A_244 = arith.constant 256 : i32
      %add3A_245 = arith.addi %add3A_244, %scan3A_240 : i32
      %add3A_246 = vector.broadcast %add3A_245 : i32 to vector<16xi32>
      %add3A_247 = arith.addi %broadcast_in_dim3A_243, %add3A_246 : vector<16xi32>
      %gather3A = tpu.vector_load_idx %arg18[%add3A_247] : memref<640xf32, #tpu.memory_space<vmem>>[vector<16xi32>], vector<16xf32>,
      %swap3A = arith.index_cast %scan3A_240 : i32 to index
      %swap3A_248 = arith.constant 0 : index
      %swap3A_249 = tpu.vector_load %arg11[%swap3A, %swap3A_248] {strides = array<i32>} : memref<128x64xf32, #tpu.memory_space<vmem>>, vector<16xf32>,
      tpu.vector_store %arg11[%swap3A, %swap3A_248], %gather3A {strides = array<i32>} : memref<128x64xf32, #tpu.memory_space<vmem>>, vector<16xf32>,
      %swap3A_250 = arith.index_cast %scan3A_240 : i32 to index
      %swap3A_251 = arith.constant 16 : index
      %swap3A_252 = tpu.vector_load %arg11[%swap3A_250, %swap3A_251] {strides = array<i32>} : memref<128x64xf32, #tpu.memory_space<vmem>>, vector<16xf32>,
      tpu.vector_store %arg11[%swap3A_250, %swap3A_251], %gather3A {strides = array<i32>} : memref<128x64xf32, #tpu.memory_space<vmem>>, vector<16xf32>,
      %swap3A_253 = arith.index_cast %scan3A_240 : i32 to index
      %swap3A_254 = arith.constant 32 : index
      %swap3A_255 = tpu.vector_load %arg11[%swap3A_253, %swap3A_254] {strides = array<i32>} : memref<128x64xf32, #tpu.memory_space<vmem>>, vector<16xf32>,
      tpu.vector_store %arg11[%swap3A_253, %swap3A_254], %gather3A {strides = array<i32>} : memref<128x64xf32, #tpu.memory_space<vmem>>, vector<16xf32>,
      %swap3A_256 = arith.index_cast %scan3A_240 : i32 to index
      %swap3A_257 = arith.constant 48 : index
      %swap3A_258 = tpu.vector_load %arg11[%swap3A_256, %swap3A_257] {strides = array<i32>} : memref<128x64xf32, #tpu.memory_space<vmem>>, vector<16xf32>,
      tpu.vector_store %arg11[%swap3A_256, %swap3A_257], %gather3A {strides = array<i32>} : memref<128x64xf32, #tpu.memory_space<vmem>>, vector<16xf32>,
      %scan3A_259 = arith.constant 0 : i32
      scf.yield %scan3A_259 : i32
    }
    %scan3A_219 = arith.constant 128 : i32
    %add3A_220 = arith.constant 256 : i32
    %add3A_221 = arith.addi %mul3A_0, %add3A_220 : i32
    "tpu.region"() ({
      %run_scoped3A_240 = tpu.sem_alloc : memref<!tpu.dma_semaphore, #tpu.memory_space<semaphore_mem>>
      %dma_start3A_241 = arith.constant 0 : i32
      %dma_start3A_242 = tpu.memref_slice %arg6[%arg0, %add3A_221, %dma_start3A_241] : memref<2x10240x64xf32, #tpu.memory_space<hbm>> -> memref<1x128x64xf32, #tpu.memory_space<hbm>>
      %dma_start3A_243 = tpu.memref_squeeze %dma_start3A_242 : memref<1x128x64xf32, #tpu.memory_space<hbm>> -> memref<128x64xf32, #tpu.memory_space<hbm>>
      %dma_start3A_244 = arith.constant 0 : i32
      %dma_start3A_245 = tpu.memref_slice %arg6[%arg0, %add3A_221, %dma_start3A_244] : memref<2x10240x64xf32, #tpu.memory_space<hbm>> -> memref<1x128x64xf32, #tpu.memory_space<hbm>>
      %dma_start3A_246 = tpu.memref_squeeze %dma_start3A_245 : memref<1x128x64xf32, #tpu.memory_space<hbm>> -> memref<128x64xf32, #tpu.memory_space<hbm>>
      tpu.enqueue_dma source(%arg11 : memref<128x64xf32, #tpu.memory_space<vmem>>) target(%dma_start3A_246 : memref<128x64xf32, #tpu.memory_space<hbm>>) target_semaphore(%run_scoped3A_240 : memref<!tpu.dma_semaphore, #tpu.memory_space<semaphore_mem>>)
      %dma_wait3A_247 = arith.constant 0 : i32
      %dma_wait3A_248 = tpu.memref_slice %arg6[%arg0, %add3A_221, %dma_wait3A_247] : memref<2x10240x64xf32, #tpu.memory_space<hbm>> -> memref<1x128x64xf32, #tpu.memory_space<hbm>>
      %dma_wait3A_249 = tpu.memref_squeeze %dma_wait3A_248 : memref<1x128x64xf32, #tpu.memory_space<hbm>> -> memref<128x64xf32, #tpu.memory_space<hbm>>
      %dma_wait3A_250 = arith.constant 0 : i32
      %dma_wait3A_251 = tpu.memref_slice %arg6[%arg0, %add3A_221, %dma_wait3A_250] : memref<2x10240x64xf32, #tpu.memory_space<hbm>> -> memref<1x128x64xf32, #tpu.memory_space<hbm>>
      %dma_wait3A_252 = tpu.memref_squeeze %dma_wait3A_251 : memref<1x128x64xf32, #tpu.memory_space<hbm>> -> memref<128x64xf32, #tpu.memory_space<hbm>>
      tpu.wait_dma2 semaphore(%run_scoped3A_240 : memref<!tpu.dma_semaphore, #tpu.memory_space<semaphore_mem>>) src(%arg11 : memref<128x64xf32, #tpu.memory_space<vmem>>) dst(%dma_wait3A_252 : memref<128x64xf32, #tpu.memory_space<hbm>>)
      tpu.yield
    }) : () -> ()
    %scan3A_222 = arith.constant 0 : i32
    %scan3A_223 = arith.constant 0 : i32
    %scan3A_224 = arith.constant 128 : i32
    %scan3A_225 = arith.addi %scan3A_223, %scan3A_224 : i32
    %scan3A_226 = arith.constant 1 : i32
    %scan3A_227 = scf.for %scan3A_240 = %scan3A_223 to %scan3A_225 step %scan3A_226 iter_args(%scan3A_241 = %scan3A_222) -> (i32)  : i32 {
      %broadcast_in_dim3A_242 = arith.constant 0 : i32
      %broadcast_in_dim3A_243 = vector.broadcast %broadcast_in_dim3A_242 : i32 to vector<16xi32>
      %add3A_244 = arith.constant 384 : i32
      %add3A_245 = arith.addi %add3A_244, %scan3A_240 : i32
      %add3A_246 = vector.broadcast %add3A_245 : i32 to vector<16xi32>
      %add3A_247 = arith.addi %broadcast_in_dim3A_243, %add3A_246 : vector<16xi32>
      %gather3A = tpu.vector_load_idx %arg18[%add3A_247] : memref<640xf32, #tpu.memory_space<vmem>>[vector<16xi32>], vector<16xf32>,
      %swap3A = arith.index_cast %scan3A_240 : i32 to index
      %swap3A_248 = arith.constant 0 : index
      %swap3A_249 = tpu.vector_load %arg11[%swap3A, %swap3A_248] {strides = array<i32>} : memref<128x64xf32, #tpu.memory_space<vmem>>, vector<16xf32>,
      tpu.vector_store %arg11[%swap3A, %swap3A_248], %gather3A {strides = array<i32>} : memref<128x64xf32, #tpu.memory_space<vmem>>, vector<16xf32>,
      %swap3A_250 = arith.index_cast %scan3A_240 : i32 to index
      %swap3A_251 = arith.constant 16 : index
      %swap3A_252 = tpu.vector_load %arg11[%swap3A_250, %swap3A_251] {strides = array<i32>} : memref<128x64xf32, #tpu.memory_space<vmem>>, vector<16xf32>,
      tpu.vector_store %arg11[%swap3A_250, %swap3A_251], %gather3A {strides = array<i32>} : memref<128x64xf32, #tpu.memory_space<vmem>>, vector<16xf32>,
      %swap3A_253 = arith.index_cast %scan3A_240 : i32 to index
      %swap3A_254 = arith.constant 32 : index
      %swap3A_255 = tpu.vector_load %arg11[%swap3A_253, %swap3A_254] {strides = array<i32>} : memref<128x64xf32, #tpu.memory_space<vmem>>, vector<16xf32>,
      tpu.vector_store %arg11[%swap3A_253, %swap3A_254], %gather3A {strides = array<i32>} : memref<128x64xf32, #tpu.memory_space<vmem>>, vector<16xf32>,
      %swap3A_256 = arith.index_cast %scan3A_240 : i32 to index
      %swap3A_257 = arith.constant 48 : index
      %swap3A_258 = tpu.vector_load %arg11[%swap3A_256, %swap3A_257] {strides = array<i32>} : memref<128x64xf32, #tpu.memory_space<vmem>>, vector<16xf32>,
      tpu.vector_store %arg11[%swap3A_256, %swap3A_257], %gather3A {strides = array<i32>} : memref<128x64xf32, #tpu.memory_space<vmem>>, vector<16xf32>,
      %scan3A_259 = arith.constant 0 : i32
      scf.yield %scan3A_259 : i32
    }
    %scan3A_228 = arith.constant 128 : i32
    %add3A_229 = arith.constant 384 : i32
    %add3A_230 = arith.addi %mul3A_0, %add3A_229 : i32
    "tpu.region"() ({
      %run_scoped3A_240 = tpu.sem_alloc : memref<!tpu.dma_semaphore, #tpu.memory_space<semaphore_mem>>
      %dma_start3A_241 = arith.constant 0 : i32
      %dma_start3A_242 = tpu.memref_slice %arg6[%arg0, %add3A_230, %dma_start3A_241] : memref<2x10240x64xf32, #tpu.memory_space<hbm>> -> memref<1x128x64xf32, #tpu.memory_space<hbm>>
      %dma_start3A_243 = tpu.memref_squeeze %dma_start3A_242 : memref<1x128x64xf32, #tpu.memory_space<hbm>> -> memref<128x64xf32, #tpu.memory_space<hbm>>
      %dma_start3A_244 = arith.constant 0 : i32
      %dma_start3A_245 = tpu.memref_slice %arg6[%arg0, %add3A_230, %dma_start3A_244] : memref<2x10240x64xf32, #tpu.memory_space<hbm>> -> memref<1x128x64xf32, #tpu.memory_space<hbm>>
      %dma_start3A_246 = tpu.memref_squeeze %dma_start3A_245 : memref<1x128x64xf32, #tpu.memory_space<hbm>> -> memref<128x64xf32, #tpu.memory_space<hbm>>
      tpu.enqueue_dma source(%arg11 : memref<128x64xf32, #tpu.memory_space<vmem>>) target(%dma_start3A_246 : memref<128x64xf32, #tpu.memory_space<hbm>>) target_semaphore(%run_scoped3A_240 : memref<!tpu.dma_semaphore, #tpu.memory_space<semaphore_mem>>)
      %dma_wait3A_247 = arith.constant 0 : i32
      %dma_wait3A_248 = tpu.memref_slice %arg6[%arg0, %add3A_230, %dma_wait3A_247] : memref<2x10240x64xf32, #tpu.memory_space<hbm>> -> memref<1x128x64xf32, #tpu.memory_space<hbm>>
      %dma_wait3A_249 = tpu.memref_squeeze %dma_wait3A_248 : memref<1x128x64xf32, #tpu.memory_space<hbm>> -> memref<128x64xf32, #tpu.memory_space<hbm>>
      %dma_wait3A_250 = arith.constant 0 : i32
      %dma_wait3A_251 = tpu.memref_slice %arg6[%arg0, %add3A_230, %dma_wait3A_250] : memref<2x10240x64xf32, #tpu.memory_space<hbm>> -> memref<1x128x64xf32, #tpu.memory_space<hbm>>
      %dma_wait3A_252 = tpu.memref_squeeze %dma_wait3A_251 : memref<1x128x64xf32, #tpu.memory_space<hbm>> -> memref<128x64xf32, #tpu.memory_space<hbm>>
      tpu.wait_dma2 semaphore(%run_scoped3A_240 : memref<!tpu.dma_semaphore, #tpu.memory_space<semaphore_mem>>) src(%arg11 : memref<128x64xf32, #tpu.memory_space<vmem>>) dst(%dma_wait3A_252 : memref<128x64xf32, #tpu.memory_space<hbm>>)
      tpu.yield
    }) : () -> ()
    %scan3A_231 = arith.constant 0 : i32
    %scan3A_232 = arith.constant 0 : i32
    %scan3A_233 = arith.constant 128 : i32
    %scan3A_234 = arith.addi %scan3A_232, %scan3A_233 : i32
    %scan3A_235 = arith.constant 1 : i32
    %scan3A_236 = scf.for %scan3A_240 = %scan3A_232 to %scan3A_234 step %scan3A_235 iter_args(%scan3A_241 = %scan3A_231) -> (i32)  : i32 {
      %broadcast_in_dim3A_242 = arith.constant 0 : i32
      %broadcast_in_dim3A_243 = vector.broadcast %broadcast_in_dim3A_242 : i32 to vector<16xi32>
      %add3A_244 = arith.constant 512 : i32
      %add3A_245 = arith.addi %add3A_244, %scan3A_240 : i32
      %add3A_246 = vector.broadcast %add3A_245 : i32 to vector<16xi32>
      %add3A_247 = arith.addi %broadcast_in_dim3A_243, %add3A_246 : vector<16xi32>
      %gather3A = tpu.vector_load_idx %arg18[%add3A_247] : memref<640xf32, #tpu.memory_space<vmem>>[vector<16xi32>], vector<16xf32>,
      %swap3A = arith.index_cast %scan3A_240 : i32 to index
      %swap3A_248 = arith.constant 0 : index
      %swap3A_249 = tpu.vector_load %arg11[%swap3A, %swap3A_248] {strides = array<i32>} : memref<128x64xf32, #tpu.memory_space<vmem>>, vector<16xf32>,
      tpu.vector_store %arg11[%swap3A, %swap3A_248], %gather3A {strides = array<i32>} : memref<128x64xf32, #tpu.memory_space<vmem>>, vector<16xf32>,
      %swap3A_250 = arith.index_cast %scan3A_240 : i32 to index
      %swap3A_251 = arith.constant 16 : index
      %swap3A_252 = tpu.vector_load %arg11[%swap3A_250, %swap3A_251] {strides = array<i32>} : memref<128x64xf32, #tpu.memory_space<vmem>>, vector<16xf32>,
      tpu.vector_store %arg11[%swap3A_250, %swap3A_251], %gather3A {strides = array<i32>} : memref<128x64xf32, #tpu.memory_space<vmem>>, vector<16xf32>,
      %swap3A_253 = arith.index_cast %scan3A_240 : i32 to index
      %swap3A_254 = arith.constant 32 : index
      %swap3A_255 = tpu.vector_load %arg11[%swap3A_253, %swap3A_254] {strides = array<i32>} : memref<128x64xf32, #tpu.memory_space<vmem>>, vector<16xf32>,
      tpu.vector_store %arg11[%swap3A_253, %swap3A_254], %gather3A {strides = array<i32>} : memref<128x64xf32, #tpu.memory_space<vmem>>, vector<16xf32>,
      %swap3A_256 = arith.index_cast %scan3A_240 : i32 to index
      %swap3A_257 = arith.constant 48 : index
      %swap3A_258 = tpu.vector_load %arg11[%swap3A_256, %swap3A_257] {strides = array<i32>} : memref<128x64xf32, #tpu.memory_space<vmem>>, vector<16xf32>,
      tpu.vector_store %arg11[%swap3A_256, %swap3A_257], %gather3A {strides = array<i32>} : memref<128x64xf32, #tpu.memory_space<vmem>>, vector<16xf32>,
      %scan3A_259 = arith.constant 0 : i32
      scf.yield %scan3A_259 : i32
    }
    %scan3A_237 = arith.constant 128 : i32
    %add3A_238 = arith.constant 512 : i32
    %add3A_239 = arith.addi %mul3A_0, %add3A_238 : i32
    "tpu.region"() ({
      %run_scoped3A_240 = tpu.sem_alloc : memref<!tpu.dma_semaphore, #tpu.memory_space<semaphore_mem>>
      %dma_start3A_241 = arith.constant 0 : i32
      %dma_start3A_242 = tpu.memref_slice %arg6[%arg0, %add3A_239, %dma_start3A_241] : memref<2x10240x64xf32, #tpu.memory_space<hbm>> -> memref<1x128x64xf32, #tpu.memory_space<hbm>>
      %dma_start3A_243 = tpu.memref_squeeze %dma_start3A_242 : memref<1x128x64xf32, #tpu.memory_space<hbm>> -> memref<128x64xf32, #tpu.memory_space<hbm>>
      %dma_start3A_244 = arith.constant 0 : i32
      %dma_start3A_245 = tpu.memref_slice %arg6[%arg0, %add3A_239, %dma_start3A_244] : memref<2x10240x64xf32, #tpu.memory_space<hbm>> -> memref<1x128x64xf32, #tpu.memory_space<hbm>>
      %dma_start3A_246 = tpu.memref_squeeze %dma_start3A_245 : memref<1x128x64xf32, #tpu.memory_space<hbm>> -> memref<128x64xf32, #tpu.memory_space<hbm>>
      tpu.enqueue_dma source(%arg11 : memref<128x64xf32, #tpu.memory_space<vmem>>) target(%dma_start3A_246 : memref<128x64xf32, #tpu.memory_space<hbm>>) target_semaphore(%run_scoped3A_240 : memref<!tpu.dma_semaphore, #tpu.memory_space<semaphore_mem>>)
      %dma_wait3A_247 = arith.constant 0 : i32
      %dma_wait3A_248 = tpu.memref_slice %arg6[%arg0, %add3A_239, %dma_wait3A_247] : memref<2x10240x64xf32, #tpu.memory_space<hbm>> -> memref<1x128x64xf32, #tpu.memory_space<hbm>>
      %dma_wait3A_249 = tpu.memref_squeeze %dma_wait3A_248 : memref<1x128x64xf32, #tpu.memory_space<hbm>> -> memref<128x64xf32, #tpu.memory_space<hbm>>
      %dma_wait3A_250 = arith.constant 0 : i32
      %dma_wait3A_251 = tpu.memref_slice %arg6[%arg0, %add3A_239, %dma_wait3A_250] : memref<2x10240x64xf32, #tpu.memory_space<hbm>> -> memref<1x128x64xf32, #tpu.memory_space<hbm>>
      %dma_wait3A_252 = tpu.memref_squeeze %dma_wait3A_251 : memref<1x128x64xf32, #tpu.memory_space<hbm>> -> memref<128x64xf32, #tpu.memory_space<hbm>>
      tpu.wait_dma2 semaphore(%run_scoped3A_240 : memref<!tpu.dma_semaphore, #tpu.memory_space<semaphore_mem>>) src(%arg11 : memref<128x64xf32, #tpu.memory_space<vmem>>) dst(%dma_wait3A_252 : memref<128x64xf32, #tpu.memory_space<hbm>>)
      tpu.yield
    }) : () -> ()
    return
  }
}

module attributes {stable_mosaic.version = 14 : i64} {
  func.func @_tc_pre(%arg0: i32, %arg1: memref<2000x128xf32, #tpu.memory_space<vmem>>, %arg2: memref<128x128xf32, #tpu.memory_space<vmem>>, %arg3: memref<128x128xf32, #tpu.memory_space<vmem>>, %arg4: memref<1x128xf32, #tpu.memory_space<vmem>>, %arg5: memref<2x2000x64xf32, #tpu.memory_space<vmem>>, %arg6: memref<2000x128xf32, #tpu.memory_space<vmem>>) attributes {dimension_semantics = [#tpu.dimension_semantics<arbitrary>], iteration_bounds = array<i64: 5>, scalar_prefetch = 0 : i64, scratch_operands = 0 : i64, tpu.core_type = #tpu.core_type<tc>, window_params = [{transform_indices = @transform_0, window_bounds = array<i64: 2000, 128>}, {pipeline_mode = #tpu.pipeline_mode<synchronous>, transform_indices = @transform_1, window_bounds = array<i64: 128, 128>}, {pipeline_mode = #tpu.pipeline_mode<synchronous>, transform_indices = @transform_2, window_bounds = array<i64: 128, 128>}, {pipeline_mode = #tpu.pipeline_mode<synchronous>, transform_indices = @transform_3, window_bounds = array<i64: 1, 128>}, {transform_indices = @transform_4, window_bounds = array<i64: 2, 2000, 64>}, {transform_indices = @transform_5, window_bounds = array<i64: 2000, 128>}]} {
    %get3A = arith.constant 0 : index
    %get3A_0 = arith.constant 0 : index
    %get3A_1 = vector.load %arg1[%get3A, %get3A_0] : memref<2000x128xf32, #tpu.memory_space<vmem>>, vector<2000x128xf32>
    %get3A_2 = arith.constant 0 : index
    %get3A_3 = arith.constant 0 : index
    %get3A_4 = vector.load %arg2[%get3A_2, %get3A_3] : memref<128x128xf32, #tpu.memory_space<vmem>>, vector<128x128xf32>
    %dot_general3A = arith.constant dense<0.000000e+00> : vector<2000x128xf32>
    %dot_general3A_5 = tpu.matmul %get3A_1, %get3A_4, %dot_general3A {dimension_numbers = #tpu.dot_dimension_numbers<[1], [1], [0], [0], [0, 0, 1, 0], [], []>, transpose_lhs_hint = false} : vector<2000x128xf32>, vector<128x128xf32>, vector<2000x128xf32> -> vector<2000x128xf32>
    %slice3A = vector.extract_strided_slice %dot_general3A_5 {offsets = [0, 0], sizes = [2000, 64], strides = [1, 1]} : vector<2000x128xf32> to vector<2000x64xf32>
    %swap3A = arith.constant 0 : index
    %swap3A_6 = arith.constant 0 : index
    %swap3A_7 = arith.constant 0 : index
    %swap3A_8 = vector.load %arg5[%swap3A, %swap3A_6, %swap3A_7] : memref<2x2000x64xf32, #tpu.memory_space<vmem>>, vector<1x2000x64xf32>
    %swap3A_9 = vector.shape_cast %swap3A_8 : vector<1x2000x64xf32> to vector<2000x64xf32>
    %swap3A_10 = vector.shape_cast %slice3A : vector<2000x64xf32> to vector<1x2000x64xf32>
    tpu.vector_store %arg5[%swap3A, %swap3A_6, %swap3A_7], %swap3A_10 {strides = array<i32>} : memref<2x2000x64xf32, #tpu.memory_space<vmem>>, vector<1x2000x64xf32>,
    %slice3A_11 = vector.extract_strided_slice %dot_general3A_5 {offsets = [0, 64], sizes = [2000, 64], strides = [1, 1]} : vector<2000x128xf32> to vector<2000x64xf32>
    %swap3A_12 = arith.constant 1 : index
    %swap3A_13 = arith.constant 0 : index
    %swap3A_14 = arith.constant 0 : index
    %swap3A_15 = vector.load %arg5[%swap3A_12, %swap3A_13, %swap3A_14] : memref<2x2000x64xf32, #tpu.memory_space<vmem>>, vector<1x2000x64xf32>
    %swap3A_16 = vector.shape_cast %swap3A_15 : vector<1x2000x64xf32> to vector<2000x64xf32>
    %swap3A_17 = vector.shape_cast %slice3A_11 : vector<2000x64xf32> to vector<1x2000x64xf32>
    tpu.vector_store %arg5[%swap3A_12, %swap3A_13, %swap3A_14], %swap3A_17 {strides = array<i32>} : memref<2x2000x64xf32, #tpu.memory_space<vmem>>, vector<1x2000x64xf32>,
    %get3A_18 = arith.constant 0 : index
    %get3A_19 = arith.constant 0 : index
    %get3A_20 = vector.load %arg3[%get3A_18, %get3A_19] : memref<128x128xf32, #tpu.memory_space<vmem>>, vector<128x128xf32>
    %dot_general3A_21 = arith.constant dense<0.000000e+00> : vector<2000x128xf32>
    %dot_general3A_22 = tpu.matmul %get3A_1, %get3A_20, %dot_general3A_21 {dimension_numbers = #tpu.dot_dimension_numbers<[1], [1], [0], [0], [0, 0, 1, 0], [], []>, transpose_lhs_hint = false} : vector<2000x128xf32>, vector<128x128xf32>, vector<2000x128xf32> -> vector<2000x128xf32>
    %get3A_23 = arith.constant 0 : index
    %get3A_24 = arith.constant 0 : index
    %get3A_25 = vector.load %arg4[%get3A_23, %get3A_24] : memref<1x128xf32, #tpu.memory_space<vmem>>, vector<1x128xf32>
    %add3A = vector.broadcast %get3A_25 : vector<1x128xf32> to vector<2000x128xf32>
    %add3A_26 = arith.addf %dot_general3A_22, %add3A : vector<2000x128xf32>
    %swap3A_27 = arith.constant 0 : index
    %swap3A_28 = arith.constant 0 : index
    %swap3A_29 = vector.load %arg6[%swap3A_27, %swap3A_28] : memref<2000x128xf32, #tpu.memory_space<vmem>>, vector<2000x128xf32>
    tpu.vector_store %arg6[%swap3A_27, %swap3A_28], %add3A_26 {strides = array<i32>} : memref<2000x128xf32, #tpu.memory_space<vmem>>, vector<2000x128xf32>,
    return
  }
  func.func @transform_0(%arg0: i32) -> (i32, i32) {
    %c0_i32 = arith.constant 0 : i32
    %c0_i32_0 = arith.constant 0 : i32
    return %arg0, %c0_i32 : i32, i32
  }
  func.func @transform_1(%arg0: i32) -> (i32, i32) {
    %c0_i32 = arith.constant 0 : i32
    %c0_i32_0 = arith.constant 0 : i32
    %c0_i32_1 = arith.constant 0 : i32
    return %c0_i32, %c0_i32_0 : i32, i32
  }
  func.func @transform_2(%arg0: i32) -> (i32, i32) {
    %c0_i32 = arith.constant 0 : i32
    %c0_i32_0 = arith.constant 0 : i32
    %c0_i32_1 = arith.constant 0 : i32
    return %c0_i32, %c0_i32_0 : i32, i32
  }
  func.func @transform_3(%arg0: i32) -> (i32, i32) {
    %c0_i32 = arith.constant 0 : i32
    %c0_i32_0 = arith.constant 0 : i32
    %c0_i32_1 = arith.constant 0 : i32
    return %c0_i32, %c0_i32_0 : i32, i32
  }
  func.func @transform_4(%arg0: i32) -> (i32, i32, i32) {
    %c0_i32 = arith.constant 0 : i32
    %c0_i32_0 = arith.constant 0 : i32
    %c0_i32_1 = arith.constant 0 : i32
    return %c0_i32, %arg0, %c0_i32_0 : i32, i32, i32
  }
  func.func @transform_5(%arg0: i32) -> (i32, i32) {
    %c0_i32 = arith.constant 0 : i32
    %c0_i32_0 = arith.constant 0 : i32
    return %arg0, %c0_i32 : i32, i32
  }
}

module attributes {stable_mosaic.version = 14 : i64} {
  func.func @_tc_mid(%arg0: i32, %arg1: memref<2x2000x64xf32, #tpu.memory_space<vmem>>, %arg2: memref<2x2000x64xf32, #tpu.memory_space<vmem>>, %arg3: memref<2000x128xf32, #tpu.memory_space<vmem>>, %arg4: memref<1x128xf32, #tpu.memory_space<vmem>>, %arg5: memref<1x128xf32, #tpu.memory_space<vmem>>, %arg6: memref<128x128xf32, #tpu.memory_space<vmem>>, %arg7: memref<128x128xf32, #tpu.memory_space<vmem>>, %arg8: memref<1x128xf32, #tpu.memory_space<vmem>>, %arg9: memref<2000x128xf32, #tpu.memory_space<vmem>>, %arg10: memref<2x2000x64xf32, #tpu.memory_space<vmem>>, %arg11: memref<2000x128xf32, #tpu.memory_space<vmem>>, %arg12: memref<10000x128xf32, #tpu.memory_space<vmem>>, %arg13: memref<2x128xf32, #tpu.memory_space<vmem>>) attributes {dimension_semantics = [#tpu.dimension_semantics<arbitrary>], iteration_bounds = array<i64: 10>, scalar_prefetch = 0 : i64, scratch_operands = 2 : i64, tpu.core_type = #tpu.core_type<tc>, window_params = [{transform_indices = @transform_0, window_bounds = array<i64: 2, 2000, 64>}, {transform_indices = @transform_1, window_bounds = array<i64: 2, 2000, 64>}, {transform_indices = @transform_2, window_bounds = array<i64: 2000, 128>}, {pipeline_mode = #tpu.pipeline_mode<synchronous>, transform_indices = @transform_3, window_bounds = array<i64: 1, 128>}, {pipeline_mode = #tpu.pipeline_mode<synchronous>, transform_indices = @transform_4, window_bounds = array<i64: 1, 128>}, {pipeline_mode = #tpu.pipeline_mode<synchronous>, transform_indices = @transform_5, window_bounds = array<i64: 128, 128>}, {pipeline_mode = #tpu.pipeline_mode<synchronous>, transform_indices = @transform_6, window_bounds = array<i64: 128, 128>}, {pipeline_mode = #tpu.pipeline_mode<synchronous>, transform_indices = @transform_7, window_bounds = array<i64: 1, 128>}, {transform_indices = @transform_8, window_bounds = array<i64: 2000, 128>}, {transform_indices = @transform_9, window_bounds = array<i64: 2, 2000, 64>}, {transform_indices = @transform_10, window_bounds = array<i64: 2000, 128>}]} {
    %lt3A = arith.constant 5 : i32
    %lt3A_0 = arith.cmpi slt, %arg0, %lt3A : i32
    %convert_element_type3A = arith.extui %lt3A_0 : i1 to i32
    %cond3A = arith.constant 0 : i32
    %cond3A_1 = arith.cmpi ne, %convert_element_type3A, %cond3A : i32
    scf.if %cond3A_1 {
      %get3A = arith.constant 0 : index
      %get3A_6 = arith.constant 0 : index
      %get3A_7 = arith.constant 0 : index
      %get3A_8 = vector.load %arg2[%get3A, %get3A_6, %get3A_7] : memref<2x2000x64xf32, #tpu.memory_space<vmem>>, vector<1x2000x64xf32>
      %get3A_9 = vector.shape_cast %get3A_8 : vector<1x2000x64xf32> to vector<2000x64xf32>
      %get3A_10 = arith.constant 1 : index
      %get3A_11 = arith.constant 0 : index
      %get3A_12 = arith.constant 0 : index
      %get3A_13 = vector.load %arg2[%get3A_10, %get3A_11, %get3A_12] : memref<2x2000x64xf32, #tpu.memory_space<vmem>>, vector<1x2000x64xf32>
      %get3A_14 = vector.shape_cast %get3A_13 : vector<1x2000x64xf32> to vector<2000x64xf32>
      %add3A = arith.addf %get3A_9, %get3A_14 : vector<2000x64xf32>
      %concatenate3A = tpu.concatenate %add3A, %add3A in 1 : vector<2000x64xf32>, vector<2000x64xf32> -> vector<2000x128xf32>
      %get3A_15 = arith.constant 0 : index
      %get3A_16 = arith.constant 0 : index
      %get3A_17 = arith.constant 0 : index
      %get3A_18 = vector.load %arg1[%get3A_15, %get3A_16, %get3A_17] : memref<2x2000x64xf32, #tpu.memory_space<vmem>>, vector<1x2000x64xf32>
      %get3A_19 = vector.shape_cast %get3A_18 : vector<1x2000x64xf32> to vector<2000x64xf32>
      %get3A_20 = arith.constant 1 : index
      %get3A_21 = arith.constant 0 : index
      %get3A_22 = arith.constant 0 : index
      %get3A_23 = vector.load %arg1[%get3A_20, %get3A_21, %get3A_22] : memref<2x2000x64xf32, #tpu.memory_space<vmem>>, vector<1x2000x64xf32>
      %get3A_24 = vector.shape_cast %get3A_23 : vector<1x2000x64xf32> to vector<2000x64xf32>
      %concatenate3A_25 = tpu.concatenate %get3A_19, %get3A_24 in 1 : vector<2000x64xf32>, vector<2000x64xf32> -> vector<2000x128xf32>
      %max3A = arith.constant 1.000000e+00 : f32
      %max3A_26 = vector.broadcast %max3A : f32 to vector<2000x128xf32>
      %max3A_27 = arith.maximumf %concatenate3A, %max3A_26 : vector<2000x128xf32>
      %div3A = arith.constant 1.000000e+00 : f32
      %div3A_28 = vector.broadcast %div3A : f32 to vector<2000x128xf32>
      %div3A_29 = arith.divf %div3A_28, %max3A_27 : vector<2000x128xf32>
      %mul3A = arith.mulf %concatenate3A_25, %div3A_29 : vector<2000x128xf32>
      %get3A_30 = arith.constant 0 : index
      %get3A_31 = arith.constant 0 : index
      %get3A_32 = vector.load %arg3[%get3A_30, %get3A_31] : memref<2000x128xf32, #tpu.memory_space<vmem>>, vector<2000x128xf32>
      %add3A_33 = arith.addf %mul3A, %get3A_32 : vector<2000x128xf32>
      %mul3A_34 = arith.constant 2000 : i32
      %mul3A_35 = arith.muli %arg0, %mul3A_34 : i32
      %swap3A = arith.index_cast %mul3A_35 : i32 to index
      %swap3A_36 = arith.constant 0 : index
      %swap3A_37 = vector.load %arg12[%swap3A, %swap3A_36] : memref<10000x128xf32, #tpu.memory_space<vmem>>, vector<2000x128xf32>
      tpu.vector_store %arg12[%swap3A, %swap3A_36], %add3A_33 {strides = array<i32>} : memref<10000x128xf32, #tpu.memory_space<vmem>>, vector<2000x128xf32>,
      %swap3A_38 = arith.constant 0 : index
      %swap3A_39 = arith.constant 0 : index
      %swap3A_40 = vector.load %arg9[%swap3A_38, %swap3A_39] : memref<2000x128xf32, #tpu.memory_space<vmem>>, vector<2000x128xf32>
      tpu.vector_store %arg9[%swap3A_38, %swap3A_39], %div3A_29 {strides = array<i32>} : memref<2000x128xf32, #tpu.memory_space<vmem>>, vector<2000x128xf32>,
      %reduce_sum3A = arith.constant dense<0.000000e+00> : vector<128xf32>
      %reduce_sum3A_41 = vector.multi_reduction <add>, %add3A_33, %reduce_sum3A [0] : vector<2000x128xf32> to vector<128xf32>
      %broadcast_in_dim3A = vector.shape_cast %reduce_sum3A_41 : vector<128xf32> to vector<1x128xf32>
      %mul3A_42 = arith.mulf %add3A_33, %add3A_33 : vector<2000x128xf32>
      %reduce_sum3A_43 = arith.constant dense<0.000000e+00> : vector<128xf32>
      %reduce_sum3A_44 = vector.multi_reduction <add>, %mul3A_42, %reduce_sum3A_43 [0] : vector<2000x128xf32> to vector<128xf32>
      %broadcast_in_dim3A_45 = vector.shape_cast %reduce_sum3A_44 : vector<128xf32> to vector<1x128xf32>
      %concatenate3A_46 = tpu.concatenate %broadcast_in_dim3A, %broadcast_in_dim3A_45 in 0 : vector<1x128xf32>, vector<1x128xf32> -> vector<2x128xf32>
      %eq3A = arith.constant 0 : i32
      %eq3A_47 = arith.cmpi eq, %arg0, %eq3A : i32
      %convert_element_type3A_48 = arith.extui %eq3A_47 : i1 to i32
      %cond3A_49 = arith.constant 0 : i32
      %cond3A_50 = arith.cmpi ne, %convert_element_type3A_48, %cond3A_49 : i32
      scf.if %cond3A_50 {
        %swap3A_55 = arith.constant 0 : index
        %swap3A_56 = arith.constant 0 : index
        %swap3A_57 = vector.load %arg13[%swap3A_55, %swap3A_56] : memref<2x128xf32, #tpu.memory_space<vmem>>, vector<2x128xf32>
        tpu.vector_store %arg13[%swap3A_55, %swap3A_56], %concatenate3A_46 {strides = array<i32>} : memref<2x128xf32, #tpu.memory_space<vmem>>, vector<2x128xf32>,
      } else {
      }
      %gt3A = arith.constant 0 : i32
      %gt3A_51 = arith.cmpi sgt, %arg0, %gt3A : i32
      %convert_element_type3A_52 = arith.extui %gt3A_51 : i1 to i32
      %cond3A_53 = arith.constant 0 : i32
      %cond3A_54 = arith.cmpi ne, %convert_element_type3A_52, %cond3A_53 : i32
      scf.if %cond3A_54 {
        %get3A_55 = arith.constant 0 : index
        %get3A_56 = arith.constant 0 : index
        %get3A_57 = vector.load %arg13[%get3A_55, %get3A_56] : memref<2x128xf32, #tpu.memory_space<vmem>>, vector<2x128xf32>
        %add3A_58 = arith.addf %get3A_57, %concatenate3A_46 : vector<2x128xf32>
        %swap3A_59 = arith.constant 0 : index
        %swap3A_60 = arith.constant 0 : index
        %swap3A_61 = vector.load %arg13[%swap3A_59, %swap3A_60] : memref<2x128xf32, #tpu.memory_space<vmem>>, vector<2x128xf32>
        tpu.vector_store %arg13[%swap3A_59, %swap3A_60], %add3A_58 {strides = array<i32>} : memref<2x128xf32, #tpu.memory_space<vmem>>, vector<2x128xf32>,
      } else {
      }
    } else {
    }
    %ge3A = arith.constant 5 : i32
    %ge3A_2 = arith.cmpi sge, %arg0, %ge3A : i32
    %convert_element_type3A_3 = arith.extui %ge3A_2 : i1 to i32
    %cond3A_4 = arith.constant 0 : i32
    %cond3A_5 = arith.cmpi ne, %convert_element_type3A_3, %cond3A_4 : i32
    scf.if %cond3A_5 {
      %sub3A = arith.constant 5 : i32
      %sub3A_6 = arith.subi %arg0, %sub3A : i32
      %get3A = arith.constant 0 : index
      %get3A_7 = arith.constant 0 : index
      %get3A_8 = vector.load %arg13[%get3A, %get3A_7] : memref<2x128xf32, #tpu.memory_space<vmem>>, vector<1x128xf32>
      %div3A = arith.constant 1.000000e+04 : f32
      %div3A_9 = vector.broadcast %div3A : f32 to vector<1x128xf32>
      %div3A_10 = arith.divf %get3A_8, %div3A_9 : vector<1x128xf32>
      %get3A_11 = arith.constant 1 : index
      %get3A_12 = arith.constant 0 : index
      %get3A_13 = vector.load %arg13[%get3A_11, %get3A_12] : memref<2x128xf32, #tpu.memory_space<vmem>>, vector<1x128xf32>
      %div3A_14 = arith.constant 1.000000e+04 : f32
      %div3A_15 = vector.broadcast %div3A_14 : f32 to vector<1x128xf32>
      %div3A_16 = arith.divf %get3A_13, %div3A_15 : vector<1x128xf32>
      %mul3A = arith.mulf %div3A_10, %div3A_10 : vector<1x128xf32>
      %sub3A_17 = arith.subf %div3A_16, %mul3A : vector<1x128xf32>
      %add3A = arith.constant 9.99999974E-6 : f32
      %add3A_18 = vector.broadcast %add3A : f32 to vector<1x128xf32>
      %add3A_19 = arith.addf %sub3A_17, %add3A_18 : vector<1x128xf32>
      %rsqrt3A = math.rsqrt %add3A_19 : vector<1x128xf32>
      %get3A_20 = arith.constant 0 : index
      %get3A_21 = arith.constant 0 : index
      %get3A_22 = vector.load %arg4[%get3A_20, %get3A_21] : memref<1x128xf32, #tpu.memory_space<vmem>>, vector<1x128xf32>
      %mul3A_23 = arith.mulf %rsqrt3A, %get3A_22 : vector<1x128xf32>
      %mul3A_24 = arith.constant 2000 : i32
      %mul3A_25 = arith.muli %sub3A_6, %mul3A_24 : i32
      %get3A_26 = arith.index_cast %mul3A_25 : i32 to index
      %get3A_27 = arith.constant 0 : index
      %get3A_28 = vector.load %arg12[%get3A_26, %get3A_27] : memref<10000x128xf32, #tpu.memory_space<vmem>>, vector<2000x128xf32>
      %sub3A_29 = vector.broadcast %div3A_10 : vector<1x128xf32> to vector<2000x128xf32>
      %sub3A_30 = arith.subf %get3A_28, %sub3A_29 : vector<2000x128xf32>
      %mul3A_31 = vector.broadcast %mul3A_23 : vector<1x128xf32> to vector<2000x128xf32>
      %mul3A_32 = arith.mulf %sub3A_30, %mul3A_31 : vector<2000x128xf32>
      %get3A_33 = arith.constant 0 : index
      %get3A_34 = arith.constant 0 : index
      %get3A_35 = vector.load %arg5[%get3A_33, %get3A_34] : memref<1x128xf32, #tpu.memory_space<vmem>>, vector<1x128xf32>
      %add3A_36 = vector.broadcast %get3A_35 : vector<1x128xf32> to vector<2000x128xf32>
      %add3A_37 = arith.addf %mul3A_32, %add3A_36 : vector<2000x128xf32>
      %max3A = arith.constant 0.000000e+00 : f32
      %max3A_38 = vector.broadcast %max3A : f32 to vector<2000x128xf32>
      %max3A_39 = arith.maximumf %add3A_37, %max3A_38 : vector<2000x128xf32>
      %get3A_40 = arith.constant 0 : index
      %get3A_41 = arith.constant 0 : index
      %get3A_42 = vector.load %arg6[%get3A_40, %get3A_41] : memref<128x128xf32, #tpu.memory_space<vmem>>, vector<128x128xf32>
      %dot_general3A = arith.constant dense<0.000000e+00> : vector<2000x128xf32>
      %dot_general3A_43 = tpu.matmul %max3A_39, %get3A_42, %dot_general3A {dimension_numbers = #tpu.dot_dimension_numbers<[1], [1], [0], [0], [0, 0, 1, 0], [], []>, transpose_lhs_hint = false} : vector<2000x128xf32>, vector<128x128xf32>, vector<2000x128xf32> -> vector<2000x128xf32>
      %slice3A = vector.extract_strided_slice %dot_general3A_43 {offsets = [0, 0], sizes = [2000, 64], strides = [1, 1]} : vector<2000x128xf32> to vector<2000x64xf32>
      %swap3A = arith.constant 0 : index
      %swap3A_44 = arith.constant 0 : index
      %swap3A_45 = arith.constant 0 : index
      %swap3A_46 = vector.load %arg10[%swap3A, %swap3A_44, %swap3A_45] : memref<2x2000x64xf32, #tpu.memory_space<vmem>>, vector<1x2000x64xf32>
      %swap3A_47 = vector.shape_cast %swap3A_46 : vector<1x2000x64xf32> to vector<2000x64xf32>
      %swap3A_48 = vector.shape_cast %slice3A : vector<2000x64xf32> to vector<1x2000x64xf32>
      tpu.vector_store %arg10[%swap3A, %swap3A_44, %swap3A_45], %swap3A_48 {strides = array<i32>} : memref<2x2000x64xf32, #tpu.memory_space<vmem>>, vector<1x2000x64xf32>,
      %slice3A_49 = vector.extract_strided_slice %dot_general3A_43 {offsets = [0, 64], sizes = [2000, 64], strides = [1, 1]} : vector<2000x128xf32> to vector<2000x64xf32>
      %swap3A_50 = arith.constant 1 : index
      %swap3A_51 = arith.constant 0 : index
      %swap3A_52 = arith.constant 0 : index
      %swap3A_53 = vector.load %arg10[%swap3A_50, %swap3A_51, %swap3A_52] : memref<2x2000x64xf32, #tpu.memory_space<vmem>>, vector<1x2000x64xf32>
      %swap3A_54 = vector.shape_cast %swap3A_53 : vector<1x2000x64xf32> to vector<2000x64xf32>
      %swap3A_55 = vector.shape_cast %slice3A_49 : vector<2000x64xf32> to vector<1x2000x64xf32>
      tpu.vector_store %arg10[%swap3A_50, %swap3A_51, %swap3A_52], %swap3A_55 {strides = array<i32>} : memref<2x2000x64xf32, #tpu.memory_space<vmem>>, vector<1x2000x64xf32>,
      %get3A_56 = arith.constant 0 : index
      %get3A_57 = arith.constant 0 : index
      %get3A_58 = vector.load %arg7[%get3A_56, %get3A_57] : memref<128x128xf32, #tpu.memory_space<vmem>>, vector<128x128xf32>
      %dot_general3A_59 = arith.constant dense<0.000000e+00> : vector<2000x128xf32>
      %dot_general3A_60 = tpu.matmul %max3A_39, %get3A_58, %dot_general3A_59 {dimension_numbers = #tpu.dot_dimension_numbers<[1], [1], [0], [0], [0, 0, 1, 0], [], []>, transpose_lhs_hint = false} : vector<2000x128xf32>, vector<128x128xf32>, vector<2000x128xf32> -> vector<2000x128xf32>
      %get3A_61 = arith.constant 0 : index
      %get3A_62 = arith.constant 0 : index
      %get3A_63 = vector.load %arg8[%get3A_61, %get3A_62] : memref<1x128xf32, #tpu.memory_space<vmem>>, vector<1x128xf32>
      %add3A_64 = vector.broadcast %get3A_63 : vector<1x128xf32> to vector<2000x128xf32>
      %add3A_65 = arith.addf %dot_general3A_60, %add3A_64 : vector<2000x128xf32>
      %swap3A_66 = arith.constant 0 : index
      %swap3A_67 = arith.constant 0 : index
      %swap3A_68 = vector.load %arg11[%swap3A_66, %swap3A_67] : memref<2000x128xf32, #tpu.memory_space<vmem>>, vector<2000x128xf32>
      tpu.vector_store %arg11[%swap3A_66, %swap3A_67], %add3A_65 {strides = array<i32>} : memref<2000x128xf32, #tpu.memory_space<vmem>>, vector<2000x128xf32>,
    } else {
    }
    return
  }
  func.func @transform_0(%arg0: i32) -> (i32, i32, i32) {
    %min3A = arith.constant 4 : i32
    %min3A_0 = arith.minsi %arg0, %min3A : i32
    %c0_i32 = arith.constant 0 : i32
    %c0_i32_1 = arith.constant 0 : i32
    %c0_i32_2 = arith.constant 0 : i32
    return %c0_i32, %min3A_0, %c0_i32_1 : i32, i32, i32
  }
  func.func @transform_1(%arg0: i32) -> (i32, i32, i32) {
    %min3A = arith.constant 4 : i32
    %min3A_0 = arith.minsi %arg0, %min3A : i32
    %c0_i32 = arith.constant 0 : i32
    %c0_i32_1 = arith.constant 0 : i32
    %c0_i32_2 = arith.constant 0 : i32
    return %c0_i32, %min3A_0, %c0_i32_1 : i32, i32, i32
  }
  func.func @transform_2(%arg0: i32) -> (i32, i32) {
    %min3A = arith.constant 4 : i32
    %min3A_0 = arith.minsi %arg0, %min3A : i32
    %c0_i32 = arith.constant 0 : i32
    %c0_i32_1 = arith.constant 0 : i32
    return %min3A_0, %c0_i32 : i32, i32
  }
  func.func @transform_3(%arg0: i32) -> (i32, i32) {
    %c0_i32 = arith.constant 0 : i32
    %c0_i32_0 = arith.constant 0 : i32
    %c0_i32_1 = arith.constant 0 : i32
    return %c0_i32, %c0_i32_0 : i32, i32
  }
  func.func @transform_4(%arg0: i32) -> (i32, i32) {
    %c0_i32 = arith.constant 0 : i32
    %c0_i32_0 = arith.constant 0 : i32
    %c0_i32_1 = arith.constant 0 : i32
    return %c0_i32, %c0_i32_0 : i32, i32
  }
  func.func @transform_5(%arg0: i32) -> (i32, i32) {
    %c0_i32 = arith.constant 0 : i32
    %c0_i32_0 = arith.constant 0 : i32
    %c0_i32_1 = arith.constant 0 : i32
    return %c0_i32, %c0_i32_0 : i32, i32
  }
  func.func @transform_6(%arg0: i32) -> (i32, i32) {
    %c0_i32 = arith.constant 0 : i32
    %c0_i32_0 = arith.constant 0 : i32
    %c0_i32_1 = arith.constant 0 : i32
    return %c0_i32, %c0_i32_0 : i32, i32
  }
  func.func @transform_7(%arg0: i32) -> (i32, i32) {
    %c0_i32 = arith.constant 0 : i32
    %c0_i32_0 = arith.constant 0 : i32
    %c0_i32_1 = arith.constant 0 : i32
    return %c0_i32, %c0_i32_0 : i32, i32
  }
  func.func @transform_8(%arg0: i32) -> (i32, i32) {
    %min3A = arith.constant 4 : i32
    %min3A_0 = arith.minsi %arg0, %min3A : i32
    %c0_i32 = arith.constant 0 : i32
    %c0_i32_1 = arith.constant 0 : i32
    return %min3A_0, %c0_i32 : i32, i32
  }
  func.func @transform_9(%arg0: i32) -> (i32, i32, i32) {
    %sub3A = arith.constant 5 : i32
    %sub3A_0 = arith.subi %arg0, %sub3A : i32
    %max3A = arith.constant 0 : i32
    %max3A_1 = arith.maxsi %sub3A_0, %max3A : i32
    %c0_i32 = arith.constant 0 : i32
    %c0_i32_2 = arith.constant 0 : i32
    %c0_i32_3 = arith.constant 0 : i32
    return %c0_i32, %max3A_1, %c0_i32_2 : i32, i32, i32
  }
  func.func @transform_10(%arg0: i32) -> (i32, i32) {
    %sub3A = arith.constant 5 : i32
    %sub3A_0 = arith.subi %arg0, %sub3A : i32
    %max3A = arith.constant 0 : i32
    %max3A_1 = arith.maxsi %sub3A_0, %max3A : i32
    %c0_i32 = arith.constant 0 : i32
    %c0_i32_2 = arith.constant 0 : i32
    return %max3A_1, %c0_i32 : i32, i32
  }
}

module attributes {stable_mosaic.version = 14 : i64} {
  func.func @_tc_fin(%arg0: i32, %arg1: memref<2x2000x64xf32, #tpu.memory_space<vmem>>, %arg2: memref<2000x128xf32, #tpu.memory_space<vmem>>, %arg3: memref<2000x128xf32, #tpu.memory_space<vmem>>, %arg4: memref<2000x128xf32, #tpu.memory_space<vmem>>) attributes {dimension_semantics = [#tpu.dimension_semantics<arbitrary>], iteration_bounds = array<i64: 5>, scalar_prefetch = 0 : i64, scratch_operands = 0 : i64, tpu.core_type = #tpu.core_type<tc>, window_params = [{transform_indices = @transform_0, window_bounds = array<i64: 2, 2000, 64>}, {transform_indices = @transform_1, window_bounds = array<i64: 2000, 128>}, {transform_indices = @transform_2, window_bounds = array<i64: 2000, 128>}, {transform_indices = @transform_3, window_bounds = array<i64: 2000, 128>}]} {
    %get3A = arith.constant 0 : index
    %get3A_0 = arith.constant 0 : index
    %get3A_1 = arith.constant 0 : index
    %get3A_2 = vector.load %arg1[%get3A, %get3A_0, %get3A_1] : memref<2x2000x64xf32, #tpu.memory_space<vmem>>, vector<1x2000x64xf32>
    %get3A_3 = vector.shape_cast %get3A_2 : vector<1x2000x64xf32> to vector<2000x64xf32>
    %get3A_4 = arith.constant 1 : index
    %get3A_5 = arith.constant 0 : index
    %get3A_6 = arith.constant 0 : index
    %get3A_7 = vector.load %arg1[%get3A_4, %get3A_5, %get3A_6] : memref<2x2000x64xf32, #tpu.memory_space<vmem>>, vector<1x2000x64xf32>
    %get3A_8 = vector.shape_cast %get3A_7 : vector<1x2000x64xf32> to vector<2000x64xf32>
    %concatenate3A = tpu.concatenate %get3A_3, %get3A_8 in 1 : vector<2000x64xf32>, vector<2000x64xf32> -> vector<2000x128xf32>
    %get3A_9 = arith.constant 0 : index
    %get3A_10 = arith.constant 0 : index
    %get3A_11 = vector.load %arg2[%get3A_9, %get3A_10] : memref<2000x128xf32, #tpu.memory_space<vmem>>, vector<2000x128xf32>
    %mul3A = arith.mulf %concatenate3A, %get3A_11 : vector<2000x128xf32>
    %get3A_12 = arith.constant 0 : index
    %get3A_13 = arith.constant 0 : index
    %get3A_14 = vector.load %arg3[%get3A_12, %get3A_13] : memref<2000x128xf32, #tpu.memory_space<vmem>>, vector<2000x128xf32>
    %add3A = arith.addf %mul3A, %get3A_14 : vector<2000x128xf32>
    %swap3A = arith.constant 0 : index
    %swap3A_15 = arith.constant 0 : index
    %swap3A_16 = vector.load %arg4[%swap3A, %swap3A_15] : memref<2000x128xf32, #tpu.memory_space<vmem>>, vector<2000x128xf32>
    tpu.vector_store %arg4[%swap3A, %swap3A_15], %add3A {strides = array<i32>} : memref<2000x128xf32, #tpu.memory_space<vmem>>, vector<2000x128xf32>,
    return
  }
  func.func @transform_0(%arg0: i32) -> (i32, i32, i32) {
    %c0_i32 = arith.constant 0 : i32
    %c0_i32_0 = arith.constant 0 : i32
    %c0_i32_1 = arith.constant 0 : i32
    return %c0_i32, %arg0, %c0_i32_0 : i32, i32, i32
  }
  func.func @transform_1(%arg0: i32) -> (i32, i32) {
    %c0_i32 = arith.constant 0 : i32
    %c0_i32_0 = arith.constant 0 : i32
    return %arg0, %c0_i32 : i32, i32
  }
  func.func @transform_2(%arg0: i32) -> (i32, i32) {
    %c0_i32 = arith.constant 0 : i32
    %c0_i32_0 = arith.constant 0 : i32
    return %arg0, %c0_i32 : i32, i32
  }
  func.func @transform_3(%arg0: i32) -> (i32, i32) {
    %c0_i32 = arith.constant 0 : i32
    %c0_i32_0 = arith.constant 0 : i32
    return %arg0, %c0_i32 : i32, i32
  }
}

</mosaic_0001>

<sc_bundles>
// kernel: kernel.10.cloned.1.call-start
scs
__scs_entry_jumppad:
0x0: {  	(pc) =	sbr.rel $0x88, $3  }
0x1: {  	(tag) =	ssettag $0x0;
	lr =	simm.s32 $0x1  }
0x2: {  	[smem:$0x3F97] =	sst lr;
	_ =	strace $0xD0000000  }
0x3: {  	_ = 	snop  }
0x4: {  	_ = 	snop  }
0x5: {  	_ = 	snop  }
0x6: {  	_ = 	snop  }
0x7: {  	_ = 	snop  }
__scs_overlays_trampoline_lowered:
0x8: {  	[smem:$0x3FA6] =	sst s0  }
0x9: {  	[smem:$0x3FA7] =	sst s1  }
0xa: {  	[smem:$0x3FA8] =	sst s2  }
0xb: {  	[smem:$0x3FA9] =	sst s3  }
0xc: {  	[smem:$0x3FAA] =	sst s4  }
0xd: {  	[smem:$0x3FAB] =	sst s5  }
0xe: {  	[smem:$0x3FAC] =	sst s6  }
0xf: {  	[smem:$0x3FAD] =	sst s7  }
0x10: {  	[smem:$0x3FAE] =	sst s8  }
0x11: {  	[smem:$0x3FAF] =	sst s9;
	s0 =	simm.s32 @!p0 $0x0  }
0x12: {  	s1 =	sld [smem:$0x3F95];
	s0 =	simm.s32 @p0 $0x1  }
0x13: {  	[smem:$0x3FB0] =	sst s0;
	s0 =	simm.s32 @!p1 $0x0  }
0x14: {  	s2 =	sld [smem:$0x3F94];
	s0 =	simm.s32 @p1 $0x1  }
0x15: {  	[smem:$0x3FB1] =	sst s0;
	s0 =	simm.s32 @!p2 $0x0  }
0x16: {  	s3 =	sld [smem:$0x3FDB];
	s0 =	simm.s32 @p2 $0x1  }
0x17: {  	s4 =	simm.s32 $0x1BF5;
	[smem:$0x3FB3] =	sst s0  }
0x18: {  	s0 =	sld [smem:$0x3F96];
	_ =	swait.ge [sflag:s4], $0x0  }
0x19: {  	s7 =	sld [smem:$0x3F97]  }
0x1a: {  	s8 =	sadd.s32 $0xFFFFE003, lr  }
0x1b: {  	s9 =	sadd.s32 $0xFFFFFEF7, lr;
	s5 =	simm.s32 $0xFFFFFFFF;
	p2 =	slt.u32 s8, $0xFFFFF086  }
0x1c: {  	p1 =	slt.u32 s9, $0xF7A;
	s5 =	simm.s32 @!p2 $0x0  }
0x1d: {  	s5 =	simm.s32 @p1 $0x1;
	p0 =	seq.s32 s7, s2  }
0x1e: {  	s7 =	smul.u32 @!p0 $0xF7A, s2;
	p2 =	seq.s32 @!p0 s5, $0x0  }
0x1f: {  	s9 =	smul.u32 $0xF7A, s1;
	s8 =	simm.s32 @!p0 $0x1BF5;
	p2 =	por !p2, p0  }
0x20: {  	[sflag:s8] =	ssyncset.s32 @!p0 $0xFFFFF086;
	s6 =	sadd.s32 @!p0 s3, s7;
	s7 =	simm.s32 @!p0 $0x108  }
0x21: {  	s3 =	sadd.s32 s3, s9;
	s6 =	sadd.s32 @!p0 $0x88, s6;
	s7 =	simm.s32 @p2 $0x1082  }
0x22: {  	[simem:s7], [sflag:s8] =	dma.local @!p0 [hbm:s6], $0xF7A  }
0x23: {  	s9 =	sor.u32 $0xD0000000, s2;
	s6 =	simm.s32 $0x108;
	_ =	swait.ge @!p0 [sflag:s8], $0x0  }
0x24: {  	s3 =	sadd.s32 $0x88, s3;
	s6 =	simm.s32 @!p1 $0x1082;
	[sflag:s4] =	ssyncset.s32 $0xFFFFF086  }
0x25: {  	[simem:s6], [sflag:s4] =	dma.local [hbm:s3], $0xF7A  }
0x26: {  	[smem:$0x3F97] =	sst s1;
	(tag) =	ssettag s2;
	_ =	strace s9  }
0x27: {  	s1 =	sld [smem:$0x3FA7]  }
0x28: {  	s2 =	sld [smem:$0x3FA8]  }
0x29: {  	s4 =	sld [smem:$0x3FAA]  }
0x2a: {  	p0 =	seq.s32 s5, $0x0;
	s5 =	sld [smem:$0x3FAB]  }
0x2b: {  	s6 =	sld [smem:$0x3FAC]  }
0x2c: {  	s7 =	sld [smem:$0x3FAD]  }
0x2d: {  	s3 =	simm.s32 $0x108;
	s8 =	sld [smem:$0x3FAE]  }
0x2e: {  	s3 =	simm.s32 @!p0 $0x1082;
	s9 =	sld [smem:$0x3FAF]  }
0x2f: {  	lr =	sadd.s32 s0, s3;
	s0 =	sld [smem:$0x3FA6]  }
0x30: {  	s3 =	sld [smem:$0x3FA9]  }
0x31: {  	[smem:$0x3FB2] =	sst s10  }
0x32: {  	s10 =	sld [smem:$0x3FB0];
	_ =	sdelay $0x3  }
0x33: {  	p0 =	seq.s32 s10, $0x1;
	s10 =	sld [smem:$0x3FB2];
	_ =	sdelay $0x3  }
0x34: {  	[smem:$0x3FB2] =	sst s10  }
0x35: {  	s10 =	sld [smem:$0x3FB1];
	_ =	sdelay $0x3  }
0x36: {  	p1 =	seq.s32 s10, $0x1;
	s10 =	sld [smem:$0x3FB2];
	_ =	sdelay $0x3  }
0x37: {  	[smem:$0x3FB2] =	sst s10  }
0x38: {  	s10 =	sld [smem:$0x3FB3]  }
0x39: {  	_ = 	snop;
	(pc) =	sbr.ind lr, $3  }
0x3a: {  	_ = 	snop  }
0x3b: {  	_ = 	snop  }
0x3c: {  	p2 =	seq.s32 s10, $0x1;
	s10 =	sld [smem:$0x3FB2]  }
0x3d: {  	_ =	shalt  }
0x3e: {  	_ =	shalt  }
0x3f: {  	_ =	shalt  }
0x40: {  	_ =	shalt  }
0x41: {  	_ =	shalt  }
0x42: {  	_ =	shalt  }
0x43: {  	_ =	shalt  }
0x44: {  	_ =	shalt  }
0x45: {  	_ =	shalt  }
0x46: {  	_ =	shalt  }
0x47: {  	_ =	shalt  }
0x48: {  	_ =	shalt  }
0x49: {  	_ =	shalt  }
0x4a: {  	_ =	shalt  }
0x4b: {  	_ =	shalt  }
0x4c: {  	_ =	shalt  }
0x4d: {  	_ =	shalt  }
0x4e: {  	_ =	shalt  }
0x4f: {  	_ =	shalt  }
0x50: {  	_ =	shalt  }
0x51: {  	_ =	shalt  }
0x52: {  	_ =	shalt  }
0x53: {  	_ =	shalt  }
0x54: {  	_ =	shalt  }
0x55: {  	_ =	shalt  }
0x56: {  	_ =	shalt  }
0x57: {  	_ =	shalt  }
0x58: {  	_ =	shalt  }
0x59: {  	_ =	shalt  }
0x5a: {  	_ =	shalt  }
0x5b: {  	_ =	shalt  }
0x5c: {  	_ =	shalt  }
0x5d: {  	_ =	shalt  }
0x5e: {  	_ =	shalt  }
0x5f: {  	_ =	shalt  }
0x60: {  	_ =	shalt  }
0x61: {  	_ =	shalt  }
0x62: {  	_ =	shalt  }
0x63: {  	_ =	shalt  }
0x64: {  	_ =	shalt  }
0x65: {  	_ =	shalt  }
0x66: {  	_ =	shalt  }
0x67: {  	_ =	shalt  }
0x68: {  	_ =	shalt  }
0x69: {  	_ =	shalt  }
0x6a: {  	_ =	shalt  }
0x6b: {  	_ =	shalt  }
0x6c: {  	_ =	shalt  }
0x6d: {  	_ =	shalt  }
0x6e: {  	_ =	shalt  }
0x6f: {  	_ =	shalt  }
0x70: {  	_ =	shalt  }
0x71: {  	_ =	shalt  }
0x72: {  	_ =	shalt  }
0x73: {  	_ =	shalt  }
0x74: {  	_ =	shalt  }
0x75: {  	_ =	shalt  }
0x76: {  	_ =	shalt  }
0x77: {  	_ =	shalt  }
0x78: {  	_ =	shalt  }
0x79: {  	_ =	shalt  }
0x7a: {  	_ =	shalt  }
0x7b: {  	_ =	shalt  }
0x7c: {  	_ =	shalt  }
0x7d: {  	_ =	shalt  }
0x7e: {  	_ =	shalt  }
0x7f: {  	_ =	shalt  }
0x80: {  	_ =	shalt  }
0x81: {  	_ =	shalt  }
0x82: {  	_ =	shalt  }
0x83: {  	_ =	shalt  }
0x84: {  	_ =	shalt  }
0x85: {  	_ =	shalt  }
0x86: {  	_ =	shalt  }
0x87: {  	_ =	shalt  }
.Lfunc_end0:
.L_simem_size_0:
called_computation.1_lowered:
.L_overlay_start_0:
0x88: {  	s2 =	sld [smem:$0x3FD9]  }
0x89: {  	s3 =	sld [smem:$0x3FFE];
	_ =	sdelay $0x1  }
0x8a: {  	s1 =	srdreg.scid  }
0x8b: {  	s0 =	sand.u32 $0x1, s1  }
0x8c: {  	s17 =	sshll.u32 s0, $0xA;
	s2 =	sadd.s32 s3, s2  }
0x8d: {  	s2 =	sadd.s32 s2, s17  }
0x8e: {  	[smem:$0x3FBE] =	sst s2  }
0x8f: {  	_ = 	snop  }
0x90: {  	s2 =	sld [smem:$0x3FD0];
	(tm) =	ssettm $0x1  }
0x91: {  	s18 =	sld [smem:$0x3FFB];
	_ =	sdelay $0x3  }
0x92: {  	_ =	strace s18  }
0x93: {  	s3 =	sld [smem:$0x3FFC];
	_ =	sdelay $0x3  }
0x94: {  	_ =	strace s3  }
0x95: {  	s3 =	sld [smem:$0x3FFD];
	_ =	sdelay $0x3  }
0x96: {  	_ =	strace s3  }
0x97: {  	_ =	strace $0x8FFFFFFF  }
0x98: {  	s19 =	sld [smem:$0x3FDB];
	_ =	sdelay $0x1  }
0x99: {  	s4 =	simm.s32 $_scs_section_size  }
0x9a: {  	s5 =	simm.s32 $_size__tile_overlayer_lowered;
	s6 =	simm.s32 $_tile_overlayer_lowered  }
0x9b: {  	s22 =	simm.s32 $0x1BFF;
	s21 =	sshll.u32 s6, $0x1;
	s3 =	sadd.s32 s4, s19  }
0x9c: {  	s7 =	simm.s32 $0x0;
	s20 =	sshll.u32 s5, $0x1;
	s5 =	sadd.s32 s21, s3  }
0x9d: {  	[timem:s7], [sflag:s22] =	dma.local [hbm:s5], s20  }
0x9e: {  	_ =	swait.ge [sflag:s22], s20  }
0x9f: {  	s4 =	ssub.s32 $0x0, s20;
	[sflag:s22] =	ssyncset.done $0x0  }
0xa0: {  	[sflag:s22] =	ssyncadd.s32 s4;
	_ =	sdelay $0x1  }
0xa1: {  	s23 =	simm.s32 $0x1B8B  }
0xa2: {  	_ =	swait.ge [sflag:s23], $0x1  }
0xa3: {  	[sflag:s23] =	ssyncset.done $0x0  }
0xa4: {  	s25 =	simm.s32 $0x1B8E;
	s24 =	sld [smem:$0x3FFE];
	[sflag:s23] =	ssyncadd.s32 $0xFFFFFFFF  }
0xa5: {  	s26 =	simm.s32 $execute0_lowered;
	[smem:$0x3FD2] =	sst s25  }
0xa6: {  	s5 =	sshll.u32 s26, $0x1;
	_ =	strace $0x80000049;
	[dreg:$0x1] =	wrdreg $0xFFFFFFFF  }
0xa7: {  	s28 =	simm.s32 $_size_execute0_lowered;
	s3 =	sadd.s32 s3, s5;
	[dreg:$0x0] =	wrdreg $0x0  }
0xa8: {  	s5 =	sshll.u32 s28, $0x1;
	[dreg:$0x2] =	wrdreg s3  }
0xa9: {  	[dreg:$0x3] =	wrdreg s5  }
0xaa: {  	[dreg:$0x4] =	wrdreg $0xC0  }
0xab: {  	_ =	task [dreg:s7], $0x5FFFF  }
0xac: {  	[dreg:$0x1] =	wrdreg $0xFFFFFFFF  }
0xad: {  	[dreg:$0x0] =	wrdreg $0x60  }
0xae: {  	[dreg:$0x2] =	wrdreg s2  }
0xaf: {  	[dreg:$0x3] =	wrdreg s24  }
0xb0: {  	[dreg:$0x4] =	wrdreg $0xE4400  }
0xb1: {  	[dreg:$0x5] =	wrdreg $0x9  }
0xb2: {  	_ =	task.clear_ibuf [dreg:s7], $0x6FFFF;
	_ =	strace $0x90000049  }
0xb3: {  	s29 =	simm.s32 $0x9;
	_ =	strace $0x8000004B  }
0xb4: {  	_ =	swait.ge [sflag:s29], $0x1  }
0xb5: {  	[sflag:s29] =	ssyncadd.s32 $0xFFFFFFFF  }
0xb6: {  	_ =	strace $0x9000004B  }
0xb7: {  	_ =	sfence  }
0xb8: {  	s30 =	sld [smem:$0x0];
	_ =	sdelay $0x2  }
0xb9: {  	s31 =	sshll.u32 s1, $0xD;
	s1 =	sshrl.u32 s1, $0x2  }
0xba: {  	s3 =	sand.u32 $0x4000, s31;
	s1 =	sadd.s32 s1, s30  }
0xbb: {  	s0 =	sor.u32 s3, s0;
	s1 =	sshll.u32 s1, $0x11  }
0xbc: {  	s0 =	sor.u32 s1, s0  }
0xbd: {  	s0 =	sadd.s32 $0x8F2B, s0  }
0xbe: {  	[sflag:s0] =	ssyncadd.remote.s32 $0x1  }
0xbf: {  	_ =	sfence.sel $0xFFFF  }
0xc0: {  	[dreg:$0x0] =	wrdreg $0xFFFFFFFF;
	(pc) =	sbr.abs _section_cstart, $3  }
0xc1: {  	[dreg:$0x1] =	wrdreg $0xFFFFFFFF  }
0xc2: {  	_ =	task.clear_ibuf [dreg:s7], $0x2FFFF;
	_ =	strace $0x9FFFFFFF  }
0xc3: {  	(tm) =	ssettm $0x7FFFFFFF  }
tec
execute0_lowered:
.L_overlay_start_1:
0x0: {  	(tag) =	ssettag $0x1  }
0x1: {  	s0 =	rddreg [dreg:$0x0]  }
0x2: {  	s1 =	rddreg [dreg:$0x1]  }
0x3: {  	s2 =	rddreg [dreg:$0x2]  }
0x4: {  	s4 =	srdreg.scid;
	s3 =	simm.s32 $0x0;
	s7 =	stileid.u32  }
0x5: {  	s20 =	simm.s32 $0x4E20;
	s21 =	simm.s32 $0x50;
	s22 =	simm.s32 $0x9C40  }
0x6: {  	s23 =	simm.s32 $0xB040;
	s28 =	simm.s32 $0x2;
	s24 =	smul.u32 $0x9C4, s7  }
0x7: {  	s30 =	simm.s32 $0x4;
	s10 =	sand.u32 $0x1, s4;
	s11 =	smul.u32 $0xA000, s7  }
0x8: {  	[smem:$0x7FF] =	sst s3;
	s5 =	ssub.s32 $0x2, s10;
	s18 =	smul.u32 $0xA0000, s10  }
0x9: {  	_ =	strace $0x8000004A;
	s19 =	smul.u32 $0x13880, s10;
	s6 =	sshrl.u32 s5, $0x1  }
0xa: {  	s12 =	sadd.s32 s24, s1;
	s1 =	sadd.s32 $0x15800, s1;
	s4 =	sadd.s32 s11, s2  }
0xb: {  	s13 =	sadd.s32 $0x2000, s11;
	s14 =	sadd.s32 $0x4000, s11;
	s15 =	sadd.s32 $0x6000, s11  }
0xc: {  	s16 =	sadd.s32 $0x8000, s11;
	s24 =	simm.s32 $0x1;
	s17 =	ssub.s32 s5, s6  }
0xd: {  	s5 =	sadd.s32 s13, s2;
	s6 =	sadd.s32 s14, s2;
	s7 =	sadd.s32 s15, s2  }
0xe: {  	s8 =	sadd.s32 s16, s2;
	s9 =	sadd.s32 $0xBA00, s12;
	s10 =	sadd.s32 $0x1C00, s12  }
0xf: {  	s25 =	sadd.s32 s11, s18;
	s13 =	sadd.s32 s18, s13;
	s11 =	sadd.s32 s0, s19  }
0x10: {  	s29 =	sadd.s32 s18, s14;
	s15 =	sadd.s32 s18, s15;
	s16 =	sadd.s32 s18, s16  }
0x11: {  	s18 =	simm.s32 $0xC440;
	s19 =	simm.s32 $0x5;
	s26 =	sshrl.u32 s25, $0x3  }
0x12: {  	s13 =	sshrl.u32 s13, $0x3;
	s0 =	sshrl.u32 s29, $0x3;
	s31 =	sshrl.u32 s15, $0x3  }
0x13: {  	s16 =	sshrl.u32 s16, $0x3;
	s17 =	smax.u32 s17, $0x1;
	s25 =	simm.s32 $0x3  }
0x14: {  	s12 =	sadd.s32 s1, s26;
	s13 =	sadd.s32 s1, s13;
	s14 =	sadd.s32 s1, s0  }
0x15: {  	v0 =	vimm.f32 $0.0e+00;
	s15 =	sadd.s32 s1, s31;
	s16 =	sadd.s32 s1, s16;
	s1 =	simm.s32 $0x0  }
.LBB2_1:
0x16: {  	s26 =	sand.u32 $0x7F00, s3  }
0x17: {  	s29 =	sand.u32 $0x30, s3;
	s31 =	sshrl.u32 s26, $0x2  }
0x18: {  	s26 =	simm.s32 $0x40;
	s31 =	sor.u32 s29, s31;
	s29 =	simm.s32 $0x0  }
.LBB2_2:
0x19: {  	p0 =	sne.s32 s26, $0x7FC0  }
0x1a: {  	[tilespmem:s31+$0xC440] =	vst v0;
	s29 =	sadd.s32 $0x10, s29;
	s31 =	smov.u32 s26;
	s26 =	sadd.s32 $0x40, s26  }
.Ltmp0:
0x1b: {  	(pc) =	sbr.rel @p0 .LBB2_2-.Ltmp0, $4  }
0x1c: {  	_ = 	snop  }
0x1d: {  	s31 =	sand.u32 $0x7F00, s31  }
0x1e: {  	s0 =	sand.u32 $0x30, s29;
	s31 =	sshrl.u32 s31, $0x2  }
0x1f: {  	s31 =	sor.u32 s0, s31  }
0x20: {  	[tilespmem:s31+$0xC440] =	vst v0  }
0x21: {  	[spmem:s4] =	stream.linear.scatter [tilespmem:s18], [sflag:$0x5], $0x2000, $0x38;
	[tilespmem:$0x18440] =	vst v63  }
0x22: {  	_ =	swait.ge [sflag:s19], $0x2000  }
0x23: {  	[sflag:s19] =	ssyncset.done $0x0  }
0x24: {  	[sflag:s19] =	ssyncadd.s32 $0xFFFFE000  }
0x25: {  	[spmem:s5] =	stream.linear.scatter [tilespmem:s18], [sflag:$0x5], $0x2000, $0x38;
	[tilespmem:$0x18440] =	vst v63  }
0x26: {  	_ =	swait.ge [sflag:s19], $0x2000  }
0x27: {  	[sflag:s19] =	ssyncset.done $0x0  }
0x28: {  	[sflag:s19] =	ssyncadd.s32 $0xFFFFE000  }
0x29: {  	[spmem:s6] =	stream.linear.scatter [tilespmem:s18], [sflag:$0x5], $0x2000, $0x38;
	[tilespmem:$0x18440] =	vst v63  }
0x2a: {  	_ =	swait.ge [sflag:s19], $0x2000  }
0x2b: {  	[sflag:s19] =	ssyncset.done $0x0  }
0x2c: {  	[sflag:s19] =	ssyncadd.s32 $0xFFFFE000  }
0x2d: {  	[spmem:s7] =	stream.linear.scatter [tilespmem:s18], [sflag:$0x5], $0x2000, $0x38;
	[tilespmem:$0x18440] =	vst v63  }
0x2e: {  	_ =	swait.ge [sflag:s19], $0x2000  }
0x2f: {  	[sflag:s19] =	ssyncset.done $0x0  }
0x30: {  	[sflag:s19] =	ssyncadd.s32 $0xFFFFE000  }
0x31: {  	[spmem:s8] =	stream.linear.scatter [tilespmem:s18], [sflag:$0x5], $0x2000, $0x38;
	[tilespmem:$0x18440] =	vst v63  }
0x32: {  	_ =	swait.ge [sflag:s19], $0x2000  }
0x33: {  	[sflag:s19] =	ssyncset.done $0x0  }
0x34: {  	[sflag:s19] =	ssyncadd.s32 $0xFFFFE000  }
0x35: {  	[tilespmem:s3], [sflag:$0x5] =	stream.linear.gather [hbm4b:s9+s3], $0x4E20, $0x38;
	[tilespmem:$0x18440] =	vst v63  }
0x36: {  	_ =	swait.ge [sflag:s19], $0x4E20  }
0x37: {  	[sflag:s19] =	ssyncset.done $0x0  }
0x38: {  	[sflag:s19] =	ssyncadd.s32 $0xFFFFB1E0  }
0x39: {  	[tilespmem:s20], [sflag:$0x5] =	stream.linear.gather [hbm4b:s10+s3], $0x4E20, $0x38;
	[tilespmem:$0x18440] =	vst v63  }
0x3a: {  	_ =	swait.ge [sflag:s19], $0x4E20  }
0x3b: {  	[sflag:s19] =	ssyncset.done $0x0  }
0x3c: {  	[sflag:s19] =	ssyncadd.s32 $0xFFFFB1E0  }
0x3d: {  	[bflag:$0x0] =	sbarrier.arrive $0xFFFF  }
0x3e: {  	[tilespmem:s22], [sflag:$0x1] =	stream.indirect.gather [hbm4b:s11+s21], $0x40, s3, s21, $0xb8;
	[tilespmem:$0x18440] =	vst v63  }
0x3f: {  	_ = 	snop  }
0x40: {  	[tilespmem:s23], [sflag:$0x2] =	stream.indirect.gather [hbm4b:s11+s21], $0x40, s21, s21, $0xb8;
	[tilespmem:$0x18440] =	vst v63  }
0x41: {  	_ =	swait.ge [sflag:s24], $0x1400  }
0x42: {  	[sflag:s24] =	ssyncset.done $0x0  }
0x43: {  	[sflag:s24] =	ssyncadd.s32 $0xFFFFEC00  }
0x44: {  	[spmem:s2] =	stream.indirect.scatter.add.f32 [tilespmem:s22], [sflag:$0x3], $0x40, s20, s21, $0xb8;
	[tilespmem:$0x18440] =	vst v63  }
0x45: {  	_ =	swait.ge [sflag:s25], $0x1400  }
0x46: {  	[sflag:s25] =	ssyncset.done $0x0  }
0x47: {  	s0 =	simm.s32 $0xA0;
	[sflag:s25] =	ssyncadd.s32 $0xFFFFEC00  }
0x48: {  	[tilespmem:s22], [sflag:$0x1] =	stream.indirect.gather [hbm4b:s11+s21], $0x40, s0, s21, $0xb8;
	[tilespmem:$0x18440] =	vst v63  }
0x49: {  	_ =	swait.ge [sflag:s28], $0x1400  }
0x4a: {  	[sflag:s28] =	ssyncset.done $0x0  }
0x4b: {  	s26 =	simm.s32 $0x4E70;
	[sflag:s28] =	ssyncadd.s32 $0xFFFFEC00  }
0x4c: {  	[spmem:s2] =	stream.indirect.scatter.add.f32 [tilespmem:s23], [sflag:$0x4], $0x40, s26, s21, $0xb8;
	[tilespmem:$0x18440] =	vst v63  }
0x4d: {  	_ =	swait.ge [sflag:s30], $0x1400  }
0x4e: {  	[sflag:s30] =	ssyncset.done $0x0  }
0x4f: {  	s31 =	simm.s32 $0xF0;
	[sflag:s30] =	ssyncadd.s32 $0xFFFFEC00  }
0x50: {  	[tilespmem:s23], [sflag:$0x2] =	stream.indirect.gather [hbm4b:s11+s21], $0x40, s31, s21, $0xb8;
	[tilespmem:$0x18440] =	vst v63  }
0x51: {  	_ =	swait.ge [sflag:s24], $0x1400  }
0x52: {  	[sflag:s24] =	ssyncset.done $0x0  }
0x53: {  	s26 =	simm.s32 $0x4EC0;
	[sflag:s24] =	ssyncadd.s32 $0xFFFFEC00  }
0x54: {  	[spmem:s2] =	stream.indirect.scatter.add.f32 [tilespmem:s22], [sflag:$0x3], $0x40, s26, s21, $0xb8;
	[tilespmem:$0x18440] =	vst v63  }
0x55: {  	_ =	swait.ge [sflag:s25], $0x1400  }
0x56: {  	[sflag:s25] =	ssyncset.done $0x0  }
0x57: {  	s31 =	simm.s32 $0x140;
	[sflag:s25] =	ssyncadd.s32 $0xFFFFEC00  }
0x58: {  	[tilespmem:s22], [sflag:$0x1] =	stream.indirect.gather [hbm4b:s11+s21], $0x40, s31, s21, $0xb8;
	[tilespmem:$0x18440] =	vst v63  }
0x59: {  	_ =	swait.ge [sflag:s28], $0x1400  }
0x5a: {  	[sflag:s28] =	ssyncset.done $0x0  }
0x5b: {  	s29 =	simm.s32 $0x4F10;
	s26 =	simm.s32 $0xFFFECF00;
	[sflag:s28] =	ssyncadd.s32 $0xFFFFEC00  }
.LBB2_4:
0x5c: {  	[spmem:s2] =	stream.indirect.scatter.add.f32 [tilespmem:s23], [sflag:$0x4], $0x40, s29, s21, $0xb8;
	[tilespmem:$0x18440] =	vst v63  }
0x5d: {  	s0 =	smov.u32 s26;
	s26 =	sadd.s32 $0x280, s26;
	_ =	swait.ge [sflag:s30], $0x1400  }
0x5e: {  	s0 =	sshra.s32 s0, $0x2;
	p0 =	sne.s32 s26, $0x0;
	[sflag:s30] =	ssyncset.done $0x0  }
0x5f: {  	s29 =	sadd.s32 $0x4DD0, s0;
	[sflag:s30] =	ssyncadd.s32 $0xFFFFEC00  }
0x60: {  	[tilespmem:s23], [sflag:$0x2] =	stream.indirect.gather [hbm4b:s11+s21], $0x40, s29, s21, $0xb8;
	[tilespmem:$0x18440] =	vst v63  }
0x61: {  	_ =	swait.ge [sflag:s24], $0x1400  }
0x62: {  	[sflag:s24] =	ssyncset.done $0x0  }
0x63: {  	s29 =	sadd.s32 $0x9BA0, s0;
	[sflag:s24] =	ssyncadd.s32 $0xFFFFEC00  }
0x64: {  	[spmem:s2] =	stream.indirect.scatter.add.f32 [tilespmem:s22], [sflag:$0x3], $0x40, s29, s21, $0xb8;
	[tilespmem:$0x18440] =	vst v63  }
0x65: {  	_ =	swait.ge [sflag:s25], $0x1400  }
0x66: {  	[sflag:s25] =	ssyncset.done $0x0  }
.Ltmp1:
0x67: {  	s29 =	sadd.s32 $0x4E20, s0;
	[sflag:s25] =	ssyncadd.s32 $0xFFFFEC00;
	(pc) =	sbr.rel @p0 .LBB2_4-.Ltmp1, $4  }
0x68: {  	[tilespmem:s22], [sflag:$0x1] =	stream.indirect.gather [hbm4b:s11+s21], $0x40, s29, s21, $0xb8;
	[tilespmem:$0x18440] =	vst v63  }
0x69: {  	_ =	swait.ge [sflag:s28], $0x1400  }
0x6a: {  	[sflag:s28] =	ssyncset.done $0x0  }
0x6b: {  	s29 =	sadd.s32 $0x9BF0, s0;
	[sflag:s28] =	ssyncadd.s32 $0xFFFFEC00  }
0x6c: {  	[spmem:s2] =	stream.indirect.scatter.add.f32 [tilespmem:s23], [sflag:$0x4], $0x40, s29, s21, $0xb8;
	[tilespmem:$0x18440] =	vst v63  }
0x6d: {  	_ =	swait.ge [sflag:s30], $0x1400  }
0x6e: {  	[sflag:s30] =	ssyncset.done $0x0  }
0x6f: {  	s0 =	simm.s32 $0x4DD0;
	[sflag:s30] =	ssyncadd.s32 $0xFFFFEC00  }
0x70: {  	[tilespmem:s23], [sflag:$0x2] =	stream.indirect.gather [hbm4b:s11+s21], $0x40, s0, s21, $0xb8;
	[tilespmem:$0x18440] =	vst v63  }
0x71: {  	_ =	swait.ge [sflag:s24], $0x1400  }
0x72: {  	s29 =	sshra.s32 s26, $0x2;
	[sflag:s24] =	ssyncset.done $0x0  }
0x73: {  	s0 =	sadd.s32 $0x9BA0, s29;
	[sflag:s24] =	ssyncadd.s32 $0xFFFFEC00  }
0x74: {  	[spmem:s2] =	stream.indirect.scatter.add.f32 [tilespmem:s22], [sflag:$0x3], $0x40, s0, s21, $0xb8;
	[tilespmem:$0x18440] =	vst v63  }
0x75: {  	_ =	swait.ge [sflag:s28], $0x1400  }
0x76: {  	[sflag:s28] =	ssyncset.done $0x0  }
0x77: {  	s31 =	simm.s32 $0x9BF0;
	[sflag:s28] =	ssyncadd.s32 $0xFFFFEC00  }
0x78: {  	[spmem:s2] =	stream.indirect.scatter.add.f32 [tilespmem:s23], [sflag:$0x4], $0x40, s31, s21, $0xb8;
	[tilespmem:$0x18440] =	vst v63  }
0x79: {  	_ =	swait.ge [sflag:s25], $0x1400  }
0x7a: {  	[sflag:s25] =	ssyncset.done $0x0  }
0x7b: {  	[sflag:s25] =	ssyncadd.s32 $0xFFFFEC00  }
0x7c: {  	_ =	swait.ge [sflag:s30], $0x1400  }
0x7d: {  	[sflag:s30] =	ssyncset.done $0x0  }
0x7e: {  	[sflag:s30] =	ssyncadd.s32 $0xFFFFEC00  }
0x7f: {  	[bflag:$0x0] =	sbarrier.arrive $0xFFFF  }
0x80: {  	[tilespmem:s18], [sflag:$0x5] =	stream.linear.gather [spmem:s4], $0x2000, $0x38;
	[tilespmem:$0x18440] =	vst v63  }
0x81: {  	_ =	swait.ge [sflag:s19], $0x2000  }
0x82: {  	[sflag:s19] =	ssyncset.done $0x0  }
0x83: {  	[sflag:s19] =	ssyncadd.s32 $0xFFFFE000  }
0x84: {  	[hbm4b:s12+s3] =	stream.linear.scatter [tilespmem:s18], [sflag:$0x5], $0x2000, $0x38;
	[tilespmem:$0x18440] =	vst v63  }
0x85: {  	_ =	swait.ge [sflag:s19], $0x2000  }
0x86: {  	[sflag:s19] =	ssyncset.done $0x0  }
0x87: {  	[sflag:s19] =	ssyncadd.s32 $0xFFFFE000  }
0x88: {  	[tilespmem:s18], [sflag:$0x5] =	stream.linear.gather [spmem:s5], $0x2000, $0x38;
	[tilespmem:$0x18440] =	vst v63  }
0x89: {  	_ =	swait.ge [sflag:s19], $0x2000  }
0x8a: {  	[sflag:s19] =	ssyncset.done $0x0  }
0x8b: {  	[sflag:s19] =	ssyncadd.s32 $0xFFFFE000  }
0x8c: {  	[hbm4b:s13+s3] =	stream.linear.scatter [tilespmem:s18], [sflag:$0x5], $0x2000, $0x38;
	[tilespmem:$0x18440] =	vst v63  }
0x8d: {  	_ =	swait.ge [sflag:s19], $0x2000  }
0x8e: {  	[sflag:s19] =	ssyncset.done $0x0  }
0x8f: {  	[sflag:s19] =	ssyncadd.s32 $0xFFFFE000  }
0x90: {  	[tilespmem:s18], [sflag:$0x5] =	stream.linear.gather [spmem:s6], $0x2000, $0x38;
	[tilespmem:$0x18440] =	vst v63  }
0x91: {  	_ =	swait.ge [sflag:s19], $0x2000  }
0x92: {  	[sflag:s19] =	ssyncset.done $0x0  }
0x93: {  	[sflag:s19] =	ssyncadd.s32 $0xFFFFE000  }
0x94: {  	[hbm4b:s14+s3] =	stream.linear.scatter [tilespmem:s18], [sflag:$0x5], $0x2000, $0x38;
	[tilespmem:$0x18440] =	vst v63  }
0x95: {  	_ =	swait.ge [sflag:s19], $0x2000  }
0x96: {  	[sflag:s19] =	ssyncset.done $0x0  }
0x97: {  	[sflag:s19] =	ssyncadd.s32 $0xFFFFE000  }
0x98: {  	[tilespmem:s18], [sflag:$0x5] =	stream.linear.gather [spmem:s7], $0x2000, $0x38;
	[tilespmem:$0x18440] =	vst v63  }
0x99: {  	_ =	swait.ge [sflag:s19], $0x2000  }
0x9a: {  	[sflag:s19] =	ssyncset.done $0x0  }
0x9b: {  	[sflag:s19] =	ssyncadd.s32 $0xFFFFE000  }
0x9c: {  	[hbm4b:s15+s3] =	stream.linear.scatter [tilespmem:s18], [sflag:$0x5], $0x2000, $0x38;
	[tilespmem:$0x18440] =	vst v63  }
0x9d: {  	_ =	swait.ge [sflag:s19], $0x2000  }
0x9e: {  	[sflag:s19] =	ssyncset.done $0x0  }
0x9f: {  	[sflag:s19] =	ssyncadd.s32 $0xFFFFE000  }
0xa0: {  	[tilespmem:s18], [sflag:$0x5] =	stream.linear.gather [spmem:s8], $0x2000, $0x38;
	[tilespmem:$0x18440] =	vst v63  }
0xa1: {  	s1 =	sadd.s32 $0x1, s1;
	_ =	swait.ge [sflag:s19], $0x2000  }
0xa2: {  	p0 =	sne.s32 s1, s17;
	[sflag:s19] =	ssyncset.done $0x0  }
.Ltmp2:
0xa3: {  	[sflag:s19] =	ssyncadd.s32 $0xFFFFE000;
	(pc) =	sbr.rel @p0 .LBB2_1-.Ltmp2, $4  }
0xa4: {  	[hbm4b:s16+s3] =	stream.linear.scatter [tilespmem:s18], [sflag:$0x5], $0x2000, $0x38;
	[tilespmem:$0x18440] =	vst v63  }
0xa5: {  	_ =	swait.ge [sflag:s19], $0x2000  }
0xa6: {  	[sflag:s19] =	ssyncset.done $0x0  }
0xa7: {  	[sflag:s19] =	ssyncadd.s32 $0xFFFFE000  }
0xa8: {  	_ =	sfence.sel $0x180000  }
0xa9: {  	[bflag:$0x0] =	sbarrier.arrive $0xFFFF  }
0xaa: {  	_ =	strace $0x9000004A  }
0xab: {  	s0 =	stileid.u32;
	[bflag:$0x2] =	sbarrier.arrive $0xFFFF  }
0xac: {  	p0 =	sne.s32 s0, $0x0;
	s0 =	rddreg [dreg:$0x3]  }
0xad: {  	s0 =	sadd.s32 @!p0 $0x100000, s0  }
0xae: {  	[sflag:s0] =	ssyncadd.tile.s32 @!p0 $0x1;
	_ =	shalt  }
.Lfunc_end2:
_tile_overlayer_lowered:
.L_overlay_start_2:
0xaf: {  	(tag) =	ssettag $0x2  }
0xb0: {  	s0 =	rddreg [dreg:$0x0];
	s2 =	stileid.u32  }
0xb1: {  	s1 =	rddreg [dreg:$0x1];
	p0 =	sne.s32 s2, $0x0  }
0xb2: {  	s3 =	rddreg [dreg:$0x2];
	[bflag:$0x3] =	sbarrier.arrive $0xFFFF;
	s2 =	simm.s32 @!p0 $0x1C05  }
0xb3: {  	[timem:s3], [sflag:s2] =	dma.local @!p0 [hbm:s0], s1  }
0xb4: {  	s0 =	simm.s32 @!p0 $0x5  }
0xb5: {  	_ =	swait.ge @!p0 [sflag:s0], s1  }
0xb6: {  	s1 =	ssub.s32 @!p0 $0x0, s1;
	[sflag:s0] =	ssyncset.done @!p0 $0x0  }
0xb7: {  	[sflag:s0] =	ssyncadd.s32 @!p0 s1  }
0xb8: {  	[bflag:$0x3] =	sbarrier.arrive $0xFFFF  }
0xb9: {  	_ =	shalt  }

// kernel: kernel.7.cloned.1.call-start
scs
__scs_entry_jumppad:
0x0: {  	(pc) =	sbr.rel $0x88, $3  }
0x1: {  	(tag) =	ssettag $0x0;
	lr =	simm.s32 $0x1  }
0x2: {  	[smem:$0x3F97] =	sst lr;
	_ =	strace $0xD0000000  }
0x3: {  	_ = 	snop  }
0x4: {  	_ = 	snop  }
0x5: {  	_ = 	snop  }
0x6: {  	_ = 	snop  }
0x7: {  	_ = 	snop  }
__scs_overlays_trampoline_lowered:
0x8: {  	[smem:$0x3FA6] =	sst s0  }
0x9: {  	[smem:$0x3FA7] =	sst s1  }
0xa: {  	[smem:$0x3FA8] =	sst s2  }
0xb: {  	[smem:$0x3FA9] =	sst s3  }
0xc: {  	[smem:$0x3FAA] =	sst s4  }
0xd: {  	[smem:$0x3FAB] =	sst s5  }
0xe: {  	[smem:$0x3FAC] =	sst s6  }
0xf: {  	[smem:$0x3FAD] =	sst s7  }
0x10: {  	[smem:$0x3FAE] =	sst s8  }
0x11: {  	[smem:$0x3FAF] =	sst s9;
	s0 =	simm.s32 @!p0 $0x0  }
0x12: {  	s1 =	sld [smem:$0x3F95];
	s0 =	simm.s32 @p0 $0x1  }
0x13: {  	[smem:$0x3FB0] =	sst s0;
	s0 =	simm.s32 @!p1 $0x0  }
0x14: {  	s2 =	sld [smem:$0x3F94];
	s0 =	simm.s32 @p1 $0x1  }
0x15: {  	[smem:$0x3FB1] =	sst s0;
	s0 =	simm.s32 @!p2 $0x0  }
0x16: {  	s3 =	sld [smem:$0x3FDB];
	s0 =	simm.s32 @p2 $0x1  }
0x17: {  	s4 =	simm.s32 $0x1BF5;
	[smem:$0x3FB3] =	sst s0  }
0x18: {  	s0 =	sld [smem:$0x3F96];
	_ =	swait.ge [sflag:s4], $0x0  }
0x19: {  	s7 =	sld [smem:$0x3F97]  }
0x1a: {  	s8 =	sadd.s32 $0xFFFFE003, lr  }
0x1b: {  	s9 =	sadd.s32 $0xFFFFFEF7, lr;
	s5 =	simm.s32 $0xFFFFFFFF;
	p2 =	slt.u32 s8, $0xFFFFF086  }
0x1c: {  	p1 =	slt.u32 s9, $0xF7A;
	s5 =	simm.s32 @!p2 $0x0  }
0x1d: {  	s5 =	simm.s32 @p1 $0x1;
	p0 =	seq.s32 s7, s2  }
0x1e: {  	s7 =	smul.u32 @!p0 $0xF7A, s2;
	p2 =	seq.s32 @!p0 s5, $0x0  }
0x1f: {  	s9 =	smul.u32 $0xF7A, s1;
	s8 =	simm.s32 @!p0 $0x1BF5;
	p2 =	por !p2, p0  }
0x20: {  	[sflag:s8] =	ssyncset.s32 @!p0 $0xFFFFF086;
	s6 =	sadd.s32 @!p0 s3, s7;
	s7 =	simm.s32 @!p0 $0x108  }
0x21: {  	s3 =	sadd.s32 s3, s9;
	s6 =	sadd.s32 @!p0 $0x88, s6;
	s7 =	simm.s32 @p2 $0x1082  }
0x22: {  	[simem:s7], [sflag:s8] =	dma.local @!p0 [hbm:s6], $0xF7A  }
0x23: {  	s9 =	sor.u32 $0xD0000000, s2;
	s6 =	simm.s32 $0x108;
	_ =	swait.ge @!p0 [sflag:s8], $0x0  }
0x24: {  	s3 =	sadd.s32 $0x88, s3;
	s6 =	simm.s32 @!p1 $0x1082;
	[sflag:s4] =	ssyncset.s32 $0xFFFFF086  }
0x25: {  	[simem:s6], [sflag:s4] =	dma.local [hbm:s3], $0xF7A  }
0x26: {  	[smem:$0x3F97] =	sst s1;
	(tag) =	ssettag s2;
	_ =	strace s9  }
0x27: {  	s1 =	sld [smem:$0x3FA7]  }
0x28: {  	s2 =	sld [smem:$0x3FA8]  }
0x29: {  	s4 =	sld [smem:$0x3FAA]  }
0x2a: {  	p0 =	seq.s32 s5, $0x0;
	s5 =	sld [smem:$0x3FAB]  }
0x2b: {  	s6 =	sld [smem:$0x3FAC]  }
0x2c: {  	s7 =	sld [smem:$0x3FAD]  }
0x2d: {  	s3 =	simm.s32 $0x108;
	s8 =	sld [smem:$0x3FAE]  }
0x2e: {  	s3 =	simm.s32 @!p0 $0x1082;
	s9 =	sld [smem:$0x3FAF]  }
0x2f: {  	lr =	sadd.s32 s0, s3;
	s0 =	sld [smem:$0x3FA6]  }
0x30: {  	s3 =	sld [smem:$0x3FA9]  }
0x31: {  	[smem:$0x3FB2] =	sst s10  }
0x32: {  	s10 =	sld [smem:$0x3FB0];
	_ =	sdelay $0x3  }
0x33: {  	p0 =	seq.s32 s10, $0x1;
	s10 =	sld [smem:$0x3FB2];
	_ =	sdelay $0x3  }
0x34: {  	[smem:$0x3FB2] =	sst s10  }
0x35: {  	s10 =	sld [smem:$0x3FB1];
	_ =	sdelay $0x3  }
0x36: {  	p1 =	seq.s32 s10, $0x1;
	s10 =	sld [smem:$0x3FB2];
	_ =	sdelay $0x3  }
0x37: {  	[smem:$0x3FB2] =	sst s10  }
0x38: {  	s10 =	sld [smem:$0x3FB3]  }
0x39: {  	_ = 	snop;
	(pc) =	sbr.ind lr, $3  }
0x3a: {  	_ = 	snop  }
0x3b: {  	_ = 	snop  }
0x3c: {  	p2 =	seq.s32 s10, $0x1;
	s10 =	sld [smem:$0x3FB2]  }
0x3d: {  	_ =	shalt  }
0x3e: {  	_ =	shalt  }
0x3f: {  	_ =	shalt  }
0x40: {  	_ =	shalt  }
0x41: {  	_ =	shalt  }
0x42: {  	_ =	shalt  }
0x43: {  	_ =	shalt  }
0x44: {  	_ =	shalt  }
0x45: {  	_ =	shalt  }
0x46: {  	_ =	shalt  }
0x47: {  	_ =	shalt  }
0x48: {  	_ =	shalt  }
0x49: {  	_ =	shalt  }
0x4a: {  	_ =	shalt  }
0x4b: {  	_ =	shalt  }
0x4c: {  	_ =	shalt  }
0x4d: {  	_ =	shalt  }
0x4e: {  	_ =	shalt  }
0x4f: {  	_ =	shalt  }
0x50: {  	_ =	shalt  }
0x51: {  	_ =	shalt  }
0x52: {  	_ =	shalt  }
0x53: {  	_ =	shalt  }
0x54: {  	_ =	shalt  }
0x55: {  	_ =	shalt  }
0x56: {  	_ =	shalt  }
0x57: {  	_ =	shalt  }
0x58: {  	_ =	shalt  }
0x59: {  	_ =	shalt  }
0x5a: {  	_ =	shalt  }
0x5b: {  	_ =	shalt  }
0x5c: {  	_ =	shalt  }
0x5d: {  	_ =	shalt  }
0x5e: {  	_ =	shalt  }
0x5f: {  	_ =	shalt  }
0x60: {  	_ =	shalt  }
0x61: {  	_ =	shalt  }
0x62: {  	_ =	shalt  }
0x63: {  	_ =	shalt  }
0x64: {  	_ =	shalt  }
0x65: {  	_ =	shalt  }
0x66: {  	_ =	shalt  }
0x67: {  	_ =	shalt  }
0x68: {  	_ =	shalt  }
0x69: {  	_ =	shalt  }
0x6a: {  	_ =	shalt  }
0x6b: {  	_ =	shalt  }
0x6c: {  	_ =	shalt  }
0x6d: {  	_ =	shalt  }
0x6e: {  	_ =	shalt  }
0x6f: {  	_ =	shalt  }
0x70: {  	_ =	shalt  }
0x71: {  	_ =	shalt  }
0x72: {  	_ =	shalt  }
0x73: {  	_ =	shalt  }
0x74: {  	_ =	shalt  }
0x75: {  	_ =	shalt  }
0x76: {  	_ =	shalt  }
0x77: {  	_ =	shalt  }
0x78: {  	_ =	shalt  }
0x79: {  	_ =	shalt  }
0x7a: {  	_ =	shalt  }
0x7b: {  	_ =	shalt  }
0x7c: {  	_ =	shalt  }
0x7d: {  	_ =	shalt  }
0x7e: {  	_ =	shalt  }
0x7f: {  	_ =	shalt  }
0x80: {  	_ =	shalt  }
0x81: {  	_ =	shalt  }
0x82: {  	_ =	shalt  }
0x83: {  	_ =	shalt  }
0x84: {  	_ =	shalt  }
0x85: {  	_ =	shalt  }
0x86: {  	_ =	shalt  }
0x87: {  	_ =	shalt  }
.Lfunc_end0:
.L_simem_size_0:
called_computation_lowered:
.L_overlay_start_0:
0x88: {  	s2 =	sld [smem:$0x3FD9]  }
0x89: {  	s3 =	sld [smem:$0x3FFE];
	_ =	sdelay $0x1  }
0x8a: {  	s1 =	srdreg.scid  }
0x8b: {  	s0 =	sand.u32 $0x1, s1  }
0x8c: {  	s17 =	sshll.u32 s0, $0xA;
	s2 =	sadd.s32 s3, s2  }
0x8d: {  	s2 =	sadd.s32 s2, s17  }
0x8e: {  	[smem:$0x3FBE] =	sst s2  }
0x8f: {  	_ = 	snop  }
0x90: {  	s2 =	sld [smem:$0x3FD0];
	(tm) =	ssettm $0x1  }
0x91: {  	s18 =	sld [smem:$0x3FFB];
	_ =	sdelay $0x3  }
0x92: {  	_ =	strace s18  }
0x93: {  	s3 =	sld [smem:$0x3FFC];
	_ =	sdelay $0x3  }
0x94: {  	_ =	strace s3  }
0x95: {  	s3 =	sld [smem:$0x3FFD];
	_ =	sdelay $0x3  }
0x96: {  	_ =	strace s3  }
0x97: {  	_ =	strace $0x8FFFFFFF  }
0x98: {  	s19 =	sld [smem:$0x3FDB];
	_ =	sdelay $0x1  }
0x99: {  	s4 =	simm.s32 $_scs_section_size  }
0x9a: {  	s5 =	simm.s32 $_size__tile_overlayer_lowered;
	s6 =	simm.s32 $_tile_overlayer_lowered  }
0x9b: {  	s22 =	simm.s32 $0x1BFF;
	s21 =	sshll.u32 s6, $0x1;
	s3 =	sadd.s32 s4, s19  }
0x9c: {  	s7 =	simm.s32 $0x0;
	s20 =	sshll.u32 s5, $0x1;
	s5 =	sadd.s32 s21, s3  }
0x9d: {  	[timem:s7], [sflag:s22] =	dma.local [hbm:s5], s20  }
0x9e: {  	_ =	swait.ge [sflag:s22], s20  }
0x9f: {  	s4 =	ssub.s32 $0x0, s20;
	[sflag:s22] =	ssyncset.done $0x0  }
0xa0: {  	[sflag:s22] =	ssyncadd.s32 s4;
	_ =	sdelay $0x1  }
0xa1: {  	s23 =	simm.s32 $0x1B8B  }
0xa2: {  	_ =	swait.ge [sflag:s23], $0x1  }
0xa3: {  	[sflag:s23] =	ssyncset.done $0x0  }
0xa4: {  	s25 =	simm.s32 $0x1B8E;
	s24 =	sld [smem:$0x3FFE];
	[sflag:s23] =	ssyncadd.s32 $0xFFFFFFFF  }
0xa5: {  	s26 =	simm.s32 $execute0_lowered;
	[smem:$0x3FD2] =	sst s25  }
0xa6: {  	s5 =	sshll.u32 s26, $0x1;
	_ =	strace $0x80000046;
	[dreg:$0x1] =	wrdreg $0xFFFFFFFF  }
0xa7: {  	s28 =	simm.s32 $_size_execute0_lowered;
	s3 =	sadd.s32 s3, s5;
	[dreg:$0x0] =	wrdreg $0x0  }
0xa8: {  	s5 =	sshll.u32 s28, $0x1;
	[dreg:$0x2] =	wrdreg s3  }
0xa9: {  	[dreg:$0x3] =	wrdreg s5  }
0xaa: {  	[dreg:$0x4] =	wrdreg $0xC0  }
0xab: {  	_ =	task [dreg:s7], $0x5FFFF  }
0xac: {  	[dreg:$0x1] =	wrdreg $0xFFFFFFFF  }
0xad: {  	[dreg:$0x0] =	wrdreg $0x60  }
0xae: {  	[dreg:$0x2] =	wrdreg s2  }
0xaf: {  	[dreg:$0x3] =	wrdreg s24  }
0xb0: {  	[dreg:$0x4] =	wrdreg $0xE4400  }
0xb1: {  	[dreg:$0x5] =	wrdreg $0x1B1400  }
0xb2: {  	[dreg:$0x6] =	wrdreg $0x9  }
0xb3: {  	_ =	task.clear_ibuf [dreg:s7], $0x7FFFF;
	_ =	strace $0x90000046  }
0xb4: {  	s29 =	simm.s32 $0x9;
	_ =	strace $0x80000048  }
0xb5: {  	_ =	swait.ge [sflag:s29], $0x1  }
0xb6: {  	[sflag:s29] =	ssyncadd.s32 $0xFFFFFFFF  }
0xb7: {  	_ =	strace $0x90000048  }
0xb8: {  	_ =	sfence  }
0xb9: {  	s30 =	sld [smem:$0x0];
	_ =	sdelay $0x2  }
0xba: {  	s31 =	sshll.u32 s1, $0xD;
	s1 =	sshrl.u32 s1, $0x2  }
0xbb: {  	s3 =	sand.u32 $0x4000, s31;
	s1 =	sadd.s32 s1, s30  }
0xbc: {  	s0 =	sor.u32 s3, s0;
	s1 =	sshll.u32 s1, $0x11  }
0xbd: {  	s0 =	sor.u32 s1, s0  }
0xbe: {  	s0 =	sadd.s32 $0x8F2B, s0  }
0xbf: {  	[sflag:s0] =	ssyncadd.remote.s32 $0x1  }
0xc0: {  	_ =	sfence.sel $0xFFFF  }
0xc1: {  	[dreg:$0x0] =	wrdreg $0xFFFFFFFF;
	(pc) =	sbr.abs _section_cstart, $3  }
0xc2: {  	[dreg:$0x1] =	wrdreg $0xFFFFFFFF  }
0xc3: {  	_ =	task.clear_ibuf [dreg:s7], $0x2FFFF;
	_ =	strace $0x9FFFFFFF  }
0xc4: {  	(tm) =	ssettm $0x7FFFFFFF  }
0xc5: {  	_ =	shalt  }
tec
execute0_lowered:
.L_overlay_start_1:
0x0: {  	(tag) =	ssettag $0x1  }
0x1: {  	s0 =	rddreg [dreg:$0x0]  }
0x2: {  	s2 =	rddreg [dreg:$0x1]  }
0x3: {  	s1 =	rddreg [dreg:$0x2]  }
0x4: {  	s9 =	rddreg [dreg:$0x3];
	s21 =	stileid.u32  }
0x5: {  	s3 =	simm.s32 $0x0;
	s5 =	srdreg.scid;
	s4 =	smul.u32 $0x9C4, s21  }
0x6: {  	[smem:$0x7FF] =	sst s3;
	s10 =	sand.u32 $0x1, s5;
	s12 =	smul.u32 $0xA000, s21  }
0x7: {  	s13 =	sadd.s32 $0x3D800, s2;
	_ =	strace $0x80000047;
	s19 =	smul.u32 $0x13880, s10  }
0x8: {  	s23 =	ssub.s32 $0x2, s10;
	s20 =	smul.u32 $0xA0000, s10;
	p0 =	seq.s32 s10, $0x1  }
0x9: {  	s11 =	sadd.s32 s4, s2;
	s24 =	sshrl.u32 s23, $0x1;
	s15 =	sadd.s32 $0x2000, s12  }
0xa: {  	s16 =	sadd.s32 $0x4000, s12;
	s4 =	sadd.s32 s12, s1;
	s17 =	sadd.s32 $0x6000, s12  }
0xb: {  	s18 =	sadd.s32 $0x8000, s12;
	s25 =	sshrl.u32 s12, $0x2;
	s14 =	ssub.s32 s23, s24  }
0xc: {  	s5 =	sadd.s32 s15, s1;
	s6 =	sadd.s32 s16, s1;
	s7 =	sadd.s32 s17, s1  }
0xd: {  	s22 =	sadd.s32 $0xBA00, s11;
	s11 =	sadd.s32 $0x1C00, s11;
	s26 =	sadd.s32 s12, s20  }
0xe: {  	s31 =	sadd.s32 s20, s15;
	s16 =	sadd.s32 s20, s16;
	[dreg:$0x5] =	wrdreg s22  }
0xf: {  	s23 =	sadd.s32 s20, s18;
	[dreg:$0x6] =	wrdreg s11;
	s11 =	sadd.s32 s0, s19  }
0x10: {  	s0 =	sadd.s32 s25, s9;
	s10 =	sshrl.u32 s31, $0x3;
	s12 =	sshrl.u32 s16, $0x3  }
0x11: {  	s22 =	sadd.s32 s20, s17;
	[dreg:$0x7] =	wrdreg s0;
	s19 =	sadd.s32 s13, s10  }
0x12: {  	s17 =	sshrl.u32 s23, $0x3;
	s24 =	sadd.s32 s13, s12;
	[dreg:$0x9] =	wrdreg s19  }
0x13: {  	s0 =	sshrl.u32 s26, $0x3;
	s31 =	sadd.s32 s13, s17;
	[dreg:$0xa] =	wrdreg s24  }
0x14: {  	s25 =	sshrl.u32 s22, $0x3;
	s15 =	sadd.s32 s13, s0;
	[dreg:$0xc] =	wrdreg s31  }
0x15: {  	s2 =	sadd.s32 $0x15800, s2;
	s26 =	sadd.s32 s13, s25;
	[dreg:$0x8] =	wrdreg s15  }
0x16: {  	s21 =	smul.u32 $0xA00, s21;
	s0 =	sadd.s32 s2, s0;
	[dreg:$0xb] =	wrdreg s26  }
0x17: {  	s13 =	sadd.s32 s2, s17;
	[dreg:$0xd] =	wrdreg s0  }
0x18: {  	s17 =	smax.u32 s14, $0x1;
	s15 =	sshrl.u32 s21, $0x2;
	[dreg:$0x11] =	wrdreg s13  }
0x19: {  	[dreg:$0x13] =	wrdreg s17;
	s16 =	sadd.s32 s15, s9;
	s9 =	sadd.s32 s2, s10  }
0x1a: {  	s10 =	sadd.s32 s2, s12;
	[dreg:$0xe] =	wrdreg s9  }
0x1b: {  	s12 =	sadd.s32 s2, s25;
	[dreg:$0xf] =	wrdreg s10  }
0x1c: {  	[dreg:$0x10] =	wrdreg s12;
	s15 =	sadd.s32 $0x2800, s16  }
0x1d: {  	s8 =	sadd.s32 s18, s1;
	s18 =	sadd.s32 $0x5000, s16;
	[dreg:$0x12] =	wrdreg s15  }
0x1e: {  	s19 =	sadd.s32 $0x7800, s16;
	[dreg:$0x14] =	wrdreg s18  }
0x1f: {  	s20 =	sadd.s32 $0xA000, s16;
	[dreg:$0x15] =	wrdreg s19  }
0x20: {  	s21 =	sadd.s32 $0xC800, s16;
	[dreg:$0x16] =	wrdreg s20  }
0x21: {  	s22 =	sadd.s32 $0xF000, s16;
	[dreg:$0x17] =	wrdreg s21  }
0x22: {  	s28 =	simm.s32 $0x1AC40;
	s23 =	sadd.s32 $0x11800, s16;
	[dreg:$0x18] =	wrdreg s22  }
0x23: {  	s29 =	simm.s32 $0x1AEC0;
	s24 =	sadd.s32 $0x14000, s16;
	[dreg:$0x19] =	wrdreg s23  }
0x24: {  	s30 =	simm.s32 $0x0;
	s25 =	sadd.s32 $0x16800, s16;
	[dreg:$0x1a] =	wrdreg s24  }
0x25: {  	s26 =	sadd.s32 $0x19000, s16;
	s31 =	sadd.s32 $0x1B800, s16;
	[dreg:$0x1b] =	wrdreg s25  }
0x26: {  	s13 =	sadd.s32 $0x1E000, s16;
	s14 =	sadd.s32 $0x20800, s16;
	[dreg:$0x1c] =	wrdreg s26  }
0x27: {  	s17 =	sadd.s32 $0x25800, s16;
	[dreg:$0x1d] =	wrdreg s31;
	s15 =	sadd.s32 $0x23000, s16  }
0x28: {  	s18 =	simm.s32 $0xC440;
	s19 =	simm.s32 $0x5;
	s21 =	simm.s32 $0x50  }
0x29: {  	s22 =	simm.s32 $0x9C40;
	s23 =	simm.s32 $0xB040;
	s24 =	simm.s32 $0x1  }
0x2a: {  	v0 =	vimm.f32 $0.0e+00;
	s25 =	simm.s32 $0x4;
	s26 =	simm.s32 $0x3;
	s20 =	simm.s32 $0x2  }
.LBB2_1:
0x2b: {  	s0 =	sand.u32 $0x7F00, s3  }
0x2c: {  	s2 =	sand.u32 $0x30, s3;
	s31 =	sshrl.u32 s0, $0x2  }
0x2d: {  	s0 =	simm.s32 $0x40;
	s2 =	sor.u32 s2, s31;
	s31 =	simm.s32 $0x0  }
.LBB2_2:
0x2e: {  	p1 =	sne.s32 s0, $0x7FC0  }
0x2f: {  	[tilespmem:s2+$0xC440] =	vst v0;
	s31 =	sadd.s32 $0x10, s31;
	s2 =	smov.u32 s0;
	s0 =	sadd.s32 $0x40, s0  }
.Ltmp0:
0x30: {  	(pc) =	sbr.rel @p1 .LBB2_2-.Ltmp0, $4  }
0x31: {  	_ = 	snop  }
0x32: {  	s2 =	sand.u32 $0x7F00, s2  }
0x33: {  	s9 =	sand.u32 $0x30, s31;
	s2 =	sshrl.u32 s2, $0x2  }
0x34: {  	s2 =	sor.u32 s9, s2  }
0x35: {  	[tilespmem:s2+$0xC440] =	vst v0  }
0x36: {  	[spmem:s4] =	stream.linear.scatter [tilespmem:s18], [sflag:$0x5], $0x2000, $0x38;
	[tilespmem:$0x1D940] =	vst v63  }
0x37: {  	_ =	swait.ge [sflag:s19], $0x2000  }
0x38: {  	[sflag:s19] =	ssyncset.done $0x0  }
0x39: {  	[sflag:s19] =	ssyncadd.s32 $0xFFFFE000  }
0x3a: {  	[spmem:s5] =	stream.linear.scatter [tilespmem:s18], [sflag:$0x5], $0x2000, $0x38;
	[tilespmem:$0x1D940] =	vst v63  }
0x3b: {  	_ =	swait.ge [sflag:s19], $0x2000  }
0x3c: {  	[sflag:s19] =	ssyncset.done $0x0  }
0x3d: {  	[sflag:s19] =	ssyncadd.s32 $0xFFFFE000  }
0x3e: {  	[spmem:s6] =	stream.linear.scatter [tilespmem:s18], [sflag:$0x5], $0x2000, $0x38;
	[tilespmem:$0x1D940] =	vst v63  }
0x3f: {  	_ =	swait.ge [sflag:s19], $0x2000  }
0x40: {  	[sflag:s19] =	ssyncset.done $0x0  }
0x41: {  	[sflag:s19] =	ssyncadd.s32 $0xFFFFE000  }
0x42: {  	[spmem:s7] =	stream.linear.scatter [tilespmem:s18], [sflag:$0x5], $0x2000, $0x38;
	[tilespmem:$0x1D940] =	vst v63  }
0x43: {  	_ =	swait.ge [sflag:s19], $0x2000  }
0x44: {  	[sflag:s19] =	ssyncset.done $0x0  }
0x45: {  	[sflag:s19] =	ssyncadd.s32 $0xFFFFE000  }
0x46: {  	[spmem:s8] =	stream.linear.scatter [tilespmem:s18], [sflag:$0x5], $0x2000, $0x38;
	[tilespmem:$0x1D940] =	vst v63  }
0x47: {  	_ =	swait.ge [sflag:s19], $0x2000  }
0x48: {  	[sflag:s19] =	ssyncset.done $0x0  }
0x49: {  	s0 =	simm.s32 $0x40;
	s2 =	simm.s32 $0x0;
	[sflag:s19] =	ssyncadd.s32 $0xFFFFE000  }
.LBB2_4:
0x4a: {  	p1 =	sne.s32 s0, $0x9FC0;
	[tilespmem:s2+$0x18440] =	vst v0;
	s2 =	smov.u32 s0;
	s0 =	sadd.s32 $0x40, s0  }
.Ltmp1:
0x4b: {  	(pc) =	sbr.rel @p1 .LBB2_4-.Ltmp1, $2  }
0x4c: {  	_ =	sdelay $0x2  }
0x4d: {  	s2 =	sshra.s32 s2, $0x2  }
0x4e: {  	[tilespmem:s2+$0x18440] =	vst v0;
	s0 =	rddreg [dreg:$0x5]  }
0x4f: {  	[tilespmem:s3], [sflag:$0x5] =	stream.linear.gather [hbm4b:s0+s3], $0x4E20, $0x38;
	[tilespmem:$0x1D940] =	vst v63  }
0x50: {  	_ =	swait.ge [sflag:s19], $0x4E20  }
0x51: {  	[sflag:s19] =	ssyncset.done $0x0  }
0x52: {  	s12 =	simm.s32 $0x4E20;
	s10 =	rddreg [dreg:$0x6];
	[sflag:s19] =	ssyncadd.s32 $0xFFFFB1E0  }
0x53: {  	[tilespmem:s12], [sflag:$0x5] =	stream.linear.gather [hbm4b:s10+s3], $0x4E20, $0x38;
	[tilespmem:$0x1D940] =	vst v63  }
0x54: {  	_ =	swait.ge [sflag:s19], $0x4E20  }
0x55: {  	[sflag:s19] =	ssyncset.done $0x0  }
0x56: {  	[sflag:s19] =	ssyncadd.s32 $0xFFFFB1E0  }
0x57: {  	[bflag:$0x0] =	sbarrier.arrive $0xFFFF  }
0x58: {  	[tilespmem:s22], [sflag:$0x1] =	stream.indirect.gather [hbm4b:s11+s21], $0x40, s3, s21, $0xb8;
	[tilespmem:$0x1D940] =	vst v63  }
0x59: {  	_ = 	snop  }
0x5a: {  	[tilespmem:s23], [sflag:$0x2] =	stream.indirect.gather [hbm4b:s11+s21], $0x40, s21, s21, $0xb8;
	[tilespmem:$0x1D940] =	vst v63  }
0x5b: {  	_ =	swait.ge [sflag:s24], $0x1400  }
0x5c: {  	[sflag:s24] =	ssyncset.done $0x0  }
0x5d: {  	s0 =	simm.s32 @p0 $0x3;
	[sflag:s24] =	ssyncadd.s32 $0xFFFFEC00  }
0x5e: {  	[spmem:s1] =	stream.indirect.scatter.add.f32 [tilespmem:s22], [sflag:$0x3], $0x40, s12, s21, $0xb8;
	[tilespmem:$0x1D940] =	vst v63  }
0x5f: {  	_ =	swait.ge @p0 [sflag:s0], $0x1400  }
0x60: {  	s2 =	simm.s32 @p0 $0xA0;
	[sflag:s0] =	ssyncset.done @p0 $0x0  }
0x61: {  	s9 =	simm.s32 @p0 $0x9C40;
	[sflag:s0] =	ssyncadd.s32 @p0 $0xFFFFEC00;
	s0 =	simm.s32 @p0 $0x50  }
0x62: {  	[tilespmem:s9], [sflag:$0x1] =	stream.indirect.gather @p0 [hbm4b:s11+s0], $0x40, s2, s0, $0xb8;
	[tilespmem:$0x1D940] =	vst v63  }
0x63: {  	s2 =	simm.s32 @p0 $0x2  }
0x64: {  	_ =	swait.ge @p0 [sflag:s2], $0x1400  }
0x65: {  	[sflag:s2] =	ssyncset.done @p0 $0x0  }
0x66: {  	s9 =	simm.s32 @p0 $0xB040;
	[sflag:s2] =	ssyncadd.s32 @p0 $0xFFFFEC00;
	s2 =	simm.s32 @p0 $0x4E70  }
0x67: {  	[spmem:s1] =	stream.indirect.scatter.add.f32 @p0 [tilespmem:s9], [sflag:$0x4], $0x40, s2, s0, $0xb8;
	[tilespmem:$0x1D940] =	vst v63  }
0x68: {  	v1 =	vld @!p0 [tilespmem:$0x4E20];
	_ =	sdelay $0x6  }
0x69: {  	v2 =	vimm.f32 @!p0 $1.000000000e+00;
	s0 =	simm.s32 @!p0 $0x18440  }
0x6a: {  	[tilespmem:v1+s0+$0x0] =	vst.idx.add.f32.msk @!p0 $0xffff, v2  }
0x6b: {  	v1 =	vld @!p0 [tilespmem:$0x4E30];
	_ =	sdelay $0x7  }
0x6c: {  	[tilespmem:v1+s0+$0x0] =	vst.idx.add.f32.msk @!p0 $0xffff, v2  }
0x6d: {  	v1 =	vld @!p0 [tilespmem:$0x4E40];
	_ =	sdelay $0x7  }
0x6e: {  	[tilespmem:v1+s0+$0x0] =	vst.idx.add.f32.msk @!p0 $0xffff, v2  }
0x6f: {  	v1 =	vld @!p0 [tilespmem:$0x4E50];
	_ =	sdelay $0x7  }
0x70: {  	[tilespmem:v1+s0+$0x0] =	vst.idx.add.f32.msk @!p0 $0xffff, v2  }
0x71: {  	v1 =	vld @!p0 [tilespmem:$0x4E60];
	_ =	sdelay $0x7  }
0x72: {  	s2 =	simm.s32 @!p0 $0x3;
	[tilespmem:v1+s0+$0x0] =	vst.idx.add.f32.msk @!p0 $0xffff, v2  }
0x73: {  	_ =	swait.ge @!p0 [sflag:s2], $0x1400  }
0x74: {  	s31 =	simm.s32 @!p0 $0x9C40;
	[sflag:s2] =	ssyncset.done @!p0 $0x0  }
0x75: {  	s9 =	simm.s32 @!p0 $0xA0;
	[sflag:s2] =	ssyncadd.s32 @!p0 $0xFFFFEC00;
	s2 =	simm.s32 @!p0 $0x50  }
0x76: {  	[tilespmem:s31], [sflag:$0x1] =	stream.indirect.gather @!p0 [hbm4b:s11+s2], $0x40, s9, s2, $0xb8;
	[tilespmem:$0x1D940] =	vst v63  }
0x77: {  	s9 =	simm.s32 @!p0 $0x2  }
0x78: {  	_ =	swait.ge @!p0 [sflag:s9], $0x1400  }
0x79: {  	[sflag:s9] =	ssyncset.done @!p0 $0x0  }
0x7a: {  	s31 =	simm.s32 @!p0 $0xB040;
	[sflag:s9] =	ssyncadd.s32 @!p0 $0xFFFFEC00;
	s9 =	simm.s32 @!p0 $0x4E70  }
0x7b: {  	[spmem:s1] =	stream.indirect.scatter.add.f32 @!p0 [tilespmem:s31], [sflag:$0x4], $0x40, s9, s2, $0xb8;
	[tilespmem:$0x1D940] =	vst v63  }
0x7c: {  	v1 =	vld @!p0 [tilespmem:$0x4E70];
	_ =	sdelay $0x7  }
0x7d: {  	[tilespmem:v1+s0+$0x0] =	vst.idx.add.f32.msk @!p0 $0xffff, v2  }
0x7e: {  	v1 =	vld @!p0 [tilespmem:$0x4E80];
	_ =	sdelay $0x7  }
0x7f: {  	[tilespmem:v1+s0+$0x0] =	vst.idx.add.f32.msk @!p0 $0xffff, v2  }
0x80: {  	v1 =	vld @!p0 [tilespmem:$0x4E90];
	_ =	sdelay $0x7  }
0x81: {  	[tilespmem:v1+s0+$0x0] =	vst.idx.add.f32.msk @!p0 $0xffff, v2  }
0x82: {  	v1 =	vld @!p0 [tilespmem:$0x4EA0];
	_ =	sdelay $0x7  }
0x83: {  	[tilespmem:v1+s0+$0x0] =	vst.idx.add.f32.msk @!p0 $0xffff, v2  }
0x84: {  	v1 =	vld @!p0 [tilespmem:$0x4EB0];
	_ =	sdelay $0x7  }
0x85: {  	s31 =	simm.s32 $0x0;
	[tilespmem:v1+s0+$0x0] =	vst.idx.add.f32.msk @!p0 $0xffff, v2;
	s0 =	simm.s32 $0x1  }
.LBB2_6:
0x86: {  	_ =	swait.ge [sflag:s25], $0x1400  }
0x87: {  	s2 =	sshra.s32 s31, $0x2;
	[sflag:s25] =	ssyncset.done $0x0  }
0x88: {  	s9 =	sadd.s32 $0xF0, s2;
	[sflag:s25] =	ssyncadd.s32 $0xFFFFEC00  }
0x89: {  	[tilespmem:s23], [sflag:$0x2] =	stream.indirect.gather [hbm4b:s11+s21], $0x40, s9, s21, $0xb8;
	[tilespmem:$0x1D940] =	vst v63  }
0x8a: {  	_ =	swait.ge [sflag:s24], $0x1400  }
0x8b: {  	[sflag:s24] =	ssyncset.done $0x0  }
0x8c: {  	s10 =	sadd.s32 $0x4EC0, s2;
	[sflag:s24] =	ssyncadd.s32 $0xFFFFEC00  }
0x8d: {  	[spmem:s1] =	stream.indirect.scatter.add.f32 [tilespmem:s22], [sflag:$0x3], $0x40, s10, s21, $0xb8;
	[tilespmem:$0x1D940] =	vst v63  }
0x8e: {  	p1 =	slt.u32 s0, $0x3F;
	s9 =	simm.s32 $0x1;
	s10 =	simm.s32 $0x1  }
0x8f: {  	s9 =	simm.s32 @!p0 $0x0;
	s10 =	simm.s32 @!p1 $0x0  }
0x90: {  	p1 =	seq.s32 s10, s9  }
0x91: {  	v1 =	vld @!p1 [tilespmem:s2+$0x4EC0];
	_ =	sdelay $0x6  }
0x92: {  	v2 =	vimm.f32 @!p1 $1.000000000e+00;
	s10 =	simm.s32 @!p1 $0x18440  }
0x93: {  	s12 =	sshra.s32 @!p1 s31, $0x2;
	[tilespmem:v1+s10+$0x0] =	vst.idx.add.f32.msk @!p1 $0xffff, v2  }
0x94: {  	v1 =	vld @!p1 [tilespmem:s12+$0x4ED0];
	_ =	sdelay $0x7  }
0x95: {  	[tilespmem:v1+s10+$0x0] =	vst.idx.add.f32.msk @!p1 $0xffff, v2  }
0x96: {  	v1 =	vld @!p1 [tilespmem:s12+$0x4EE0];
	_ =	sdelay $0x7  }
0x97: {  	[tilespmem:v1+s10+$0x0] =	vst.idx.add.f32.msk @!p1 $0xffff, v2  }
0x98: {  	v1 =	vld @!p1 [tilespmem:s12+$0x4EF0];
	_ =	sdelay $0x7  }
0x99: {  	[tilespmem:v1+s10+$0x0] =	vst.idx.add.f32.msk @!p1 $0xffff, v2  }
0x9a: {  	v1 =	vld @!p1 [tilespmem:s12+$0x4F00];
	_ =	sdelay $0x7  }
0x9b: {  	[tilespmem:v1+s10+$0x0] =	vst.idx.add.f32.msk @!p1 $0xffff, v2  }
0x9c: {  	_ =	swait.ge [sflag:s26], $0x1400  }
0x9d: {  	[sflag:s26] =	ssyncset.done $0x0  }
0x9e: {  	s12 =	sadd.s32 $0x140, s2;
	[sflag:s26] =	ssyncadd.s32 $0xFFFFEC00  }
0x9f: {  	[tilespmem:s22], [sflag:$0x1] =	stream.indirect.gather [hbm4b:s11+s21], $0x40, s12, s21, $0xb8;
	[tilespmem:$0x1D940] =	vst v63  }
0xa0: {  	p1 =	slt.u32 s0, $0x3E;
	s10 =	simm.s32 $0x1;
	_ =	swait.ge [sflag:s20], $0x1400  }
0xa1: {  	s10 =	simm.s32 @!p1 $0x0;
	[sflag:s20] =	ssyncset.done $0x0  }
0xa2: {  	p1 =	seq.s32 s10, s9;
	s12 =	sadd.s32 $0x4F10, s2;
	[sflag:s20] =	ssyncadd.s32 $0xFFFFEC00  }
0xa3: {  	[spmem:s1] =	stream.indirect.scatter.add.f32 [tilespmem:s23], [sflag:$0x4], $0x40, s12, s21, $0xb8;
	[tilespmem:$0x1D940] =	vst v63  }
0xa4: {  	v1 =	vld @!p1 [tilespmem:s2+$0x4F10];
	_ =	sdelay $0x6  }
0xa5: {  	v2 =	vimm.f32 @!p1 $1.000000000e+00;
	s2 =	simm.s32 @!p1 $0x18440  }
0xa6: {  	s9 =	sshra.s32 @!p1 s31, $0x2;
	[tilespmem:v1+s2+$0x0] =	vst.idx.add.f32.msk @!p1 $0xffff, v2  }
0xa7: {  	v1 =	vld @!p1 [tilespmem:s9+$0x4F20];
	_ =	sdelay $0x7  }
0xa8: {  	[tilespmem:v1+s2+$0x0] =	vst.idx.add.f32.msk @!p1 $0xffff, v2  }
0xa9: {  	v1 =	vld @!p1 [tilespmem:s9+$0x4F30];
	_ =	sdelay $0x7  }
0xaa: {  	[tilespmem:v1+s2+$0x0] =	vst.idx.add.f32.msk @!p1 $0xffff, v2  }
0xab: {  	v1 =	vld @!p1 [tilespmem:s9+$0x4F40];
	_ =	sdelay $0x7  }
0xac: {  	[tilespmem:v1+s2+$0x0] =	vst.idx.add.f32.msk @!p1 $0xffff, v2  }
0xad: {  	v1 =	vld @!p1 [tilespmem:s9+$0x4F50];
	_ =	sdelay $0x1  }
0xae: {  	s31 =	sadd.s32 $0x280, s31  }
0xaf: {  	p2 =	sne.s32 s31, $0x13380  }
.Ltmp2:
0xb0: {  	_ = 	snop;
	(pc) =	sbr.rel @p2 .LBB2_6-.Ltmp2, $2  }
0xb1: {  	_ =	sdelay $0x2  }
0xb2: {  	s0 =	sadd.s32 $0x1, s0;
	[tilespmem:v1+s2+$0x0] =	vst.idx.add.f32.msk @!p1 $0xffff, v2  }
0xb3: {  	_ =	swait.ge [sflag:s25], $0x1400  }
0xb4: {  	[sflag:s25] =	ssyncset.done $0x0  }
0xb5: {  	s0 =	simm.s32 $0x4DD0;
	[sflag:s25] =	ssyncadd.s32 $0xFFFFEC00  }
0xb6: {  	[tilespmem:s23], [sflag:$0x2] =	stream.indirect.gather [hbm4b:s11+s21], $0x40, s0, s21, $0xb8;
	[tilespmem:$0x1D940] =	vst v63  }
0xb7: {  	_ =	swait.ge [sflag:s24], $0x1400  }
0xb8: {  	s0 =	sshra.s32 s31, $0x2;
	[sflag:s24] =	ssyncset.done $0x0  }
0xb9: {  	s2 =	sadd.s32 $0x4EC0, s0;
	[sflag:s24] =	ssyncadd.s32 $0xFFFFEC00  }
0xba: {  	[spmem:s1] =	stream.indirect.scatter.add.f32 [tilespmem:s22], [sflag:$0x3], $0x40, s2, s21, $0xb8;
	[tilespmem:$0x1D940] =	vst v63  }
0xbb: {  	s2 =	simm.s32 @!p0 $0x2  }
0xbc: {  	_ =	swait.ge @!p0 [sflag:s2], $0x1400  }
0xbd: {  	s9 =	simm.s32 @!p0 $0x9BF0;
	[sflag:s2] =	ssyncset.done @!p0 $0x0  }
0xbe: {  	s10 =	simm.s32 @!p0 $0xB040;
	[sflag:s2] =	ssyncadd.s32 @!p0 $0xFFFFEC00;
	s2 =	simm.s32 @!p0 $0x50  }
0xbf: {  	[spmem:s1] =	stream.indirect.scatter.add.f32 @!p0 [tilespmem:s10], [sflag:$0x4], $0x40, s9, s2, $0xb8;
	[tilespmem:$0x1D940] =	vst v63  }
0xc0: {  	v1 =	vld @p0 [tilespmem:s0+$0x4EC0];
	_ =	sdelay $0x6  }
0xc1: {  	v2 =	vimm.f32 @p0 $1.000000000e+00;
	s0 =	simm.s32 @p0 $0x18440  }
0xc2: {  	s2 =	sshra.s32 @p0 s31, $0x2;
	[tilespmem:v1+s0+$0x0] =	vst.idx.add.f32.msk @p0 $0xffff, v2  }
0xc3: {  	v1 =	vld @p0 [tilespmem:s2+$0x4ED0];
	_ =	sdelay $0x7  }
0xc4: {  	[tilespmem:v1+s0+$0x0] =	vst.idx.add.f32.msk @p0 $0xffff, v2  }
0xc5: {  	v1 =	vld @p0 [tilespmem:s2+$0x4EE0];
	_ =	sdelay $0x7  }
0xc6: {  	[tilespmem:v1+s0+$0x0] =	vst.idx.add.f32.msk @p0 $0xffff, v2  }
0xc7: {  	v1 =	vld @p0 [tilespmem:s2+$0x4EF0];
	_ =	sdelay $0x7  }
0xc8: {  	[tilespmem:v1+s0+$0x0] =	vst.idx.add.f32.msk @p0 $0xffff, v2  }
0xc9: {  	v1 =	vld @p0 [tilespmem:s2+$0x4F00];
	_ =	sdelay $0x7  }
0xca: {  	s2 =	simm.s32 @p0 $0x2;
	[tilespmem:v1+s0+$0x0] =	vst.idx.add.f32.msk @p0 $0xffff, v2  }
0xcb: {  	_ =	swait.ge @p0 [sflag:s2], $0x1400  }
0xcc: {  	s9 =	simm.s32 @p0 $0x9BF0;
	[sflag:s2] =	ssyncset.done @p0 $0x0  }
0xcd: {  	s10 =	simm.s32 @p0 $0xB040;
	[sflag:s2] =	ssyncadd.s32 @p0 $0xFFFFEC00;
	s2 =	simm.s32 @p0 $0x50  }
0xce: {  	[spmem:s1] =	stream.indirect.scatter.add.f32 @p0 [tilespmem:s10], [sflag:$0x4], $0x40, s9, s2, $0xb8;
	[tilespmem:$0x1D940] =	vst v63  }
0xcf: {  	v1 =	vld @p0 [tilespmem:$0x9BF0];
	_ =	sdelay $0x7  }
0xd0: {  	[tilespmem:v1+s0+$0x0] =	vst.idx.add.f32.msk @p0 $0xffff, v2  }
0xd1: {  	v1 =	vld @p0 [tilespmem:$0x9C00];
	_ =	sdelay $0x7  }
0xd2: {  	[tilespmem:v1+s0+$0x0] =	vst.idx.add.f32.msk @p0 $0xffff, v2  }
0xd3: {  	v1 =	vld @p0 [tilespmem:$0x9C10];
	_ =	sdelay $0x7  }
0xd4: {  	[tilespmem:v1+s0+$0x0] =	vst.idx.add.f32.msk @p0 $0xffff, v2  }
0xd5: {  	v1 =	vld @p0 [tilespmem:$0x9C20];
	_ =	sdelay $0x7  }
0xd6: {  	[tilespmem:v1+s0+$0x0] =	vst.idx.add.f32.msk @p0 $0xffff, v2  }
0xd7: {  	v1 =	vld @p0 [tilespmem:$0x9C30];
	_ =	sdelay $0x7  }
0xd8: {  	[tilespmem:v1+s0+$0x0] =	vst.idx.add.f32.msk @p0 $0xffff, v2  }
0xd9: {  	_ =	swait.ge [sflag:s26], $0x1400  }
0xda: {  	[sflag:s26] =	ssyncset.done $0x0  }
0xdb: {  	[sflag:s26] =	ssyncadd.s32 $0xFFFFEC00  }
0xdc: {  	_ =	swait.ge [sflag:s25], $0x1400  }
0xdd: {  	[sflag:s25] =	ssyncset.done $0x0  }
0xde: {  	s12 =	simm.s32 $0x18440;
	s10 =	rddreg [dreg:$0x7];
	[sflag:s25] =	ssyncadd.s32 $0xFFFFEC00  }
0xdf: {  	[spmem:s10] =	stream.linear.scatter [tilespmem:s12], [sflag:$0x5], $0x2800, $0x38;
	[tilespmem:$0x1D940] =	vst v63  }
0xe0: {  	_ =	swait.ge [sflag:s19], $0x2800  }
0xe1: {  	[sflag:s19] =	ssyncset.done $0x0  }
0xe2: {  	[sflag:s19] =	ssyncadd.s32 $0xFFFFD800  }
0xe3: {  	[bflag:$0x0] =	sbarrier.arrive $0xFFFF  }
0xe4: {  	[tilespmem:s18], [sflag:$0x5] =	stream.linear.gather [spmem:s4], $0x2000, $0x38;
	[tilespmem:$0x1D940] =	vst v63  }
0xe5: {  	_ =	swait.ge [sflag:s19], $0x2000  }
0xe6: {  	[sflag:s19] =	ssyncset.done $0x0  }
0xe7: {  	s0 =	simm.s32 $0x0;
	s9 =	rddreg [dreg:$0x8];
	[sflag:s19] =	ssyncadd.s32 $0xFFFFE000  }
0xe8: {  	[hbm4b:s9+s0] =	stream.linear.scatter [tilespmem:s18], [sflag:$0x5], $0x2000, $0x38;
	[tilespmem:$0x1D940] =	vst v63  }
0xe9: {  	_ =	swait.ge [sflag:s19], $0x2000  }
0xea: {  	[sflag:s19] =	ssyncset.done $0x0  }
0xeb: {  	[sflag:s19] =	ssyncadd.s32 $0xFFFFE000  }
0xec: {  	[tilespmem:s18], [sflag:$0x5] =	stream.linear.gather [spmem:s5], $0x2000, $0x38;
	[tilespmem:$0x1D940] =	vst v63  }
0xed: {  	_ =	swait.ge [sflag:s19], $0x2000  }
0xee: {  	[sflag:s19] =	ssyncset.done $0x0  }
0xef: {  	s10 =	rddreg [dreg:$0x9];
	[sflag:s19] =	ssyncadd.s32 $0xFFFFE000  }
0xf0: {  	[hbm4b:s10+s0] =	stream.linear.scatter [tilespmem:s18], [sflag:$0x5], $0x2000, $0x38;
	[tilespmem:$0x1D940] =	vst v63  }
0xf1: {  	_ =	swait.ge [sflag:s19], $0x2000  }
0xf2: {  	[sflag:s19] =	ssyncset.done $0x0  }
0xf3: {  	[sflag:s19] =	ssyncadd.s32 $0xFFFFE000  }
0xf4: {  	[tilespmem:s18], [sflag:$0x5] =	stream.linear.gather [spmem:s6], $0x2000, $0x38;
	[tilespmem:$0x1D940] =	vst v63  }
0xf5: {  	_ =	swait.ge [sflag:s19], $0x2000  }
0xf6: {  	[sflag:s19] =	ssyncset.done $0x0  }
0xf7: {  	s12 =	rddreg [dreg:$0xa];
	[sflag:s19] =	ssyncadd.s32 $0xFFFFE000  }
0xf8: {  	[hbm4b:s12+s0] =	stream.linear.scatter [tilespmem:s18], [sflag:$0x5], $0x2000, $0x38;
	[tilespmem:$0x1D940] =	vst v63  }
0xf9: {  	_ =	swait.ge [sflag:s19], $0x2000  }
0xfa: {  	[sflag:s19] =	ssyncset.done $0x0  }
0xfb: {  	[sflag:s19] =	ssyncadd.s32 $0xFFFFE000  }
0xfc: {  	[tilespmem:s18], [sflag:$0x5] =	stream.linear.gather [spmem:s7], $0x2000, $0x38;
	[tilespmem:$0x1D940] =	vst v63  }
0xfd: {  	_ =	swait.ge [sflag:s19], $0x2000  }
0xfe: {  	[sflag:s19] =	ssyncset.done $0x0  }
0xff: {  	s9 =	rddreg [dreg:$0xb];
	[sflag:s19] =	ssyncadd.s32 $0xFFFFE000  }
0x100: {  	[hbm4b:s9+s0] =	stream.linear.scatter [tilespmem:s18], [sflag:$0x5], $0x2000, $0x38;
	[tilespmem:$0x1D940] =	vst v63  }
0x101: {  	_ =	swait.ge [sflag:s19], $0x2000  }
0x102: {  	[sflag:s19] =	ssyncset.done $0x0  }
0x103: {  	[sflag:s19] =	ssyncadd.s32 $0xFFFFE000  }
0x104: {  	[tilespmem:s18], [sflag:$0x5] =	stream.linear.gather [spmem:s8], $0x2000, $0x38;
	[tilespmem:$0x1D940] =	vst v63  }
0x105: {  	_ =	swait.ge [sflag:s19], $0x2000  }
0x106: {  	[sflag:s19] =	ssyncset.done $0x0  }
0x107: {  	s10 =	rddreg [dreg:$0xc];
	[sflag:s19] =	ssyncadd.s32 $0xFFFFE000  }
0x108: {  	[hbm4b:s10+s0] =	stream.linear.scatter [tilespmem:s18], [sflag:$0x5], $0x2000, $0x38;
	[tilespmem:$0x1D940] =	vst v63  }
0x109: {  	_ =	swait.ge [sflag:s19], $0x2000  }
0x10a: {  	[sflag:s19] =	ssyncset.done $0x0  }
0x10b: {  	[sflag:s19] =	ssyncadd.s32 $0xFFFFE000  }
0x10c: {  	[tilespmem:s28], [sflag:$0x5] =	stream.linear.gather [spmem:s16], $0x280, $0x38;
	[tilespmem:$0x1D940] =	vst v63  }
0x10d: {  	_ =	swait.ge [sflag:s19], $0x280  }
0x10e: {  	[sflag:s19] =	ssyncset.done $0x0  }
0x10f: {  	s12 =	rddreg [dreg:$0x12];
	[sflag:s19] =	ssyncadd.s32 $0xFFFFFD80  }
0x110: {  	[tilespmem:s29], [sflag:$0x5] =	stream.linear.gather [spmem:s12], $0x280, $0x38;
	[tilespmem:$0x1D940] =	vst v63  }
0x111: {  	_ =	swait.ge [sflag:s19], $0x280  }
0x112: {  	[sflag:s19] =	ssyncset.done $0x0  }
0x113: {  	s0 =	simm.s32 $0x0;
	[sflag:s19] =	ssyncadd.s32 $0xFFFFFD80  }
0x114: {  	s31 =	simm.s32 $0x40;
	v1 =	vld [tilespmem:s0+$0x1AEC0]  }
.LBB2_8:
0x115: {  	p1 =	sne.s32 s31, $0x9C0;
	v2 =	vld [tilespmem:s0+$0x1AC40];
	_ =	sdelay $0x2  }
.Ltmp3:
0x116: {  	(pc) =	sbr.rel @p1 .LBB2_8-.Ltmp3, $4  }
0x117: {  	_ = 	snop  }
0x118: {  	v2 =	vadd.f32 v1, v2  }
0x119: {  	s2 =	sshra.s32 s31, $0x2  }
0x11a: {  	s31 =	sadd.s32 $0x40, s31;
	v1 =	vld [tilespmem:s2+$0x1AEC0];
	[tilespmem:s0+$0x1AC40] =	vst v2;
	s0 =	smov.u32 s2  }
0x11b: {  	v2 =	vld [tilespmem:s0+$0x1AC40];
	_ =	sdelay $0x4  }
0x11c: {  	v1 =	vadd.f32 v1, v2;
	_ =	sdelay $0x1  }
0x11d: {  	s12 =	rddreg [dreg:$0x14];
	[tilespmem:s0+$0x1AC40] =	vst v1  }
0x11e: {  	[tilespmem:s29], [sflag:$0x5] =	stream.linear.gather [spmem:s12], $0x280, $0x38;
	[tilespmem:$0x1D940] =	vst v63  }
0x11f: {  	_ =	swait.ge [sflag:s19], $0x280  }
0x120: {  	[sflag:s19] =	ssyncset.done $0x0  }
0x121: {  	s0 =	simm.s32 $0x0;
	[sflag:s19] =	ssyncadd.s32 $0xFFFFFD80  }
0x122: {  	s31 =	simm.s32 $0x40;
	v1 =	vld [tilespmem:s0+$0x1AEC0]  }
.LBB2_10:
0x123: {  	p1 =	sne.s32 s31, $0x9C0;
	v2 =	vld [tilespmem:s0+$0x1AC40];
	_ =	sdelay $0x2  }
.Ltmp4:
0x124: {  	(pc) =	sbr.rel @p1 .LBB2_10-.Ltmp4, $4  }
0x125: {  	_ = 	snop  }
0x126: {  	v2 =	vadd.f32 v1, v2  }
0x127: {  	s2 =	sshra.s32 s31, $0x2  }
0x128: {  	s31 =	sadd.s32 $0x40, s31;
	v1 =	vld [tilespmem:s2+$0x1AEC0];
	[tilespmem:s0+$0x1AC40] =	vst v2;
	s0 =	smov.u32 s2  }
0x129: {  	v2 =	vld [tilespmem:s0+$0x1AC40];
	_ =	sdelay $0x4  }
0x12a: {  	v1 =	vadd.f32 v1, v2;
	_ =	sdelay $0x1  }
0x12b: {  	s12 =	rddreg [dreg:$0x15];
	[tilespmem:s0+$0x1AC40] =	vst v1  }
0x12c: {  	[tilespmem:s29], [sflag:$0x5] =	stream.linear.gather [spmem:s12], $0x280, $0x38;
	[tilespmem:$0x1D940] =	vst v63  }
0x12d: {  	_ =	swait.ge [sflag:s19], $0x280  }
0x12e: {  	[sflag:s19] =	ssyncset.done $0x0  }
0x12f: {  	s0 =	simm.s32 $0x0;
	[sflag:s19] =	ssyncadd.s32 $0xFFFFFD80  }
0x130: {  	s31 =	simm.s32 $0x40;
	v1 =	vld [tilespmem:s0+$0x1AEC0]  }
.LBB2_12:
0x131: {  	p1 =	sne.s32 s31, $0x9C0;
	v2 =	vld [tilespmem:s0+$0x1AC40];
	_ =	sdelay $0x2  }
.Ltmp5:
0x132: {  	(pc) =	sbr.rel @p1 .LBB2_12-.Ltmp5, $4  }
0x133: {  	_ = 	snop  }
0x134: {  	v2 =	vadd.f32 v1, v2  }
0x135: {  	s2 =	sshra.s32 s31, $0x2  }
0x136: {  	s31 =	sadd.s32 $0x40, s31;
	v1 =	vld [tilespmem:s2+$0x1AEC0];
	[tilespmem:s0+$0x1AC40] =	vst v2;
	s0 =	smov.u32 s2  }
0x137: {  	v2 =	vld [tilespmem:s0+$0x1AC40];
	_ =	sdelay $0x4  }
0x138: {  	v1 =	vadd.f32 v1, v2;
	_ =	sdelay $0x1  }
0x139: {  	s12 =	rddreg [dreg:$0x16];
	[tilespmem:s0+$0x1AC40] =	vst v1  }
0x13a: {  	[tilespmem:s29], [sflag:$0x5] =	stream.linear.gather [spmem:s12], $0x280, $0x38;
	[tilespmem:$0x1D940] =	vst v63  }
0x13b: {  	_ =	swait.ge [sflag:s19], $0x280  }
0x13c: {  	[sflag:s19] =	ssyncset.done $0x0  }
0x13d: {  	s0 =	simm.s32 $0x0;
	[sflag:s19] =	ssyncadd.s32 $0xFFFFFD80  }
0x13e: {  	s31 =	simm.s32 $0x40;
	v1 =	vld [tilespmem:s0+$0x1AEC0]  }
.LBB2_14:
0x13f: {  	p1 =	sne.s32 s31, $0x9C0;
	v2 =	vld [tilespmem:s0+$0x1AC40];
	_ =	sdelay $0x2  }
.Ltmp6:
0x140: {  	(pc) =	sbr.rel @p1 .LBB2_14-.Ltmp6, $4  }
0x141: {  	_ = 	snop  }
0x142: {  	v2 =	vadd.f32 v1, v2  }
0x143: {  	s2 =	sshra.s32 s31, $0x2  }
0x144: {  	s31 =	sadd.s32 $0x40, s31;
	v1 =	vld [tilespmem:s2+$0x1AEC0];
	[tilespmem:s0+$0x1AC40] =	vst v2;
	s0 =	smov.u32 s2  }
0x145: {  	v2 =	vld [tilespmem:s0+$0x1AC40];
	_ =	sdelay $0x4  }
0x146: {  	v1 =	vadd.f32 v1, v2;
	_ =	sdelay $0x1  }
0x147: {  	s12 =	rddreg [dreg:$0x17];
	[tilespmem:s0+$0x1AC40] =	vst v1  }
0x148: {  	[tilespmem:s29], [sflag:$0x5] =	stream.linear.gather [spmem:s12], $0x280, $0x38;
	[tilespmem:$0x1D940] =	vst v63  }
0x149: {  	_ =	swait.ge [sflag:s19], $0x280  }
0x14a: {  	[sflag:s19] =	ssyncset.done $0x0  }
0x14b: {  	s0 =	simm.s32 $0x0;
	[sflag:s19] =	ssyncadd.s32 $0xFFFFFD80  }
0x14c: {  	s31 =	simm.s32 $0x40;
	v1 =	vld [tilespmem:s0+$0x1AEC0]  }
.LBB2_16:
0x14d: {  	p1 =	sne.s32 s31, $0x9C0;
	v2 =	vld [tilespmem:s0+$0x1AC40];
	_ =	sdelay $0x2  }
.Ltmp7:
0x14e: {  	(pc) =	sbr.rel @p1 .LBB2_16-.Ltmp7, $4  }
0x14f: {  	_ = 	snop  }
0x150: {  	v2 =	vadd.f32 v1, v2  }
0x151: {  	s2 =	sshra.s32 s31, $0x2  }
0x152: {  	s31 =	sadd.s32 $0x40, s31;
	v1 =	vld [tilespmem:s2+$0x1AEC0];
	[tilespmem:s0+$0x1AC40] =	vst v2;
	s0 =	smov.u32 s2  }
0x153: {  	v2 =	vld [tilespmem:s0+$0x1AC40];
	_ =	sdelay $0x4  }
0x154: {  	v1 =	vadd.f32 v1, v2;
	_ =	sdelay $0x1  }
0x155: {  	s12 =	rddreg [dreg:$0x18];
	[tilespmem:s0+$0x1AC40] =	vst v1  }
0x156: {  	[tilespmem:s29], [sflag:$0x5] =	stream.linear.gather [spmem:s12], $0x280, $0x38;
	[tilespmem:$0x1D940] =	vst v63  }
0x157: {  	_ =	swait.ge [sflag:s19], $0x280  }
0x158: {  	[sflag:s19] =	ssyncset.done $0x0  }
0x159: {  	s0 =	simm.s32 $0x0;
	[sflag:s19] =	ssyncadd.s32 $0xFFFFFD80  }
0x15a: {  	s31 =	simm.s32 $0x40;
	v1 =	vld [tilespmem:s0+$0x1AEC0]  }
.LBB2_18:
0x15b: {  	p1 =	sne.s32 s31, $0x9C0;
	v2 =	vld [tilespmem:s0+$0x1AC40];
	_ =	sdelay $0x2  }
.Ltmp8:
0x15c: {  	(pc) =	sbr.rel @p1 .LBB2_18-.Ltmp8, $4  }
0x15d: {  	_ = 	snop  }
0x15e: {  	v2 =	vadd.f32 v1, v2  }
0x15f: {  	s2 =	sshra.s32 s31, $0x2  }
0x160: {  	s31 =	sadd.s32 $0x40, s31;
	v1 =	vld [tilespmem:s2+$0x1AEC0];
	[tilespmem:s0+$0x1AC40] =	vst v2;
	s0 =	smov.u32 s2  }
0x161: {  	v2 =	vld [tilespmem:s0+$0x1AC40];
	_ =	sdelay $0x4  }
0x162: {  	v1 =	vadd.f32 v1, v2;
	_ =	sdelay $0x1  }
0x163: {  	s12 =	rddreg [dreg:$0x19];
	[tilespmem:s0+$0x1AC40] =	vst v1  }
0x164: {  	[tilespmem:s29], [sflag:$0x5] =	stream.linear.gather [spmem:s12], $0x280, $0x38;
	[tilespmem:$0x1D940] =	vst v63  }
0x165: {  	_ =	swait.ge [sflag:s19], $0x280  }
0x166: {  	[sflag:s19] =	ssyncset.done $0x0  }
0x167: {  	s0 =	simm.s32 $0x0;
	[sflag:s19] =	ssyncadd.s32 $0xFFFFFD80  }
0x168: {  	s31 =	simm.s32 $0x40;
	v1 =	vld [tilespmem:s0+$0x1AEC0]  }
.LBB2_20:
0x169: {  	p1 =	sne.s32 s31, $0x9C0;
	v2 =	vld [tilespmem:s0+$0x1AC40];
	_ =	sdelay $0x2  }
.Ltmp9:
0x16a: {  	(pc) =	sbr.rel @p1 .LBB2_20-.Ltmp9, $4  }
0x16b: {  	_ = 	snop  }
0x16c: {  	v2 =	vadd.f32 v1, v2  }
0x16d: {  	s2 =	sshra.s32 s31, $0x2  }
0x16e: {  	s31 =	sadd.s32 $0x40, s31;
	v1 =	vld [tilespmem:s2+$0x1AEC0];
	[tilespmem:s0+$0x1AC40] =	vst v2;
	s0 =	smov.u32 s2  }
0x16f: {  	v2 =	vld [tilespmem:s0+$0x1AC40];
	_ =	sdelay $0x4  }
0x170: {  	v1 =	vadd.f32 v1, v2;
	_ =	sdelay $0x1  }
0x171: {  	s12 =	rddreg [dreg:$0x1a];
	[tilespmem:s0+$0x1AC40] =	vst v1  }
0x172: {  	[tilespmem:s29], [sflag:$0x5] =	stream.linear.gather [spmem:s12], $0x280, $0x38;
	[tilespmem:$0x1D940] =	vst v63  }
0x173: {  	_ =	swait.ge [sflag:s19], $0x280  }
0x174: {  	[sflag:s19] =	ssyncset.done $0x0  }
0x175: {  	s0 =	simm.s32 $0x0;
	[sflag:s19] =	ssyncadd.s32 $0xFFFFFD80  }
0x176: {  	s31 =	simm.s32 $0x40;
	v1 =	vld [tilespmem:s0+$0x1AEC0]  }
.LBB2_22:
0x177: {  	p1 =	sne.s32 s31, $0x9C0;
	v2 =	vld [tilespmem:s0+$0x1AC40];
	_ =	sdelay $0x2  }
.Ltmp10:
0x178: {  	(pc) =	sbr.rel @p1 .LBB2_22-.Ltmp10, $4  }
0x179: {  	_ = 	snop  }
0x17a: {  	v2 =	vadd.f32 v1, v2  }
0x17b: {  	s2 =	sshra.s32 s31, $0x2  }
0x17c: {  	s31 =	sadd.s32 $0x40, s31;
	v1 =	vld [tilespmem:s2+$0x1AEC0];
	[tilespmem:s0+$0x1AC40] =	vst v2;
	s0 =	smov.u32 s2  }
0x17d: {  	v2 =	vld [tilespmem:s0+$0x1AC40];
	_ =	sdelay $0x4  }
0x17e: {  	v1 =	vadd.f32 v1, v2;
	_ =	sdelay $0x1  }
0x17f: {  	s12 =	rddreg [dreg:$0x1b];
	[tilespmem:s0+$0x1AC40] =	vst v1  }
0x180: {  	[tilespmem:s29], [sflag:$0x5] =	stream.linear.gather [spmem:s12], $0x280, $0x38;
	[tilespmem:$0x1D940] =	vst v63  }
0x181: {  	_ =	swait.ge [sflag:s19], $0x280  }
0x182: {  	[sflag:s19] =	ssyncset.done $0x0  }
0x183: {  	s0 =	simm.s32 $0x0;
	[sflag:s19] =	ssyncadd.s32 $0xFFFFFD80  }
0x184: {  	s31 =	simm.s32 $0x40;
	v1 =	vld [tilespmem:s0+$0x1AEC0]  }
.LBB2_24:
0x185: {  	p1 =	sne.s32 s31, $0x9C0;
	v2 =	vld [tilespmem:s0+$0x1AC40];
	_ =	sdelay $0x2  }
.Ltmp11:
0x186: {  	(pc) =	sbr.rel @p1 .LBB2_24-.Ltmp11, $4  }
0x187: {  	_ = 	snop  }
0x188: {  	v2 =	vadd.f32 v1, v2  }
0x189: {  	s2 =	sshra.s32 s31, $0x2  }
0x18a: {  	s31 =	sadd.s32 $0x40, s31;
	v1 =	vld [tilespmem:s2+$0x1AEC0];
	[tilespmem:s0+$0x1AC40] =	vst v2;
	s0 =	smov.u32 s2  }
0x18b: {  	v2 =	vld [tilespmem:s0+$0x1AC40];
	_ =	sdelay $0x4  }
0x18c: {  	v1 =	vadd.f32 v1, v2;
	_ =	sdelay $0x1  }
0x18d: {  	s12 =	rddreg [dreg:$0x1c];
	[tilespmem:s0+$0x1AC40] =	vst v1  }
0x18e: {  	[tilespmem:s29], [sflag:$0x5] =	stream.linear.gather [spmem:s12], $0x280, $0x38;
	[tilespmem:$0x1D940] =	vst v63  }
0x18f: {  	_ =	swait.ge [sflag:s19], $0x280  }
0x190: {  	[sflag:s19] =	ssyncset.done $0x0  }
0x191: {  	s0 =	simm.s32 $0x0;
	[sflag:s19] =	ssyncadd.s32 $0xFFFFFD80  }
0x192: {  	s31 =	simm.s32 $0x40;
	v1 =	vld [tilespmem:s0+$0x1AEC0]  }
.LBB2_26:
0x193: {  	p1 =	sne.s32 s31, $0x9C0;
	v2 =	vld [tilespmem:s0+$0x1AC40];
	_ =	sdelay $0x2  }
.Ltmp12:
0x194: {  	(pc) =	sbr.rel @p1 .LBB2_26-.Ltmp12, $4  }
0x195: {  	_ = 	snop  }
0x196: {  	v2 =	vadd.f32 v1, v2  }
0x197: {  	s2 =	sshra.s32 s31, $0x2  }
0x198: {  	s31 =	sadd.s32 $0x40, s31;
	v1 =	vld [tilespmem:s2+$0x1AEC0];
	[tilespmem:s0+$0x1AC40] =	vst v2;
	s0 =	smov.u32 s2  }
0x199: {  	v2 =	vld [tilespmem:s0+$0x1AC40];
	_ =	sdelay $0x4  }
0x19a: {  	v1 =	vadd.f32 v1, v2;
	_ =	sdelay $0x1  }
0x19b: {  	s12 =	rddreg [dreg:$0x1d];
	[tilespmem:s0+$0x1AC40] =	vst v1  }
0x19c: {  	[tilespmem:s29], [sflag:$0x5] =	stream.linear.gather [spmem:s12], $0x280, $0x38;
	[tilespmem:$0x1D940] =	vst v63  }
0x19d: {  	_ =	swait.ge [sflag:s19], $0x280  }
0x19e: {  	[sflag:s19] =	ssyncset.done $0x0  }
0x19f: {  	s0 =	simm.s32 $0x0;
	[sflag:s19] =	ssyncadd.s32 $0xFFFFFD80  }
0x1a0: {  	s31 =	simm.s32 $0x40;
	v1 =	vld [tilespmem:s0+$0x1AEC0]  }
.LBB2_28:
0x1a1: {  	p1 =	sne.s32 s31, $0x9C0;
	v2 =	vld [tilespmem:s0+$0x1AC40];
	_ =	sdelay $0x2  }
.Ltmp13:
0x1a2: {  	(pc) =	sbr.rel @p1 .LBB2_28-.Ltmp13, $4  }
0x1a3: {  	_ = 	snop  }
0x1a4: {  	v2 =	vadd.f32 v1, v2  }
0x1a5: {  	s2 =	sshra.s32 s31, $0x2  }
0x1a6: {  	s31 =	sadd.s32 $0x40, s31;
	v1 =	vld [tilespmem:s2+$0x1AEC0];
	[tilespmem:s0+$0x1AC40] =	vst v2;
	s0 =	smov.u32 s2  }
0x1a7: {  	v2 =	vld [tilespmem:s0+$0x1AC40];
	_ =	sdelay $0x4  }
0x1a8: {  	v1 =	vadd.f32 v1, v2;
	_ =	sdelay $0x1  }
0x1a9: {  	[tilespmem:s0+$0x1AC40] =	vst v1  }
0x1aa: {  	[tilespmem:s29], [sflag:$0x5] =	stream.linear.gather [spmem:s13], $0x280, $0x38;
	[tilespmem:$0x1D940] =	vst v63  }
0x1ab: {  	_ =	swait.ge [sflag:s19], $0x280  }
0x1ac: {  	[sflag:s19] =	ssyncset.done $0x0  }
0x1ad: {  	s0 =	simm.s32 $0x0;
	[sflag:s19] =	ssyncadd.s32 $0xFFFFFD80  }
0x1ae: {  	s31 =	simm.s32 $0x40;
	v1 =	vld [tilespmem:s0+$0x1AEC0]  }
.LBB2_30:
0x1af: {  	p1 =	sne.s32 s31, $0x9C0;
	v2 =	vld [tilespmem:s0+$0x1AC40];
	_ =	sdelay $0x2  }
.Ltmp14:
0x1b0: {  	(pc) =	sbr.rel @p1 .LBB2_30-.Ltmp14, $4  }
0x1b1: {  	_ = 	snop  }
0x1b2: {  	v2 =	vadd.f32 v1, v2  }
0x1b3: {  	s2 =	sshra.s32 s31, $0x2  }
0x1b4: {  	s31 =	sadd.s32 $0x40, s31;
	v1 =	vld [tilespmem:s2+$0x1AEC0];
	[tilespmem:s0+$0x1AC40] =	vst v2;
	s0 =	smov.u32 s2  }
0x1b5: {  	v2 =	vld [tilespmem:s0+$0x1AC40];
	_ =	sdelay $0x4  }
0x1b6: {  	v1 =	vadd.f32 v1, v2;
	_ =	sdelay $0x1  }
0x1b7: {  	[tilespmem:s0+$0x1AC40] =	vst v1  }
0x1b8: {  	[tilespmem:s29], [sflag:$0x5] =	stream.linear.gather [spmem:s14], $0x280, $0x38;
	[tilespmem:$0x1D940] =	vst v63  }
0x1b9: {  	_ =	swait.ge [sflag:s19], $0x280  }
0x1ba: {  	[sflag:s19] =	ssyncset.done $0x0  }
0x1bb: {  	s0 =	simm.s32 $0x0;
	[sflag:s19] =	ssyncadd.s32 $0xFFFFFD80  }
0x1bc: {  	s31 =	simm.s32 $0x40;
	v1 =	vld [tilespmem:s0+$0x1AEC0]  }
.LBB2_32:
0x1bd: {  	p1 =	sne.s32 s31, $0x9C0;
	v2 =	vld [tilespmem:s0+$0x1AC40];
	_ =	sdelay $0x2  }
.Ltmp15:
0x1be: {  	(pc) =	sbr.rel @p1 .LBB2_32-.Ltmp15, $4  }
0x1bf: {  	_ = 	snop  }
0x1c0: {  	v2 =	vadd.f32 v1, v2  }
0x1c1: {  	s2 =	sshra.s32 s31, $0x2  }
0x1c2: {  	s31 =	sadd.s32 $0x40, s31;
	v1 =	vld [tilespmem:s2+$0x1AEC0];
	[tilespmem:s0+$0x1AC40] =	vst v2;
	s0 =	smov.u32 s2  }
0x1c3: {  	v2 =	vld [tilespmem:s0+$0x1AC40];
	_ =	sdelay $0x4  }
0x1c4: {  	v1 =	vadd.f32 v1, v2;
	_ =	sdelay $0x1  }
0x1c5: {  	[tilespmem:s0+$0x1AC40] =	vst v1  }
0x1c6: {  	[tilespmem:s29], [sflag:$0x5] =	stream.linear.gather [spmem:s15], $0x280, $0x38;
	[tilespmem:$0x1D940] =	vst v63  }
0x1c7: {  	_ =	swait.ge [sflag:s19], $0x280  }
0x1c8: {  	[sflag:s19] =	ssyncset.done $0x0  }
0x1c9: {  	s0 =	simm.s32 $0x0;
	[sflag:s19] =	ssyncadd.s32 $0xFFFFFD80  }
0x1ca: {  	s31 =	simm.s32 $0x40;
	v1 =	vld [tilespmem:s0+$0x1AEC0]  }
.LBB2_34:
0x1cb: {  	p1 =	sne.s32 s31, $0x9C0;
	v2 =	vld [tilespmem:s0+$0x1AC40];
	_ =	sdelay $0x2  }
.Ltmp16:
0x1cc: {  	(pc) =	sbr.rel @p1 .LBB2_34-.Ltmp16, $4  }
0x1cd: {  	_ = 	snop  }
0x1ce: {  	v2 =	vadd.f32 v1, v2  }
0x1cf: {  	s2 =	sshra.s32 s31, $0x2  }
0x1d0: {  	s31 =	sadd.s32 $0x40, s31;
	v1 =	vld [tilespmem:s2+$0x1AEC0];
	[tilespmem:s0+$0x1AC40] =	vst v2;
	s0 =	smov.u32 s2  }
0x1d1: {  	v2 =	vld [tilespmem:s0+$0x1AC40];
	_ =	sdelay $0x4  }
0x1d2: {  	v1 =	vadd.f32 v1, v2;
	_ =	sdelay $0x1  }
0x1d3: {  	[tilespmem:s0+$0x1AC40] =	vst v1  }
0x1d4: {  	[tilespmem:s29], [sflag:$0x5] =	stream.linear.gather [spmem:s17], $0x280, $0x38;
	[tilespmem:$0x1D940] =	vst v63  }
0x1d5: {  	_ =	swait.ge [sflag:s19], $0x280  }
0x1d6: {  	[sflag:s19] =	ssyncset.done $0x0  }
0x1d7: {  	s0 =	simm.s32 $0x0;
	[sflag:s19] =	ssyncadd.s32 $0xFFFFFD80  }
0x1d8: {  	s31 =	simm.s32 $0x0;
	s2 =	simm.s32 $0x40;
	v1 =	vld [tilespmem:s0+$0x1AEC0]  }
.LBB2_36:
0x1d9: {  	p1 =	sne.s32 s2, $0x9C0;
	v2 =	vld [tilespmem:s0+$0x1AC40];
	_ =	sdelay $0x2  }
.Ltmp17:
0x1da: {  	(pc) =	sbr.rel @p1 .LBB2_36-.Ltmp17, $4  }
0x1db: {  	_ = 	snop  }
0x1dc: {  	v2 =	vadd.f32 v1, v2  }
0x1dd: {  	s9 =	sshra.s32 s2, $0x2  }
0x1de: {  	s2 =	sadd.s32 $0x40, s2;
	v1 =	vld [tilespmem:s9+$0x1AEC0];
	[tilespmem:s0+$0x1AC40] =	vst v2;
	s0 =	smov.u32 s9  }
0x1df: {  	v2 =	vld [tilespmem:s0+$0x1AC40];
	_ =	sdelay $0x2  }
0x1e0: {  	v3 =	vmov s31;
	_ =	sdelay $0x1  }
0x1e1: {  	v1 =	vadd.f32 v1, v2;
	_ =	sdelay $0x1  }
0x1e2: {  	[tilespmem:s0+$0x1AC40] =	vst v1  }
0x1e3: {  	v1 =	vld.idx.msk [tilespmem:v3+s28+$0x0], $0xffff;
	_ =	sdelay $0x2  }
0x1e4: {  	s2 =	simm.s32 $0x1  }
0x1e5: {  	s31 =	simm.s32 $0x2;
	v2 =	vmov s2;
	s0 =	simm.s32 $0xC460  }
.LBB2_38:
0x1e6: {  	p1 =	sne.s32 s31, $0x7F;
	[tilespmem:s0+$0xFFFFFFE0] =	vst v1  }
0x1e7: {  	[tilespmem:s0+$0xFFFFFFF0] =	vst v1  }
0x1e8: {  	[tilespmem:s0+$0x0] =	vst v1  }
0x1e9: {  	[tilespmem:s0+$0x10] =	vst v1  }
0x1ea: {  	v1 =	vld.idx.msk [tilespmem:v2+s28+$0x0], $0xffff  }
.Ltmp18:
0x1eb: {  	(pc) =	sbr.rel @p1 .LBB2_38-.Ltmp18, $2  }
0x1ec: {  	_ =	sdelay $0x2  }
0x1ed: {  	s0 =	sadd.s32 $0x40, s0;
	v2 =	vmov s31;
	s31 =	sadd.s32 $0x1, s31  }
0x1ee: {  	[tilespmem:s0+$0xFFFFFFE0] =	vst v1  }
0x1ef: {  	[tilespmem:s0+$0xFFFFFFF0] =	vst v1  }
0x1f0: {  	[tilespmem:s0+$0x0] =	vst v1  }
0x1f1: {  	[tilespmem:s0+$0x10] =	vst v1  }
0x1f2: {  	v1 =	vld.idx.msk [tilespmem:v2+s28+$0x0], $0xffff;
	_ =	sdelay $0x3  }
0x1f3: {  	s9 =	sadd.s32 $0x40, s0  }
0x1f4: {  	[tilespmem:s9+$0xFFFFFFE0] =	vst v1  }
0x1f5: {  	[tilespmem:s9+$0xFFFFFFF0] =	vst v1  }
0x1f6: {  	s2 =	simm.s32 $0x80;
	[tilespmem:s9+$0x0] =	vst v1  }
0x1f7: {  	s10 =	rddreg [dreg:$0xd];
	[tilespmem:s9+$0x10] =	vst v1;
	v1 =	vmov s2  }
0x1f8: {  	[hbm4b:s10+s3] =	stream.linear.scatter [tilespmem:s18], [sflag:$0x5], $0x2000, $0x38;
	[tilespmem:$0x1D940] =	vst v63  }
0x1f9: {  	_ =	swait.ge [sflag:s19], $0x2000  }
0x1fa: {  	[sflag:s19] =	ssyncset.done $0x0  }
0x1fb: {  	[sflag:s19] =	ssyncadd.s32 $0xFFFFE000  }
0x1fc: {  	v1 =	vld.idx.msk [tilespmem:v1+s28+$0x0], $0xffff;
	_ =	sdelay $0x2  }
0x1fd: {  	s12 =	simm.s32 $0x81  }
0x1fe: {  	s0 =	simm.s32 $0xC460;
	s31 =	simm.s32 $0x82;
	v2 =	vmov s12  }
.LBB2_40:
0x1ff: {  	p1 =	sne.s32 s31, $0xFF;
	[tilespmem:s0+$0xFFFFFFE0] =	vst v1  }
0x200: {  	[tilespmem:s0+$0xFFFFFFF0] =	vst v1  }
0x201: {  	[tilespmem:s0+$0x0] =	vst v1  }
0x202: {  	[tilespmem:s0+$0x10] =	vst v1  }
0x203: {  	v1 =	vld.idx.msk [tilespmem:v2+s28+$0x0], $0xffff  }
.Ltmp19:
0x204: {  	(pc) =	sbr.rel @p1 .LBB2_40-.Ltmp19, $2  }
0x205: {  	_ =	sdelay $0x2  }
0x206: {  	s0 =	sadd.s32 $0x40, s0;
	v2 =	vmov s31;
	s31 =	sadd.s32 $0x1, s31  }
0x207: {  	[tilespmem:s0+$0xFFFFFFE0] =	vst v1  }
0x208: {  	[tilespmem:s0+$0xFFFFFFF0] =	vst v1  }
0x209: {  	[tilespmem:s0+$0x0] =	vst v1  }
0x20a: {  	[tilespmem:s0+$0x10] =	vst v1  }
0x20b: {  	v1 =	vld.idx.msk [tilespmem:v2+s28+$0x0], $0xffff;
	_ =	sdelay $0x3  }
0x20c: {  	s9 =	sadd.s32 $0x40, s0  }
0x20d: {  	[tilespmem:s9+$0xFFFFFFE0] =	vst v1  }
0x20e: {  	[tilespmem:s9+$0xFFFFFFF0] =	vst v1  }
0x20f: {  	s2 =	simm.s32 $0x100;
	[tilespmem:s9+$0x0] =	vst v1  }
0x210: {  	s10 =	rddreg [dreg:$0xe];
	[tilespmem:s9+$0x10] =	vst v1;
	v1 =	vmov s2  }
0x211: {  	[hbm4b:s10+s3] =	stream.linear.scatter [tilespmem:s18], [sflag:$0x5], $0x2000, $0x38;
	[tilespmem:$0x1D940] =	vst v63  }
0x212: {  	_ =	swait.ge [sflag:s19], $0x2000  }
0x213: {  	[sflag:s19] =	ssyncset.done $0x0  }
0x214: {  	[sflag:s19] =	ssyncadd.s32 $0xFFFFE000  }
0x215: {  	v1 =	vld.idx.msk [tilespmem:v1+s28+$0x0], $0xffff;
	_ =	sdelay $0x2  }
0x216: {  	s12 =	simm.s32 $0x101  }
0x217: {  	s0 =	simm.s32 $0xC460;
	s31 =	simm.s32 $0x102;
	v2 =	vmov s12  }
.LBB2_42:
0x218: {  	p1 =	sne.s32 s31, $0x17F;
	[tilespmem:s0+$0xFFFFFFE0] =	vst v1  }
0x219: {  	[tilespmem:s0+$0xFFFFFFF0] =	vst v1  }
0x21a: {  	[tilespmem:s0+$0x0] =	vst v1  }
0x21b: {  	[tilespmem:s0+$0x10] =	vst v1  }
0x21c: {  	v1 =	vld.idx.msk [tilespmem:v2+s28+$0x0], $0xffff  }
.Ltmp20:
0x21d: {  	(pc) =	sbr.rel @p1 .LBB2_42-.Ltmp20, $2  }
0x21e: {  	_ =	sdelay $0x2  }
0x21f: {  	s0 =	sadd.s32 $0x40, s0;
	v2 =	vmov s31;
	s31 =	sadd.s32 $0x1, s31  }
0x220: {  	[tilespmem:s0+$0xFFFFFFE0] =	vst v1  }
0x221: {  	[tilespmem:s0+$0xFFFFFFF0] =	vst v1  }
0x222: {  	[tilespmem:s0+$0x0] =	vst v1  }
0x223: {  	[tilespmem:s0+$0x10] =	vst v1  }
0x224: {  	v1 =	vld.idx.msk [tilespmem:v2+s28+$0x0], $0xffff;
	_ =	sdelay $0x3  }
0x225: {  	s9 =	sadd.s32 $0x40, s0  }
0x226: {  	[tilespmem:s9+$0xFFFFFFE0] =	vst v1  }
0x227: {  	[tilespmem:s9+$0xFFFFFFF0] =	vst v1  }
0x228: {  	s2 =	simm.s32 $0x180;
	[tilespmem:s9+$0x0] =	vst v1  }
0x229: {  	s10 =	rddreg [dreg:$0xf];
	[tilespmem:s9+$0x10] =	vst v1;
	v1 =	vmov s2  }
0x22a: {  	[hbm4b:s10+s3] =	stream.linear.scatter [tilespmem:s18], [sflag:$0x5], $0x2000, $0x38;
	[tilespmem:$0x1D940] =	vst v63  }
0x22b: {  	_ =	swait.ge [sflag:s19], $0x2000  }
0x22c: {  	[sflag:s19] =	ssyncset.done $0x0  }
0x22d: {  	[sflag:s19] =	ssyncadd.s32 $0xFFFFE000  }
0x22e: {  	v1 =	vld.idx.msk [tilespmem:v1+s28+$0x0], $0xffff;
	_ =	sdelay $0x2  }
0x22f: {  	s12 =	simm.s32 $0x181  }
0x230: {  	s0 =	simm.s32 $0xC460;
	s31 =	simm.s32 $0x182;
	v2 =	vmov s12  }
.LBB2_44:
0x231: {  	p1 =	sne.s32 s31, $0x1FF;
	[tilespmem:s0+$0xFFFFFFE0] =	vst v1  }
0x232: {  	[tilespmem:s0+$0xFFFFFFF0] =	vst v1  }
0x233: {  	[tilespmem:s0+$0x0] =	vst v1  }
0x234: {  	[tilespmem:s0+$0x10] =	vst v1  }
0x235: {  	v1 =	vld.idx.msk [tilespmem:v2+s28+$0x0], $0xffff  }
.Ltmp21:
0x236: {  	(pc) =	sbr.rel @p1 .LBB2_44-.Ltmp21, $2  }
0x237: {  	_ =	sdelay $0x2  }
0x238: {  	s0 =	sadd.s32 $0x40, s0;
	v2 =	vmov s31;
	s31 =	sadd.s32 $0x1, s31  }
0x239: {  	[tilespmem:s0+$0xFFFFFFE0] =	vst v1  }
0x23a: {  	[tilespmem:s0+$0xFFFFFFF0] =	vst v1  }
0x23b: {  	[tilespmem:s0+$0x0] =	vst v1  }
0x23c: {  	[tilespmem:s0+$0x10] =	vst v1  }
0x23d: {  	v1 =	vld.idx.msk [tilespmem:v2+s28+$0x0], $0xffff;
	_ =	sdelay $0x3  }
0x23e: {  	s9 =	sadd.s32 $0x40, s0  }
0x23f: {  	[tilespmem:s9+$0xFFFFFFE0] =	vst v1  }
0x240: {  	[tilespmem:s9+$0xFFFFFFF0] =	vst v1  }
0x241: {  	s2 =	simm.s32 $0x200;
	[tilespmem:s9+$0x0] =	vst v1  }
0x242: {  	s10 =	rddreg [dreg:$0x10];
	[tilespmem:s9+$0x10] =	vst v1;
	v1 =	vmov s2  }
0x243: {  	[hbm4b:s10+s3] =	stream.linear.scatter [tilespmem:s18], [sflag:$0x5], $0x2000, $0x38;
	[tilespmem:$0x1D940] =	vst v63  }
0x244: {  	_ =	swait.ge [sflag:s19], $0x2000  }
0x245: {  	[sflag:s19] =	ssyncset.done $0x0  }
0x246: {  	[sflag:s19] =	ssyncadd.s32 $0xFFFFE000  }
0x247: {  	v1 =	vld.idx.msk [tilespmem:v1+s28+$0x0], $0xffff;
	_ =	sdelay $0x2  }
0x248: {  	s12 =	simm.s32 $0x201  }
0x249: {  	s0 =	simm.s32 $0xC460;
	s31 =	simm.s32 $0x202;
	v2 =	vmov s12  }
.LBB2_46:
0x24a: {  	p1 =	sne.s32 s31, $0x27F;
	[tilespmem:s0+$0xFFFFFFE0] =	vst v1  }
0x24b: {  	[tilespmem:s0+$0xFFFFFFF0] =	vst v1  }
0x24c: {  	[tilespmem:s0+$0x0] =	vst v1  }
0x24d: {  	[tilespmem:s0+$0x10] =	vst v1  }
0x24e: {  	v1 =	vld.idx.msk [tilespmem:v2+s28+$0x0], $0xffff  }
.Ltmp22:
0x24f: {  	(pc) =	sbr.rel @p1 .LBB2_46-.Ltmp22, $2  }
0x250: {  	_ =	sdelay $0x2  }
0x251: {  	s0 =	sadd.s32 $0x40, s0;
	v2 =	vmov s31;
	s31 =	sadd.s32 $0x1, s31  }
0x252: {  	[tilespmem:s0+$0xFFFFFFE0] =	vst v1  }
0x253: {  	[tilespmem:s0+$0xFFFFFFF0] =	vst v1  }
0x254: {  	[tilespmem:s0+$0x0] =	vst v1  }
0x255: {  	[tilespmem:s0+$0x10] =	vst v1  }
0x256: {  	v1 =	vld.idx.msk [tilespmem:v2+s28+$0x0], $0xffff;
	_ =	sdelay $0x3  }
0x257: {  	s10 =	sadd.s32 $0x40, s0  }
0x258: {  	[tilespmem:s10+$0xFFFFFFE0] =	vst v1  }
0x259: {  	[tilespmem:s10+$0xFFFFFFF0] =	vst v1  }
0x25a: {  	[tilespmem:s10+$0x0] =	vst v1  }
0x25b: {  	s12 =	rddreg [dreg:$0x11];
	[tilespmem:s10+$0x10] =	vst v1  }
0x25c: {  	[hbm4b:s12+s3] =	stream.linear.scatter [tilespmem:s18], [sflag:$0x5], $0x2000, $0x38;
	[tilespmem:$0x1D940] =	vst v63  }
0x25d: {  	_ =	swait.ge [sflag:s19], $0x2000  }
0x25e: {  	s30 =	sadd.s32 $0x1, s30;
	s31 =	rddreg [dreg:$0x13]  }
0x25f: {  	p1 =	sne.s32 s30, s31  }
.Ltmp23:
0x260: {  	_ = 	snop;
	(pc) =	sbr.rel @p1 .LBB2_1-.Ltmp23, $3  }
0x261: {  	_ =	sdelay $0x1  }
0x262: {  	[sflag:s19] =	ssyncset.done $0x0  }
0x263: {  	[sflag:s19] =	ssyncadd.s32 $0xFFFFE000  }
0x264: {  	_ =	sfence.sel $0x180000  }
0x265: {  	[bflag:$0x0] =	sbarrier.arrive $0xFFFF  }
0x266: {  	_ =	strace $0x90000047  }
0x267: {  	s0 =	stileid.u32;
	[bflag:$0x2] =	sbarrier.arrive $0xFFFF  }
0x268: {  	p0 =	sne.s32 s0, $0x0;
	s0 =	rddreg [dreg:$0x4]  }
0x269: {  	s0 =	sadd.s32 @!p0 $0x100000, s0  }
0x26a: {  	[sflag:s0] =	ssyncadd.tile.s32 @!p0 $0x1;
	_ =	shalt  }
.Lfunc_end2:
_tile_overlayer_lowered:
.L_overlay_start_2:
0x26b: {  	(tag) =	ssettag $0x2  }
0x26c: {  	s0 =	rddreg [dreg:$0x0];
	s2 =	stileid.u32  }
0x26d: {  	s1 =	rddreg [dreg:$0x1];
	p0 =	sne.s32 s2, $0x0  }
0x26e: {  	s3 =	rddreg [dreg:$0x2];
	[bflag:$0x3] =	sbarrier.arrive $0xFFFF;
	s2 =	simm.s32 @!p0 $0x1C05  }
0x26f: {  	[timem:s3], [sflag:s2] =	dma.local @!p0 [hbm:s0], s1  }
0x270: {  	s0 =	simm.s32 @!p0 $0x5  }
0x271: {  	_ =	swait.ge @!p0 [sflag:s0], s1  }
0x272: {  	s1 =	ssub.s32 @!p0 $0x0, s1;
	[sflag:s0] =	ssyncset.done @!p0 $0x0  }
0x273: {  	[sflag:s0] =	ssyncadd.s32 @!p0 s1  }
0x274: {  	[bflag:$0x3] =	sbarrier.arrive $0xFFFF  }
0x275: {  	_ =	shalt  }

</sc_bundles>
